<compile_context>
chip_gen: v7x
topology: tpu7x:2x2x1
jax: 0.10.2.dev20260603
libtpu: 0.0.44.dev20260713+nightly
codegen_flags: <defaults>
</compile_context>

<pallas_src>
import functools

import jax
import jax.numpy as jnp
from jax import lax
from jax.experimental import pallas as pl
from jax.experimental.pallas import tpu as pltpu
from jax.experimental.pallas import tpu_sc as plsc

ALPHA = 0.05
N_TOKENS = 16384
INPUT_SIZE = 128
K = 8192
DIM = 2 * INPUT_SIZE

NW = 32
TPW = N_TOKENS // NW
CHUNK = 64
NCHUNK = TPW // CHUNK
L = 16
NGRP = CHUNK // L

_BLK = 1024
_GRID = K // _BLK


def _stats_body(t_ref, o_ref):
    i = pl.program_id(0)
    blk = t_ref[...]
    ps = jnp.sum(blk, axis=0, keepdims=True) * (-2.0 / K)
    pq = jnp.sum(blk * blk) * (1.0 / K)

    @pl.when(i == 0)
    def _():
        o_ref[...] = jnp.zeros((2, DIM), jnp.float32)

    o_ref[0:1, :] += ps
    o_ref[1:2, :] += jnp.full((1, DIM), pq, jnp.float32)


_stats_call = pl.pallas_call(
    _stats_body,
    grid=(_GRID,),
    in_specs=[pl.BlockSpec((_BLK, DIM), lambda i: (i, 0))],
    out_specs=pl.BlockSpec((2, DIM), lambda i: (0, 0)),
    out_shape=jax.ShapeDtypeStruct((2, DIM), jnp.float32),
)


def _tbl_body(t_ref, st_ref, dwo_ref, sden_ref):
    blk = t_ref[...]
    tsn = st_ref[0:1, :]
    c0 = st_ref[1, 0]
    s2sv = jnp.sum(blk * blk + blk * tsn, axis=1)
    s1 = jnp.sum(blk, axis=1)
    dwo_ref[...] = (c0 + s2sv).reshape(_BLK // INPUT_SIZE, INPUT_SIZE)
    sden_ref[...] = (ALPHA + s1).reshape(_BLK // INPUT_SIZE, INPUT_SIZE)


_tbl_call = pl.pallas_call(
    _tbl_body,
    grid=(_GRID,),
    in_specs=[
        pl.BlockSpec((_BLK, DIM), lambda i: (i, 0)),
        pl.BlockSpec((2, DIM), lambda i: (0, 0)),
    ],
    out_specs=[
        pl.BlockSpec((_BLK // INPUT_SIZE, INPUT_SIZE), lambda i: (i, 0)),
        pl.BlockSpec((_BLK // INPUT_SIZE, INPUT_SIZE), lambda i: (i, 0)),
    ],
    out_shape=[
        jax.ShapeDtypeStruct((K // INPUT_SIZE, INPUT_SIZE), jnp.float32),
        jax.ShapeDtypeStruct((K // INPUT_SIZE, INPUT_SIZE), jnp.float32),
    ],
)

_mesh = plsc.VectorSubcoreMesh(core_axis_name="c", subcore_axis_name="s")


@functools.partial(
    pl.kernel,
    mesh=_mesh,
    compiler_params=pltpu.CompilerParams(needs_layout_passes=False),
    out_type=[
        jax.ShapeDtypeStruct((N_TOKENS,), jnp.float32),
        jax.ShapeDtypeStruct((N_TOKENS,), jnp.float32),
        jax.ShapeDtypeStruct((N_TOKENS,), jnp.float32),
    ],
    scratch_types=[
        pltpu.VMEM((TPW,), jnp.int32),
        pltpu.VMEM((CHUNK, DIM), jnp.float32),
        pltpu.VMEM((CHUNK, DIM), jnp.float32),
        pltpu.VMEM((CHUNK, INPUT_SIZE), jnp.float32),
        pltpu.VMEM((CHUNK, INPUT_SIZE), jnp.float32),
        pltpu.VMEM((CHUNK,), jnp.float32),
        pltpu.VMEM((CHUNK,), jnp.float32),
        pltpu.VMEM((CHUNK,), jnp.float32),
        pltpu.VMEM((CHUNK,), jnp.float32),
        pltpu.VMEM((CHUNK,), jnp.float32),
        pltpu.VMEM((CHUNK,), jnp.float32),
    ] + [pltpu.SemaphoreType.DMA] * 10,
)
def _sc_main(x_hbm, ms_hbm, tpl_hbm, d_hbm, a_hbm, r_hbm,
             idx_all, y0, y1, x0, x1, od0, od1, oa0, oa1, or0, or1,
             sy0, sy1, sx0, sx1, sd0, sd1, sa0, sa1, sr0, sr1):
    wid = lax.axis_index("s") * 2 + lax.axis_index("c")
    base = wid * TPW
    pltpu.sync_copy(ms_hbm.at[pl.ds(base, TPW)], idx_all)
    iota = lax.iota(jnp.int32, L)
    zero = jnp.zeros((L,), jnp.float32)
    yb_ = (y0, y1)
    xb_ = (x0, x1)
    od = (od0, od1)
    oa = (oa0, oa1)
    orr = (or0, or1)
    sy = (sy0, sy1)
    sx = (sx0, sx1)
    sdh = (sd0, sd1)
    sah = (sa0, sa1)
    srh = (sr0, sr1)

    def start_chunk(c):
        b = c & 1
        cbase = base + c * CHUNK
        idx_c = idx_all.at[pl.ds(c * CHUNK, CHUNK)]
        return (
            pltpu.async_copy(tpl_hbm.at[idx_c], yb_[b], sy[b]),
            pltpu.async_copy(x_hbm.at[pl.ds(cbase, CHUNK)], xb_[b], sx[b]),
        )

    pend = start_chunk(0)
    out_pend = [None, None]
    for c in range(NCHUNK):
        b = c & 1
        if c + 1 < NCHUNK:
            nxt = start_chunk(c + 1)
        for h in pend:
            h.wait()
        if out_pend[b] is not None:
            for h in out_pend[b]:
                h.wait()
        y_v = yb_[b]
        x_v = xb_[b]

        def grp_body(g, carry2):
            rows = g * L + iota

            def dim_body(d, accs):
                acc_d, acc_a = accs
                cols = (d + iota) & (INPUT_SIZE - 1)
                xv = plsc.load_gather(x_v, [rows, cols])
                ya = plsc.load_gather(y_v, [rows, cols])
                yc = plsc.load_gather(y_v, [rows, cols + INPUT_SIZE])
                cmp = 1.0 / (1.0 + jnp.exp(xv))
                s = 1.0 - cmp
                da = s - ya
                db = cmp - yc
                acc_d = acc_d + da * da + db * db
                acc_a = acc_a + jnp.minimum(s, ya) + jnp.minimum(cmp, yc)
                return acc_d, acc_a

            acc_d, acc_a = lax.fori_loop(
                0, INPUT_SIZE, dim_body, (zero, zero), unroll=2)
            od[b][pl.ds(g * L, L)] = acc_d
            oa[b][pl.ds(g * L, L)] = acc_a
            orr[b][pl.ds(g * L, L)] = acc_a * (1.0 / INPUT_SIZE)
            return carry2

        lax.fori_loop(0, NGRP, grp_body, 0)
        cb = base + c * CHUNK
        out_pend[b] = (
            pltpu.async_copy(od[b], d_hbm.at[pl.ds(cb, CHUNK)], sdh[b]),
            pltpu.async_copy(oa[b], a_hbm.at[pl.ds(cb, CHUNK)], sah[b]),
            pltpu.async_copy(orr[b], r_hbm.at[pl.ds(cb, CHUNK)], srh[b]),
        )
        if c + 1 < NCHUNK:
            pend = nxt
    for hs in out_pend:
        if hs is not None:
            for h in hs:
                h.wait()


@functools.partial(
    pl.kernel,
    mesh=_mesh,
    compiler_params=pltpu.CompilerParams(needs_layout_passes=False),
    out_type=[
        jax.ShapeDtypeStruct((N_TOKENS,), jnp.float32),
        jax.ShapeDtypeStruct((N_TOKENS,), jnp.float32),
    ],
    scratch_types=[
        pltpu.VMEM((TPW,), jnp.int32),
        pltpu.VMEM((TPW,), jnp.float32),
        pltpu.VMEM((TPW,), jnp.float32),
        pltpu.VMEM((TPW,), jnp.float32),
        pltpu.VMEM((TPW,), jnp.float32),
        pltpu.SemaphoreType.DMA,
        pltpu.SemaphoreType.DMA,
        pltpu.SemaphoreType.DMA,
    ],
)
def _sc_tail(ms_hbm, a_hbm, dwo_hbm, sden_hbm, dwoo_hbm, sam_hbm,
             idx_all, av, dwov, sdenv, samv, s0, s1, s2):
    wid = lax.axis_index("s") * 2 + lax.axis_index("c")
    base = wid * TPW
    pltpu.sync_copy(ms_hbm.at[pl.ds(base, TPW)], idx_all)
    ha = pltpu.async_copy(a_hbm.at[pl.ds(base, TPW)], av, s0)
    hs = []
    for c in range(NCHUNK):
        idx_c = idx_all.at[pl.ds(c * CHUNK, CHUNK)]
        hs.append(pltpu.async_copy(
            dwo_hbm.at[idx_c], dwov.at[pl.ds(c * CHUNK, CHUNK)], s1))
        hs.append(pltpu.async_copy(
            sden_hbm.at[idx_c], sdenv.at[pl.ds(c * CHUNK, CHUNK)], s2))
    ha.wait()
    for h in hs:
        h.wait()

    def grp_body(g, carry):
        sl = pl.ds(g * L, L)
        samv[sl] = av[sl] / sdenv[sl]
        return carry

    lax.fori_loop(0, TPW // L, grp_body, 0)
    h1 = pltpu.async_copy(dwov, dwoo_hbm.at[pl.ds(base, TPW)], s1)
    h2 = pltpu.async_copy(samv, sam_hbm.at[pl.ds(base, TPW)], s2)
    h1.wait()
    h2.wait()


@jax.jit
def kernel(x, ms, templates):
    msi = ms.astype(jnp.int32)
    d_arr, a_arr, r_arr = _sc_main(x, msi, templates)
    stats = _stats_call(templates)
    dwo, sden = _tbl_call(templates, stats)
    dwo_arr, sam_arr = _sc_tail(msi, a_arr, dwo.reshape(K), sden.reshape(K))
    return jnp.stack([d_arr, dwo_arr, sam_arr, r_arr], axis=-1)

# --- scband reference (transcript-rebuilt; emitter-appended) ---
"""Pipeline reference for scband-my-art-65180423684683 (READ-ONLY COPY).

The authoritative reference and input builder live on the scoring server;
editing this copy changes nothing except your own understanding.
"""

import jax, jax.numpy as jnp
import numpy as np

ALPHA = 0.05
N_TOKENS = 16384
INPUT_SIZE = 128
K = 8192
DIM = 2 * INPUT_SIZE  # complement coding F0


def fuzzy_and(a, b):
    return jnp.minimum(a, b)


def setup_inputs(seed: int = 0) -> dict:
    key = jax.random.key(seed)
    k1, k2, k3 = jax.random.split(key, 3)
    x = jax.random.normal(k1, (N_TOKENS, INPUT_SIZE), dtype=jnp.float32)
    ms = jax.random.randint(k2, (N_TOKENS,), 0, K)
    # learned ART templates (codebook), complement-coded dim = 2*input_size, values in (0,1)
    templates = jax.random.uniform(k3, (K, DIM), dtype=jnp.float32)
    return {"x": x, "ms": ms, "templates": templates}


def reference(x, ms, templates):
    # mapping = Sigmoid(); input = mapping(input)
    xi = jax.nn.sigmoid(x)
    # F0 = fuzzy-ART complement coding: [x, 1-x] -> template length = 2*input_size
    xc = jnp.concatenate([xi, 1.0 - xi], axis=-1)
    # gather the matched template for each token (VQ-style codebook lookup)
    y = jnp.take(templates, ms, axis=0)
    # distance = sum(|x - y|^2)
    distance = jnp.sum(jnp.power(jnp.abs(xc - y), 2), axis=-1)
    # dis_with_other = (1/K) * sum_k ||t_k - y||^2  (k==j term is zero)
    # exact identity: sum_k ||t_k - y||^2 = sum_k||t_k||^2 + K||y||^2 - 2 y . sum_k t_k
    t_sq_total = jnp.sum(templates * templates)
    t_sum = jnp.sum(templates, axis=0)
    y_sq = jnp.sum(y * y, axis=-1)
    dis_with_other = (t_sq_total + K * y_sq - 2.0 * (y @ t_sum)) / K
    # samility = |x ^ y|_1 / (alpha + |y|_1)
    and_l1 = jnp.sum(jnp.abs(fuzzy_and(xc, y)), axis=-1)
    tmp_l1 = jnp.sum(jnp.abs(y), axis=-1)
    samility = and_l1 / (ALPHA + tmp_l1)
    # resonance = |x ^ y|_1 / |x|_1
    xi_l1 = jnp.sum(jnp.abs(xc), axis=-1)
    resonance = and_l1 / xi_l1
    return jnp.stack([distance, dis_with_other, samility, resonance], axis=-1)

if __name__ == "__main__":
    import jax
    _d = setup_inputs()
    print(jax.jit(kernel)(*tuple(_d.values())))

</pallas_src>

<mosaic_0001>
#map = affine_map<(d0, d1) -> (0, 0)>
#map1 = affine_map<(d0, d1) -> (0)>
module attributes {stable_mosaic.version = 14 : i64} {
  func.func @_sc_main(%arg0: i32, %arg1: i32, %arg2: memref<16384x128xf32, #tpu.memory_space<hbm>>, %arg3: memref<16384xi32, #tpu.memory_space<hbm>>, %arg4: memref<8192x256xf32, #tpu.memory_space<hbm>>, %arg5: memref<16384xf32, #tpu.memory_space<hbm>>, %arg6: memref<16384xf32, #tpu.memory_space<hbm>>, %arg7: memref<16384xf32, #tpu.memory_space<hbm>>, %arg8: memref<512xi32, #tpu.memory_space<vmem>>, %arg9: memref<64x256xf32, #tpu.memory_space<vmem>>, %arg10: memref<64x256xf32, #tpu.memory_space<vmem>>, %arg11: memref<64x128xf32, #tpu.memory_space<vmem>>, %arg12: memref<64x128xf32, #tpu.memory_space<vmem>>, %arg13: memref<64xf32, #tpu.memory_space<vmem>>, %arg14: memref<64xf32, #tpu.memory_space<vmem>>, %arg15: memref<64xf32, #tpu.memory_space<vmem>>, %arg16: memref<64xf32, #tpu.memory_space<vmem>>, %arg17: memref<64xf32, #tpu.memory_space<vmem>>, %arg18: memref<64xf32, #tpu.memory_space<vmem>>, %arg19: memref<!tpu.dma_semaphore, #tpu.memory_space<semaphore_mem>>, %arg20: memref<!tpu.dma_semaphore, #tpu.memory_space<semaphore_mem>>, %arg21: memref<!tpu.dma_semaphore, #tpu.memory_space<semaphore_mem>>, %arg22: memref<!tpu.dma_semaphore, #tpu.memory_space<semaphore_mem>>, %arg23: memref<!tpu.dma_semaphore, #tpu.memory_space<semaphore_mem>>, %arg24: memref<!tpu.dma_semaphore, #tpu.memory_space<semaphore_mem>>, %arg25: memref<!tpu.dma_semaphore, #tpu.memory_space<semaphore_mem>>, %arg26: memref<!tpu.dma_semaphore, #tpu.memory_space<semaphore_mem>>, %arg27: memref<!tpu.dma_semaphore, #tpu.memory_space<semaphore_mem>>, %arg28: memref<!tpu.dma_semaphore, #tpu.memory_space<semaphore_mem>>) attributes {dimension_semantics = [#tpu.dimension_semantics<core_parallel>, #tpu.dimension_semantics<subcore_parallel>], iteration_bounds = array<i64: 2, 16>, scalar_prefetch = 0 : i64, scratch_operands = 21 : i64, tpu.core_type = #tpu.core_type<sc_vector_subcore>, window_params = [{transform_indices = #map}, {transform_indices = #map1}, {transform_indices = #map}, {transform_indices = #map1}, {transform_indices = #map1}, {transform_indices = #map1}]} {
    %mul3A = arith.constant 2 : i32
    %mul3A_0 = arith.muli %arg1, %mul3A : i32
    %add3A = arith.addi %mul3A_0, %arg0 : i32
    %mul3A_1 = arith.constant 512 : i32
    %mul3A_2 = arith.muli %add3A, %mul3A_1 : i32
    "tpu.region"() ({
      %run_scoped3A = tpu.sem_alloc : memref<!tpu.dma_semaphore, #tpu.memory_space<semaphore_mem>>
      %dma_start3A_321 = tpu.memref_slice %arg3[%mul3A_2] : memref<16384xi32, #tpu.memory_space<hbm>> -> memref<512xi32, #tpu.memory_space<hbm>>
      %dma_start3A_322 = tpu.memref_slice %arg3[%mul3A_2] : memref<16384xi32, #tpu.memory_space<hbm>> -> memref<512xi32, #tpu.memory_space<hbm>>
      tpu.enqueue_dma source(%dma_start3A_322 : memref<512xi32, #tpu.memory_space<hbm>>) target(%arg8 : memref<512xi32, #tpu.memory_space<vmem>>) target_semaphore(%run_scoped3A : memref<!tpu.dma_semaphore, #tpu.memory_space<semaphore_mem>>)
      %dma_wait3A_323 = tpu.memref_slice %arg3[%mul3A_2] : memref<16384xi32, #tpu.memory_space<hbm>> -> memref<512xi32, #tpu.memory_space<hbm>>
      %dma_wait3A_324 = tpu.memref_slice %arg3[%mul3A_2] : memref<16384xi32, #tpu.memory_space<hbm>> -> memref<512xi32, #tpu.memory_space<hbm>>
      tpu.wait_dma2 semaphore(%run_scoped3A : memref<!tpu.dma_semaphore, #tpu.memory_space<semaphore_mem>>) src(%dma_wait3A_324 : memref<512xi32, #tpu.memory_space<hbm>>) dst(%arg8 : memref<512xi32, #tpu.memory_space<vmem>>)
      tpu.yield
    }) : () -> ()
    %iota3A = tpu.iota {dimensions = array<i32: 0>} : vector<16xi32>
    %broadcast_in_dim3A = arith.constant 0.000000e+00 : f32
    %broadcast_in_dim3A_3 = vector.broadcast %broadcast_in_dim3A : f32 to vector<16xf32>
    %add3A_4 = arith.constant 0 : i32
    %add3A_5 = arith.addi %mul3A_2, %add3A_4 : i32
    %dma_start3A = arith.constant 0 : i32
    %dma_start3A_6 = tpu.memref_slice %arg8[%dma_start3A] : memref<512xi32, #tpu.memory_space<vmem>> -> memref<64xi32, #tpu.memory_space<vmem>>
    %dma_start3A_7 = arith.constant 0 : i32
    %dma_start3A_8 = arith.constant 0 : i32
    %dma_start3A_9 = tpu.memref_slice %arg4[%dma_start3A_7, %dma_start3A_8] : memref<8192x256xf32, #tpu.memory_space<hbm>> -> memref<8192x256xf32, #tpu.memory_space<hbm>>
    tpu.enqueue_indirect_dma source(%dma_start3A_9 : memref<8192x256xf32, #tpu.memory_space<hbm>>) target(%arg9 : memref<64x256xf32, #tpu.memory_space<vmem>>) offsets(%dma_start3A_6 : memref<64xi32, #tpu.memory_space<vmem>>) semaphore(%arg19 : memref<!tpu.dma_semaphore, #tpu.memory_space<semaphore_mem>>)
    %dma_start3A_10 = arith.constant 0 : i32
    %dma_start3A_11 = tpu.memref_slice %arg2[%add3A_5, %dma_start3A_10] : memref<16384x128xf32, #tpu.memory_space<hbm>> -> memref<64x128xf32, #tpu.memory_space<hbm>>
    %dma_start3A_12 = arith.constant 0 : i32
    %dma_start3A_13 = tpu.memref_slice %arg2[%add3A_5, %dma_start3A_12] : memref<16384x128xf32, #tpu.memory_space<hbm>> -> memref<64x128xf32, #tpu.memory_space<hbm>>
    tpu.enqueue_dma source(%dma_start3A_13 : memref<64x128xf32, #tpu.memory_space<hbm>>) target(%arg11 : memref<64x128xf32, #tpu.memory_space<vmem>>) target_semaphore(%arg21 : memref<!tpu.dma_semaphore, #tpu.memory_space<semaphore_mem>>)
    %add3A_14 = arith.constant 64 : i32
    %add3A_15 = arith.addi %mul3A_2, %add3A_14 : i32
    %dma_start3A_16 = arith.constant 64 : i32
    %dma_start3A_17 = tpu.memref_slice %arg8[%dma_start3A_16] : memref<512xi32, #tpu.memory_space<vmem>> -> memref<64xi32, #tpu.memory_space<vmem>>
    %dma_start3A_18 = arith.constant 0 : i32
    %dma_start3A_19 = arith.constant 0 : i32
    %dma_start3A_20 = tpu.memref_slice %arg4[%dma_start3A_18, %dma_start3A_19] : memref<8192x256xf32, #tpu.memory_space<hbm>> -> memref<8192x256xf32, #tpu.memory_space<hbm>>
    tpu.enqueue_indirect_dma source(%dma_start3A_20 : memref<8192x256xf32, #tpu.memory_space<hbm>>) target(%arg10 : memref<64x256xf32, #tpu.memory_space<vmem>>) offsets(%dma_start3A_17 : memref<64xi32, #tpu.memory_space<vmem>>) semaphore(%arg20 : memref<!tpu.dma_semaphore, #tpu.memory_space<semaphore_mem>>)
    %dma_start3A_21 = arith.constant 0 : i32
    %dma_start3A_22 = tpu.memref_slice %arg2[%add3A_15, %dma_start3A_21] : memref<16384x128xf32, #tpu.memory_space<hbm>> -> memref<64x128xf32, #tpu.memory_space<hbm>>
    %dma_start3A_23 = arith.constant 0 : i32
    %dma_start3A_24 = tpu.memref_slice %arg2[%add3A_15, %dma_start3A_23] : memref<16384x128xf32, #tpu.memory_space<hbm>> -> memref<64x128xf32, #tpu.memory_space<hbm>>
    tpu.enqueue_dma source(%dma_start3A_24 : memref<64x128xf32, #tpu.memory_space<hbm>>) target(%arg12 : memref<64x128xf32, #tpu.memory_space<vmem>>) target_semaphore(%arg22 : memref<!tpu.dma_semaphore, #tpu.memory_space<semaphore_mem>>)
    %dma_wait3A = arith.constant 0 : i32
    %dma_wait3A_25 = tpu.memref_slice %arg8[%dma_wait3A] : memref<512xi32, #tpu.memory_space<vmem>> -> memref<64xi32, #tpu.memory_space<vmem>>
    %dma_wait3A_26 = arith.constant 0 : i32
    %dma_wait3A_27 = arith.constant 0 : i32
    %dma_wait3A_28 = tpu.memref_slice %arg4[%dma_wait3A_26, %dma_wait3A_27] : memref<8192x256xf32, #tpu.memory_space<hbm>> -> memref<8192x256xf32, #tpu.memory_space<hbm>>
    tpu.wait_indirect_dma semaphore(%arg19 : memref<!tpu.dma_semaphore, #tpu.memory_space<semaphore_mem>>) src(%dma_wait3A_28 : memref<8192x256xf32, #tpu.memory_space<hbm>>) dst(%arg9 : memref<64x256xf32, #tpu.memory_space<vmem>>)
    %dma_wait3A_29 = arith.constant 0 : i32
    %dma_wait3A_30 = tpu.memref_slice %arg2[%add3A_5, %dma_wait3A_29] : memref<16384x128xf32, #tpu.memory_space<hbm>> -> memref<64x128xf32, #tpu.memory_space<hbm>>
    %dma_wait3A_31 = arith.constant 0 : i32
    %dma_wait3A_32 = tpu.memref_slice %arg2[%add3A_5, %dma_wait3A_31] : memref<16384x128xf32, #tpu.memory_space<hbm>> -> memref<64x128xf32, #tpu.memory_space<hbm>>
    tpu.wait_dma2 semaphore(%arg21 : memref<!tpu.dma_semaphore, #tpu.memory_space<semaphore_mem>>) src(%dma_wait3A_32 : memref<64x128xf32, #tpu.memory_space<hbm>>) dst(%arg11 : memref<64x128xf32, #tpu.memory_space<vmem>>)
    %scan3A = arith.constant 0 : i32
    %scan3A_33 = arith.constant 0 : i32
    %scan3A_34 = arith.constant 4 : i32
    %scan3A_35 = arith.addi %scan3A_33, %scan3A_34 : i32
    %scan3A_36 = arith.constant 1 : i32
    scf.for %scan3A_321 = %scan3A_33 to %scan3A_35 step %scan3A_36  : i32 {
      %mul3A_322 = arith.constant 16 : i32
      %mul3A_323 = arith.muli %scan3A_321, %mul3A_322 : i32
      %add3A_324 = vector.broadcast %mul3A_323 : i32 to vector<16xi32>
      %add3A_325 = arith.addi %add3A_324, %iota3A : vector<16xi32>
      %scan3A_326 = arith.constant 0 : i32
      %scan3A_327 = arith.constant 128 : i32
      %scan3A_328 = arith.addi %scan3A_326, %scan3A_327 : i32
      %scan3A_329 = arith.constant 2 : i32
      %scan3A_330:2 = scf.for %scan3A_346 = %scan3A_326 to %scan3A_328 step %scan3A_329 iter_args(%scan3A_347 = %broadcast_in_dim3A_3, %scan3A_348 = %broadcast_in_dim3A_3) -> (vector<16xf32>, vector<16xf32>)  : i32 {
        %add3A_349 = vector.broadcast %scan3A_346 : i32 to vector<16xi32>
        %add3A_350 = arith.addi %add3A_349, %iota3A : vector<16xi32>
        %and3A = arith.constant 127 : i32
        %and3A_351 = vector.broadcast %and3A : i32 to vector<16xi32>
        %and3A_352 = arith.andi %add3A_350, %and3A_351 : vector<16xi32>
        %gather3A = tpu.vector_load_idx %arg11[%add3A_325, %and3A_352] : memref<64x128xf32, #tpu.memory_space<vmem>>[vector<16xi32>, vector<16xi32>], vector<16xf32>,
        %gather3A_353 = tpu.vector_load_idx %arg9[%add3A_325, %and3A_352] : memref<64x256xf32, #tpu.memory_space<vmem>>[vector<16xi32>, vector<16xi32>], vector<16xf32>,
        %add3A_354 = arith.constant 128 : i32
        %add3A_355 = vector.broadcast %add3A_354 : i32 to vector<16xi32>
        %add3A_356 = arith.addi %and3A_352, %add3A_355 : vector<16xi32>
        %gather3A_357 = tpu.vector_load_idx %arg9[%add3A_325, %add3A_356] : memref<64x256xf32, #tpu.memory_space<vmem>>[vector<16xi32>, vector<16xi32>], vector<16xf32>,
        %exp3A = math.exp %gather3A : vector<16xf32>
        %add3A_358 = arith.constant 1.000000e+00 : f32
        %add3A_359 = vector.broadcast %add3A_358 : f32 to vector<16xf32>
        %add3A_360 = arith.addf %add3A_359, %exp3A : vector<16xf32>
        %div3A = arith.constant 1.000000e+00 : f32
        %div3A_361 = vector.broadcast %div3A : f32 to vector<16xf32>
        %div3A_362 = arith.divf %div3A_361, %add3A_360 : vector<16xf32>
        %sub3A = arith.constant 1.000000e+00 : f32
        %sub3A_363 = vector.broadcast %sub3A : f32 to vector<16xf32>
        %sub3A_364 = arith.subf %sub3A_363, %div3A_362 : vector<16xf32>
        %sub3A_365 = arith.subf %sub3A_364, %gather3A_353 : vector<16xf32>
        %sub3A_366 = arith.subf %div3A_362, %gather3A_357 : vector<16xf32>
        %mul3A_367 = arith.mulf %sub3A_365, %sub3A_365 : vector<16xf32>
        %add3A_368 = arith.addf %scan3A_347, %mul3A_367 : vector<16xf32>
        %mul3A_369 = arith.mulf %sub3A_366, %sub3A_366 : vector<16xf32>
        %add3A_370 = arith.addf %add3A_368, %mul3A_369 : vector<16xf32>
        %min3A = arith.minimumf %sub3A_364, %gather3A_353 : vector<16xf32>
        %add3A_371 = arith.addf %scan3A_348, %min3A : vector<16xf32>
        %min3A_372 = arith.minimumf %div3A_362, %gather3A_357 : vector<16xf32>
        %add3A_373 = arith.addf %add3A_371, %min3A_372 : vector<16xf32>
        %scan3A_374 = arith.constant 1 : i32
        %scan3A_375 = arith.addi %scan3A_346, %scan3A_374 : i32
        %add3A_376 = vector.broadcast %scan3A_375 : i32 to vector<16xi32>
        %add3A_377 = arith.addi %add3A_376, %iota3A : vector<16xi32>
        %and3A_378 = arith.constant 127 : i32
        %and3A_379 = vector.broadcast %and3A_378 : i32 to vector<16xi32>
        %and3A_380 = arith.andi %add3A_377, %and3A_379 : vector<16xi32>
        %gather3A_381 = tpu.vector_load_idx %arg11[%add3A_325, %and3A_380] : memref<64x128xf32, #tpu.memory_space<vmem>>[vector<16xi32>, vector<16xi32>], vector<16xf32>,
        %gather3A_382 = tpu.vector_load_idx %arg9[%add3A_325, %and3A_380] : memref<64x256xf32, #tpu.memory_space<vmem>>[vector<16xi32>, vector<16xi32>], vector<16xf32>,
        %add3A_383 = arith.constant 128 : i32
        %add3A_384 = vector.broadcast %add3A_383 : i32 to vector<16xi32>
        %add3A_385 = arith.addi %and3A_380, %add3A_384 : vector<16xi32>
        %gather3A_386 = tpu.vector_load_idx %arg9[%add3A_325, %add3A_385] : memref<64x256xf32, #tpu.memory_space<vmem>>[vector<16xi32>, vector<16xi32>], vector<16xf32>,
        %exp3A_387 = math.exp %gather3A_381 : vector<16xf32>
        %add3A_388 = arith.constant 1.000000e+00 : f32
        %add3A_389 = vector.broadcast %add3A_388 : f32 to vector<16xf32>
        %add3A_390 = arith.addf %add3A_389, %exp3A_387 : vector<16xf32>
        %div3A_391 = arith.constant 1.000000e+00 : f32
        %div3A_392 = vector.broadcast %div3A_391 : f32 to vector<16xf32>
        %div3A_393 = arith.divf %div3A_392, %add3A_390 : vector<16xf32>
        %sub3A_394 = arith.constant 1.000000e+00 : f32
        %sub3A_395 = vector.broadcast %sub3A_394 : f32 to vector<16xf32>
        %sub3A_396 = arith.subf %sub3A_395, %div3A_393 : vector<16xf32>
        %sub3A_397 = arith.subf %sub3A_396, %gather3A_382 : vector<16xf32>
        %sub3A_398 = arith.subf %div3A_393, %gather3A_386 : vector<16xf32>
        %mul3A_399 = arith.mulf %sub3A_397, %sub3A_397 : vector<16xf32>
        %add3A_400 = arith.addf %add3A_370, %mul3A_399 : vector<16xf32>
        %mul3A_401 = arith.mulf %sub3A_398, %sub3A_398 : vector<16xf32>
        %add3A_402 = arith.addf %add3A_400, %mul3A_401 : vector<16xf32>
        %min3A_403 = arith.minimumf %sub3A_396, %gather3A_382 : vector<16xf32>
        %add3A_404 = arith.addf %add3A_373, %min3A_403 : vector<16xf32>
        %min3A_405 = arith.minimumf %div3A_393, %gather3A_386 : vector<16xf32>
        %add3A_406 = arith.addf %add3A_404, %min3A_405 : vector<16xf32>
        scf.yield %add3A_402, %add3A_406 : vector<16xf32>, vector<16xf32>
      }
      %scan3A_331 = arith.constant 128 : i32
      %mul3A_332 = arith.constant 16 : i32
      %mul3A_333 = arith.muli %scan3A_321, %mul3A_332 : i32
      %swap3A = arith.index_cast %mul3A_333 : i32 to index
      %swap3A_334 = tpu.vector_load %arg13[%swap3A] {strides = array<i32>} : memref<64xf32, #tpu.memory_space<vmem>>, vector<16xf32>,
      tpu.vector_store %arg13[%swap3A], %scan3A_330#0 {strides = array<i32>} : memref<64xf32, #tpu.memory_space<vmem>>, vector<16xf32>,
      %mul3A_335 = arith.constant 16 : i32
      %mul3A_336 = arith.muli %scan3A_321, %mul3A_335 : i32
      %swap3A_337 = arith.index_cast %mul3A_336 : i32 to index
      %swap3A_338 = tpu.vector_load %arg15[%swap3A_337] {strides = array<i32>} : memref<64xf32, #tpu.memory_space<vmem>>, vector<16xf32>,
      tpu.vector_store %arg15[%swap3A_337], %scan3A_330#1 {strides = array<i32>} : memref<64xf32, #tpu.memory_space<vmem>>, vector<16xf32>,
      %mul3A_339 = arith.constant 7.812500e-03 : f32
      %mul3A_340 = vector.broadcast %mul3A_339 : f32 to vector<16xf32>
      %mul3A_341 = arith.mulf %scan3A_330#1, %mul3A_340 : vector<16xf32>
      %mul3A_342 = arith.constant 16 : i32
      %mul3A_343 = arith.muli %scan3A_321, %mul3A_342 : i32
      %swap3A_344 = arith.index_cast %mul3A_343 : i32 to index
      %swap3A_345 = tpu.vector_load %arg17[%swap3A_344] {strides = array<i32>} : memref<64xf32, #tpu.memory_space<vmem>>, vector<16xf32>,
      tpu.vector_store %arg17[%swap3A_344], %mul3A_341 {strides = array<i32>} : memref<64xf32, #tpu.memory_space<vmem>>, vector<16xf32>,
    }
    %scan3A_37 = arith.constant 4 : i32
    %add3A_38 = arith.constant 0 : i32
    %add3A_39 = arith.addi %mul3A_2, %add3A_38 : i32
    %dma_start3A_40 = tpu.memref_slice %arg5[%add3A_39] : memref<16384xf32, #tpu.memory_space<hbm>> -> memref<64xf32, #tpu.memory_space<hbm>>
    %dma_start3A_41 = tpu.memref_slice %arg5[%add3A_39] : memref<16384xf32, #tpu.memory_space<hbm>> -> memref<64xf32, #tpu.memory_space<hbm>>
    tpu.enqueue_dma source(%arg13 : memref<64xf32, #tpu.memory_space<vmem>>) target(%dma_start3A_41 : memref<64xf32, #tpu.memory_space<hbm>>) target_semaphore(%arg23 : memref<!tpu.dma_semaphore, #tpu.memory_space<semaphore_mem>>)
    %dma_start3A_42 = tpu.memref_slice %arg6[%add3A_39] : memref<16384xf32, #tpu.memory_space<hbm>> -> memref<64xf32, #tpu.memory_space<hbm>>
    %dma_start3A_43 = tpu.memref_slice %arg6[%add3A_39] : memref<16384xf32, #tpu.memory_space<hbm>> -> memref<64xf32, #tpu.memory_space<hbm>>
    tpu.enqueue_dma source(%arg15 : memref<64xf32, #tpu.memory_space<vmem>>) target(%dma_start3A_43 : memref<64xf32, #tpu.memory_space<hbm>>) target_semaphore(%arg25 : memref<!tpu.dma_semaphore, #tpu.memory_space<semaphore_mem>>)
    %dma_start3A_44 = tpu.memref_slice %arg7[%add3A_39] : memref<16384xf32, #tpu.memory_space<hbm>> -> memref<64xf32, #tpu.memory_space<hbm>>
    %dma_start3A_45 = tpu.memref_slice %arg7[%add3A_39] : memref<16384xf32, #tpu.memory_space<hbm>> -> memref<64xf32, #tpu.memory_space<hbm>>
    tpu.enqueue_dma source(%arg17 : memref<64xf32, #tpu.memory_space<vmem>>) target(%dma_start3A_45 : memref<64xf32, #tpu.memory_space<hbm>>) target_semaphore(%arg27 : memref<!tpu.dma_semaphore, #tpu.memory_space<semaphore_mem>>)
    %add3A_46 = arith.constant 128 : i32
    %add3A_47 = arith.addi %mul3A_2, %add3A_46 : i32
    %dma_start3A_48 = arith.constant 128 : i32
    %dma_start3A_49 = tpu.memref_slice %arg8[%dma_start3A_48] : memref<512xi32, #tpu.memory_space<vmem>> -> memref<64xi32, #tpu.memory_space<vmem>>
    %dma_start3A_50 = arith.constant 0 : i32
    %dma_start3A_51 = arith.constant 0 : i32
    %dma_start3A_52 = tpu.memref_slice %arg4[%dma_start3A_50, %dma_start3A_51] : memref<8192x256xf32, #tpu.memory_space<hbm>> -> memref<8192x256xf32, #tpu.memory_space<hbm>>
    tpu.enqueue_indirect_dma source(%dma_start3A_52 : memref<8192x256xf32, #tpu.memory_space<hbm>>) target(%arg9 : memref<64x256xf32, #tpu.memory_space<vmem>>) offsets(%dma_start3A_49 : memref<64xi32, #tpu.memory_space<vmem>>) semaphore(%arg19 : memref<!tpu.dma_semaphore, #tpu.memory_space<semaphore_mem>>)
    %dma_start3A_53 = arith.constant 0 : i32
    %dma_start3A_54 = tpu.memref_slice %arg2[%add3A_47, %dma_start3A_53] : memref<16384x128xf32, #tpu.memory_space<hbm>> -> memref<64x128xf32, #tpu.memory_space<hbm>>
    %dma_start3A_55 = arith.constant 0 : i32
    %dma_start3A_56 = tpu.memref_slice %arg2[%add3A_47, %dma_start3A_55] : memref<16384x128xf32, #tpu.memory_space<hbm>> -> memref<64x128xf32, #tpu.memory_space<hbm>>
    tpu.enqueue_dma source(%dma_start3A_56 : memref<64x128xf32, #tpu.memory_space<hbm>>) target(%arg11 : memref<64x128xf32, #tpu.memory_space<vmem>>) target_semaphore(%arg21 : memref<!tpu.dma_semaphore, #tpu.memory_space<semaphore_mem>>)
    %dma_wait3A_57 = arith.constant 64 : i32
    %dma_wait3A_58 = tpu.memref_slice %arg8[%dma_wait3A_57] : memref<512xi32, #tpu.memory_space<vmem>> -> memref<64xi32, #tpu.memory_space<vmem>>
    %dma_wait3A_59 = arith.constant 0 : i32
    %dma_wait3A_60 = arith.constant 0 : i32
    %dma_wait3A_61 = tpu.memref_slice %arg4[%dma_wait3A_59, %dma_wait3A_60] : memref<8192x256xf32, #tpu.memory_space<hbm>> -> memref<8192x256xf32, #tpu.memory_space<hbm>>
    tpu.wait_indirect_dma semaphore(%arg20 : memref<!tpu.dma_semaphore, #tpu.memory_space<semaphore_mem>>) src(%dma_wait3A_61 : memref<8192x256xf32, #tpu.memory_space<hbm>>) dst(%arg10 : memref<64x256xf32, #tpu.memory_space<vmem>>)
    %dma_wait3A_62 = arith.constant 0 : i32
    %dma_wait3A_63 = tpu.memref_slice %arg2[%add3A_15, %dma_wait3A_62] : memref<16384x128xf32, #tpu.memory_space<hbm>> -> memref<64x128xf32, #tpu.memory_space<hbm>>
    %dma_wait3A_64 = arith.constant 0 : i32
    %dma_wait3A_65 = tpu.memref_slice %arg2[%add3A_15, %dma_wait3A_64] : memref<16384x128xf32, #tpu.memory_space<hbm>> -> memref<64x128xf32, #tpu.memory_space<hbm>>
    tpu.wait_dma2 semaphore(%arg22 : memref<!tpu.dma_semaphore, #tpu.memory_space<semaphore_mem>>) src(%dma_wait3A_65 : memref<64x128xf32, #tpu.memory_space<hbm>>) dst(%arg12 : memref<64x128xf32, #tpu.memory_space<vmem>>)
    %scan3A_66 = arith.constant 0 : i32
    %scan3A_67 = arith.constant 0 : i32
    %scan3A_68 = arith.constant 4 : i32
    %scan3A_69 = arith.addi %scan3A_67, %scan3A_68 : i32
    %scan3A_70 = arith.constant 1 : i32
    scf.for %scan3A_321 = %scan3A_67 to %scan3A_69 step %scan3A_70  : i32 {
      %mul3A_322 = arith.constant 16 : i32
      %mul3A_323 = arith.muli %scan3A_321, %mul3A_322 : i32
      %add3A_324 = vector.broadcast %mul3A_323 : i32 to vector<16xi32>
      %add3A_325 = arith.addi %add3A_324, %iota3A : vector<16xi32>
      %scan3A_326 = arith.constant 0 : i32
      %scan3A_327 = arith.constant 128 : i32
      %scan3A_328 = arith.addi %scan3A_326, %scan3A_327 : i32
      %scan3A_329 = arith.constant 2 : i32
      %scan3A_330:2 = scf.for %scan3A_346 = %scan3A_326 to %scan3A_328 step %scan3A_329 iter_args(%scan3A_347 = %broadcast_in_dim3A_3, %scan3A_348 = %broadcast_in_dim3A_3) -> (vector<16xf32>, vector<16xf32>)  : i32 {
        %add3A_349 = vector.broadcast %scan3A_346 : i32 to vector<16xi32>
        %add3A_350 = arith.addi %add3A_349, %iota3A : vector<16xi32>
        %and3A = arith.constant 127 : i32
        %and3A_351 = vector.broadcast %and3A : i32 to vector<16xi32>
        %and3A_352 = arith.andi %add3A_350, %and3A_351 : vector<16xi32>
        %gather3A = tpu.vector_load_idx %arg12[%add3A_325, %and3A_352] : memref<64x128xf32, #tpu.memory_space<vmem>>[vector<16xi32>, vector<16xi32>], vector<16xf32>,
        %gather3A_353 = tpu.vector_load_idx %arg10[%add3A_325, %and3A_352] : memref<64x256xf32, #tpu.memory_space<vmem>>[vector<16xi32>, vector<16xi32>], vector<16xf32>,
        %add3A_354 = arith.constant 128 : i32
        %add3A_355 = vector.broadcast %add3A_354 : i32 to vector<16xi32>
        %add3A_356 = arith.addi %and3A_352, %add3A_355 : vector<16xi32>
        %gather3A_357 = tpu.vector_load_idx %arg10[%add3A_325, %add3A_356] : memref<64x256xf32, #tpu.memory_space<vmem>>[vector<16xi32>, vector<16xi32>], vector<16xf32>,
        %exp3A = math.exp %gather3A : vector<16xf32>
        %add3A_358 = arith.constant 1.000000e+00 : f32
        %add3A_359 = vector.broadcast %add3A_358 : f32 to vector<16xf32>
        %add3A_360 = arith.addf %add3A_359, %exp3A : vector<16xf32>
        %div3A = arith.constant 1.000000e+00 : f32
        %div3A_361 = vector.broadcast %div3A : f32 to vector<16xf32>
        %div3A_362 = arith.divf %div3A_361, %add3A_360 : vector<16xf32>
        %sub3A = arith.constant 1.000000e+00 : f32
        %sub3A_363 = vector.broadcast %sub3A : f32 to vector<16xf32>
        %sub3A_364 = arith.subf %sub3A_363, %div3A_362 : vector<16xf32>
        %sub3A_365 = arith.subf %sub3A_364, %gather3A_353 : vector<16xf32>
        %sub3A_366 = arith.subf %div3A_362, %gather3A_357 : vector<16xf32>
        %mul3A_367 = arith.mulf %sub3A_365, %sub3A_365 : vector<16xf32>
        %add3A_368 = arith.addf %scan3A_347, %mul3A_367 : vector<16xf32>
        %mul3A_369 = arith.mulf %sub3A_366, %sub3A_366 : vector<16xf32>
        %add3A_370 = arith.addf %add3A_368, %mul3A_369 : vector<16xf32>
        %min3A = arith.minimumf %sub3A_364, %gather3A_353 : vector<16xf32>
        %add3A_371 = arith.addf %scan3A_348, %min3A : vector<16xf32>
        %min3A_372 = arith.minimumf %div3A_362, %gather3A_357 : vector<16xf32>
        %add3A_373 = arith.addf %add3A_371, %min3A_372 : vector<16xf32>
        %scan3A_374 = arith.constant 1 : i32
        %scan3A_375 = arith.addi %scan3A_346, %scan3A_374 : i32
        %add3A_376 = vector.broadcast %scan3A_375 : i32 to vector<16xi32>
        %add3A_377 = arith.addi %add3A_376, %iota3A : vector<16xi32>
        %and3A_378 = arith.constant 127 : i32
        %and3A_379 = vector.broadcast %and3A_378 : i32 to vector<16xi32>
        %and3A_380 = arith.andi %add3A_377, %and3A_379 : vector<16xi32>
        %gather3A_381 = tpu.vector_load_idx %arg12[%add3A_325, %and3A_380] : memref<64x128xf32, #tpu.memory_space<vmem>>[vector<16xi32>, vector<16xi32>], vector<16xf32>,
        %gather3A_382 = tpu.vector_load_idx %arg10[%add3A_325, %and3A_380] : memref<64x256xf32, #tpu.memory_space<vmem>>[vector<16xi32>, vector<16xi32>], vector<16xf32>,
        %add3A_383 = arith.constant 128 : i32
        %add3A_384 = vector.broadcast %add3A_383 : i32 to vector<16xi32>
        %add3A_385 = arith.addi %and3A_380, %add3A_384 : vector<16xi32>
        %gather3A_386 = tpu.vector_load_idx %arg10[%add3A_325, %add3A_385] : memref<64x256xf32, #tpu.memory_space<vmem>>[vector<16xi32>, vector<16xi32>], vector<16xf32>,
        %exp3A_387 = math.exp %gather3A_381 : vector<16xf32>
        %add3A_388 = arith.constant 1.000000e+00 : f32
        %add3A_389 = vector.broadcast %add3A_388 : f32 to vector<16xf32>
        %add3A_390 = arith.addf %add3A_389, %exp3A_387 : vector<16xf32>
        %div3A_391 = arith.constant 1.000000e+00 : f32
        %div3A_392 = vector.broadcast %div3A_391 : f32 to vector<16xf32>
        %div3A_393 = arith.divf %div3A_392, %add3A_390 : vector<16xf32>
        %sub3A_394 = arith.constant 1.000000e+00 : f32
        %sub3A_395 = vector.broadcast %sub3A_394 : f32 to vector<16xf32>
        %sub3A_396 = arith.subf %sub3A_395, %div3A_393 : vector<16xf32>
        %sub3A_397 = arith.subf %sub3A_396, %gather3A_382 : vector<16xf32>
        %sub3A_398 = arith.subf %div3A_393, %gather3A_386 : vector<16xf32>
        %mul3A_399 = arith.mulf %sub3A_397, %sub3A_397 : vector<16xf32>
        %add3A_400 = arith.addf %add3A_370, %mul3A_399 : vector<16xf32>
        %mul3A_401 = arith.mulf %sub3A_398, %sub3A_398 : vector<16xf32>
        %add3A_402 = arith.addf %add3A_400, %mul3A_401 : vector<16xf32>
        %min3A_403 = arith.minimumf %sub3A_396, %gather3A_382 : vector<16xf32>
        %add3A_404 = arith.addf %add3A_373, %min3A_403 : vector<16xf32>
        %min3A_405 = arith.minimumf %div3A_393, %gather3A_386 : vector<16xf32>
        %add3A_406 = arith.addf %add3A_404, %min3A_405 : vector<16xf32>
        scf.yield %add3A_402, %add3A_406 : vector<16xf32>, vector<16xf32>
      }
      %scan3A_331 = arith.constant 128 : i32
      %mul3A_332 = arith.constant 16 : i32
      %mul3A_333 = arith.muli %scan3A_321, %mul3A_332 : i32
      %swap3A = arith.index_cast %mul3A_333 : i32 to index
      %swap3A_334 = tpu.vector_load %arg14[%swap3A] {strides = array<i32>} : memref<64xf32, #tpu.memory_space<vmem>>, vector<16xf32>,
      tpu.vector_store %arg14[%swap3A], %scan3A_330#0 {strides = array<i32>} : memref<64xf32, #tpu.memory_space<vmem>>, vector<16xf32>,
      %mul3A_335 = arith.constant 16 : i32
      %mul3A_336 = arith.muli %scan3A_321, %mul3A_335 : i32
      %swap3A_337 = arith.index_cast %mul3A_336 : i32 to index
      %swap3A_338 = tpu.vector_load %arg16[%swap3A_337] {strides = array<i32>} : memref<64xf32, #tpu.memory_space<vmem>>, vector<16xf32>,
      tpu.vector_store %arg16[%swap3A_337], %scan3A_330#1 {strides = array<i32>} : memref<64xf32, #tpu.memory_space<vmem>>, vector<16xf32>,
      %mul3A_339 = arith.constant 7.812500e-03 : f32
      %mul3A_340 = vector.broadcast %mul3A_339 : f32 to vector<16xf32>
      %mul3A_341 = arith.mulf %scan3A_330#1, %mul3A_340 : vector<16xf32>
      %mul3A_342 = arith.constant 16 : i32
      %mul3A_343 = arith.muli %scan3A_321, %mul3A_342 : i32
      %swap3A_344 = arith.index_cast %mul3A_343 : i32 to index
      %swap3A_345 = tpu.vector_load %arg18[%swap3A_344] {strides = array<i32>} : memref<64xf32, #tpu.memory_space<vmem>>, vector<16xf32>,
      tpu.vector_store %arg18[%swap3A_344], %mul3A_341 {strides = array<i32>} : memref<64xf32, #tpu.memory_space<vmem>>, vector<16xf32>,
    }
    %scan3A_71 = arith.constant 4 : i32
    %add3A_72 = arith.constant 64 : i32
    %add3A_73 = arith.addi %mul3A_2, %add3A_72 : i32
    %dma_start3A_74 = tpu.memref_slice %arg5[%add3A_73] : memref<16384xf32, #tpu.memory_space<hbm>> -> memref<64xf32, #tpu.memory_space<hbm>>
    %dma_start3A_75 = tpu.memref_slice %arg5[%add3A_73] : memref<16384xf32, #tpu.memory_space<hbm>> -> memref<64xf32, #tpu.memory_space<hbm>>
    tpu.enqueue_dma source(%arg14 : memref<64xf32, #tpu.memory_space<vmem>>) target(%dma_start3A_75 : memref<64xf32, #tpu.memory_space<hbm>>) target_semaphore(%arg24 : memref<!tpu.dma_semaphore, #tpu.memory_space<semaphore_mem>>)
    %dma_start3A_76 = tpu.memref_slice %arg6[%add3A_73] : memref<16384xf32, #tpu.memory_space<hbm>> -> memref<64xf32, #tpu.memory_space<hbm>>
    %dma_start3A_77 = tpu.memref_slice %arg6[%add3A_73] : memref<16384xf32, #tpu.memory_space<hbm>> -> memref<64xf32, #tpu.memory_space<hbm>>
    tpu.enqueue_dma source(%arg16 : memref<64xf32, #tpu.memory_space<vmem>>) target(%dma_start3A_77 : memref<64xf32, #tpu.memory_space<hbm>>) target_semaphore(%arg26 : memref<!tpu.dma_semaphore, #tpu.memory_space<semaphore_mem>>)
    %dma_start3A_78 = tpu.memref_slice %arg7[%add3A_73] : memref<16384xf32, #tpu.memory_space<hbm>> -> memref<64xf32, #tpu.memory_space<hbm>>
    %dma_start3A_79 = tpu.memref_slice %arg7[%add3A_73] : memref<16384xf32, #tpu.memory_space<hbm>> -> memref<64xf32, #tpu.memory_space<hbm>>
    tpu.enqueue_dma source(%arg18 : memref<64xf32, #tpu.memory_space<vmem>>) target(%dma_start3A_79 : memref<64xf32, #tpu.memory_space<hbm>>) target_semaphore(%arg28 : memref<!tpu.dma_semaphore, #tpu.memory_space<semaphore_mem>>)
    %add3A_80 = arith.constant 192 : i32
    %add3A_81 = arith.addi %mul3A_2, %add3A_80 : i32
    %dma_start3A_82 = arith.constant 192 : i32
    %dma_start3A_83 = tpu.memref_slice %arg8[%dma_start3A_82] : memref<512xi32, #tpu.memory_space<vmem>> -> memref<64xi32, #tpu.memory_space<vmem>>
    %dma_start3A_84 = arith.constant 0 : i32
    %dma_start3A_85 = arith.constant 0 : i32
    %dma_start3A_86 = tpu.memref_slice %arg4[%dma_start3A_84, %dma_start3A_85] : memref<8192x256xf32, #tpu.memory_space<hbm>> -> memref<8192x256xf32, #tpu.memory_space<hbm>>
    tpu.enqueue_indirect_dma source(%dma_start3A_86 : memref<8192x256xf32, #tpu.memory_space<hbm>>) target(%arg10 : memref<64x256xf32, #tpu.memory_space<vmem>>) offsets(%dma_start3A_83 : memref<64xi32, #tpu.memory_space<vmem>>) semaphore(%arg20 : memref<!tpu.dma_semaphore, #tpu.memory_space<semaphore_mem>>)
    %dma_start3A_87 = arith.constant 0 : i32
    %dma_start3A_88 = tpu.memref_slice %arg2[%add3A_81, %dma_start3A_87] : memref<16384x128xf32, #tpu.memory_space<hbm>> -> memref<64x128xf32, #tpu.memory_space<hbm>>
    %dma_start3A_89 = arith.constant 0 : i32
    %dma_start3A_90 = tpu.memref_slice %arg2[%add3A_81, %dma_start3A_89] : memref<16384x128xf32, #tpu.memory_space<hbm>> -> memref<64x128xf32, #tpu.memory_space<hbm>>
    tpu.enqueue_dma source(%dma_start3A_90 : memref<64x128xf32, #tpu.memory_space<hbm>>) target(%arg12 : memref<64x128xf32, #tpu.memory_space<vmem>>) target_semaphore(%arg22 : memref<!tpu.dma_semaphore, #tpu.memory_space<semaphore_mem>>)
    %dma_wait3A_91 = arith.constant 128 : i32
    %dma_wait3A_92 = tpu.memref_slice %arg8[%dma_wait3A_91] : memref<512xi32, #tpu.memory_space<vmem>> -> memref<64xi32, #tpu.memory_space<vmem>>
    %dma_wait3A_93 = arith.constant 0 : i32
    %dma_wait3A_94 = arith.constant 0 : i32
    %dma_wait3A_95 = tpu.memref_slice %arg4[%dma_wait3A_93, %dma_wait3A_94] : memref<8192x256xf32, #tpu.memory_space<hbm>> -> memref<8192x256xf32, #tpu.memory_space<hbm>>
    tpu.wait_indirect_dma semaphore(%arg19 : memref<!tpu.dma_semaphore, #tpu.memory_space<semaphore_mem>>) src(%dma_wait3A_95 : memref<8192x256xf32, #tpu.memory_space<hbm>>) dst(%arg9 : memref<64x256xf32, #tpu.memory_space<vmem>>)
    %dma_wait3A_96 = arith.constant 0 : i32
    %dma_wait3A_97 = tpu.memref_slice %arg2[%add3A_47, %dma_wait3A_96] : memref<16384x128xf32, #tpu.memory_space<hbm>> -> memref<64x128xf32, #tpu.memory_space<hbm>>
    %dma_wait3A_98 = arith.constant 0 : i32
    %dma_wait3A_99 = tpu.memref_slice %arg2[%add3A_47, %dma_wait3A_98] : memref<16384x128xf32, #tpu.memory_space<hbm>> -> memref<64x128xf32, #tpu.memory_space<hbm>>
    tpu.wait_dma2 semaphore(%arg21 : memref<!tpu.dma_semaphore, #tpu.memory_space<semaphore_mem>>) src(%dma_wait3A_99 : memref<64x128xf32, #tpu.memory_space<hbm>>) dst(%arg11 : memref<64x128xf32, #tpu.memory_space<vmem>>)
    %dma_wait3A_100 = tpu.memref_slice %arg5[%add3A_39] : memref<16384xf32, #tpu.memory_space<hbm>> -> memref<64xf32, #tpu.memory_space<hbm>>
    %dma_wait3A_101 = tpu.memref_slice %arg5[%add3A_39] : memref<16384xf32, #tpu.memory_space<hbm>> -> memref<64xf32, #tpu.memory_space<hbm>>
    tpu.wait_dma2 semaphore(%arg23 : memref<!tpu.dma_semaphore, #tpu.memory_space<semaphore_mem>>) src(%arg13 : memref<64xf32, #tpu.memory_space<vmem>>) dst(%dma_wait3A_101 : memref<64xf32, #tpu.memory_space<hbm>>)
    %dma_wait3A_102 = tpu.memref_slice %arg6[%add3A_39] : memref<16384xf32, #tpu.memory_space<hbm>> -> memref<64xf32, #tpu.memory_space<hbm>>
    %dma_wait3A_103 = tpu.memref_slice %arg6[%add3A_39] : memref<16384xf32, #tpu.memory_space<hbm>> -> memref<64xf32, #tpu.memory_space<hbm>>
    tpu.wait_dma2 semaphore(%arg25 : memref<!tpu.dma_semaphore, #tpu.memory_space<semaphore_mem>>) src(%arg15 : memref<64xf32, #tpu.memory_space<vmem>>) dst(%dma_wait3A_103 : memref<64xf32, #tpu.memory_space<hbm>>)
    %dma_wait3A_104 = tpu.memref_slice %arg7[%add3A_39] : memref<16384xf32, #tpu.memory_space<hbm>> -> memref<64xf32, #tpu.memory_space<hbm>>
    %dma_wait3A_105 = tpu.memref_slice %arg7[%add3A_39] : memref<16384xf32, #tpu.memory_space<hbm>> -> memref<64xf32, #tpu.memory_space<hbm>>
    tpu.wait_dma2 semaphore(%arg27 : memref<!tpu.dma_semaphore, #tpu.memory_space<semaphore_mem>>) src(%arg17 : memref<64xf32, #tpu.memory_space<vmem>>) dst(%dma_wait3A_105 : memref<64xf32, #tpu.memory_space<hbm>>)
    %scan3A_106 = arith.constant 0 : i32
    %scan3A_107 = arith.constant 0 : i32
    %scan3A_108 = arith.constant 4 : i32
    %scan3A_109 = arith.addi %scan3A_107, %scan3A_108 : i32
    %scan3A_110 = arith.constant 1 : i32
    scf.for %scan3A_321 = %scan3A_107 to %scan3A_109 step %scan3A_110  : i32 {
      %mul3A_322 = arith.constant 16 : i32
      %mul3A_323 = arith.muli %scan3A_321, %mul3A_322 : i32
      %add3A_324 = vector.broadcast %mul3A_323 : i32 to vector<16xi32>
      %add3A_325 = arith.addi %add3A_324, %iota3A : vector<16xi32>
      %scan3A_326 = arith.constant 0 : i32
      %scan3A_327 = arith.constant 128 : i32
      %scan3A_328 = arith.addi %scan3A_326, %scan3A_327 : i32
      %scan3A_329 = arith.constant 2 : i32
      %scan3A_330:2 = scf.for %scan3A_346 = %scan3A_326 to %scan3A_328 step %scan3A_329 iter_args(%scan3A_347 = %broadcast_in_dim3A_3, %scan3A_348 = %broadcast_in_dim3A_3) -> (vector<16xf32>, vector<16xf32>)  : i32 {
        %add3A_349 = vector.broadcast %scan3A_346 : i32 to vector<16xi32>
        %add3A_350 = arith.addi %add3A_349, %iota3A : vector<16xi32>
        %and3A = arith.constant 127 : i32
        %and3A_351 = vector.broadcast %and3A : i32 to vector<16xi32>
        %and3A_352 = arith.andi %add3A_350, %and3A_351 : vector<16xi32>
        %gather3A = tpu.vector_load_idx %arg11[%add3A_325, %and3A_352] : memref<64x128xf32, #tpu.memory_space<vmem>>[vector<16xi32>, vector<16xi32>], vector<16xf32>,
        %gather3A_353 = tpu.vector_load_idx %arg9[%add3A_325, %and3A_352] : memref<64x256xf32, #tpu.memory_space<vmem>>[vector<16xi32>, vector<16xi32>], vector<16xf32>,
        %add3A_354 = arith.constant 128 : i32
        %add3A_355 = vector.broadcast %add3A_354 : i32 to vector<16xi32>
        %add3A_356 = arith.addi %and3A_352, %add3A_355 : vector<16xi32>
        %gather3A_357 = tpu.vector_load_idx %arg9[%add3A_325, %add3A_356] : memref<64x256xf32, #tpu.memory_space<vmem>>[vector<16xi32>, vector<16xi32>], vector<16xf32>,
        %exp3A = math.exp %gather3A : vector<16xf32>
        %add3A_358 = arith.constant 1.000000e+00 : f32
        %add3A_359 = vector.broadcast %add3A_358 : f32 to vector<16xf32>
        %add3A_360 = arith.addf %add3A_359, %exp3A : vector<16xf32>
        %div3A = arith.constant 1.000000e+00 : f32
        %div3A_361 = vector.broadcast %div3A : f32 to vector<16xf32>
        %div3A_362 = arith.divf %div3A_361, %add3A_360 : vector<16xf32>
        %sub3A = arith.constant 1.000000e+00 : f32
        %sub3A_363 = vector.broadcast %sub3A : f32 to vector<16xf32>
        %sub3A_364 = arith.subf %sub3A_363, %div3A_362 : vector<16xf32>
        %sub3A_365 = arith.subf %sub3A_364, %gather3A_353 : vector<16xf32>
        %sub3A_366 = arith.subf %div3A_362, %gather3A_357 : vector<16xf32>
        %mul3A_367 = arith.mulf %sub3A_365, %sub3A_365 : vector<16xf32>
        %add3A_368 = arith.addf %scan3A_347, %mul3A_367 : vector<16xf32>
        %mul3A_369 = arith.mulf %sub3A_366, %sub3A_366 : vector<16xf32>
        %add3A_370 = arith.addf %add3A_368, %mul3A_369 : vector<16xf32>
        %min3A = arith.minimumf %sub3A_364, %gather3A_353 : vector<16xf32>
        %add3A_371 = arith.addf %scan3A_348, %min3A : vector<16xf32>
        %min3A_372 = arith.minimumf %div3A_362, %gather3A_357 : vector<16xf32>
        %add3A_373 = arith.addf %add3A_371, %min3A_372 : vector<16xf32>
        %scan3A_374 = arith.constant 1 : i32
        %scan3A_375 = arith.addi %scan3A_346, %scan3A_374 : i32
        %add3A_376 = vector.broadcast %scan3A_375 : i32 to vector<16xi32>
        %add3A_377 = arith.addi %add3A_376, %iota3A : vector<16xi32>
        %and3A_378 = arith.constant 127 : i32
        %and3A_379 = vector.broadcast %and3A_378 : i32 to vector<16xi32>
        %and3A_380 = arith.andi %add3A_377, %and3A_379 : vector<16xi32>
        %gather3A_381 = tpu.vector_load_idx %arg11[%add3A_325, %and3A_380] : memref<64x128xf32, #tpu.memory_space<vmem>>[vector<16xi32>, vector<16xi32>], vector<16xf32>,
        %gather3A_382 = tpu.vector_load_idx %arg9[%add3A_325, %and3A_380] : memref<64x256xf32, #tpu.memory_space<vmem>>[vector<16xi32>, vector<16xi32>], vector<16xf32>,
        %add3A_383 = arith.constant 128 : i32
        %add3A_384 = vector.broadcast %add3A_383 : i32 to vector<16xi32>
        %add3A_385 = arith.addi %and3A_380, %add3A_384 : vector<16xi32>
        %gather3A_386 = tpu.vector_load_idx %arg9[%add3A_325, %add3A_385] : memref<64x256xf32, #tpu.memory_space<vmem>>[vector<16xi32>, vector<16xi32>], vector<16xf32>,
        %exp3A_387 = math.exp %gather3A_381 : vector<16xf32>
        %add3A_388 = arith.constant 1.000000e+00 : f32
        %add3A_389 = vector.broadcast %add3A_388 : f32 to vector<16xf32>
        %add3A_390 = arith.addf %add3A_389, %exp3A_387 : vector<16xf32>
        %div3A_391 = arith.constant 1.000000e+00 : f32
        %div3A_392 = vector.broadcast %div3A_391 : f32 to vector<16xf32>
        %div3A_393 = arith.divf %div3A_392, %add3A_390 : vector<16xf32>
        %sub3A_394 = arith.constant 1.000000e+00 : f32
        %sub3A_395 = vector.broadcast %sub3A_394 : f32 to vector<16xf32>
        %sub3A_396 = arith.subf %sub3A_395, %div3A_393 : vector<16xf32>
        %sub3A_397 = arith.subf %sub3A_396, %gather3A_382 : vector<16xf32>
        %sub3A_398 = arith.subf %div3A_393, %gather3A_386 : vector<16xf32>
        %mul3A_399 = arith.mulf %sub3A_397, %sub3A_397 : vector<16xf32>
        %add3A_400 = arith.addf %add3A_370, %mul3A_399 : vector<16xf32>
        %mul3A_401 = arith.mulf %sub3A_398, %sub3A_398 : vector<16xf32>
        %add3A_402 = arith.addf %add3A_400, %mul3A_401 : vector<16xf32>
        %min3A_403 = arith.minimumf %sub3A_396, %gather3A_382 : vector<16xf32>
        %add3A_404 = arith.addf %add3A_373, %min3A_403 : vector<16xf32>
        %min3A_405 = arith.minimumf %div3A_393, %gather3A_386 : vector<16xf32>
        %add3A_406 = arith.addf %add3A_404, %min3A_405 : vector<16xf32>
        scf.yield %add3A_402, %add3A_406 : vector<16xf32>, vector<16xf32>
      }
      %scan3A_331 = arith.constant 128 : i32
      %mul3A_332 = arith.constant 16 : i32
      %mul3A_333 = arith.muli %scan3A_321, %mul3A_332 : i32
      %swap3A = arith.index_cast %mul3A_333 : i32 to index
      %swap3A_334 = tpu.vector_load %arg13[%swap3A] {strides = array<i32>} : memref<64xf32, #tpu.memory_space<vmem>>, vector<16xf32>,
      tpu.vector_store %arg13[%swap3A], %scan3A_330#0 {strides = array<i32>} : memref<64xf32, #tpu.memory_space<vmem>>, vector<16xf32>,
      %mul3A_335 = arith.constant 16 : i32
      %mul3A_336 = arith.muli %scan3A_321, %mul3A_335 : i32
      %swap3A_337 = arith.index_cast %mul3A_336 : i32 to index
      %swap3A_338 = tpu.vector_load %arg15[%swap3A_337] {strides = array<i32>} : memref<64xf32, #tpu.memory_space<vmem>>, vector<16xf32>,
      tpu.vector_store %arg15[%swap3A_337], %scan3A_330#1 {strides = array<i32>} : memref<64xf32, #tpu.memory_space<vmem>>, vector<16xf32>,
      %mul3A_339 = arith.constant 7.812500e-03 : f32
      %mul3A_340 = vector.broadcast %mul3A_339 : f32 to vector<16xf32>
      %mul3A_341 = arith.mulf %scan3A_330#1, %mul3A_340 : vector<16xf32>
      %mul3A_342 = arith.constant 16 : i32
      %mul3A_343 = arith.muli %scan3A_321, %mul3A_342 : i32
      %swap3A_344 = arith.index_cast %mul3A_343 : i32 to index
      %swap3A_345 = tpu.vector_load %arg17[%swap3A_344] {strides = array<i32>} : memref<64xf32, #tpu.memory_space<vmem>>, vector<16xf32>,
      tpu.vector_store %arg17[%swap3A_344], %mul3A_341 {strides = array<i32>} : memref<64xf32, #tpu.memory_space<vmem>>, vector<16xf32>,
    }
    %scan3A_111 = arith.constant 4 : i32
    %add3A_112 = arith.constant 128 : i32
    %add3A_113 = arith.addi %mul3A_2, %add3A_112 : i32
    %dma_start3A_114 = tpu.memref_slice %arg5[%add3A_113] : memref<16384xf32, #tpu.memory_space<hbm>> -> memref<64xf32, #tpu.memory_space<hbm>>
    %dma_start3A_115 = tpu.memref_slice %arg5[%add3A_113] : memref<16384xf32, #tpu.memory_space<hbm>> -> memref<64xf32, #tpu.memory_space<hbm>>
    tpu.enqueue_dma source(%arg13 : memref<64xf32, #tpu.memory_space<vmem>>) target(%dma_start3A_115 : memref<64xf32, #tpu.memory_space<hbm>>) target_semaphore(%arg23 : memref<!tpu.dma_semaphore, #tpu.memory_space<semaphore_mem>>)
    %dma_start3A_116 = tpu.memref_slice %arg6[%add3A_113] : memref<16384xf32, #tpu.memory_space<hbm>> -> memref<64xf32, #tpu.memory_space<hbm>>
    %dma_start3A_117 = tpu.memref_slice %arg6[%add3A_113] : memref<16384xf32, #tpu.memory_space<hbm>> -> memref<64xf32, #tpu.memory_space<hbm>>
    tpu.enqueue_dma source(%arg15 : memref<64xf32, #tpu.memory_space<vmem>>) target(%dma_start3A_117 : memref<64xf32, #tpu.memory_space<hbm>>) target_semaphore(%arg25 : memref<!tpu.dma_semaphore, #tpu.memory_space<semaphore_mem>>)
    %dma_start3A_118 = tpu.memref_slice %arg7[%add3A_113] : memref<16384xf32, #tpu.memory_space<hbm>> -> memref<64xf32, #tpu.memory_space<hbm>>
    %dma_start3A_119 = tpu.memref_slice %arg7[%add3A_113] : memref<16384xf32, #tpu.memory_space<hbm>> -> memref<64xf32, #tpu.memory_space<hbm>>
    tpu.enqueue_dma source(%arg17 : memref<64xf32, #tpu.memory_space<vmem>>) target(%dma_start3A_119 : memref<64xf32, #tpu.memory_space<hbm>>) target_semaphore(%arg27 : memref<!tpu.dma_semaphore, #tpu.memory_space<semaphore_mem>>)
    %add3A_120 = arith.constant 256 : i32
    %add3A_121 = arith.addi %mul3A_2, %add3A_120 : i32
    %dma_start3A_122 = arith.constant 256 : i32
    %dma_start3A_123 = tpu.memref_slice %arg8[%dma_start3A_122] : memref<512xi32, #tpu.memory_space<vmem>> -> memref<64xi32, #tpu.memory_space<vmem>>
    %dma_start3A_124 = arith.constant 0 : i32
    %dma_start3A_125 = arith.constant 0 : i32
    %dma_start3A_126 = tpu.memref_slice %arg4[%dma_start3A_124, %dma_start3A_125] : memref<8192x256xf32, #tpu.memory_space<hbm>> -> memref<8192x256xf32, #tpu.memory_space<hbm>>
    tpu.enqueue_indirect_dma source(%dma_start3A_126 : memref<8192x256xf32, #tpu.memory_space<hbm>>) target(%arg9 : memref<64x256xf32, #tpu.memory_space<vmem>>) offsets(%dma_start3A_123 : memref<64xi32, #tpu.memory_space<vmem>>) semaphore(%arg19 : memref<!tpu.dma_semaphore, #tpu.memory_space<semaphore_mem>>)
    %dma_start3A_127 = arith.constant 0 : i32
    %dma_start3A_128 = tpu.memref_slice %arg2[%add3A_121, %dma_start3A_127] : memref<16384x128xf32, #tpu.memory_space<hbm>> -> memref<64x128xf32, #tpu.memory_space<hbm>>
    %dma_start3A_129 = arith.constant 0 : i32
    %dma_start3A_130 = tpu.memref_slice %arg2[%add3A_121, %dma_start3A_129] : memref<16384x128xf32, #tpu.memory_space<hbm>> -> memref<64x128xf32, #tpu.memory_space<hbm>>
    tpu.enqueue_dma source(%dma_start3A_130 : memref<64x128xf32, #tpu.memory_space<hbm>>) target(%arg11 : memref<64x128xf32, #tpu.memory_space<vmem>>) target_semaphore(%arg21 : memref<!tpu.dma_semaphore, #tpu.memory_space<semaphore_mem>>)
    %dma_wait3A_131 = arith.constant 192 : i32
    %dma_wait3A_132 = tpu.memref_slice %arg8[%dma_wait3A_131] : memref<512xi32, #tpu.memory_space<vmem>> -> memref<64xi32, #tpu.memory_space<vmem>>
    %dma_wait3A_133 = arith.constant 0 : i32
    %dma_wait3A_134 = arith.constant 0 : i32
    %dma_wait3A_135 = tpu.memref_slice %arg4[%dma_wait3A_133, %dma_wait3A_134] : memref<8192x256xf32, #tpu.memory_space<hbm>> -> memref<8192x256xf32, #tpu.memory_space<hbm>>
    tpu.wait_indirect_dma semaphore(%arg20 : memref<!tpu.dma_semaphore, #tpu.memory_space<semaphore_mem>>) src(%dma_wait3A_135 : memref<8192x256xf32, #tpu.memory_space<hbm>>) dst(%arg10 : memref<64x256xf32, #tpu.memory_space<vmem>>)
    %dma_wait3A_136 = arith.constant 0 : i32
    %dma_wait3A_137 = tpu.memref_slice %arg2[%add3A_81, %dma_wait3A_136] : memref<16384x128xf32, #tpu.memory_space<hbm>> -> memref<64x128xf32, #tpu.memory_space<hbm>>
    %dma_wait3A_138 = arith.constant 0 : i32
    %dma_wait3A_139 = tpu.memref_slice %arg2[%add3A_81, %dma_wait3A_138] : memref<16384x128xf32, #tpu.memory_space<hbm>> -> memref<64x128xf32, #tpu.memory_space<hbm>>
    tpu.wait_dma2 semaphore(%arg22 : memref<!tpu.dma_semaphore, #tpu.memory_space<semaphore_mem>>) src(%dma_wait3A_139 : memref<64x128xf32, #tpu.memory_space<hbm>>) dst(%arg12 : memref<64x128xf32, #tpu.memory_space<vmem>>)
    %dma_wait3A_140 = tpu.memref_slice %arg5[%add3A_73] : memref<16384xf32, #tpu.memory_space<hbm>> -> memref<64xf32, #tpu.memory_space<hbm>>
    %dma_wait3A_141 = tpu.memref_slice %arg5[%add3A_73] : memref<16384xf32, #tpu.memory_space<hbm>> -> memref<64xf32, #tpu.memory_space<hbm>>
    tpu.wait_dma2 semaphore(%arg24 : memref<!tpu.dma_semaphore, #tpu.memory_space<semaphore_mem>>) src(%arg14 : memref<64xf32, #tpu.memory_space<vmem>>) dst(%dma_wait3A_141 : memref<64xf32, #tpu.memory_space<hbm>>)
    %dma_wait3A_142 = tpu.memref_slice %arg6[%add3A_73] : memref<16384xf32, #tpu.memory_space<hbm>> -> memref<64xf32, #tpu.memory_space<hbm>>
    %dma_wait3A_143 = tpu.memref_slice %arg6[%add3A_73] : memref<16384xf32, #tpu.memory_space<hbm>> -> memref<64xf32, #tpu.memory_space<hbm>>
    tpu.wait_dma2 semaphore(%arg26 : memref<!tpu.dma_semaphore, #tpu.memory_space<semaphore_mem>>) src(%arg16 : memref<64xf32, #tpu.memory_space<vmem>>) dst(%dma_wait3A_143 : memref<64xf32, #tpu.memory_space<hbm>>)
    %dma_wait3A_144 = tpu.memref_slice %arg7[%add3A_73] : memref<16384xf32, #tpu.memory_space<hbm>> -> memref<64xf32, #tpu.memory_space<hbm>>
    %dma_wait3A_145 = tpu.memref_slice %arg7[%add3A_73] : memref<16384xf32, #tpu.memory_space<hbm>> -> memref<64xf32, #tpu.memory_space<hbm>>
    tpu.wait_dma2 semaphore(%arg28 : memref<!tpu.dma_semaphore, #tpu.memory_space<semaphore_mem>>) src(%arg18 : memref<64xf32, #tpu.memory_space<vmem>>) dst(%dma_wait3A_145 : memref<64xf32, #tpu.memory_space<hbm>>)
    %scan3A_146 = arith.constant 0 : i32
    %scan3A_147 = arith.constant 0 : i32
    %scan3A_148 = arith.constant 4 : i32
    %scan3A_149 = arith.addi %scan3A_147, %scan3A_148 : i32
    %scan3A_150 = arith.constant 1 : i32
    scf.for %scan3A_321 = %scan3A_147 to %scan3A_149 step %scan3A_150  : i32 {
      %mul3A_322 = arith.constant 16 : i32
      %mul3A_323 = arith.muli %scan3A_321, %mul3A_322 : i32
      %add3A_324 = vector.broadcast %mul3A_323 : i32 to vector<16xi32>
      %add3A_325 = arith.addi %add3A_324, %iota3A : vector<16xi32>
      %scan3A_326 = arith.constant 0 : i32
      %scan3A_327 = arith.constant 128 : i32
      %scan3A_328 = arith.addi %scan3A_326, %scan3A_327 : i32
      %scan3A_329 = arith.constant 2 : i32
      %scan3A_330:2 = scf.for %scan3A_346 = %scan3A_326 to %scan3A_328 step %scan3A_329 iter_args(%scan3A_347 = %broadcast_in_dim3A_3, %scan3A_348 = %broadcast_in_dim3A_3) -> (vector<16xf32>, vector<16xf32>)  : i32 {
        %add3A_349 = vector.broadcast %scan3A_346 : i32 to vector<16xi32>
        %add3A_350 = arith.addi %add3A_349, %iota3A : vector<16xi32>
        %and3A = arith.constant 127 : i32
        %and3A_351 = vector.broadcast %and3A : i32 to vector<16xi32>
        %and3A_352 = arith.andi %add3A_350, %and3A_351 : vector<16xi32>
        %gather3A = tpu.vector_load_idx %arg12[%add3A_325, %and3A_352] : memref<64x128xf32, #tpu.memory_space<vmem>>[vector<16xi32>, vector<16xi32>], vector<16xf32>,
        %gather3A_353 = tpu.vector_load_idx %arg10[%add3A_325, %and3A_352] : memref<64x256xf32, #tpu.memory_space<vmem>>[vector<16xi32>, vector<16xi32>], vector<16xf32>,
        %add3A_354 = arith.constant 128 : i32
        %add3A_355 = vector.broadcast %add3A_354 : i32 to vector<16xi32>
        %add3A_356 = arith.addi %and3A_352, %add3A_355 : vector<16xi32>
        %gather3A_357 = tpu.vector_load_idx %arg10[%add3A_325, %add3A_356] : memref<64x256xf32, #tpu.memory_space<vmem>>[vector<16xi32>, vector<16xi32>], vector<16xf32>,
        %exp3A = math.exp %gather3A : vector<16xf32>
        %add3A_358 = arith.constant 1.000000e+00 : f32
        %add3A_359 = vector.broadcast %add3A_358 : f32 to vector<16xf32>
        %add3A_360 = arith.addf %add3A_359, %exp3A : vector<16xf32>
        %div3A = arith.constant 1.000000e+00 : f32
        %div3A_361 = vector.broadcast %div3A : f32 to vector<16xf32>
        %div3A_362 = arith.divf %div3A_361, %add3A_360 : vector<16xf32>
        %sub3A = arith.constant 1.000000e+00 : f32
        %sub3A_363 = vector.broadcast %sub3A : f32 to vector<16xf32>
        %sub3A_364 = arith.subf %sub3A_363, %div3A_362 : vector<16xf32>
        %sub3A_365 = arith.subf %sub3A_364, %gather3A_353 : vector<16xf32>
        %sub3A_366 = arith.subf %div3A_362, %gather3A_357 : vector<16xf32>
        %mul3A_367 = arith.mulf %sub3A_365, %sub3A_365 : vector<16xf32>
        %add3A_368 = arith.addf %scan3A_347, %mul3A_367 : vector<16xf32>
        %mul3A_369 = arith.mulf %sub3A_366, %sub3A_366 : vector<16xf32>
        %add3A_370 = arith.addf %add3A_368, %mul3A_369 : vector<16xf32>
        %min3A = arith.minimumf %sub3A_364, %gather3A_353 : vector<16xf32>
        %add3A_371 = arith.addf %scan3A_348, %min3A : vector<16xf32>
        %min3A_372 = arith.minimumf %div3A_362, %gather3A_357 : vector<16xf32>
        %add3A_373 = arith.addf %add3A_371, %min3A_372 : vector<16xf32>
        %scan3A_374 = arith.constant 1 : i32
        %scan3A_375 = arith.addi %scan3A_346, %scan3A_374 : i32
        %add3A_376 = vector.broadcast %scan3A_375 : i32 to vector<16xi32>
        %add3A_377 = arith.addi %add3A_376, %iota3A : vector<16xi32>
        %and3A_378 = arith.constant 127 : i32
        %and3A_379 = vector.broadcast %and3A_378 : i32 to vector<16xi32>
        %and3A_380 = arith.andi %add3A_377, %and3A_379 : vector<16xi32>
        %gather3A_381 = tpu.vector_load_idx %arg12[%add3A_325, %and3A_380] : memref<64x128xf32, #tpu.memory_space<vmem>>[vector<16xi32>, vector<16xi32>], vector<16xf32>,
        %gather3A_382 = tpu.vector_load_idx %arg10[%add3A_325, %and3A_380] : memref<64x256xf32, #tpu.memory_space<vmem>>[vector<16xi32>, vector<16xi32>], vector<16xf32>,
        %add3A_383 = arith.constant 128 : i32
        %add3A_384 = vector.broadcast %add3A_383 : i32 to vector<16xi32>
        %add3A_385 = arith.addi %and3A_380, %add3A_384 : vector<16xi32>
        %gather3A_386 = tpu.vector_load_idx %arg10[%add3A_325, %add3A_385] : memref<64x256xf32, #tpu.memory_space<vmem>>[vector<16xi32>, vector<16xi32>], vector<16xf32>,
        %exp3A_387 = math.exp %gather3A_381 : vector<16xf32>
        %add3A_388 = arith.constant 1.000000e+00 : f32
        %add3A_389 = vector.broadcast %add3A_388 : f32 to vector<16xf32>
        %add3A_390 = arith.addf %add3A_389, %exp3A_387 : vector<16xf32>
        %div3A_391 = arith.constant 1.000000e+00 : f32
        %div3A_392 = vector.broadcast %div3A_391 : f32 to vector<16xf32>
        %div3A_393 = arith.divf %div3A_392, %add3A_390 : vector<16xf32>
        %sub3A_394 = arith.constant 1.000000e+00 : f32
        %sub3A_395 = vector.broadcast %sub3A_394 : f32 to vector<16xf32>
        %sub3A_396 = arith.subf %sub3A_395, %div3A_393 : vector<16xf32>
        %sub3A_397 = arith.subf %sub3A_396, %gather3A_382 : vector<16xf32>
        %sub3A_398 = arith.subf %div3A_393, %gather3A_386 : vector<16xf32>
        %mul3A_399 = arith.mulf %sub3A_397, %sub3A_397 : vector<16xf32>
        %add3A_400 = arith.addf %add3A_370, %mul3A_399 : vector<16xf32>
        %mul3A_401 = arith.mulf %sub3A_398, %sub3A_398 : vector<16xf32>
        %add3A_402 = arith.addf %add3A_400, %mul3A_401 : vector<16xf32>
        %min3A_403 = arith.minimumf %sub3A_396, %gather3A_382 : vector<16xf32>
        %add3A_404 = arith.addf %add3A_373, %min3A_403 : vector<16xf32>
        %min3A_405 = arith.minimumf %div3A_393, %gather3A_386 : vector<16xf32>
        %add3A_406 = arith.addf %add3A_404, %min3A_405 : vector<16xf32>
        scf.yield %add3A_402, %add3A_406 : vector<16xf32>, vector<16xf32>
      }
      %scan3A_331 = arith.constant 128 : i32
      %mul3A_332 = arith.constant 16 : i32
      %mul3A_333 = arith.muli %scan3A_321, %mul3A_332 : i32
      %swap3A = arith.index_cast %mul3A_333 : i32 to index
      %swap3A_334 = tpu.vector_load %arg14[%swap3A] {strides = array<i32>} : memref<64xf32, #tpu.memory_space<vmem>>, vector<16xf32>,
      tpu.vector_store %arg14[%swap3A], %scan3A_330#0 {strides = array<i32>} : memref<64xf32, #tpu.memory_space<vmem>>, vector<16xf32>,
      %mul3A_335 = arith.constant 16 : i32
      %mul3A_336 = arith.muli %scan3A_321, %mul3A_335 : i32
      %swap3A_337 = arith.index_cast %mul3A_336 : i32 to index
      %swap3A_338 = tpu.vector_load %arg16[%swap3A_337] {strides = array<i32>} : memref<64xf32, #tpu.memory_space<vmem>>, vector<16xf32>,
      tpu.vector_store %arg16[%swap3A_337], %scan3A_330#1 {strides = array<i32>} : memref<64xf32, #tpu.memory_space<vmem>>, vector<16xf32>,
      %mul3A_339 = arith.constant 7.812500e-03 : f32
      %mul3A_340 = vector.broadcast %mul3A_339 : f32 to vector<16xf32>
      %mul3A_341 = arith.mulf %scan3A_330#1, %mul3A_340 : vector<16xf32>
      %mul3A_342 = arith.constant 16 : i32
      %mul3A_343 = arith.muli %scan3A_321, %mul3A_342 : i32
      %swap3A_344 = arith.index_cast %mul3A_343 : i32 to index
      %swap3A_345 = tpu.vector_load %arg18[%swap3A_344] {strides = array<i32>} : memref<64xf32, #tpu.memory_space<vmem>>, vector<16xf32>,
      tpu.vector_store %arg18[%swap3A_344], %mul3A_341 {strides = array<i32>} : memref<64xf32, #tpu.memory_space<vmem>>, vector<16xf32>,
    }
    %scan3A_151 = arith.constant 4 : i32
    %add3A_152 = arith.constant 192 : i32
    %add3A_153 = arith.addi %mul3A_2, %add3A_152 : i32
    %dma_start3A_154 = tpu.memref_slice %arg5[%add3A_153] : memref<16384xf32, #tpu.memory_space<hbm>> -> memref<64xf32, #tpu.memory_space<hbm>>
    %dma_start3A_155 = tpu.memref_slice %arg5[%add3A_153] : memref<16384xf32, #tpu.memory_space<hbm>> -> memref<64xf32, #tpu.memory_space<hbm>>
    tpu.enqueue_dma source(%arg14 : memref<64xf32, #tpu.memory_space<vmem>>) target(%dma_start3A_155 : memref<64xf32, #tpu.memory_space<hbm>>) target_semaphore(%arg24 : memref<!tpu.dma_semaphore, #tpu.memory_space<semaphore_mem>>)
    %dma_start3A_156 = tpu.memref_slice %arg6[%add3A_153] : memref<16384xf32, #tpu.memory_space<hbm>> -> memref<64xf32, #tpu.memory_space<hbm>>
    %dma_start3A_157 = tpu.memref_slice %arg6[%add3A_153] : memref<16384xf32, #tpu.memory_space<hbm>> -> memref<64xf32, #tpu.memory_space<hbm>>
    tpu.enqueue_dma source(%arg16 : memref<64xf32, #tpu.memory_space<vmem>>) target(%dma_start3A_157 : memref<64xf32, #tpu.memory_space<hbm>>) target_semaphore(%arg26 : memref<!tpu.dma_semaphore, #tpu.memory_space<semaphore_mem>>)
    %dma_start3A_158 = tpu.memref_slice %arg7[%add3A_153] : memref<16384xf32, #tpu.memory_space<hbm>> -> memref<64xf32, #tpu.memory_space<hbm>>
    %dma_start3A_159 = tpu.memref_slice %arg7[%add3A_153] : memref<16384xf32, #tpu.memory_space<hbm>> -> memref<64xf32, #tpu.memory_space<hbm>>
    tpu.enqueue_dma source(%arg18 : memref<64xf32, #tpu.memory_space<vmem>>) target(%dma_start3A_159 : memref<64xf32, #tpu.memory_space<hbm>>) target_semaphore(%arg28 : memref<!tpu.dma_semaphore, #tpu.memory_space<semaphore_mem>>)
    %add3A_160 = arith.constant 320 : i32
    %add3A_161 = arith.addi %mul3A_2, %add3A_160 : i32
    %dma_start3A_162 = arith.constant 320 : i32
    %dma_start3A_163 = tpu.memref_slice %arg8[%dma_start3A_162] : memref<512xi32, #tpu.memory_space<vmem>> -> memref<64xi32, #tpu.memory_space<vmem>>
    %dma_start3A_164 = arith.constant 0 : i32
    %dma_start3A_165 = arith.constant 0 : i32
    %dma_start3A_166 = tpu.memref_slice %arg4[%dma_start3A_164, %dma_start3A_165] : memref<8192x256xf32, #tpu.memory_space<hbm>> -> memref<8192x256xf32, #tpu.memory_space<hbm>>
    tpu.enqueue_indirect_dma source(%dma_start3A_166 : memref<8192x256xf32, #tpu.memory_space<hbm>>) target(%arg10 : memref<64x256xf32, #tpu.memory_space<vmem>>) offsets(%dma_start3A_163 : memref<64xi32, #tpu.memory_space<vmem>>) semaphore(%arg20 : memref<!tpu.dma_semaphore, #tpu.memory_space<semaphore_mem>>)
    %dma_start3A_167 = arith.constant 0 : i32
    %dma_start3A_168 = tpu.memref_slice %arg2[%add3A_161, %dma_start3A_167] : memref<16384x128xf32, #tpu.memory_space<hbm>> -> memref<64x128xf32, #tpu.memory_space<hbm>>
    %dma_start3A_169 = arith.constant 0 : i32
    %dma_start3A_170 = tpu.memref_slice %arg2[%add3A_161, %dma_start3A_169] : memref<16384x128xf32, #tpu.memory_space<hbm>> -> memref<64x128xf32, #tpu.memory_space<hbm>>
    tpu.enqueue_dma source(%dma_start3A_170 : memref<64x128xf32, #tpu.memory_space<hbm>>) target(%arg12 : memref<64x128xf32, #tpu.memory_space<vmem>>) target_semaphore(%arg22 : memref<!tpu.dma_semaphore, #tpu.memory_space<semaphore_mem>>)
    %dma_wait3A_171 = arith.constant 256 : i32
    %dma_wait3A_172 = tpu.memref_slice %arg8[%dma_wait3A_171] : memref<512xi32, #tpu.memory_space<vmem>> -> memref<64xi32, #tpu.memory_space<vmem>>
    %dma_wait3A_173 = arith.constant 0 : i32
    %dma_wait3A_174 = arith.constant 0 : i32
    %dma_wait3A_175 = tpu.memref_slice %arg4[%dma_wait3A_173, %dma_wait3A_174] : memref<8192x256xf32, #tpu.memory_space<hbm>> -> memref<8192x256xf32, #tpu.memory_space<hbm>>
    tpu.wait_indirect_dma semaphore(%arg19 : memref<!tpu.dma_semaphore, #tpu.memory_space<semaphore_mem>>) src(%dma_wait3A_175 : memref<8192x256xf32, #tpu.memory_space<hbm>>) dst(%arg9 : memref<64x256xf32, #tpu.memory_space<vmem>>)
    %dma_wait3A_176 = arith.constant 0 : i32
    %dma_wait3A_177 = tpu.memref_slice %arg2[%add3A_121, %dma_wait3A_176] : memref<16384x128xf32, #tpu.memory_space<hbm>> -> memref<64x128xf32, #tpu.memory_space<hbm>>
    %dma_wait3A_178 = arith.constant 0 : i32
    %dma_wait3A_179 = tpu.memref_slice %arg2[%add3A_121, %dma_wait3A_178] : memref<16384x128xf32, #tpu.memory_space<hbm>> -> memref<64x128xf32, #tpu.memory_space<hbm>>
    tpu.wait_dma2 semaphore(%arg21 : memref<!tpu.dma_semaphore, #tpu.memory_space<semaphore_mem>>) src(%dma_wait3A_179 : memref<64x128xf32, #tpu.memory_space<hbm>>) dst(%arg11 : memref<64x128xf32, #tpu.memory_space<vmem>>)
    %dma_wait3A_180 = tpu.memref_slice %arg5[%add3A_113] : memref<16384xf32, #tpu.memory_space<hbm>> -> memref<64xf32, #tpu.memory_space<hbm>>
    %dma_wait3A_181 = tpu.memref_slice %arg5[%add3A_113] : memref<16384xf32, #tpu.memory_space<hbm>> -> memref<64xf32, #tpu.memory_space<hbm>>
    tpu.wait_dma2 semaphore(%arg23 : memref<!tpu.dma_semaphore, #tpu.memory_space<semaphore_mem>>) src(%arg13 : memref<64xf32, #tpu.memory_space<vmem>>) dst(%dma_wait3A_181 : memref<64xf32, #tpu.memory_space<hbm>>)
    %dma_wait3A_182 = tpu.memref_slice %arg6[%add3A_113] : memref<16384xf32, #tpu.memory_space<hbm>> -> memref<64xf32, #tpu.memory_space<hbm>>
    %dma_wait3A_183 = tpu.memref_slice %arg6[%add3A_113] : memref<16384xf32, #tpu.memory_space<hbm>> -> memref<64xf32, #tpu.memory_space<hbm>>
    tpu.wait_dma2 semaphore(%arg25 : memref<!tpu.dma_semaphore, #tpu.memory_space<semaphore_mem>>) src(%arg15 : memref<64xf32, #tpu.memory_space<vmem>>) dst(%dma_wait3A_183 : memref<64xf32, #tpu.memory_space<hbm>>)
    %dma_wait3A_184 = tpu.memref_slice %arg7[%add3A_113] : memref<16384xf32, #tpu.memory_space<hbm>> -> memref<64xf32, #tpu.memory_space<hbm>>
    %dma_wait3A_185 = tpu.memref_slice %arg7[%add3A_113] : memref<16384xf32, #tpu.memory_space<hbm>> -> memref<64xf32, #tpu.memory_space<hbm>>
    tpu.wait_dma2 semaphore(%arg27 : memref<!tpu.dma_semaphore, #tpu.memory_space<semaphore_mem>>) src(%arg17 : memref<64xf32, #tpu.memory_space<vmem>>) dst(%dma_wait3A_185 : memref<64xf32, #tpu.memory_space<hbm>>)
    %scan3A_186 = arith.constant 0 : i32
    %scan3A_187 = arith.constant 0 : i32
    %scan3A_188 = arith.constant 4 : i32
    %scan3A_189 = arith.addi %scan3A_187, %scan3A_188 : i32
    %scan3A_190 = arith.constant 1 : i32
    scf.for %scan3A_321 = %scan3A_187 to %scan3A_189 step %scan3A_190  : i32 {
      %mul3A_322 = arith.constant 16 : i32
      %mul3A_323 = arith.muli %scan3A_321, %mul3A_322 : i32
      %add3A_324 = vector.broadcast %mul3A_323 : i32 to vector<16xi32>
      %add3A_325 = arith.addi %add3A_324, %iota3A : vector<16xi32>
      %scan3A_326 = arith.constant 0 : i32
      %scan3A_327 = arith.constant 128 : i32
      %scan3A_328 = arith.addi %scan3A_326, %scan3A_327 : i32
      %scan3A_329 = arith.constant 2 : i32
      %scan3A_330:2 = scf.for %scan3A_346 = %scan3A_326 to %scan3A_328 step %scan3A_329 iter_args(%scan3A_347 = %broadcast_in_dim3A_3, %scan3A_348 = %broadcast_in_dim3A_3) -> (vector<16xf32>, vector<16xf32>)  : i32 {
        %add3A_349 = vector.broadcast %scan3A_346 : i32 to vector<16xi32>
        %add3A_350 = arith.addi %add3A_349, %iota3A : vector<16xi32>
        %and3A = arith.constant 127 : i32
        %and3A_351 = vector.broadcast %and3A : i32 to vector<16xi32>
        %and3A_352 = arith.andi %add3A_350, %and3A_351 : vector<16xi32>
        %gather3A = tpu.vector_load_idx %arg11[%add3A_325, %and3A_352] : memref<64x128xf32, #tpu.memory_space<vmem>>[vector<16xi32>, vector<16xi32>], vector<16xf32>,
        %gather3A_353 = tpu.vector_load_idx %arg9[%add3A_325, %and3A_352] : memref<64x256xf32, #tpu.memory_space<vmem>>[vector<16xi32>, vector<16xi32>], vector<16xf32>,
        %add3A_354 = arith.constant 128 : i32
        %add3A_355 = vector.broadcast %add3A_354 : i32 to vector<16xi32>
        %add3A_356 = arith.addi %and3A_352, %add3A_355 : vector<16xi32>
        %gather3A_357 = tpu.vector_load_idx %arg9[%add3A_325, %add3A_356] : memref<64x256xf32, #tpu.memory_space<vmem>>[vector<16xi32>, vector<16xi32>], vector<16xf32>,
        %exp3A = math.exp %gather3A : vector<16xf32>
        %add3A_358 = arith.constant 1.000000e+00 : f32
        %add3A_359 = vector.broadcast %add3A_358 : f32 to vector<16xf32>
        %add3A_360 = arith.addf %add3A_359, %exp3A : vector<16xf32>
        %div3A = arith.constant 1.000000e+00 : f32
        %div3A_361 = vector.broadcast %div3A : f32 to vector<16xf32>
        %div3A_362 = arith.divf %div3A_361, %add3A_360 : vector<16xf32>
        %sub3A = arith.constant 1.000000e+00 : f32
        %sub3A_363 = vector.broadcast %sub3A : f32 to vector<16xf32>
        %sub3A_364 = arith.subf %sub3A_363, %div3A_362 : vector<16xf32>
        %sub3A_365 = arith.subf %sub3A_364, %gather3A_353 : vector<16xf32>
        %sub3A_366 = arith.subf %div3A_362, %gather3A_357 : vector<16xf32>
        %mul3A_367 = arith.mulf %sub3A_365, %sub3A_365 : vector<16xf32>
        %add3A_368 = arith.addf %scan3A_347, %mul3A_367 : vector<16xf32>
        %mul3A_369 = arith.mulf %sub3A_366, %sub3A_366 : vector<16xf32>
        %add3A_370 = arith.addf %add3A_368, %mul3A_369 : vector<16xf32>
        %min3A = arith.minimumf %sub3A_364, %gather3A_353 : vector<16xf32>
        %add3A_371 = arith.addf %scan3A_348, %min3A : vector<16xf32>
        %min3A_372 = arith.minimumf %div3A_362, %gather3A_357 : vector<16xf32>
        %add3A_373 = arith.addf %add3A_371, %min3A_372 : vector<16xf32>
        %scan3A_374 = arith.constant 1 : i32
        %scan3A_375 = arith.addi %scan3A_346, %scan3A_374 : i32
        %add3A_376 = vector.broadcast %scan3A_375 : i32 to vector<16xi32>
        %add3A_377 = arith.addi %add3A_376, %iota3A : vector<16xi32>
        %and3A_378 = arith.constant 127 : i32
        %and3A_379 = vector.broadcast %and3A_378 : i32 to vector<16xi32>
        %and3A_380 = arith.andi %add3A_377, %and3A_379 : vector<16xi32>
        %gather3A_381 = tpu.vector_load_idx %arg11[%add3A_325, %and3A_380] : memref<64x128xf32, #tpu.memory_space<vmem>>[vector<16xi32>, vector<16xi32>], vector<16xf32>,
        %gather3A_382 = tpu.vector_load_idx %arg9[%add3A_325, %and3A_380] : memref<64x256xf32, #tpu.memory_space<vmem>>[vector<16xi32>, vector<16xi32>], vector<16xf32>,
        %add3A_383 = arith.constant 128 : i32
        %add3A_384 = vector.broadcast %add3A_383 : i32 to vector<16xi32>
        %add3A_385 = arith.addi %and3A_380, %add3A_384 : vector<16xi32>
        %gather3A_386 = tpu.vector_load_idx %arg9[%add3A_325, %add3A_385] : memref<64x256xf32, #tpu.memory_space<vmem>>[vector<16xi32>, vector<16xi32>], vector<16xf32>,
        %exp3A_387 = math.exp %gather3A_381 : vector<16xf32>
        %add3A_388 = arith.constant 1.000000e+00 : f32
        %add3A_389 = vector.broadcast %add3A_388 : f32 to vector<16xf32>
        %add3A_390 = arith.addf %add3A_389, %exp3A_387 : vector<16xf32>
        %div3A_391 = arith.constant 1.000000e+00 : f32
        %div3A_392 = vector.broadcast %div3A_391 : f32 to vector<16xf32>
        %div3A_393 = arith.divf %div3A_392, %add3A_390 : vector<16xf32>
        %sub3A_394 = arith.constant 1.000000e+00 : f32
        %sub3A_395 = vector.broadcast %sub3A_394 : f32 to vector<16xf32>
        %sub3A_396 = arith.subf %sub3A_395, %div3A_393 : vector<16xf32>
        %sub3A_397 = arith.subf %sub3A_396, %gather3A_382 : vector<16xf32>
        %sub3A_398 = arith.subf %div3A_393, %gather3A_386 : vector<16xf32>
        %mul3A_399 = arith.mulf %sub3A_397, %sub3A_397 : vector<16xf32>
        %add3A_400 = arith.addf %add3A_370, %mul3A_399 : vector<16xf32>
        %mul3A_401 = arith.mulf %sub3A_398, %sub3A_398 : vector<16xf32>
        %add3A_402 = arith.addf %add3A_400, %mul3A_401 : vector<16xf32>
        %min3A_403 = arith.minimumf %sub3A_396, %gather3A_382 : vector<16xf32>
        %add3A_404 = arith.addf %add3A_373, %min3A_403 : vector<16xf32>
        %min3A_405 = arith.minimumf %div3A_393, %gather3A_386 : vector<16xf32>
        %add3A_406 = arith.addf %add3A_404, %min3A_405 : vector<16xf32>
        scf.yield %add3A_402, %add3A_406 : vector<16xf32>, vector<16xf32>
      }
      %scan3A_331 = arith.constant 128 : i32
      %mul3A_332 = arith.constant 16 : i32
      %mul3A_333 = arith.muli %scan3A_321, %mul3A_332 : i32
      %swap3A = arith.index_cast %mul3A_333 : i32 to index
      %swap3A_334 = tpu.vector_load %arg13[%swap3A] {strides = array<i32>} : memref<64xf32, #tpu.memory_space<vmem>>, vector<16xf32>,
      tpu.vector_store %arg13[%swap3A], %scan3A_330#0 {strides = array<i32>} : memref<64xf32, #tpu.memory_space<vmem>>, vector<16xf32>,
      %mul3A_335 = arith.constant 16 : i32
      %mul3A_336 = arith.muli %scan3A_321, %mul3A_335 : i32
      %swap3A_337 = arith.index_cast %mul3A_336 : i32 to index
      %swap3A_338 = tpu.vector_load %arg15[%swap3A_337] {strides = array<i32>} : memref<64xf32, #tpu.memory_space<vmem>>, vector<16xf32>,
      tpu.vector_store %arg15[%swap3A_337], %scan3A_330#1 {strides = array<i32>} : memref<64xf32, #tpu.memory_space<vmem>>, vector<16xf32>,
      %mul3A_339 = arith.constant 7.812500e-03 : f32
      %mul3A_340 = vector.broadcast %mul3A_339 : f32 to vector<16xf32>
      %mul3A_341 = arith.mulf %scan3A_330#1, %mul3A_340 : vector<16xf32>
      %mul3A_342 = arith.constant 16 : i32
      %mul3A_343 = arith.muli %scan3A_321, %mul3A_342 : i32
      %swap3A_344 = arith.index_cast %mul3A_343 : i32 to index
      %swap3A_345 = tpu.vector_load %arg17[%swap3A_344] {strides = array<i32>} : memref<64xf32, #tpu.memory_space<vmem>>, vector<16xf32>,
      tpu.vector_store %arg17[%swap3A_344], %mul3A_341 {strides = array<i32>} : memref<64xf32, #tpu.memory_space<vmem>>, vector<16xf32>,
    }
    %scan3A_191 = arith.constant 4 : i32
    %add3A_192 = arith.constant 256 : i32
    %add3A_193 = arith.addi %mul3A_2, %add3A_192 : i32
    %dma_start3A_194 = tpu.memref_slice %arg5[%add3A_193] : memref<16384xf32, #tpu.memory_space<hbm>> -> memref<64xf32, #tpu.memory_space<hbm>>
    %dma_start3A_195 = tpu.memref_slice %arg5[%add3A_193] : memref<16384xf32, #tpu.memory_space<hbm>> -> memref<64xf32, #tpu.memory_space<hbm>>
    tpu.enqueue_dma source(%arg13 : memref<64xf32, #tpu.memory_space<vmem>>) target(%dma_start3A_195 : memref<64xf32, #tpu.memory_space<hbm>>) target_semaphore(%arg23 : memref<!tpu.dma_semaphore, #tpu.memory_space<semaphore_mem>>)
    %dma_start3A_196 = tpu.memref_slice %arg6[%add3A_193] : memref<16384xf32, #tpu.memory_space<hbm>> -> memref<64xf32, #tpu.memory_space<hbm>>
    %dma_start3A_197 = tpu.memref_slice %arg6[%add3A_193] : memref<16384xf32, #tpu.memory_space<hbm>> -> memref<64xf32, #tpu.memory_space<hbm>>
    tpu.enqueue_dma source(%arg15 : memref<64xf32, #tpu.memory_space<vmem>>) target(%dma_start3A_197 : memref<64xf32, #tpu.memory_space<hbm>>) target_semaphore(%arg25 : memref<!tpu.dma_semaphore, #tpu.memory_space<semaphore_mem>>)
    %dma_start3A_198 = tpu.memref_slice %arg7[%add3A_193] : memref<16384xf32, #tpu.memory_space<hbm>> -> memref<64xf32, #tpu.memory_space<hbm>>
    %dma_start3A_199 = tpu.memref_slice %arg7[%add3A_193] : memref<16384xf32, #tpu.memory_space<hbm>> -> memref<64xf32, #tpu.memory_space<hbm>>
    tpu.enqueue_dma source(%arg17 : memref<64xf32, #tpu.memory_space<vmem>>) target(%dma_start3A_199 : memref<64xf32, #tpu.memory_space<hbm>>) target_semaphore(%arg27 : memref<!tpu.dma_semaphore, #tpu.memory_space<semaphore_mem>>)
    %add3A_200 = arith.constant 384 : i32
    %add3A_201 = arith.addi %mul3A_2, %add3A_200 : i32
    %dma_start3A_202 = arith.constant 384 : i32
    %dma_start3A_203 = tpu.memref_slice %arg8[%dma_start3A_202] : memref<512xi32, #tpu.memory_space<vmem>> -> memref<64xi32, #tpu.memory_space<vmem>>
    %dma_start3A_204 = arith.constant 0 : i32
    %dma_start3A_205 = arith.constant 0 : i32
    %dma_start3A_206 = tpu.memref_slice %arg4[%dma_start3A_204, %dma_start3A_205] : memref<8192x256xf32, #tpu.memory_space<hbm>> -> memref<8192x256xf32, #tpu.memory_space<hbm>>
    tpu.enqueue_indirect_dma source(%dma_start3A_206 : memref<8192x256xf32, #tpu.memory_space<hbm>>) target(%arg9 : memref<64x256xf32, #tpu.memory_space<vmem>>) offsets(%dma_start3A_203 : memref<64xi32, #tpu.memory_space<vmem>>) semaphore(%arg19 : memref<!tpu.dma_semaphore, #tpu.memory_space<semaphore_mem>>)
    %dma_start3A_207 = arith.constant 0 : i32
    %dma_start3A_208 = tpu.memref_slice %arg2[%add3A_201, %dma_start3A_207] : memref<16384x128xf32, #tpu.memory_space<hbm>> -> memref<64x128xf32, #tpu.memory_space<hbm>>
    %dma_start3A_209 = arith.constant 0 : i32
    %dma_start3A_210 = tpu.memref_slice %arg2[%add3A_201, %dma_start3A_209] : memref<16384x128xf32, #tpu.memory_space<hbm>> -> memref<64x128xf32, #tpu.memory_space<hbm>>
    tpu.enqueue_dma source(%dma_start3A_210 : memref<64x128xf32, #tpu.memory_space<hbm>>) target(%arg11 : memref<64x128xf32, #tpu.memory_space<vmem>>) target_semaphore(%arg21 : memref<!tpu.dma_semaphore, #tpu.memory_space<semaphore_mem>>)
    %dma_wait3A_211 = arith.constant 320 : i32
    %dma_wait3A_212 = tpu.memref_slice %arg8[%dma_wait3A_211] : memref<512xi32, #tpu.memory_space<vmem>> -> memref<64xi32, #tpu.memory_space<vmem>>
    %dma_wait3A_213 = arith.constant 0 : i32
    %dma_wait3A_214 = arith.constant 0 : i32
    %dma_wait3A_215 = tpu.memref_slice %arg4[%dma_wait3A_213, %dma_wait3A_214] : memref<8192x256xf32, #tpu.memory_space<hbm>> -> memref<8192x256xf32, #tpu.memory_space<hbm>>
    tpu.wait_indirect_dma semaphore(%arg20 : memref<!tpu.dma_semaphore, #tpu.memory_space<semaphore_mem>>) src(%dma_wait3A_215 : memref<8192x256xf32, #tpu.memory_space<hbm>>) dst(%arg10 : memref<64x256xf32, #tpu.memory_space<vmem>>)
    %dma_wait3A_216 = arith.constant 0 : i32
    %dma_wait3A_217 = tpu.memref_slice %arg2[%add3A_161, %dma_wait3A_216] : memref<16384x128xf32, #tpu.memory_space<hbm>> -> memref<64x128xf32, #tpu.memory_space<hbm>>
    %dma_wait3A_218 = arith.constant 0 : i32
    %dma_wait3A_219 = tpu.memref_slice %arg2[%add3A_161, %dma_wait3A_218] : memref<16384x128xf32, #tpu.memory_space<hbm>> -> memref<64x128xf32, #tpu.memory_space<hbm>>
    tpu.wait_dma2 semaphore(%arg22 : memref<!tpu.dma_semaphore, #tpu.memory_space<semaphore_mem>>) src(%dma_wait3A_219 : memref<64x128xf32, #tpu.memory_space<hbm>>) dst(%arg12 : memref<64x128xf32, #tpu.memory_space<vmem>>)
    %dma_wait3A_220 = tpu.memref_slice %arg5[%add3A_153] : memref<16384xf32, #tpu.memory_space<hbm>> -> memref<64xf32, #tpu.memory_space<hbm>>
    %dma_wait3A_221 = tpu.memref_slice %arg5[%add3A_153] : memref<16384xf32, #tpu.memory_space<hbm>> -> memref<64xf32, #tpu.memory_space<hbm>>
    tpu.wait_dma2 semaphore(%arg24 : memref<!tpu.dma_semaphore, #tpu.memory_space<semaphore_mem>>) src(%arg14 : memref<64xf32, #tpu.memory_space<vmem>>) dst(%dma_wait3A_221 : memref<64xf32, #tpu.memory_space<hbm>>)
    %dma_wait3A_222 = tpu.memref_slice %arg6[%add3A_153] : memref<16384xf32, #tpu.memory_space<hbm>> -> memref<64xf32, #tpu.memory_space<hbm>>
    %dma_wait3A_223 = tpu.memref_slice %arg6[%add3A_153] : memref<16384xf32, #tpu.memory_space<hbm>> -> memref<64xf32, #tpu.memory_space<hbm>>
    tpu.wait_dma2 semaphore(%arg26 : memref<!tpu.dma_semaphore, #tpu.memory_space<semaphore_mem>>) src(%arg16 : memref<64xf32, #tpu.memory_space<vmem>>) dst(%dma_wait3A_223 : memref<64xf32, #tpu.memory_space<hbm>>)
    %dma_wait3A_224 = tpu.memref_slice %arg7[%add3A_153] : memref<16384xf32, #tpu.memory_space<hbm>> -> memref<64xf32, #tpu.memory_space<hbm>>
    %dma_wait3A_225 = tpu.memref_slice %arg7[%add3A_153] : memref<16384xf32, #tpu.memory_space<hbm>> -> memref<64xf32, #tpu.memory_space<hbm>>
    tpu.wait_dma2 semaphore(%arg28 : memref<!tpu.dma_semaphore, #tpu.memory_space<semaphore_mem>>) src(%arg18 : memref<64xf32, #tpu.memory_space<vmem>>) dst(%dma_wait3A_225 : memref<64xf32, #tpu.memory_space<hbm>>)
    %scan3A_226 = arith.constant 0 : i32
    %scan3A_227 = arith.constant 0 : i32
    %scan3A_228 = arith.constant 4 : i32
    %scan3A_229 = arith.addi %scan3A_227, %scan3A_228 : i32
    %scan3A_230 = arith.constant 1 : i32
    scf.for %scan3A_321 = %scan3A_227 to %scan3A_229 step %scan3A_230  : i32 {
      %mul3A_322 = arith.constant 16 : i32
      %mul3A_323 = arith.muli %scan3A_321, %mul3A_322 : i32
      %add3A_324 = vector.broadcast %mul3A_323 : i32 to vector<16xi32>
      %add3A_325 = arith.addi %add3A_324, %iota3A : vector<16xi32>
      %scan3A_326 = arith.constant 0 : i32
      %scan3A_327 = arith.constant 128 : i32
      %scan3A_328 = arith.addi %scan3A_326, %scan3A_327 : i32
      %scan3A_329 = arith.constant 2 : i32
      %scan3A_330:2 = scf.for %scan3A_346 = %scan3A_326 to %scan3A_328 step %scan3A_329 iter_args(%scan3A_347 = %broadcast_in_dim3A_3, %scan3A_348 = %broadcast_in_dim3A_3) -> (vector<16xf32>, vector<16xf32>)  : i32 {
        %add3A_349 = vector.broadcast %scan3A_346 : i32 to vector<16xi32>
        %add3A_350 = arith.addi %add3A_349, %iota3A : vector<16xi32>
        %and3A = arith.constant 127 : i32
        %and3A_351 = vector.broadcast %and3A : i32 to vector<16xi32>
        %and3A_352 = arith.andi %add3A_350, %and3A_351 : vector<16xi32>
        %gather3A = tpu.vector_load_idx %arg12[%add3A_325, %and3A_352] : memref<64x128xf32, #tpu.memory_space<vmem>>[vector<16xi32>, vector<16xi32>], vector<16xf32>,
        %gather3A_353 = tpu.vector_load_idx %arg10[%add3A_325, %and3A_352] : memref<64x256xf32, #tpu.memory_space<vmem>>[vector<16xi32>, vector<16xi32>], vector<16xf32>,
        %add3A_354 = arith.constant 128 : i32
        %add3A_355 = vector.broadcast %add3A_354 : i32 to vector<16xi32>
        %add3A_356 = arith.addi %and3A_352, %add3A_355 : vector<16xi32>
        %gather3A_357 = tpu.vector_load_idx %arg10[%add3A_325, %add3A_356] : memref<64x256xf32, #tpu.memory_space<vmem>>[vector<16xi32>, vector<16xi32>], vector<16xf32>,
        %exp3A = math.exp %gather3A : vector<16xf32>
        %add3A_358 = arith.constant 1.000000e+00 : f32
        %add3A_359 = vector.broadcast %add3A_358 : f32 to vector<16xf32>
        %add3A_360 = arith.addf %add3A_359, %exp3A : vector<16xf32>
        %div3A = arith.constant 1.000000e+00 : f32
        %div3A_361 = vector.broadcast %div3A : f32 to vector<16xf32>
        %div3A_362 = arith.divf %div3A_361, %add3A_360 : vector<16xf32>
        %sub3A = arith.constant 1.000000e+00 : f32
        %sub3A_363 = vector.broadcast %sub3A : f32 to vector<16xf32>
        %sub3A_364 = arith.subf %sub3A_363, %div3A_362 : vector<16xf32>
        %sub3A_365 = arith.subf %sub3A_364, %gather3A_353 : vector<16xf32>
        %sub3A_366 = arith.subf %div3A_362, %gather3A_357 : vector<16xf32>
        %mul3A_367 = arith.mulf %sub3A_365, %sub3A_365 : vector<16xf32>
        %add3A_368 = arith.addf %scan3A_347, %mul3A_367 : vector<16xf32>
        %mul3A_369 = arith.mulf %sub3A_366, %sub3A_366 : vector<16xf32>
        %add3A_370 = arith.addf %add3A_368, %mul3A_369 : vector<16xf32>
        %min3A = arith.minimumf %sub3A_364, %gather3A_353 : vector<16xf32>
        %add3A_371 = arith.addf %scan3A_348, %min3A : vector<16xf32>
        %min3A_372 = arith.minimumf %div3A_362, %gather3A_357 : vector<16xf32>
        %add3A_373 = arith.addf %add3A_371, %min3A_372 : vector<16xf32>
        %scan3A_374 = arith.constant 1 : i32
        %scan3A_375 = arith.addi %scan3A_346, %scan3A_374 : i32
        %add3A_376 = vector.broadcast %scan3A_375 : i32 to vector<16xi32>
        %add3A_377 = arith.addi %add3A_376, %iota3A : vector<16xi32>
        %and3A_378 = arith.constant 127 : i32
        %and3A_379 = vector.broadcast %and3A_378 : i32 to vector<16xi32>
        %and3A_380 = arith.andi %add3A_377, %and3A_379 : vector<16xi32>
        %gather3A_381 = tpu.vector_load_idx %arg12[%add3A_325, %and3A_380] : memref<64x128xf32, #tpu.memory_space<vmem>>[vector<16xi32>, vector<16xi32>], vector<16xf32>,
        %gather3A_382 = tpu.vector_load_idx %arg10[%add3A_325, %and3A_380] : memref<64x256xf32, #tpu.memory_space<vmem>>[vector<16xi32>, vector<16xi32>], vector<16xf32>,
        %add3A_383 = arith.constant 128 : i32
        %add3A_384 = vector.broadcast %add3A_383 : i32 to vector<16xi32>
        %add3A_385 = arith.addi %and3A_380, %add3A_384 : vector<16xi32>
        %gather3A_386 = tpu.vector_load_idx %arg10[%add3A_325, %add3A_385] : memref<64x256xf32, #tpu.memory_space<vmem>>[vector<16xi32>, vector<16xi32>], vector<16xf32>,
        %exp3A_387 = math.exp %gather3A_381 : vector<16xf32>
        %add3A_388 = arith.constant 1.000000e+00 : f32
        %add3A_389 = vector.broadcast %add3A_388 : f32 to vector<16xf32>
        %add3A_390 = arith.addf %add3A_389, %exp3A_387 : vector<16xf32>
        %div3A_391 = arith.constant 1.000000e+00 : f32
        %div3A_392 = vector.broadcast %div3A_391 : f32 to vector<16xf32>
        %div3A_393 = arith.divf %div3A_392, %add3A_390 : vector<16xf32>
        %sub3A_394 = arith.constant 1.000000e+00 : f32
        %sub3A_395 = vector.broadcast %sub3A_394 : f32 to vector<16xf32>
        %sub3A_396 = arith.subf %sub3A_395, %div3A_393 : vector<16xf32>
        %sub3A_397 = arith.subf %sub3A_396, %gather3A_382 : vector<16xf32>
        %sub3A_398 = arith.subf %div3A_393, %gather3A_386 : vector<16xf32>
        %mul3A_399 = arith.mulf %sub3A_397, %sub3A_397 : vector<16xf32>
        %add3A_400 = arith.addf %add3A_370, %mul3A_399 : vector<16xf32>
        %mul3A_401 = arith.mulf %sub3A_398, %sub3A_398 : vector<16xf32>
        %add3A_402 = arith.addf %add3A_400, %mul3A_401 : vector<16xf32>
        %min3A_403 = arith.minimumf %sub3A_396, %gather3A_382 : vector<16xf32>
        %add3A_404 = arith.addf %add3A_373, %min3A_403 : vector<16xf32>
        %min3A_405 = arith.minimumf %div3A_393, %gather3A_386 : vector<16xf32>
        %add3A_406 = arith.addf %add3A_404, %min3A_405 : vector<16xf32>
        scf.yield %add3A_402, %add3A_406 : vector<16xf32>, vector<16xf32>
      }
      %scan3A_331 = arith.constant 128 : i32
      %mul3A_332 = arith.constant 16 : i32
      %mul3A_333 = arith.muli %scan3A_321, %mul3A_332 : i32
      %swap3A = arith.index_cast %mul3A_333 : i32 to index
      %swap3A_334 = tpu.vector_load %arg14[%swap3A] {strides = array<i32>} : memref<64xf32, #tpu.memory_space<vmem>>, vector<16xf32>,
      tpu.vector_store %arg14[%swap3A], %scan3A_330#0 {strides = array<i32>} : memref<64xf32, #tpu.memory_space<vmem>>, vector<16xf32>,
      %mul3A_335 = arith.constant 16 : i32
      %mul3A_336 = arith.muli %scan3A_321, %mul3A_335 : i32
      %swap3A_337 = arith.index_cast %mul3A_336 : i32 to index
      %swap3A_338 = tpu.vector_load %arg16[%swap3A_337] {strides = array<i32>} : memref<64xf32, #tpu.memory_space<vmem>>, vector<16xf32>,
      tpu.vector_store %arg16[%swap3A_337], %scan3A_330#1 {strides = array<i32>} : memref<64xf32, #tpu.memory_space<vmem>>, vector<16xf32>,
      %mul3A_339 = arith.constant 7.812500e-03 : f32
      %mul3A_340 = vector.broadcast %mul3A_339 : f32 to vector<16xf32>
      %mul3A_341 = arith.mulf %scan3A_330#1, %mul3A_340 : vector<16xf32>
      %mul3A_342 = arith.constant 16 : i32
      %mul3A_343 = arith.muli %scan3A_321, %mul3A_342 : i32
      %swap3A_344 = arith.index_cast %mul3A_343 : i32 to index
      %swap3A_345 = tpu.vector_load %arg18[%swap3A_344] {strides = array<i32>} : memref<64xf32, #tpu.memory_space<vmem>>, vector<16xf32>,
      tpu.vector_store %arg18[%swap3A_344], %mul3A_341 {strides = array<i32>} : memref<64xf32, #tpu.memory_space<vmem>>, vector<16xf32>,
    }
    %scan3A_231 = arith.constant 4 : i32
    %add3A_232 = arith.constant 320 : i32
    %add3A_233 = arith.addi %mul3A_2, %add3A_232 : i32
    %dma_start3A_234 = tpu.memref_slice %arg5[%add3A_233] : memref<16384xf32, #tpu.memory_space<hbm>> -> memref<64xf32, #tpu.memory_space<hbm>>
    %dma_start3A_235 = tpu.memref_slice %arg5[%add3A_233] : memref<16384xf32, #tpu.memory_space<hbm>> -> memref<64xf32, #tpu.memory_space<hbm>>
    tpu.enqueue_dma source(%arg14 : memref<64xf32, #tpu.memory_space<vmem>>) target(%dma_start3A_235 : memref<64xf32, #tpu.memory_space<hbm>>) target_semaphore(%arg24 : memref<!tpu.dma_semaphore, #tpu.memory_space<semaphore_mem>>)
    %dma_start3A_236 = tpu.memref_slice %arg6[%add3A_233] : memref<16384xf32, #tpu.memory_space<hbm>> -> memref<64xf32, #tpu.memory_space<hbm>>
    %dma_start3A_237 = tpu.memref_slice %arg6[%add3A_233] : memref<16384xf32, #tpu.memory_space<hbm>> -> memref<64xf32, #tpu.memory_space<hbm>>
    tpu.enqueue_dma source(%arg16 : memref<64xf32, #tpu.memory_space<vmem>>) target(%dma_start3A_237 : memref<64xf32, #tpu.memory_space<hbm>>) target_semaphore(%arg26 : memref<!tpu.dma_semaphore, #tpu.memory_space<semaphore_mem>>)
    %dma_start3A_238 = tpu.memref_slice %arg7[%add3A_233] : memref<16384xf32, #tpu.memory_space<hbm>> -> memref<64xf32, #tpu.memory_space<hbm>>
    %dma_start3A_239 = tpu.memref_slice %arg7[%add3A_233] : memref<16384xf32, #tpu.memory_space<hbm>> -> memref<64xf32, #tpu.memory_space<hbm>>
    tpu.enqueue_dma source(%arg18 : memref<64xf32, #tpu.memory_space<vmem>>) target(%dma_start3A_239 : memref<64xf32, #tpu.memory_space<hbm>>) target_semaphore(%arg28 : memref<!tpu.dma_semaphore, #tpu.memory_space<semaphore_mem>>)
    %add3A_240 = arith.constant 448 : i32
    %add3A_241 = arith.addi %mul3A_2, %add3A_240 : i32
    %dma_start3A_242 = arith.constant 448 : i32
    %dma_start3A_243 = tpu.memref_slice %arg8[%dma_start3A_242] : memref<512xi32, #tpu.memory_space<vmem>> -> memref<64xi32, #tpu.memory_space<vmem>>
    %dma_start3A_244 = arith.constant 0 : i32
    %dma_start3A_245 = arith.constant 0 : i32
    %dma_start3A_246 = tpu.memref_slice %arg4[%dma_start3A_244, %dma_start3A_245] : memref<8192x256xf32, #tpu.memory_space<hbm>> -> memref<8192x256xf32, #tpu.memory_space<hbm>>
    tpu.enqueue_indirect_dma source(%dma_start3A_246 : memref<8192x256xf32, #tpu.memory_space<hbm>>) target(%arg10 : memref<64x256xf32, #tpu.memory_space<vmem>>) offsets(%dma_start3A_243 : memref<64xi32, #tpu.memory_space<vmem>>) semaphore(%arg20 : memref<!tpu.dma_semaphore, #tpu.memory_space<semaphore_mem>>)
    %dma_start3A_247 = arith.constant 0 : i32
    %dma_start3A_248 = tpu.memref_slice %arg2[%add3A_241, %dma_start3A_247] : memref<16384x128xf32, #tpu.memory_space<hbm>> -> memref<64x128xf32, #tpu.memory_space<hbm>>
    %dma_start3A_249 = arith.constant 0 : i32
    %dma_start3A_250 = tpu.memref_slice %arg2[%add3A_241, %dma_start3A_249] : memref<16384x128xf32, #tpu.memory_space<hbm>> -> memref<64x128xf32, #tpu.memory_space<hbm>>
    tpu.enqueue_dma source(%dma_start3A_250 : memref<64x128xf32, #tpu.memory_space<hbm>>) target(%arg12 : memref<64x128xf32, #tpu.memory_space<vmem>>) target_semaphore(%arg22 : memref<!tpu.dma_semaphore, #tpu.memory_space<semaphore_mem>>)
    %dma_wait3A_251 = arith.constant 384 : i32
    %dma_wait3A_252 = tpu.memref_slice %arg8[%dma_wait3A_251] : memref<512xi32, #tpu.memory_space<vmem>> -> memref<64xi32, #tpu.memory_space<vmem>>
    %dma_wait3A_253 = arith.constant 0 : i32
    %dma_wait3A_254 = arith.constant 0 : i32
    %dma_wait3A_255 = tpu.memref_slice %arg4[%dma_wait3A_253, %dma_wait3A_254] : memref<8192x256xf32, #tpu.memory_space<hbm>> -> memref<8192x256xf32, #tpu.memory_space<hbm>>
    tpu.wait_indirect_dma semaphore(%arg19 : memref<!tpu.dma_semaphore, #tpu.memory_space<semaphore_mem>>) src(%dma_wait3A_255 : memref<8192x256xf32, #tpu.memory_space<hbm>>) dst(%arg9 : memref<64x256xf32, #tpu.memory_space<vmem>>)
    %dma_wait3A_256 = arith.constant 0 : i32
    %dma_wait3A_257 = tpu.memref_slice %arg2[%add3A_201, %dma_wait3A_256] : memref<16384x128xf32, #tpu.memory_space<hbm>> -> memref<64x128xf32, #tpu.memory_space<hbm>>
    %dma_wait3A_258 = arith.constant 0 : i32
    %dma_wait3A_259 = tpu.memref_slice %arg2[%add3A_201, %dma_wait3A_258] : memref<16384x128xf32, #tpu.memory_space<hbm>> -> memref<64x128xf32, #tpu.memory_space<hbm>>
    tpu.wait_dma2 semaphore(%arg21 : memref<!tpu.dma_semaphore, #tpu.memory_space<semaphore_mem>>) src(%dma_wait3A_259 : memref<64x128xf32, #tpu.memory_space<hbm>>) dst(%arg11 : memref<64x128xf32, #tpu.memory_space<vmem>>)
    %dma_wait3A_260 = tpu.memref_slice %arg5[%add3A_193] : memref<16384xf32, #tpu.memory_space<hbm>> -> memref<64xf32, #tpu.memory_space<hbm>>
    %dma_wait3A_261 = tpu.memref_slice %arg5[%add3A_193] : memref<16384xf32, #tpu.memory_space<hbm>> -> memref<64xf32, #tpu.memory_space<hbm>>
    tpu.wait_dma2 semaphore(%arg23 : memref<!tpu.dma_semaphore, #tpu.memory_space<semaphore_mem>>) src(%arg13 : memref<64xf32, #tpu.memory_space<vmem>>) dst(%dma_wait3A_261 : memref<64xf32, #tpu.memory_space<hbm>>)
    %dma_wait3A_262 = tpu.memref_slice %arg6[%add3A_193] : memref<16384xf32, #tpu.memory_space<hbm>> -> memref<64xf32, #tpu.memory_space<hbm>>
    %dma_wait3A_263 = tpu.memref_slice %arg6[%add3A_193] : memref<16384xf32, #tpu.memory_space<hbm>> -> memref<64xf32, #tpu.memory_space<hbm>>
    tpu.wait_dma2 semaphore(%arg25 : memref<!tpu.dma_semaphore, #tpu.memory_space<semaphore_mem>>) src(%arg15 : memref<64xf32, #tpu.memory_space<vmem>>) dst(%dma_wait3A_263 : memref<64xf32, #tpu.memory_space<hbm>>)
    %dma_wait3A_264 = tpu.memref_slice %arg7[%add3A_193] : memref<16384xf32, #tpu.memory_space<hbm>> -> memref<64xf32, #tpu.memory_space<hbm>>
    %dma_wait3A_265 = tpu.memref_slice %arg7[%add3A_193] : memref<16384xf32, #tpu.memory_space<hbm>> -> memref<64xf32, #tpu.memory_space<hbm>>
    tpu.wait_dma2 semaphore(%arg27 : memref<!tpu.dma_semaphore, #tpu.memory_space<semaphore_mem>>) src(%arg17 : memref<64xf32, #tpu.memory_space<vmem>>) dst(%dma_wait3A_265 : memref<64xf32, #tpu.memory_space<hbm>>)
    %scan3A_266 = arith.constant 0 : i32
    %scan3A_267 = arith.constant 0 : i32
    %scan3A_268 = arith.constant 4 : i32
    %scan3A_269 = arith.addi %scan3A_267, %scan3A_268 : i32
    %scan3A_270 = arith.constant 1 : i32
    scf.for %scan3A_321 = %scan3A_267 to %scan3A_269 step %scan3A_270  : i32 {
      %mul3A_322 = arith.constant 16 : i32
      %mul3A_323 = arith.muli %scan3A_321, %mul3A_322 : i32
      %add3A_324 = vector.broadcast %mul3A_323 : i32 to vector<16xi32>
      %add3A_325 = arith.addi %add3A_324, %iota3A : vector<16xi32>
      %scan3A_326 = arith.constant 0 : i32
      %scan3A_327 = arith.constant 128 : i32
      %scan3A_328 = arith.addi %scan3A_326, %scan3A_327 : i32
      %scan3A_329 = arith.constant 2 : i32
      %scan3A_330:2 = scf.for %scan3A_346 = %scan3A_326 to %scan3A_328 step %scan3A_329 iter_args(%scan3A_347 = %broadcast_in_dim3A_3, %scan3A_348 = %broadcast_in_dim3A_3) -> (vector<16xf32>, vector<16xf32>)  : i32 {
        %add3A_349 = vector.broadcast %scan3A_346 : i32 to vector<16xi32>
        %add3A_350 = arith.addi %add3A_349, %iota3A : vector<16xi32>
        %and3A = arith.constant 127 : i32
        %and3A_351 = vector.broadcast %and3A : i32 to vector<16xi32>
        %and3A_352 = arith.andi %add3A_350, %and3A_351 : vector<16xi32>
        %gather3A = tpu.vector_load_idx %arg11[%add3A_325, %and3A_352] : memref<64x128xf32, #tpu.memory_space<vmem>>[vector<16xi32>, vector<16xi32>], vector<16xf32>,
        %gather3A_353 = tpu.vector_load_idx %arg9[%add3A_325, %and3A_352] : memref<64x256xf32, #tpu.memory_space<vmem>>[vector<16xi32>, vector<16xi32>], vector<16xf32>,
        %add3A_354 = arith.constant 128 : i32
        %add3A_355 = vector.broadcast %add3A_354 : i32 to vector<16xi32>
        %add3A_356 = arith.addi %and3A_352, %add3A_355 : vector<16xi32>
        %gather3A_357 = tpu.vector_load_idx %arg9[%add3A_325, %add3A_356] : memref<64x256xf32, #tpu.memory_space<vmem>>[vector<16xi32>, vector<16xi32>], vector<16xf32>,
        %exp3A = math.exp %gather3A : vector<16xf32>
        %add3A_358 = arith.constant 1.000000e+00 : f32
        %add3A_359 = vector.broadcast %add3A_358 : f32 to vector<16xf32>
        %add3A_360 = arith.addf %add3A_359, %exp3A : vector<16xf32>
        %div3A = arith.constant 1.000000e+00 : f32
        %div3A_361 = vector.broadcast %div3A : f32 to vector<16xf32>
        %div3A_362 = arith.divf %div3A_361, %add3A_360 : vector<16xf32>
        %sub3A = arith.constant 1.000000e+00 : f32
        %sub3A_363 = vector.broadcast %sub3A : f32 to vector<16xf32>
        %sub3A_364 = arith.subf %sub3A_363, %div3A_362 : vector<16xf32>
        %sub3A_365 = arith.subf %sub3A_364, %gather3A_353 : vector<16xf32>
        %sub3A_366 = arith.subf %div3A_362, %gather3A_357 : vector<16xf32>
        %mul3A_367 = arith.mulf %sub3A_365, %sub3A_365 : vector<16xf32>
        %add3A_368 = arith.addf %scan3A_347, %mul3A_367 : vector<16xf32>
        %mul3A_369 = arith.mulf %sub3A_366, %sub3A_366 : vector<16xf32>
        %add3A_370 = arith.addf %add3A_368, %mul3A_369 : vector<16xf32>
        %min3A = arith.minimumf %sub3A_364, %gather3A_353 : vector<16xf32>
        %add3A_371 = arith.addf %scan3A_348, %min3A : vector<16xf32>
        %min3A_372 = arith.minimumf %div3A_362, %gather3A_357 : vector<16xf32>
        %add3A_373 = arith.addf %add3A_371, %min3A_372 : vector<16xf32>
        %scan3A_374 = arith.constant 1 : i32
        %scan3A_375 = arith.addi %scan3A_346, %scan3A_374 : i32
        %add3A_376 = vector.broadcast %scan3A_375 : i32 to vector<16xi32>
        %add3A_377 = arith.addi %add3A_376, %iota3A : vector<16xi32>
        %and3A_378 = arith.constant 127 : i32
        %and3A_379 = vector.broadcast %and3A_378 : i32 to vector<16xi32>
        %and3A_380 = arith.andi %add3A_377, %and3A_379 : vector<16xi32>
        %gather3A_381 = tpu.vector_load_idx %arg11[%add3A_325, %and3A_380] : memref<64x128xf32, #tpu.memory_space<vmem>>[vector<16xi32>, vector<16xi32>], vector<16xf32>,
        %gather3A_382 = tpu.vector_load_idx %arg9[%add3A_325, %and3A_380] : memref<64x256xf32, #tpu.memory_space<vmem>>[vector<16xi32>, vector<16xi32>], vector<16xf32>,
        %add3A_383 = arith.constant 128 : i32
        %add3A_384 = vector.broadcast %add3A_383 : i32 to vector<16xi32>
        %add3A_385 = arith.addi %and3A_380, %add3A_384 : vector<16xi32>
        %gather3A_386 = tpu.vector_load_idx %arg9[%add3A_325, %add3A_385] : memref<64x256xf32, #tpu.memory_space<vmem>>[vector<16xi32>, vector<16xi32>], vector<16xf32>,
        %exp3A_387 = math.exp %gather3A_381 : vector<16xf32>
        %add3A_388 = arith.constant 1.000000e+00 : f32
        %add3A_389 = vector.broadcast %add3A_388 : f32 to vector<16xf32>
        %add3A_390 = arith.addf %add3A_389, %exp3A_387 : vector<16xf32>
        %div3A_391 = arith.constant 1.000000e+00 : f32
        %div3A_392 = vector.broadcast %div3A_391 : f32 to vector<16xf32>
        %div3A_393 = arith.divf %div3A_392, %add3A_390 : vector<16xf32>
        %sub3A_394 = arith.constant 1.000000e+00 : f32
        %sub3A_395 = vector.broadcast %sub3A_394 : f32 to vector<16xf32>
        %sub3A_396 = arith.subf %sub3A_395, %div3A_393 : vector<16xf32>
        %sub3A_397 = arith.subf %sub3A_396, %gather3A_382 : vector<16xf32>
        %sub3A_398 = arith.subf %div3A_393, %gather3A_386 : vector<16xf32>
        %mul3A_399 = arith.mulf %sub3A_397, %sub3A_397 : vector<16xf32>
        %add3A_400 = arith.addf %add3A_370, %mul3A_399 : vector<16xf32>
        %mul3A_401 = arith.mulf %sub3A_398, %sub3A_398 : vector<16xf32>
        %add3A_402 = arith.addf %add3A_400, %mul3A_401 : vector<16xf32>
        %min3A_403 = arith.minimumf %sub3A_396, %gather3A_382 : vector<16xf32>
        %add3A_404 = arith.addf %add3A_373, %min3A_403 : vector<16xf32>
        %min3A_405 = arith.minimumf %div3A_393, %gather3A_386 : vector<16xf32>
        %add3A_406 = arith.addf %add3A_404, %min3A_405 : vector<16xf32>
        scf.yield %add3A_402, %add3A_406 : vector<16xf32>, vector<16xf32>
      }
      %scan3A_331 = arith.constant 128 : i32
      %mul3A_332 = arith.constant 16 : i32
      %mul3A_333 = arith.muli %scan3A_321, %mul3A_332 : i32
      %swap3A = arith.index_cast %mul3A_333 : i32 to index
      %swap3A_334 = tpu.vector_load %arg13[%swap3A] {strides = array<i32>} : memref<64xf32, #tpu.memory_space<vmem>>, vector<16xf32>,
      tpu.vector_store %arg13[%swap3A], %scan3A_330#0 {strides = array<i32>} : memref<64xf32, #tpu.memory_space<vmem>>, vector<16xf32>,
      %mul3A_335 = arith.constant 16 : i32
      %mul3A_336 = arith.muli %scan3A_321, %mul3A_335 : i32
      %swap3A_337 = arith.index_cast %mul3A_336 : i32 to index
      %swap3A_338 = tpu.vector_load %arg15[%swap3A_337] {strides = array<i32>} : memref<64xf32, #tpu.memory_space<vmem>>, vector<16xf32>,
      tpu.vector_store %arg15[%swap3A_337], %scan3A_330#1 {strides = array<i32>} : memref<64xf32, #tpu.memory_space<vmem>>, vector<16xf32>,
      %mul3A_339 = arith.constant 7.812500e-03 : f32
      %mul3A_340 = vector.broadcast %mul3A_339 : f32 to vector<16xf32>
      %mul3A_341 = arith.mulf %scan3A_330#1, %mul3A_340 : vector<16xf32>
      %mul3A_342 = arith.constant 16 : i32
      %mul3A_343 = arith.muli %scan3A_321, %mul3A_342 : i32
      %swap3A_344 = arith.index_cast %mul3A_343 : i32 to index
      %swap3A_345 = tpu.vector_load %arg17[%swap3A_344] {strides = array<i32>} : memref<64xf32, #tpu.memory_space<vmem>>, vector<16xf32>,
      tpu.vector_store %arg17[%swap3A_344], %mul3A_341 {strides = array<i32>} : memref<64xf32, #tpu.memory_space<vmem>>, vector<16xf32>,
    }
    %scan3A_271 = arith.constant 4 : i32
    %add3A_272 = arith.constant 384 : i32
    %add3A_273 = arith.addi %mul3A_2, %add3A_272 : i32
    %dma_start3A_274 = tpu.memref_slice %arg5[%add3A_273] : memref<16384xf32, #tpu.memory_space<hbm>> -> memref<64xf32, #tpu.memory_space<hbm>>
    %dma_start3A_275 = tpu.memref_slice %arg5[%add3A_273] : memref<16384xf32, #tpu.memory_space<hbm>> -> memref<64xf32, #tpu.memory_space<hbm>>
    tpu.enqueue_dma source(%arg13 : memref<64xf32, #tpu.memory_space<vmem>>) target(%dma_start3A_275 : memref<64xf32, #tpu.memory_space<hbm>>) target_semaphore(%arg23 : memref<!tpu.dma_semaphore, #tpu.memory_space<semaphore_mem>>)
    %dma_start3A_276 = tpu.memref_slice %arg6[%add3A_273] : memref<16384xf32, #tpu.memory_space<hbm>> -> memref<64xf32, #tpu.memory_space<hbm>>
    %dma_start3A_277 = tpu.memref_slice %arg6[%add3A_273] : memref<16384xf32, #tpu.memory_space<hbm>> -> memref<64xf32, #tpu.memory_space<hbm>>
    tpu.enqueue_dma source(%arg15 : memref<64xf32, #tpu.memory_space<vmem>>) target(%dma_start3A_277 : memref<64xf32, #tpu.memory_space<hbm>>) target_semaphore(%arg25 : memref<!tpu.dma_semaphore, #tpu.memory_space<semaphore_mem>>)
    %dma_start3A_278 = tpu.memref_slice %arg7[%add3A_273] : memref<16384xf32, #tpu.memory_space<hbm>> -> memref<64xf32, #tpu.memory_space<hbm>>
    %dma_start3A_279 = tpu.memref_slice %arg7[%add3A_273] : memref<16384xf32, #tpu.memory_space<hbm>> -> memref<64xf32, #tpu.memory_space<hbm>>
    tpu.enqueue_dma source(%arg17 : memref<64xf32, #tpu.memory_space<vmem>>) target(%dma_start3A_279 : memref<64xf32, #tpu.memory_space<hbm>>) target_semaphore(%arg27 : memref<!tpu.dma_semaphore, #tpu.memory_space<semaphore_mem>>)
    %dma_wait3A_280 = arith.constant 448 : i32
    %dma_wait3A_281 = tpu.memref_slice %arg8[%dma_wait3A_280] : memref<512xi32, #tpu.memory_space<vmem>> -> memref<64xi32, #tpu.memory_space<vmem>>
    %dma_wait3A_282 = arith.constant 0 : i32
    %dma_wait3A_283 = arith.constant 0 : i32
    %dma_wait3A_284 = tpu.memref_slice %arg4[%dma_wait3A_282, %dma_wait3A_283] : memref<8192x256xf32, #tpu.memory_space<hbm>> -> memref<8192x256xf32, #tpu.memory_space<hbm>>
    tpu.wait_indirect_dma semaphore(%arg20 : memref<!tpu.dma_semaphore, #tpu.memory_space<semaphore_mem>>) src(%dma_wait3A_284 : memref<8192x256xf32, #tpu.memory_space<hbm>>) dst(%arg10 : memref<64x256xf32, #tpu.memory_space<vmem>>)
    %dma_wait3A_285 = arith.constant 0 : i32
    %dma_wait3A_286 = tpu.memref_slice %arg2[%add3A_241, %dma_wait3A_285] : memref<16384x128xf32, #tpu.memory_space<hbm>> -> memref<64x128xf32, #tpu.memory_space<hbm>>
    %dma_wait3A_287 = arith.constant 0 : i32
    %dma_wait3A_288 = tpu.memref_slice %arg2[%add3A_241, %dma_wait3A_287] : memref<16384x128xf32, #tpu.memory_space<hbm>> -> memref<64x128xf32, #tpu.memory_space<hbm>>
    tpu.wait_dma2 semaphore(%arg22 : memref<!tpu.dma_semaphore, #tpu.memory_space<semaphore_mem>>) src(%dma_wait3A_288 : memref<64x128xf32, #tpu.memory_space<hbm>>) dst(%arg12 : memref<64x128xf32, #tpu.memory_space<vmem>>)
    %dma_wait3A_289 = tpu.memref_slice %arg5[%add3A_233] : memref<16384xf32, #tpu.memory_space<hbm>> -> memref<64xf32, #tpu.memory_space<hbm>>
    %dma_wait3A_290 = tpu.memref_slice %arg5[%add3A_233] : memref<16384xf32, #tpu.memory_space<hbm>> -> memref<64xf32, #tpu.memory_space<hbm>>
    tpu.wait_dma2 semaphore(%arg24 : memref<!tpu.dma_semaphore, #tpu.memory_space<semaphore_mem>>) src(%arg14 : memref<64xf32, #tpu.memory_space<vmem>>) dst(%dma_wait3A_290 : memref<64xf32, #tpu.memory_space<hbm>>)
    %dma_wait3A_291 = tpu.memref_slice %arg6[%add3A_233] : memref<16384xf32, #tpu.memory_space<hbm>> -> memref<64xf32, #tpu.memory_space<hbm>>
    %dma_wait3A_292 = tpu.memref_slice %arg6[%add3A_233] : memref<16384xf32, #tpu.memory_space<hbm>> -> memref<64xf32, #tpu.memory_space<hbm>>
    tpu.wait_dma2 semaphore(%arg26 : memref<!tpu.dma_semaphore, #tpu.memory_space<semaphore_mem>>) src(%arg16 : memref<64xf32, #tpu.memory_space<vmem>>) dst(%dma_wait3A_292 : memref<64xf32, #tpu.memory_space<hbm>>)
    %dma_wait3A_293 = tpu.memref_slice %arg7[%add3A_233] : memref<16384xf32, #tpu.memory_space<hbm>> -> memref<64xf32, #tpu.memory_space<hbm>>
    %dma_wait3A_294 = tpu.memref_slice %arg7[%add3A_233] : memref<16384xf32, #tpu.memory_space<hbm>> -> memref<64xf32, #tpu.memory_space<hbm>>
    tpu.wait_dma2 semaphore(%arg28 : memref<!tpu.dma_semaphore, #tpu.memory_space<semaphore_mem>>) src(%arg18 : memref<64xf32, #tpu.memory_space<vmem>>) dst(%dma_wait3A_294 : memref<64xf32, #tpu.memory_space<hbm>>)
    %scan3A_295 = arith.constant 0 : i32
    %scan3A_296 = arith.constant 0 : i32
    %scan3A_297 = arith.constant 4 : i32
    %scan3A_298 = arith.addi %scan3A_296, %scan3A_297 : i32
    %scan3A_299 = arith.constant 1 : i32
    scf.for %scan3A_321 = %scan3A_296 to %scan3A_298 step %scan3A_299  : i32 {
      %mul3A_322 = arith.constant 16 : i32
      %mul3A_323 = arith.muli %scan3A_321, %mul3A_322 : i32
      %add3A_324 = vector.broadcast %mul3A_323 : i32 to vector<16xi32>
      %add3A_325 = arith.addi %add3A_324, %iota3A : vector<16xi32>
      %scan3A_326 = arith.constant 0 : i32
      %scan3A_327 = arith.constant 128 : i32
      %scan3A_328 = arith.addi %scan3A_326, %scan3A_327 : i32
      %scan3A_329 = arith.constant 2 : i32
      %scan3A_330:2 = scf.for %scan3A_346 = %scan3A_326 to %scan3A_328 step %scan3A_329 iter_args(%scan3A_347 = %broadcast_in_dim3A_3, %scan3A_348 = %broadcast_in_dim3A_3) -> (vector<16xf32>, vector<16xf32>)  : i32 {
        %add3A_349 = vector.broadcast %scan3A_346 : i32 to vector<16xi32>
        %add3A_350 = arith.addi %add3A_349, %iota3A : vector<16xi32>
        %and3A = arith.constant 127 : i32
        %and3A_351 = vector.broadcast %and3A : i32 to vector<16xi32>
        %and3A_352 = arith.andi %add3A_350, %and3A_351 : vector<16xi32>
        %gather3A = tpu.vector_load_idx %arg12[%add3A_325, %and3A_352] : memref<64x128xf32, #tpu.memory_space<vmem>>[vector<16xi32>, vector<16xi32>], vector<16xf32>,
        %gather3A_353 = tpu.vector_load_idx %arg10[%add3A_325, %and3A_352] : memref<64x256xf32, #tpu.memory_space<vmem>>[vector<16xi32>, vector<16xi32>], vector<16xf32>,
        %add3A_354 = arith.constant 128 : i32
        %add3A_355 = vector.broadcast %add3A_354 : i32 to vector<16xi32>
        %add3A_356 = arith.addi %and3A_352, %add3A_355 : vector<16xi32>
        %gather3A_357 = tpu.vector_load_idx %arg10[%add3A_325, %add3A_356] : memref<64x256xf32, #tpu.memory_space<vmem>>[vector<16xi32>, vector<16xi32>], vector<16xf32>,
        %exp3A = math.exp %gather3A : vector<16xf32>
        %add3A_358 = arith.constant 1.000000e+00 : f32
        %add3A_359 = vector.broadcast %add3A_358 : f32 to vector<16xf32>
        %add3A_360 = arith.addf %add3A_359, %exp3A : vector<16xf32>
        %div3A = arith.constant 1.000000e+00 : f32
        %div3A_361 = vector.broadcast %div3A : f32 to vector<16xf32>
        %div3A_362 = arith.divf %div3A_361, %add3A_360 : vector<16xf32>
        %sub3A = arith.constant 1.000000e+00 : f32
        %sub3A_363 = vector.broadcast %sub3A : f32 to vector<16xf32>
        %sub3A_364 = arith.subf %sub3A_363, %div3A_362 : vector<16xf32>
        %sub3A_365 = arith.subf %sub3A_364, %gather3A_353 : vector<16xf32>
        %sub3A_366 = arith.subf %div3A_362, %gather3A_357 : vector<16xf32>
        %mul3A_367 = arith.mulf %sub3A_365, %sub3A_365 : vector<16xf32>
        %add3A_368 = arith.addf %scan3A_347, %mul3A_367 : vector<16xf32>
        %mul3A_369 = arith.mulf %sub3A_366, %sub3A_366 : vector<16xf32>
        %add3A_370 = arith.addf %add3A_368, %mul3A_369 : vector<16xf32>
        %min3A = arith.minimumf %sub3A_364, %gather3A_353 : vector<16xf32>
        %add3A_371 = arith.addf %scan3A_348, %min3A : vector<16xf32>
        %min3A_372 = arith.minimumf %div3A_362, %gather3A_357 : vector<16xf32>
        %add3A_373 = arith.addf %add3A_371, %min3A_372 : vector<16xf32>
        %scan3A_374 = arith.constant 1 : i32
        %scan3A_375 = arith.addi %scan3A_346, %scan3A_374 : i32
        %add3A_376 = vector.broadcast %scan3A_375 : i32 to vector<16xi32>
        %add3A_377 = arith.addi %add3A_376, %iota3A : vector<16xi32>
        %and3A_378 = arith.constant 127 : i32
        %and3A_379 = vector.broadcast %and3A_378 : i32 to vector<16xi32>
        %and3A_380 = arith.andi %add3A_377, %and3A_379 : vector<16xi32>
        %gather3A_381 = tpu.vector_load_idx %arg12[%add3A_325, %and3A_380] : memref<64x128xf32, #tpu.memory_space<vmem>>[vector<16xi32>, vector<16xi32>], vector<16xf32>,
        %gather3A_382 = tpu.vector_load_idx %arg10[%add3A_325, %and3A_380] : memref<64x256xf32, #tpu.memory_space<vmem>>[vector<16xi32>, vector<16xi32>], vector<16xf32>,
        %add3A_383 = arith.constant 128 : i32
        %add3A_384 = vector.broadcast %add3A_383 : i32 to vector<16xi32>
        %add3A_385 = arith.addi %and3A_380, %add3A_384 : vector<16xi32>
        %gather3A_386 = tpu.vector_load_idx %arg10[%add3A_325, %add3A_385] : memref<64x256xf32, #tpu.memory_space<vmem>>[vector<16xi32>, vector<16xi32>], vector<16xf32>,
        %exp3A_387 = math.exp %gather3A_381 : vector<16xf32>
        %add3A_388 = arith.constant 1.000000e+00 : f32
        %add3A_389 = vector.broadcast %add3A_388 : f32 to vector<16xf32>
        %add3A_390 = arith.addf %add3A_389, %exp3A_387 : vector<16xf32>
        %div3A_391 = arith.constant 1.000000e+00 : f32
        %div3A_392 = vector.broadcast %div3A_391 : f32 to vector<16xf32>
        %div3A_393 = arith.divf %div3A_392, %add3A_390 : vector<16xf32>
        %sub3A_394 = arith.constant 1.000000e+00 : f32
        %sub3A_395 = vector.broadcast %sub3A_394 : f32 to vector<16xf32>
        %sub3A_396 = arith.subf %sub3A_395, %div3A_393 : vector<16xf32>
        %sub3A_397 = arith.subf %sub3A_396, %gather3A_382 : vector<16xf32>
        %sub3A_398 = arith.subf %div3A_393, %gather3A_386 : vector<16xf32>
        %mul3A_399 = arith.mulf %sub3A_397, %sub3A_397 : vector<16xf32>
        %add3A_400 = arith.addf %add3A_370, %mul3A_399 : vector<16xf32>
        %mul3A_401 = arith.mulf %sub3A_398, %sub3A_398 : vector<16xf32>
        %add3A_402 = arith.addf %add3A_400, %mul3A_401 : vector<16xf32>
        %min3A_403 = arith.minimumf %sub3A_396, %gather3A_382 : vector<16xf32>
        %add3A_404 = arith.addf %add3A_373, %min3A_403 : vector<16xf32>
        %min3A_405 = arith.minimumf %div3A_393, %gather3A_386 : vector<16xf32>
        %add3A_406 = arith.addf %add3A_404, %min3A_405 : vector<16xf32>
        scf.yield %add3A_402, %add3A_406 : vector<16xf32>, vector<16xf32>
      }
      %scan3A_331 = arith.constant 128 : i32
      %mul3A_332 = arith.constant 16 : i32
      %mul3A_333 = arith.muli %scan3A_321, %mul3A_332 : i32
      %swap3A = arith.index_cast %mul3A_333 : i32 to index
      %swap3A_334 = tpu.vector_load %arg14[%swap3A] {strides = array<i32>} : memref<64xf32, #tpu.memory_space<vmem>>, vector<16xf32>,
      tpu.vector_store %arg14[%swap3A], %scan3A_330#0 {strides = array<i32>} : memref<64xf32, #tpu.memory_space<vmem>>, vector<16xf32>,
      %mul3A_335 = arith.constant 16 : i32
      %mul3A_336 = arith.muli %scan3A_321, %mul3A_335 : i32
      %swap3A_337 = arith.index_cast %mul3A_336 : i32 to index
      %swap3A_338 = tpu.vector_load %arg16[%swap3A_337] {strides = array<i32>} : memref<64xf32, #tpu.memory_space<vmem>>, vector<16xf32>,
      tpu.vector_store %arg16[%swap3A_337], %scan3A_330#1 {strides = array<i32>} : memref<64xf32, #tpu.memory_space<vmem>>, vector<16xf32>,
      %mul3A_339 = arith.constant 7.812500e-03 : f32
      %mul3A_340 = vector.broadcast %mul3A_339 : f32 to vector<16xf32>
      %mul3A_341 = arith.mulf %scan3A_330#1, %mul3A_340 : vector<16xf32>
      %mul3A_342 = arith.constant 16 : i32
      %mul3A_343 = arith.muli %scan3A_321, %mul3A_342 : i32
      %swap3A_344 = arith.index_cast %mul3A_343 : i32 to index
      %swap3A_345 = tpu.vector_load %arg18[%swap3A_344] {strides = array<i32>} : memref<64xf32, #tpu.memory_space<vmem>>, vector<16xf32>,
      tpu.vector_store %arg18[%swap3A_344], %mul3A_341 {strides = array<i32>} : memref<64xf32, #tpu.memory_space<vmem>>, vector<16xf32>,
    }
    %scan3A_300 = arith.constant 4 : i32
    %add3A_301 = arith.constant 448 : i32
    %add3A_302 = arith.addi %mul3A_2, %add3A_301 : i32
    %dma_start3A_303 = tpu.memref_slice %arg5[%add3A_302] : memref<16384xf32, #tpu.memory_space<hbm>> -> memref<64xf32, #tpu.memory_space<hbm>>
    %dma_start3A_304 = tpu.memref_slice %arg5[%add3A_302] : memref<16384xf32, #tpu.memory_space<hbm>> -> memref<64xf32, #tpu.memory_space<hbm>>
    tpu.enqueue_dma source(%arg14 : memref<64xf32, #tpu.memory_space<vmem>>) target(%dma_start3A_304 : memref<64xf32, #tpu.memory_space<hbm>>) target_semaphore(%arg24 : memref<!tpu.dma_semaphore, #tpu.memory_space<semaphore_mem>>)
    %dma_start3A_305 = tpu.memref_slice %arg6[%add3A_302] : memref<16384xf32, #tpu.memory_space<hbm>> -> memref<64xf32, #tpu.memory_space<hbm>>
    %dma_start3A_306 = tpu.memref_slice %arg6[%add3A_302] : memref<16384xf32, #tpu.memory_space<hbm>> -> memref<64xf32, #tpu.memory_space<hbm>>
    tpu.enqueue_dma source(%arg16 : memref<64xf32, #tpu.memory_space<vmem>>) target(%dma_start3A_306 : memref<64xf32, #tpu.memory_space<hbm>>) target_semaphore(%arg26 : memref<!tpu.dma_semaphore, #tpu.memory_space<semaphore_mem>>)
    %dma_start3A_307 = tpu.memref_slice %arg7[%add3A_302] : memref<16384xf32, #tpu.memory_space<hbm>> -> memref<64xf32, #tpu.memory_space<hbm>>
    %dma_start3A_308 = tpu.memref_slice %arg7[%add3A_302] : memref<16384xf32, #tpu.memory_space<hbm>> -> memref<64xf32, #tpu.memory_space<hbm>>
    tpu.enqueue_dma source(%arg18 : memref<64xf32, #tpu.memory_space<vmem>>) target(%dma_start3A_308 : memref<64xf32, #tpu.memory_space<hbm>>) target_semaphore(%arg28 : memref<!tpu.dma_semaphore, #tpu.memory_space<semaphore_mem>>)
    %dma_wait3A_309 = tpu.memref_slice %arg5[%add3A_273] : memref<16384xf32, #tpu.memory_space<hbm>> -> memref<64xf32, #tpu.memory_space<hbm>>
    %dma_wait3A_310 = tpu.memref_slice %arg5[%add3A_273] : memref<16384xf32, #tpu.memory_space<hbm>> -> memref<64xf32, #tpu.memory_space<hbm>>
    tpu.wait_dma2 semaphore(%arg23 : memref<!tpu.dma_semaphore, #tpu.memory_space<semaphore_mem>>) src(%arg13 : memref<64xf32, #tpu.memory_space<vmem>>) dst(%dma_wait3A_310 : memref<64xf32, #tpu.memory_space<hbm>>)
    %dma_wait3A_311 = tpu.memref_slice %arg6[%add3A_273] : memref<16384xf32, #tpu.memory_space<hbm>> -> memref<64xf32, #tpu.memory_space<hbm>>
    %dma_wait3A_312 = tpu.memref_slice %arg6[%add3A_273] : memref<16384xf32, #tpu.memory_space<hbm>> -> memref<64xf32, #tpu.memory_space<hbm>>
    tpu.wait_dma2 semaphore(%arg25 : memref<!tpu.dma_semaphore, #tpu.memory_space<semaphore_mem>>) src(%arg15 : memref<64xf32, #tpu.memory_space<vmem>>) dst(%dma_wait3A_312 : memref<64xf32, #tpu.memory_space<hbm>>)
    %dma_wait3A_313 = tpu.memref_slice %arg7[%add3A_273] : memref<16384xf32, #tpu.memory_space<hbm>> -> memref<64xf32, #tpu.memory_space<hbm>>
    %dma_wait3A_314 = tpu.memref_slice %arg7[%add3A_273] : memref<16384xf32, #tpu.memory_space<hbm>> -> memref<64xf32, #tpu.memory_space<hbm>>
    tpu.wait_dma2 semaphore(%arg27 : memref<!tpu.dma_semaphore, #tpu.memory_space<semaphore_mem>>) src(%arg17 : memref<64xf32, #tpu.memory_space<vmem>>) dst(%dma_wait3A_314 : memref<64xf32, #tpu.memory_space<hbm>>)
    %dma_wait3A_315 = tpu.memref_slice %arg5[%add3A_302] : memref<16384xf32, #tpu.memory_space<hbm>> -> memref<64xf32, #tpu.memory_space<hbm>>
    %dma_wait3A_316 = tpu.memref_slice %arg5[%add3A_302] : memref<16384xf32, #tpu.memory_space<hbm>> -> memref<64xf32, #tpu.memory_space<hbm>>
    tpu.wait_dma2 semaphore(%arg24 : memref<!tpu.dma_semaphore, #tpu.memory_space<semaphore_mem>>) src(%arg14 : memref<64xf32, #tpu.memory_space<vmem>>) dst(%dma_wait3A_316 : memref<64xf32, #tpu.memory_space<hbm>>)
    %dma_wait3A_317 = tpu.memref_slice %arg6[%add3A_302] : memref<16384xf32, #tpu.memory_space<hbm>> -> memref<64xf32, #tpu.memory_space<hbm>>
    %dma_wait3A_318 = tpu.memref_slice %arg6[%add3A_302] : memref<16384xf32, #tpu.memory_space<hbm>> -> memref<64xf32, #tpu.memory_space<hbm>>
    tpu.wait_dma2 semaphore(%arg26 : memref<!tpu.dma_semaphore, #tpu.memory_space<semaphore_mem>>) src(%arg16 : memref<64xf32, #tpu.memory_space<vmem>>) dst(%dma_wait3A_318 : memref<64xf32, #tpu.memory_space<hbm>>)
    %dma_wait3A_319 = tpu.memref_slice %arg7[%add3A_302] : memref<16384xf32, #tpu.memory_space<hbm>> -> memref<64xf32, #tpu.memory_space<hbm>>
    %dma_wait3A_320 = tpu.memref_slice %arg7[%add3A_302] : memref<16384xf32, #tpu.memory_space<hbm>> -> memref<64xf32, #tpu.memory_space<hbm>>
    tpu.wait_dma2 semaphore(%arg28 : memref<!tpu.dma_semaphore, #tpu.memory_space<semaphore_mem>>) src(%arg18 : memref<64xf32, #tpu.memory_space<vmem>>) dst(%dma_wait3A_320 : memref<64xf32, #tpu.memory_space<hbm>>)
    return
  }
}

#map = affine_map<(d0, d1) -> (0)>
module attributes {stable_mosaic.version = 14 : i64} {
  func.func @_sc_tail(%arg0: i32, %arg1: i32, %arg2: memref<16384xi32, #tpu.memory_space<hbm>>, %arg3: memref<16384xf32, #tpu.memory_space<hbm>>, %arg4: memref<8192xf32, #tpu.memory_space<hbm>>, %arg5: memref<8192xf32, #tpu.memory_space<hbm>>, %arg6: memref<16384xf32, #tpu.memory_space<hbm>>, %arg7: memref<16384xf32, #tpu.memory_space<hbm>>, %arg8: memref<512xi32, #tpu.memory_space<vmem>>, %arg9: memref<512xf32, #tpu.memory_space<vmem>>, %arg10: memref<512xf32, #tpu.memory_space<vmem>>, %arg11: memref<512xf32, #tpu.memory_space<vmem>>, %arg12: memref<512xf32, #tpu.memory_space<vmem>>, %arg13: memref<!tpu.dma_semaphore, #tpu.memory_space<semaphore_mem>>, %arg14: memref<!tpu.dma_semaphore, #tpu.memory_space<semaphore_mem>>, %arg15: memref<!tpu.dma_semaphore, #tpu.memory_space<semaphore_mem>>) attributes {dimension_semantics = [#tpu.dimension_semantics<core_parallel>, #tpu.dimension_semantics<subcore_parallel>], iteration_bounds = array<i64: 2, 16>, scalar_prefetch = 0 : i64, scratch_operands = 8 : i64, tpu.core_type = #tpu.core_type<sc_vector_subcore>, window_params = [{transform_indices = #map}, {transform_indices = #map}, {transform_indices = #map}, {transform_indices = #map}, {transform_indices = #map}, {transform_indices = #map}]} {
    %mul3A = arith.constant 2 : i32
    %mul3A_0 = arith.muli %arg1, %mul3A : i32
    %add3A = arith.addi %mul3A_0, %arg0 : i32
    %mul3A_1 = arith.constant 512 : i32
    %mul3A_2 = arith.muli %add3A, %mul3A_1 : i32
    "tpu.region"() ({
      %run_scoped3A = tpu.sem_alloc : memref<!tpu.dma_semaphore, #tpu.memory_space<semaphore_mem>>
      %dma_start3A_210 = tpu.memref_slice %arg2[%mul3A_2] : memref<16384xi32, #tpu.memory_space<hbm>> -> memref<512xi32, #tpu.memory_space<hbm>>
      %dma_start3A_211 = tpu.memref_slice %arg2[%mul3A_2] : memref<16384xi32, #tpu.memory_space<hbm>> -> memref<512xi32, #tpu.memory_space<hbm>>
      tpu.enqueue_dma source(%dma_start3A_211 : memref<512xi32, #tpu.memory_space<hbm>>) target(%arg8 : memref<512xi32, #tpu.memory_space<vmem>>) target_semaphore(%run_scoped3A : memref<!tpu.dma_semaphore, #tpu.memory_space<semaphore_mem>>)
      %dma_wait3A_212 = tpu.memref_slice %arg2[%mul3A_2] : memref<16384xi32, #tpu.memory_space<hbm>> -> memref<512xi32, #tpu.memory_space<hbm>>
      %dma_wait3A_213 = tpu.memref_slice %arg2[%mul3A_2] : memref<16384xi32, #tpu.memory_space<hbm>> -> memref<512xi32, #tpu.memory_space<hbm>>
      tpu.wait_dma2 semaphore(%run_scoped3A : memref<!tpu.dma_semaphore, #tpu.memory_space<semaphore_mem>>) src(%dma_wait3A_213 : memref<512xi32, #tpu.memory_space<hbm>>) dst(%arg8 : memref<512xi32, #tpu.memory_space<vmem>>)
      tpu.yield
    }) : () -> ()
    %dma_start3A = tpu.memref_slice %arg3[%mul3A_2] : memref<16384xf32, #tpu.memory_space<hbm>> -> memref<512xf32, #tpu.memory_space<hbm>>
    %dma_start3A_3 = tpu.memref_slice %arg3[%mul3A_2] : memref<16384xf32, #tpu.memory_space<hbm>> -> memref<512xf32, #tpu.memory_space<hbm>>
    tpu.enqueue_dma source(%dma_start3A_3 : memref<512xf32, #tpu.memory_space<hbm>>) target(%arg9 : memref<512xf32, #tpu.memory_space<vmem>>) target_semaphore(%arg13 : memref<!tpu.dma_semaphore, #tpu.memory_space<semaphore_mem>>)
    %dma_start3A_4 = arith.constant 0 : i32
    %dma_start3A_5 = tpu.memref_slice %arg10[%dma_start3A_4] : memref<512xf32, #tpu.memory_space<vmem>> -> memref<64xf32, #tpu.memory_space<vmem>>
    %dma_start3A_6 = arith.constant 0 : i32
    %dma_start3A_7 = tpu.memref_slice %arg8[%dma_start3A_6] : memref<512xi32, #tpu.memory_space<vmem>> -> memref<64xi32, #tpu.memory_space<vmem>>
    %dma_start3A_8 = arith.constant 0 : i32
    %dma_start3A_9 = tpu.memref_slice %arg4[%dma_start3A_8] : memref<8192xf32, #tpu.memory_space<hbm>> -> memref<8192xf32, #tpu.memory_space<hbm>>
    tpu.enqueue_indirect_dma source(%dma_start3A_9 : memref<8192xf32, #tpu.memory_space<hbm>>) target(%dma_start3A_5 : memref<64xf32, #tpu.memory_space<vmem>>) offsets(%dma_start3A_7 : memref<64xi32, #tpu.memory_space<vmem>>) semaphore(%arg14 : memref<!tpu.dma_semaphore, #tpu.memory_space<semaphore_mem>>)
    %dma_start3A_10 = arith.constant 0 : i32
    %dma_start3A_11 = tpu.memref_slice %arg11[%dma_start3A_10] : memref<512xf32, #tpu.memory_space<vmem>> -> memref<64xf32, #tpu.memory_space<vmem>>
    %dma_start3A_12 = arith.constant 0 : i32
    %dma_start3A_13 = tpu.memref_slice %arg8[%dma_start3A_12] : memref<512xi32, #tpu.memory_space<vmem>> -> memref<64xi32, #tpu.memory_space<vmem>>
    %dma_start3A_14 = arith.constant 0 : i32
    %dma_start3A_15 = tpu.memref_slice %arg5[%dma_start3A_14] : memref<8192xf32, #tpu.memory_space<hbm>> -> memref<8192xf32, #tpu.memory_space<hbm>>
    tpu.enqueue_indirect_dma source(%dma_start3A_15 : memref<8192xf32, #tpu.memory_space<hbm>>) target(%dma_start3A_11 : memref<64xf32, #tpu.memory_space<vmem>>) offsets(%dma_start3A_13 : memref<64xi32, #tpu.memory_space<vmem>>) semaphore(%arg15 : memref<!tpu.dma_semaphore, #tpu.memory_space<semaphore_mem>>)
    %dma_start3A_16 = arith.constant 64 : i32
    %dma_start3A_17 = tpu.memref_slice %arg10[%dma_start3A_16] : memref<512xf32, #tpu.memory_space<vmem>> -> memref<64xf32, #tpu.memory_space<vmem>>
    %dma_start3A_18 = arith.constant 64 : i32
    %dma_start3A_19 = tpu.memref_slice %arg8[%dma_start3A_18] : memref<512xi32, #tpu.memory_space<vmem>> -> memref<64xi32, #tpu.memory_space<vmem>>
    %dma_start3A_20 = arith.constant 0 : i32
    %dma_start3A_21 = tpu.memref_slice %arg4[%dma_start3A_20] : memref<8192xf32, #tpu.memory_space<hbm>> -> memref<8192xf32, #tpu.memory_space<hbm>>
    tpu.enqueue_indirect_dma source(%dma_start3A_21 : memref<8192xf32, #tpu.memory_space<hbm>>) target(%dma_start3A_17 : memref<64xf32, #tpu.memory_space<vmem>>) offsets(%dma_start3A_19 : memref<64xi32, #tpu.memory_space<vmem>>) semaphore(%arg14 : memref<!tpu.dma_semaphore, #tpu.memory_space<semaphore_mem>>)
    %dma_start3A_22 = arith.constant 64 : i32
    %dma_start3A_23 = tpu.memref_slice %arg11[%dma_start3A_22] : memref<512xf32, #tpu.memory_space<vmem>> -> memref<64xf32, #tpu.memory_space<vmem>>
    %dma_start3A_24 = arith.constant 64 : i32
    %dma_start3A_25 = tpu.memref_slice %arg8[%dma_start3A_24] : memref<512xi32, #tpu.memory_space<vmem>> -> memref<64xi32, #tpu.memory_space<vmem>>
    %dma_start3A_26 = arith.constant 0 : i32
    %dma_start3A_27 = tpu.memref_slice %arg5[%dma_start3A_26] : memref<8192xf32, #tpu.memory_space<hbm>> -> memref<8192xf32, #tpu.memory_space<hbm>>
    tpu.enqueue_indirect_dma source(%dma_start3A_27 : memref<8192xf32, #tpu.memory_space<hbm>>) target(%dma_start3A_23 : memref<64xf32, #tpu.memory_space<vmem>>) offsets(%dma_start3A_25 : memref<64xi32, #tpu.memory_space<vmem>>) semaphore(%arg15 : memref<!tpu.dma_semaphore, #tpu.memory_space<semaphore_mem>>)
    %dma_start3A_28 = arith.constant 128 : i32
    %dma_start3A_29 = tpu.memref_slice %arg10[%dma_start3A_28] : memref<512xf32, #tpu.memory_space<vmem>> -> memref<64xf32, #tpu.memory_space<vmem>>
    %dma_start3A_30 = arith.constant 128 : i32
    %dma_start3A_31 = tpu.memref_slice %arg8[%dma_start3A_30] : memref<512xi32, #tpu.memory_space<vmem>> -> memref<64xi32, #tpu.memory_space<vmem>>
    %dma_start3A_32 = arith.constant 0 : i32
    %dma_start3A_33 = tpu.memref_slice %arg4[%dma_start3A_32] : memref<8192xf32, #tpu.memory_space<hbm>> -> memref<8192xf32, #tpu.memory_space<hbm>>
    tpu.enqueue_indirect_dma source(%dma_start3A_33 : memref<8192xf32, #tpu.memory_space<hbm>>) target(%dma_start3A_29 : memref<64xf32, #tpu.memory_space<vmem>>) offsets(%dma_start3A_31 : memref<64xi32, #tpu.memory_space<vmem>>) semaphore(%arg14 : memref<!tpu.dma_semaphore, #tpu.memory_space<semaphore_mem>>)
    %dma_start3A_34 = arith.constant 128 : i32
    %dma_start3A_35 = tpu.memref_slice %arg11[%dma_start3A_34] : memref<512xf32, #tpu.memory_space<vmem>> -> memref<64xf32, #tpu.memory_space<vmem>>
    %dma_start3A_36 = arith.constant 128 : i32
    %dma_start3A_37 = tpu.memref_slice %arg8[%dma_start3A_36] : memref<512xi32, #tpu.memory_space<vmem>> -> memref<64xi32, #tpu.memory_space<vmem>>
    %dma_start3A_38 = arith.constant 0 : i32
    %dma_start3A_39 = tpu.memref_slice %arg5[%dma_start3A_38] : memref<8192xf32, #tpu.memory_space<hbm>> -> memref<8192xf32, #tpu.memory_space<hbm>>
    tpu.enqueue_indirect_dma source(%dma_start3A_39 : memref<8192xf32, #tpu.memory_space<hbm>>) target(%dma_start3A_35 : memref<64xf32, #tpu.memory_space<vmem>>) offsets(%dma_start3A_37 : memref<64xi32, #tpu.memory_space<vmem>>) semaphore(%arg15 : memref<!tpu.dma_semaphore, #tpu.memory_space<semaphore_mem>>)
    %dma_start3A_40 = arith.constant 192 : i32
    %dma_start3A_41 = tpu.memref_slice %arg10[%dma_start3A_40] : memref<512xf32, #tpu.memory_space<vmem>> -> memref<64xf32, #tpu.memory_space<vmem>>
    %dma_start3A_42 = arith.constant 192 : i32
    %dma_start3A_43 = tpu.memref_slice %arg8[%dma_start3A_42] : memref<512xi32, #tpu.memory_space<vmem>> -> memref<64xi32, #tpu.memory_space<vmem>>
    %dma_start3A_44 = arith.constant 0 : i32
    %dma_start3A_45 = tpu.memref_slice %arg4[%dma_start3A_44] : memref<8192xf32, #tpu.memory_space<hbm>> -> memref<8192xf32, #tpu.memory_space<hbm>>
    tpu.enqueue_indirect_dma source(%dma_start3A_45 : memref<8192xf32, #tpu.memory_space<hbm>>) target(%dma_start3A_41 : memref<64xf32, #tpu.memory_space<vmem>>) offsets(%dma_start3A_43 : memref<64xi32, #tpu.memory_space<vmem>>) semaphore(%arg14 : memref<!tpu.dma_semaphore, #tpu.memory_space<semaphore_mem>>)
    %dma_start3A_46 = arith.constant 192 : i32
    %dma_start3A_47 = tpu.memref_slice %arg11[%dma_start3A_46] : memref<512xf32, #tpu.memory_space<vmem>> -> memref<64xf32, #tpu.memory_space<vmem>>
    %dma_start3A_48 = arith.constant 192 : i32
    %dma_start3A_49 = tpu.memref_slice %arg8[%dma_start3A_48] : memref<512xi32, #tpu.memory_space<vmem>> -> memref<64xi32, #tpu.memory_space<vmem>>
    %dma_start3A_50 = arith.constant 0 : i32
    %dma_start3A_51 = tpu.memref_slice %arg5[%dma_start3A_50] : memref<8192xf32, #tpu.memory_space<hbm>> -> memref<8192xf32, #tpu.memory_space<hbm>>
    tpu.enqueue_indirect_dma source(%dma_start3A_51 : memref<8192xf32, #tpu.memory_space<hbm>>) target(%dma_start3A_47 : memref<64xf32, #tpu.memory_space<vmem>>) offsets(%dma_start3A_49 : memref<64xi32, #tpu.memory_space<vmem>>) semaphore(%arg15 : memref<!tpu.dma_semaphore, #tpu.memory_space<semaphore_mem>>)
    %dma_start3A_52 = arith.constant 256 : i32
    %dma_start3A_53 = tpu.memref_slice %arg10[%dma_start3A_52] : memref<512xf32, #tpu.memory_space<vmem>> -> memref<64xf32, #tpu.memory_space<vmem>>
    %dma_start3A_54 = arith.constant 256 : i32
    %dma_start3A_55 = tpu.memref_slice %arg8[%dma_start3A_54] : memref<512xi32, #tpu.memory_space<vmem>> -> memref<64xi32, #tpu.memory_space<vmem>>
    %dma_start3A_56 = arith.constant 0 : i32
    %dma_start3A_57 = tpu.memref_slice %arg4[%dma_start3A_56] : memref<8192xf32, #tpu.memory_space<hbm>> -> memref<8192xf32, #tpu.memory_space<hbm>>
    tpu.enqueue_indirect_dma source(%dma_start3A_57 : memref<8192xf32, #tpu.memory_space<hbm>>) target(%dma_start3A_53 : memref<64xf32, #tpu.memory_space<vmem>>) offsets(%dma_start3A_55 : memref<64xi32, #tpu.memory_space<vmem>>) semaphore(%arg14 : memref<!tpu.dma_semaphore, #tpu.memory_space<semaphore_mem>>)
    %dma_start3A_58 = arith.constant 256 : i32
    %dma_start3A_59 = tpu.memref_slice %arg11[%dma_start3A_58] : memref<512xf32, #tpu.memory_space<vmem>> -> memref<64xf32, #tpu.memory_space<vmem>>
    %dma_start3A_60 = arith.constant 256 : i32
    %dma_start3A_61 = tpu.memref_slice %arg8[%dma_start3A_60] : memref<512xi32, #tpu.memory_space<vmem>> -> memref<64xi32, #tpu.memory_space<vmem>>
    %dma_start3A_62 = arith.constant 0 : i32
    %dma_start3A_63 = tpu.memref_slice %arg5[%dma_start3A_62] : memref<8192xf32, #tpu.memory_space<hbm>> -> memref<8192xf32, #tpu.memory_space<hbm>>
    tpu.enqueue_indirect_dma source(%dma_start3A_63 : memref<8192xf32, #tpu.memory_space<hbm>>) target(%dma_start3A_59 : memref<64xf32, #tpu.memory_space<vmem>>) offsets(%dma_start3A_61 : memref<64xi32, #tpu.memory_space<vmem>>) semaphore(%arg15 : memref<!tpu.dma_semaphore, #tpu.memory_space<semaphore_mem>>)
    %dma_start3A_64 = arith.constant 320 : i32
    %dma_start3A_65 = tpu.memref_slice %arg10[%dma_start3A_64] : memref<512xf32, #tpu.memory_space<vmem>> -> memref<64xf32, #tpu.memory_space<vmem>>
    %dma_start3A_66 = arith.constant 320 : i32
    %dma_start3A_67 = tpu.memref_slice %arg8[%dma_start3A_66] : memref<512xi32, #tpu.memory_space<vmem>> -> memref<64xi32, #tpu.memory_space<vmem>>
    %dma_start3A_68 = arith.constant 0 : i32
    %dma_start3A_69 = tpu.memref_slice %arg4[%dma_start3A_68] : memref<8192xf32, #tpu.memory_space<hbm>> -> memref<8192xf32, #tpu.memory_space<hbm>>
    tpu.enqueue_indirect_dma source(%dma_start3A_69 : memref<8192xf32, #tpu.memory_space<hbm>>) target(%dma_start3A_65 : memref<64xf32, #tpu.memory_space<vmem>>) offsets(%dma_start3A_67 : memref<64xi32, #tpu.memory_space<vmem>>) semaphore(%arg14 : memref<!tpu.dma_semaphore, #tpu.memory_space<semaphore_mem>>)
    %dma_start3A_70 = arith.constant 320 : i32
    %dma_start3A_71 = tpu.memref_slice %arg11[%dma_start3A_70] : memref<512xf32, #tpu.memory_space<vmem>> -> memref<64xf32, #tpu.memory_space<vmem>>
    %dma_start3A_72 = arith.constant 320 : i32
    %dma_start3A_73 = tpu.memref_slice %arg8[%dma_start3A_72] : memref<512xi32, #tpu.memory_space<vmem>> -> memref<64xi32, #tpu.memory_space<vmem>>
    %dma_start3A_74 = arith.constant 0 : i32
    %dma_start3A_75 = tpu.memref_slice %arg5[%dma_start3A_74] : memref<8192xf32, #tpu.memory_space<hbm>> -> memref<8192xf32, #tpu.memory_space<hbm>>
    tpu.enqueue_indirect_dma source(%dma_start3A_75 : memref<8192xf32, #tpu.memory_space<hbm>>) target(%dma_start3A_71 : memref<64xf32, #tpu.memory_space<vmem>>) offsets(%dma_start3A_73 : memref<64xi32, #tpu.memory_space<vmem>>) semaphore(%arg15 : memref<!tpu.dma_semaphore, #tpu.memory_space<semaphore_mem>>)
    %dma_start3A_76 = arith.constant 384 : i32
    %dma_start3A_77 = tpu.memref_slice %arg10[%dma_start3A_76] : memref<512xf32, #tpu.memory_space<vmem>> -> memref<64xf32, #tpu.memory_space<vmem>>
    %dma_start3A_78 = arith.constant 384 : i32
    %dma_start3A_79 = tpu.memref_slice %arg8[%dma_start3A_78] : memref<512xi32, #tpu.memory_space<vmem>> -> memref<64xi32, #tpu.memory_space<vmem>>
    %dma_start3A_80 = arith.constant 0 : i32
    %dma_start3A_81 = tpu.memref_slice %arg4[%dma_start3A_80] : memref<8192xf32, #tpu.memory_space<hbm>> -> memref<8192xf32, #tpu.memory_space<hbm>>
    tpu.enqueue_indirect_dma source(%dma_start3A_81 : memref<8192xf32, #tpu.memory_space<hbm>>) target(%dma_start3A_77 : memref<64xf32, #tpu.memory_space<vmem>>) offsets(%dma_start3A_79 : memref<64xi32, #tpu.memory_space<vmem>>) semaphore(%arg14 : memref<!tpu.dma_semaphore, #tpu.memory_space<semaphore_mem>>)
    %dma_start3A_82 = arith.constant 384 : i32
    %dma_start3A_83 = tpu.memref_slice %arg11[%dma_start3A_82] : memref<512xf32, #tpu.memory_space<vmem>> -> memref<64xf32, #tpu.memory_space<vmem>>
    %dma_start3A_84 = arith.constant 384 : i32
    %dma_start3A_85 = tpu.memref_slice %arg8[%dma_start3A_84] : memref<512xi32, #tpu.memory_space<vmem>> -> memref<64xi32, #tpu.memory_space<vmem>>
    %dma_start3A_86 = arith.constant 0 : i32
    %dma_start3A_87 = tpu.memref_slice %arg5[%dma_start3A_86] : memref<8192xf32, #tpu.memory_space<hbm>> -> memref<8192xf32, #tpu.memory_space<hbm>>
    tpu.enqueue_indirect_dma source(%dma_start3A_87 : memref<8192xf32, #tpu.memory_space<hbm>>) target(%dma_start3A_83 : memref<64xf32, #tpu.memory_space<vmem>>) offsets(%dma_start3A_85 : memref<64xi32, #tpu.memory_space<vmem>>) semaphore(%arg15 : memref<!tpu.dma_semaphore, #tpu.memory_space<semaphore_mem>>)
    %dma_start3A_88 = arith.constant 448 : i32
    %dma_start3A_89 = tpu.memref_slice %arg10[%dma_start3A_88] : memref<512xf32, #tpu.memory_space<vmem>> -> memref<64xf32, #tpu.memory_space<vmem>>
    %dma_start3A_90 = arith.constant 448 : i32
    %dma_start3A_91 = tpu.memref_slice %arg8[%dma_start3A_90] : memref<512xi32, #tpu.memory_space<vmem>> -> memref<64xi32, #tpu.memory_space<vmem>>
    %dma_start3A_92 = arith.constant 0 : i32
    %dma_start3A_93 = tpu.memref_slice %arg4[%dma_start3A_92] : memref<8192xf32, #tpu.memory_space<hbm>> -> memref<8192xf32, #tpu.memory_space<hbm>>
    tpu.enqueue_indirect_dma source(%dma_start3A_93 : memref<8192xf32, #tpu.memory_space<hbm>>) target(%dma_start3A_89 : memref<64xf32, #tpu.memory_space<vmem>>) offsets(%dma_start3A_91 : memref<64xi32, #tpu.memory_space<vmem>>) semaphore(%arg14 : memref<!tpu.dma_semaphore, #tpu.memory_space<semaphore_mem>>)
    %dma_start3A_94 = arith.constant 448 : i32
    %dma_start3A_95 = tpu.memref_slice %arg11[%dma_start3A_94] : memref<512xf32, #tpu.memory_space<vmem>> -> memref<64xf32, #tpu.memory_space<vmem>>
    %dma_start3A_96 = arith.constant 448 : i32
    %dma_start3A_97 = tpu.memref_slice %arg8[%dma_start3A_96] : memref<512xi32, #tpu.memory_space<vmem>> -> memref<64xi32, #tpu.memory_space<vmem>>
    %dma_start3A_98 = arith.constant 0 : i32
    %dma_start3A_99 = tpu.memref_slice %arg5[%dma_start3A_98] : memref<8192xf32, #tpu.memory_space<hbm>> -> memref<8192xf32, #tpu.memory_space<hbm>>
    tpu.enqueue_indirect_dma source(%dma_start3A_99 : memref<8192xf32, #tpu.memory_space<hbm>>) target(%dma_start3A_95 : memref<64xf32, #tpu.memory_space<vmem>>) offsets(%dma_start3A_97 : memref<64xi32, #tpu.memory_space<vmem>>) semaphore(%arg15 : memref<!tpu.dma_semaphore, #tpu.memory_space<semaphore_mem>>)
    %dma_wait3A = tpu.memref_slice %arg3[%mul3A_2] : memref<16384xf32, #tpu.memory_space<hbm>> -> memref<512xf32, #tpu.memory_space<hbm>>
    %dma_wait3A_100 = tpu.memref_slice %arg3[%mul3A_2] : memref<16384xf32, #tpu.memory_space<hbm>> -> memref<512xf32, #tpu.memory_space<hbm>>
    tpu.wait_dma2 semaphore(%arg13 : memref<!tpu.dma_semaphore, #tpu.memory_space<semaphore_mem>>) src(%dma_wait3A_100 : memref<512xf32, #tpu.memory_space<hbm>>) dst(%arg9 : memref<512xf32, #tpu.memory_space<vmem>>)
    %dma_wait3A_101 = arith.constant 0 : i32
    %dma_wait3A_102 = tpu.memref_slice %arg10[%dma_wait3A_101] : memref<512xf32, #tpu.memory_space<vmem>> -> memref<64xf32, #tpu.memory_space<vmem>>
    %dma_wait3A_103 = arith.constant 0 : i32
    %dma_wait3A_104 = tpu.memref_slice %arg8[%dma_wait3A_103] : memref<512xi32, #tpu.memory_space<vmem>> -> memref<64xi32, #tpu.memory_space<vmem>>
    %dma_wait3A_105 = arith.constant 0 : i32
    %dma_wait3A_106 = tpu.memref_slice %arg4[%dma_wait3A_105] : memref<8192xf32, #tpu.memory_space<hbm>> -> memref<8192xf32, #tpu.memory_space<hbm>>
    tpu.wait_indirect_dma semaphore(%arg14 : memref<!tpu.dma_semaphore, #tpu.memory_space<semaphore_mem>>) src(%dma_wait3A_106 : memref<8192xf32, #tpu.memory_space<hbm>>) dst(%dma_wait3A_102 : memref<64xf32, #tpu.memory_space<vmem>>)
    %dma_wait3A_107 = arith.constant 0 : i32
    %dma_wait3A_108 = tpu.memref_slice %arg11[%dma_wait3A_107] : memref<512xf32, #tpu.memory_space<vmem>> -> memref<64xf32, #tpu.memory_space<vmem>>
    %dma_wait3A_109 = arith.constant 0 : i32
    %dma_wait3A_110 = tpu.memref_slice %arg8[%dma_wait3A_109] : memref<512xi32, #tpu.memory_space<vmem>> -> memref<64xi32, #tpu.memory_space<vmem>>
    %dma_wait3A_111 = arith.constant 0 : i32
    %dma_wait3A_112 = tpu.memref_slice %arg5[%dma_wait3A_111] : memref<8192xf32, #tpu.memory_space<hbm>> -> memref<8192xf32, #tpu.memory_space<hbm>>
    tpu.wait_indirect_dma semaphore(%arg15 : memref<!tpu.dma_semaphore, #tpu.memory_space<semaphore_mem>>) src(%dma_wait3A_112 : memref<8192xf32, #tpu.memory_space<hbm>>) dst(%dma_wait3A_108 : memref<64xf32, #tpu.memory_space<vmem>>)
    %dma_wait3A_113 = arith.constant 64 : i32
    %dma_wait3A_114 = tpu.memref_slice %arg10[%dma_wait3A_113] : memref<512xf32, #tpu.memory_space<vmem>> -> memref<64xf32, #tpu.memory_space<vmem>>
    %dma_wait3A_115 = arith.constant 64 : i32
    %dma_wait3A_116 = tpu.memref_slice %arg8[%dma_wait3A_115] : memref<512xi32, #tpu.memory_space<vmem>> -> memref<64xi32, #tpu.memory_space<vmem>>
    %dma_wait3A_117 = arith.constant 0 : i32
    %dma_wait3A_118 = tpu.memref_slice %arg4[%dma_wait3A_117] : memref<8192xf32, #tpu.memory_space<hbm>> -> memref<8192xf32, #tpu.memory_space<hbm>>
    tpu.wait_indirect_dma semaphore(%arg14 : memref<!tpu.dma_semaphore, #tpu.memory_space<semaphore_mem>>) src(%dma_wait3A_118 : memref<8192xf32, #tpu.memory_space<hbm>>) dst(%dma_wait3A_114 : memref<64xf32, #tpu.memory_space<vmem>>)
    %dma_wait3A_119 = arith.constant 64 : i32
    %dma_wait3A_120 = tpu.memref_slice %arg11[%dma_wait3A_119] : memref<512xf32, #tpu.memory_space<vmem>> -> memref<64xf32, #tpu.memory_space<vmem>>
    %dma_wait3A_121 = arith.constant 64 : i32
    %dma_wait3A_122 = tpu.memref_slice %arg8[%dma_wait3A_121] : memref<512xi32, #tpu.memory_space<vmem>> -> memref<64xi32, #tpu.memory_space<vmem>>
    %dma_wait3A_123 = arith.constant 0 : i32
    %dma_wait3A_124 = tpu.memref_slice %arg5[%dma_wait3A_123] : memref<8192xf32, #tpu.memory_space<hbm>> -> memref<8192xf32, #tpu.memory_space<hbm>>
    tpu.wait_indirect_dma semaphore(%arg15 : memref<!tpu.dma_semaphore, #tpu.memory_space<semaphore_mem>>) src(%dma_wait3A_124 : memref<8192xf32, #tpu.memory_space<hbm>>) dst(%dma_wait3A_120 : memref<64xf32, #tpu.memory_space<vmem>>)
    %dma_wait3A_125 = arith.constant 128 : i32
    %dma_wait3A_126 = tpu.memref_slice %arg10[%dma_wait3A_125] : memref<512xf32, #tpu.memory_space<vmem>> -> memref<64xf32, #tpu.memory_space<vmem>>
    %dma_wait3A_127 = arith.constant 128 : i32
    %dma_wait3A_128 = tpu.memref_slice %arg8[%dma_wait3A_127] : memref<512xi32, #tpu.memory_space<vmem>> -> memref<64xi32, #tpu.memory_space<vmem>>
    %dma_wait3A_129 = arith.constant 0 : i32
    %dma_wait3A_130 = tpu.memref_slice %arg4[%dma_wait3A_129] : memref<8192xf32, #tpu.memory_space<hbm>> -> memref<8192xf32, #tpu.memory_space<hbm>>
    tpu.wait_indirect_dma semaphore(%arg14 : memref<!tpu.dma_semaphore, #tpu.memory_space<semaphore_mem>>) src(%dma_wait3A_130 : memref<8192xf32, #tpu.memory_space<hbm>>) dst(%dma_wait3A_126 : memref<64xf32, #tpu.memory_space<vmem>>)
    %dma_wait3A_131 = arith.constant 128 : i32
    %dma_wait3A_132 = tpu.memref_slice %arg11[%dma_wait3A_131] : memref<512xf32, #tpu.memory_space<vmem>> -> memref<64xf32, #tpu.memory_space<vmem>>
    %dma_wait3A_133 = arith.constant 128 : i32
    %dma_wait3A_134 = tpu.memref_slice %arg8[%dma_wait3A_133] : memref<512xi32, #tpu.memory_space<vmem>> -> memref<64xi32, #tpu.memory_space<vmem>>
    %dma_wait3A_135 = arith.constant 0 : i32
    %dma_wait3A_136 = tpu.memref_slice %arg5[%dma_wait3A_135] : memref<8192xf32, #tpu.memory_space<hbm>> -> memref<8192xf32, #tpu.memory_space<hbm>>
    tpu.wait_indirect_dma semaphore(%arg15 : memref<!tpu.dma_semaphore, #tpu.memory_space<semaphore_mem>>) src(%dma_wait3A_136 : memref<8192xf32, #tpu.memory_space<hbm>>) dst(%dma_wait3A_132 : memref<64xf32, #tpu.memory_space<vmem>>)
    %dma_wait3A_137 = arith.constant 192 : i32
    %dma_wait3A_138 = tpu.memref_slice %arg10[%dma_wait3A_137] : memref<512xf32, #tpu.memory_space<vmem>> -> memref<64xf32, #tpu.memory_space<vmem>>
    %dma_wait3A_139 = arith.constant 192 : i32
    %dma_wait3A_140 = tpu.memref_slice %arg8[%dma_wait3A_139] : memref<512xi32, #tpu.memory_space<vmem>> -> memref<64xi32, #tpu.memory_space<vmem>>
    %dma_wait3A_141 = arith.constant 0 : i32
    %dma_wait3A_142 = tpu.memref_slice %arg4[%dma_wait3A_141] : memref<8192xf32, #tpu.memory_space<hbm>> -> memref<8192xf32, #tpu.memory_space<hbm>>
    tpu.wait_indirect_dma semaphore(%arg14 : memref<!tpu.dma_semaphore, #tpu.memory_space<semaphore_mem>>) src(%dma_wait3A_142 : memref<8192xf32, #tpu.memory_space<hbm>>) dst(%dma_wait3A_138 : memref<64xf32, #tpu.memory_space<vmem>>)
    %dma_wait3A_143 = arith.constant 192 : i32
    %dma_wait3A_144 = tpu.memref_slice %arg11[%dma_wait3A_143] : memref<512xf32, #tpu.memory_space<vmem>> -> memref<64xf32, #tpu.memory_space<vmem>>
    %dma_wait3A_145 = arith.constant 192 : i32
    %dma_wait3A_146 = tpu.memref_slice %arg8[%dma_wait3A_145] : memref<512xi32, #tpu.memory_space<vmem>> -> memref<64xi32, #tpu.memory_space<vmem>>
    %dma_wait3A_147 = arith.constant 0 : i32
    %dma_wait3A_148 = tpu.memref_slice %arg5[%dma_wait3A_147] : memref<8192xf32, #tpu.memory_space<hbm>> -> memref<8192xf32, #tpu.memory_space<hbm>>
    tpu.wait_indirect_dma semaphore(%arg15 : memref<!tpu.dma_semaphore, #tpu.memory_space<semaphore_mem>>) src(%dma_wait3A_148 : memref<8192xf32, #tpu.memory_space<hbm>>) dst(%dma_wait3A_144 : memref<64xf32, #tpu.memory_space<vmem>>)
    %dma_wait3A_149 = arith.constant 256 : i32
    %dma_wait3A_150 = tpu.memref_slice %arg10[%dma_wait3A_149] : memref<512xf32, #tpu.memory_space<vmem>> -> memref<64xf32, #tpu.memory_space<vmem>>
    %dma_wait3A_151 = arith.constant 256 : i32
    %dma_wait3A_152 = tpu.memref_slice %arg8[%dma_wait3A_151] : memref<512xi32, #tpu.memory_space<vmem>> -> memref<64xi32, #tpu.memory_space<vmem>>
    %dma_wait3A_153 = arith.constant 0 : i32
    %dma_wait3A_154 = tpu.memref_slice %arg4[%dma_wait3A_153] : memref<8192xf32, #tpu.memory_space<hbm>> -> memref<8192xf32, #tpu.memory_space<hbm>>
    tpu.wait_indirect_dma semaphore(%arg14 : memref<!tpu.dma_semaphore, #tpu.memory_space<semaphore_mem>>) src(%dma_wait3A_154 : memref<8192xf32, #tpu.memory_space<hbm>>) dst(%dma_wait3A_150 : memref<64xf32, #tpu.memory_space<vmem>>)
    %dma_wait3A_155 = arith.constant 256 : i32
    %dma_wait3A_156 = tpu.memref_slice %arg11[%dma_wait3A_155] : memref<512xf32, #tpu.memory_space<vmem>> -> memref<64xf32, #tpu.memory_space<vmem>>
    %dma_wait3A_157 = arith.constant 256 : i32
    %dma_wait3A_158 = tpu.memref_slice %arg8[%dma_wait3A_157] : memref<512xi32, #tpu.memory_space<vmem>> -> memref<64xi32, #tpu.memory_space<vmem>>
    %dma_wait3A_159 = arith.constant 0 : i32
    %dma_wait3A_160 = tpu.memref_slice %arg5[%dma_wait3A_159] : memref<8192xf32, #tpu.memory_space<hbm>> -> memref<8192xf32, #tpu.memory_space<hbm>>
    tpu.wait_indirect_dma semaphore(%arg15 : memref<!tpu.dma_semaphore, #tpu.memory_space<semaphore_mem>>) src(%dma_wait3A_160 : memref<8192xf32, #tpu.memory_space<hbm>>) dst(%dma_wait3A_156 : memref<64xf32, #tpu.memory_space<vmem>>)
    %dma_wait3A_161 = arith.constant 320 : i32
    %dma_wait3A_162 = tpu.memref_slice %arg10[%dma_wait3A_161] : memref<512xf32, #tpu.memory_space<vmem>> -> memref<64xf32, #tpu.memory_space<vmem>>
    %dma_wait3A_163 = arith.constant 320 : i32
    %dma_wait3A_164 = tpu.memref_slice %arg8[%dma_wait3A_163] : memref<512xi32, #tpu.memory_space<vmem>> -> memref<64xi32, #tpu.memory_space<vmem>>
    %dma_wait3A_165 = arith.constant 0 : i32
    %dma_wait3A_166 = tpu.memref_slice %arg4[%dma_wait3A_165] : memref<8192xf32, #tpu.memory_space<hbm>> -> memref<8192xf32, #tpu.memory_space<hbm>>
    tpu.wait_indirect_dma semaphore(%arg14 : memref<!tpu.dma_semaphore, #tpu.memory_space<semaphore_mem>>) src(%dma_wait3A_166 : memref<8192xf32, #tpu.memory_space<hbm>>) dst(%dma_wait3A_162 : memref<64xf32, #tpu.memory_space<vmem>>)
    %dma_wait3A_167 = arith.constant 320 : i32
    %dma_wait3A_168 = tpu.memref_slice %arg11[%dma_wait3A_167] : memref<512xf32, #tpu.memory_space<vmem>> -> memref<64xf32, #tpu.memory_space<vmem>>
    %dma_wait3A_169 = arith.constant 320 : i32
    %dma_wait3A_170 = tpu.memref_slice %arg8[%dma_wait3A_169] : memref<512xi32, #tpu.memory_space<vmem>> -> memref<64xi32, #tpu.memory_space<vmem>>
    %dma_wait3A_171 = arith.constant 0 : i32
    %dma_wait3A_172 = tpu.memref_slice %arg5[%dma_wait3A_171] : memref<8192xf32, #tpu.memory_space<hbm>> -> memref<8192xf32, #tpu.memory_space<hbm>>
    tpu.wait_indirect_dma semaphore(%arg15 : memref<!tpu.dma_semaphore, #tpu.memory_space<semaphore_mem>>) src(%dma_wait3A_172 : memref<8192xf32, #tpu.memory_space<hbm>>) dst(%dma_wait3A_168 : memref<64xf32, #tpu.memory_space<vmem>>)
    %dma_wait3A_173 = arith.constant 384 : i32
    %dma_wait3A_174 = tpu.memref_slice %arg10[%dma_wait3A_173] : memref<512xf32, #tpu.memory_space<vmem>> -> memref<64xf32, #tpu.memory_space<vmem>>
    %dma_wait3A_175 = arith.constant 384 : i32
    %dma_wait3A_176 = tpu.memref_slice %arg8[%dma_wait3A_175] : memref<512xi32, #tpu.memory_space<vmem>> -> memref<64xi32, #tpu.memory_space<vmem>>
    %dma_wait3A_177 = arith.constant 0 : i32
    %dma_wait3A_178 = tpu.memref_slice %arg4[%dma_wait3A_177] : memref<8192xf32, #tpu.memory_space<hbm>> -> memref<8192xf32, #tpu.memory_space<hbm>>
    tpu.wait_indirect_dma semaphore(%arg14 : memref<!tpu.dma_semaphore, #tpu.memory_space<semaphore_mem>>) src(%dma_wait3A_178 : memref<8192xf32, #tpu.memory_space<hbm>>) dst(%dma_wait3A_174 : memref<64xf32, #tpu.memory_space<vmem>>)
    %dma_wait3A_179 = arith.constant 384 : i32
    %dma_wait3A_180 = tpu.memref_slice %arg11[%dma_wait3A_179] : memref<512xf32, #tpu.memory_space<vmem>> -> memref<64xf32, #tpu.memory_space<vmem>>
    %dma_wait3A_181 = arith.constant 384 : i32
    %dma_wait3A_182 = tpu.memref_slice %arg8[%dma_wait3A_181] : memref<512xi32, #tpu.memory_space<vmem>> -> memref<64xi32, #tpu.memory_space<vmem>>
    %dma_wait3A_183 = arith.constant 0 : i32
    %dma_wait3A_184 = tpu.memref_slice %arg5[%dma_wait3A_183] : memref<8192xf32, #tpu.memory_space<hbm>> -> memref<8192xf32, #tpu.memory_space<hbm>>
    tpu.wait_indirect_dma semaphore(%arg15 : memref<!tpu.dma_semaphore, #tpu.memory_space<semaphore_mem>>) src(%dma_wait3A_184 : memref<8192xf32, #tpu.memory_space<hbm>>) dst(%dma_wait3A_180 : memref<64xf32, #tpu.memory_space<vmem>>)
    %dma_wait3A_185 = arith.constant 448 : i32
    %dma_wait3A_186 = tpu.memref_slice %arg10[%dma_wait3A_185] : memref<512xf32, #tpu.memory_space<vmem>> -> memref<64xf32, #tpu.memory_space<vmem>>
    %dma_wait3A_187 = arith.constant 448 : i32
    %dma_wait3A_188 = tpu.memref_slice %arg8[%dma_wait3A_187] : memref<512xi32, #tpu.memory_space<vmem>> -> memref<64xi32, #tpu.memory_space<vmem>>
    %dma_wait3A_189 = arith.constant 0 : i32
    %dma_wait3A_190 = tpu.memref_slice %arg4[%dma_wait3A_189] : memref<8192xf32, #tpu.memory_space<hbm>> -> memref<8192xf32, #tpu.memory_space<hbm>>
    tpu.wait_indirect_dma semaphore(%arg14 : memref<!tpu.dma_semaphore, #tpu.memory_space<semaphore_mem>>) src(%dma_wait3A_190 : memref<8192xf32, #tpu.memory_space<hbm>>) dst(%dma_wait3A_186 : memref<64xf32, #tpu.memory_space<vmem>>)
    %dma_wait3A_191 = arith.constant 448 : i32
    %dma_wait3A_192 = tpu.memref_slice %arg11[%dma_wait3A_191] : memref<512xf32, #tpu.memory_space<vmem>> -> memref<64xf32, #tpu.memory_space<vmem>>
    %dma_wait3A_193 = arith.constant 448 : i32
    %dma_wait3A_194 = tpu.memref_slice %arg8[%dma_wait3A_193] : memref<512xi32, #tpu.memory_space<vmem>> -> memref<64xi32, #tpu.memory_space<vmem>>
    %dma_wait3A_195 = arith.constant 0 : i32
    %dma_wait3A_196 = tpu.memref_slice %arg5[%dma_wait3A_195] : memref<8192xf32, #tpu.memory_space<hbm>> -> memref<8192xf32, #tpu.memory_space<hbm>>
    tpu.wait_indirect_dma semaphore(%arg15 : memref<!tpu.dma_semaphore, #tpu.memory_space<semaphore_mem>>) src(%dma_wait3A_196 : memref<8192xf32, #tpu.memory_space<hbm>>) dst(%dma_wait3A_192 : memref<64xf32, #tpu.memory_space<vmem>>)
    %scan3A = arith.constant 0 : i32
    %scan3A_197 = arith.constant 0 : i32
    %scan3A_198 = arith.constant 32 : i32
    %scan3A_199 = arith.addi %scan3A_197, %scan3A_198 : i32
    %scan3A_200 = arith.constant 1 : i32
    scf.for %scan3A_210 = %scan3A_197 to %scan3A_199 step %scan3A_200  : i32 {
      %mul3A_211 = arith.constant 16 : i32
      %mul3A_212 = arith.muli %scan3A_210, %mul3A_211 : i32
      %get3A = arith.index_cast %mul3A_212 : i32 to index
      %get3A_213 = tpu.vector_load %arg9[%get3A] {strides = array<i32>} : memref<512xf32, #tpu.memory_space<vmem>>, vector<16xf32>,
      %get3A_214 = arith.index_cast %mul3A_212 : i32 to index
      %get3A_215 = tpu.vector_load %arg11[%get3A_214] {strides = array<i32>} : memref<512xf32, #tpu.memory_space<vmem>>, vector<16xf32>,
      %div3A = arith.divf %get3A_213, %get3A_215 : vector<16xf32>
      %swap3A = arith.index_cast %mul3A_212 : i32 to index
      %swap3A_216 = tpu.vector_load %arg12[%swap3A] {strides = array<i32>} : memref<512xf32, #tpu.memory_space<vmem>>, vector<16xf32>,
      tpu.vector_store %arg12[%swap3A], %div3A {strides = array<i32>} : memref<512xf32, #tpu.memory_space<vmem>>, vector<16xf32>,
    }
    %scan3A_201 = arith.constant 32 : i32
    %dma_start3A_202 = tpu.memref_slice %arg6[%mul3A_2] : memref<16384xf32, #tpu.memory_space<hbm>> -> memref<512xf32, #tpu.memory_space<hbm>>
    %dma_start3A_203 = tpu.memref_slice %arg6[%mul3A_2] : memref<16384xf32, #tpu.memory_space<hbm>> -> memref<512xf32, #tpu.memory_space<hbm>>
    tpu.enqueue_dma source(%arg10 : memref<512xf32, #tpu.memory_space<vmem>>) target(%dma_start3A_203 : memref<512xf32, #tpu.memory_space<hbm>>) target_semaphore(%arg14 : memref<!tpu.dma_semaphore, #tpu.memory_space<semaphore_mem>>)
    %dma_start3A_204 = tpu.memref_slice %arg7[%mul3A_2] : memref<16384xf32, #tpu.memory_space<hbm>> -> memref<512xf32, #tpu.memory_space<hbm>>
    %dma_start3A_205 = tpu.memref_slice %arg7[%mul3A_2] : memref<16384xf32, #tpu.memory_space<hbm>> -> memref<512xf32, #tpu.memory_space<hbm>>
    tpu.enqueue_dma source(%arg12 : memref<512xf32, #tpu.memory_space<vmem>>) target(%dma_start3A_205 : memref<512xf32, #tpu.memory_space<hbm>>) target_semaphore(%arg15 : memref<!tpu.dma_semaphore, #tpu.memory_space<semaphore_mem>>)
    %dma_wait3A_206 = tpu.memref_slice %arg6[%mul3A_2] : memref<16384xf32, #tpu.memory_space<hbm>> -> memref<512xf32, #tpu.memory_space<hbm>>
    %dma_wait3A_207 = tpu.memref_slice %arg6[%mul3A_2] : memref<16384xf32, #tpu.memory_space<hbm>> -> memref<512xf32, #tpu.memory_space<hbm>>
    tpu.wait_dma2 semaphore(%arg14 : memref<!tpu.dma_semaphore, #tpu.memory_space<semaphore_mem>>) src(%arg10 : memref<512xf32, #tpu.memory_space<vmem>>) dst(%dma_wait3A_207 : memref<512xf32, #tpu.memory_space<hbm>>)
    %dma_wait3A_208 = tpu.memref_slice %arg7[%mul3A_2] : memref<16384xf32, #tpu.memory_space<hbm>> -> memref<512xf32, #tpu.memory_space<hbm>>
    %dma_wait3A_209 = tpu.memref_slice %arg7[%mul3A_2] : memref<16384xf32, #tpu.memory_space<hbm>> -> memref<512xf32, #tpu.memory_space<hbm>>
    tpu.wait_dma2 semaphore(%arg15 : memref<!tpu.dma_semaphore, #tpu.memory_space<semaphore_mem>>) src(%arg12 : memref<512xf32, #tpu.memory_space<vmem>>) dst(%dma_wait3A_209 : memref<512xf32, #tpu.memory_space<hbm>>)
    return
  }
}

module attributes {stable_mosaic.version = 14 : i64} {
  func.func @_stats_body(%arg0: i32, %arg1: memref<1024x256xf32, #tpu.memory_space<vmem>>, %arg2: memref<2x256xf32, #tpu.memory_space<vmem>>) attributes {dimension_semantics = [#tpu.dimension_semantics<arbitrary>], iteration_bounds = array<i64: 8>, scalar_prefetch = 0 : i64, scratch_operands = 0 : i64, tpu.core_type = #tpu.core_type<tc>, window_params = [{transform_indices = @transform_0, window_bounds = array<i64: 1024, 256>}, {pipeline_mode = #tpu.pipeline_mode<synchronous>, transform_indices = @transform_1, window_bounds = array<i64: 2, 256>}]} {
    %get3A = arith.constant 0 : index
    %get3A_0 = arith.constant 0 : index
    %get3A_1 = vector.load %arg1[%get3A, %get3A_0] : memref<1024x256xf32, #tpu.memory_space<vmem>>, vector<1024x256xf32>
    %reduce_sum3A = arith.constant dense<0.000000e+00> : vector<256xf32>
    %reduce_sum3A_2 = vector.multi_reduction <add>, %get3A_1, %reduce_sum3A [0] : vector<1024x256xf32> to vector<256xf32>
    %broadcast_in_dim3A = vector.shape_cast %reduce_sum3A_2 : vector<256xf32> to vector<1x256xf32>
    %mul3A = arith.constant -2.44140625E-4 : f32
    %mul3A_3 = vector.broadcast %mul3A : f32 to vector<1x256xf32>
    %mul3A_4 = arith.mulf %broadcast_in_dim3A, %mul3A_3 : vector<1x256xf32>
    %mul3A_5 = arith.mulf %get3A_1, %get3A_1 : vector<1024x256xf32>
    %reduce_sum3A_6 = vector.shape_cast %mul3A_5 : vector<1024x256xf32> to vector<1x1024x256xf32>
    %reduce_sum3A_7 = arith.constant dense<0.000000e+00> : vector<1xf32>
    %reduce_sum3A_8 = vector.multi_reduction <add>, %reduce_sum3A_6, %reduce_sum3A_7 [1, 2] : vector<1x1024x256xf32> to vector<1xf32>
    %reduce_sum3A_9 = vector.shape_cast %reduce_sum3A_8 : vector<1xf32> to vector<1x1x1xf32>
    %reduce_sum3A_10 = vector.extract %reduce_sum3A_9[0, 0, 0] : f32 from vector<1x1x1xf32>
    %mul3A_11 = arith.constant 1.22070313E-4 : f32
    %mul3A_12 = arith.mulf %reduce_sum3A_10, %mul3A_11 : f32
    %eq3A = arith.constant 0 : i32
    %eq3A_13 = arith.cmpi eq, %arg0, %eq3A : i32
    %convert_element_type3A = arith.extui %eq3A_13 : i1 to i32
    %cond3A = arith.constant 0 : i32
    %cond3A_14 = arith.cmpi ne, %convert_element_type3A, %cond3A : i32
    scf.if %cond3A_14 {
      %broadcast_in_dim3A_28 = arith.constant 0.000000e+00 : f32
      %broadcast_in_dim3A_29 = vector.broadcast %broadcast_in_dim3A_28 : f32 to vector<2x256xf32>
      %swap3A_30 = arith.constant 0 : index
      %swap3A_31 = arith.constant 0 : index
      %swap3A_32 = vector.load %arg2[%swap3A_30, %swap3A_31] : memref<2x256xf32, #tpu.memory_space<vmem>>, vector<2x256xf32>
      tpu.vector_store %arg2[%swap3A_30, %swap3A_31], %broadcast_in_dim3A_29 {strides = array<i32>} : memref<2x256xf32, #tpu.memory_space<vmem>>, vector<2x256xf32>,
    } else {
    }
    %get3A_15 = arith.constant 0 : index
    %get3A_16 = arith.constant 0 : index
    %get3A_17 = vector.load %arg2[%get3A_15, %get3A_16] : memref<2x256xf32, #tpu.memory_space<vmem>>, vector<1x256xf32>
    %add3A = arith.addf %get3A_17, %mul3A_4 : vector<1x256xf32>
    %swap3A = arith.constant 0 : index
    %swap3A_18 = arith.constant 0 : index
    %swap3A_19 = vector.load %arg2[%swap3A, %swap3A_18] : memref<2x256xf32, #tpu.memory_space<vmem>>, vector<1x256xf32>
    tpu.vector_store %arg2[%swap3A, %swap3A_18], %add3A {strides = array<i32>} : memref<2x256xf32, #tpu.memory_space<vmem>>, vector<1x256xf32>,
    %get3A_20 = arith.constant 1 : index
    %get3A_21 = arith.constant 0 : index
    %get3A_22 = vector.load %arg2[%get3A_20, %get3A_21] : memref<2x256xf32, #tpu.memory_space<vmem>>, vector<1x256xf32>
    %broadcast_in_dim3A_23 = vector.broadcast %mul3A_12 : f32 to vector<1x256xf32>
    %add3A_24 = arith.addf %get3A_22, %broadcast_in_dim3A_23 : vector<1x256xf32>
    %swap3A_25 = arith.constant 1 : index
    %swap3A_26 = arith.constant 0 : index
    %swap3A_27 = vector.load %arg2[%swap3A_25, %swap3A_26] : memref<2x256xf32, #tpu.memory_space<vmem>>, vector<1x256xf32>
    tpu.vector_store %arg2[%swap3A_25, %swap3A_26], %add3A_24 {strides = array<i32>} : memref<2x256xf32, #tpu.memory_space<vmem>>, vector<1x256xf32>,
    return
  }
  func.func @transform_0(%arg0: i32) -> (i32, i32) {
    %c0_i32 = arith.constant 0 : i32
    %c0_i32_0 = arith.constant 0 : i32
    return %arg0, %c0_i32 : i32, i32
  }
  func.func @transform_1(%arg0: i32) -> (i32, i32) {
    %c0_i32 = arith.constant 0 : i32
    %c0_i32_0 = arith.constant 0 : i32
    %c0_i32_1 = arith.constant 0 : i32
    return %c0_i32, %c0_i32_0 : i32, i32
  }
}

module attributes {stable_mosaic.version = 14 : i64} {
  func.func @_tbl_body(%arg0: i32, %arg1: memref<1024x256xf32, #tpu.memory_space<vmem>>, %arg2: memref<2x256xf32, #tpu.memory_space<vmem>>, %arg3: memref<8x128xf32, #tpu.memory_space<vmem>>, %arg4: memref<8x128xf32, #tpu.memory_space<vmem>>) attributes {dimension_semantics = [#tpu.dimension_semantics<arbitrary>], iteration_bounds = array<i64: 8>, scalar_prefetch = 0 : i64, scratch_operands = 0 : i64, tpu.core_type = #tpu.core_type<tc>, window_params = [{transform_indices = @transform_0, window_bounds = array<i64: 1024, 256>}, {pipeline_mode = #tpu.pipeline_mode<synchronous>, transform_indices = @transform_1, window_bounds = array<i64: 2, 256>}, {transform_indices = @transform_2, window_bounds = array<i64: 8, 128>}, {transform_indices = @transform_3, window_bounds = array<i64: 8, 128>}]} {
    %get3A = arith.constant 0 : index
    %get3A_0 = arith.constant 0 : index
    %get3A_1 = vector.load %arg1[%get3A, %get3A_0] : memref<1024x256xf32, #tpu.memory_space<vmem>>, vector<1024x256xf32>
    %get3A_2 = arith.constant 0 : index
    %get3A_3 = arith.constant 0 : index
    %get3A_4 = vector.load %arg2[%get3A_2, %get3A_3] : memref<2x256xf32, #tpu.memory_space<vmem>>, vector<1x256xf32>
    %get3A_5 = arith.constant 1 : index
    %get3A_6 = arith.constant 0 : index
    %get3A_7 = vector.load %arg2[%get3A_5, %get3A_6] : memref<2x256xf32, #tpu.memory_space<vmem>>, vector<1x1xf32>
    %get3A_8 = vector.extract %get3A_7[0, 0] : f32 from vector<1x1xf32>
    %mul3A = arith.mulf %get3A_1, %get3A_1 : vector<1024x256xf32>
    %mul3A_9 = vector.broadcast %get3A_4 : vector<1x256xf32> to vector<1024x256xf32>
    %mul3A_10 = arith.mulf %get3A_1, %mul3A_9 : vector<1024x256xf32>
    %add3A = arith.addf %mul3A, %mul3A_10 : vector<1024x256xf32>
    %reduce_sum3A = arith.constant dense<0.000000e+00> : vector<1024xf32>
    %reduce_sum3A_11 = vector.multi_reduction <add>, %add3A, %reduce_sum3A [1] : vector<1024x256xf32> to vector<1024xf32>
    %reduce_sum3A_12 = arith.constant dense<0.000000e+00> : vector<1024xf32>
    %reduce_sum3A_13 = vector.multi_reduction <add>, %get3A_1, %reduce_sum3A_12 [1] : vector<1024x256xf32> to vector<1024xf32>
    %add3A_14 = vector.broadcast %get3A_8 : f32 to vector<1024xf32>
    %add3A_15 = arith.addf %add3A_14, %reduce_sum3A_11 : vector<1024xf32>
    %reshape3A = vector.shape_cast %add3A_15 : vector<1024xf32> to vector<8x128xf32>
    %swap3A = arith.constant 0 : index
    %swap3A_16 = arith.constant 0 : index
    %swap3A_17 = vector.load %arg3[%swap3A, %swap3A_16] : memref<8x128xf32, #tpu.memory_space<vmem>>, vector<8x128xf32>
    tpu.vector_store %arg3[%swap3A, %swap3A_16], %reshape3A {strides = array<i32>} : memref<8x128xf32, #tpu.memory_space<vmem>>, vector<8x128xf32>,
    %add3A_18 = arith.constant 5.000000e-02 : f32
    %add3A_19 = vector.broadcast %add3A_18 : f32 to vector<1024xf32>
    %add3A_20 = arith.addf %add3A_19, %reduce_sum3A_13 : vector<1024xf32>
    %reshape3A_21 = vector.shape_cast %add3A_20 : vector<1024xf32> to vector<8x128xf32>
    %swap3A_22 = arith.constant 0 : index
    %swap3A_23 = arith.constant 0 : index
    %swap3A_24 = vector.load %arg4[%swap3A_22, %swap3A_23] : memref<8x128xf32, #tpu.memory_space<vmem>>, vector<8x128xf32>
    tpu.vector_store %arg4[%swap3A_22, %swap3A_23], %reshape3A_21 {strides = array<i32>} : memref<8x128xf32, #tpu.memory_space<vmem>>, vector<8x128xf32>,
    return
  }
  func.func @transform_0(%arg0: i32) -> (i32, i32) {
    %c0_i32 = arith.constant 0 : i32
    %c0_i32_0 = arith.constant 0 : i32
    return %arg0, %c0_i32 : i32, i32
  }
  func.func @transform_1(%arg0: i32) -> (i32, i32) {
    %c0_i32 = arith.constant 0 : i32
    %c0_i32_0 = arith.constant 0 : i32
    %c0_i32_1 = arith.constant 0 : i32
    return %c0_i32, %c0_i32_0 : i32, i32
  }
  func.func @transform_2(%arg0: i32) -> (i32, i32) {
    %c0_i32 = arith.constant 0 : i32
    %c0_i32_0 = arith.constant 0 : i32
    return %arg0, %c0_i32 : i32, i32
  }
  func.func @transform_3(%arg0: i32) -> (i32, i32) {
    %c0_i32 = arith.constant 0 : i32
    %c0_i32_0 = arith.constant 0 : i32
    return %arg0, %c0_i32 : i32, i32
  }
}

</mosaic_0001>

<sc_bundles>
// kernel: kernel.6.cloned.1.call-start
scs
__scs_entry_jumppad:
0x0: {  	(pc) =	sbr.rel $0x88, $3  }
0x1: {  	(tag) =	ssettag $0x0;
	lr =	simm.s32 $0x1  }
0x2: {  	[smem:$0x3F9E] =	sst lr;
	_ =	strace $0xD0000000  }
0x3: {  	_ = 	snop  }
0x4: {  	_ = 	snop  }
0x5: {  	_ = 	snop  }
0x6: {  	_ = 	snop  }
0x7: {  	_ = 	snop  }
__scs_overlays_trampoline_lowered:
0x8: {  	[smem:$0x3FAD] =	sst s0  }
0x9: {  	[smem:$0x3FAE] =	sst s1  }
0xa: {  	[smem:$0x3FAF] =	sst s2  }
0xb: {  	[smem:$0x3FB0] =	sst s3  }
0xc: {  	[smem:$0x3FB1] =	sst s4  }
0xd: {  	[smem:$0x3FB2] =	sst s5  }
0xe: {  	[smem:$0x3FB3] =	sst s6  }
0xf: {  	[smem:$0x3FB4] =	sst s7  }
0x10: {  	[smem:$0x3FB5] =	sst s8  }
0x11: {  	[smem:$0x3FB6] =	sst s9;
	s0 =	simm.s32 @!p0 $0x0  }
0x12: {  	s1 =	sld [smem:$0x3F9C];
	s0 =	simm.s32 @p0 $0x1  }
0x13: {  	[smem:$0x3FB7] =	sst s0;
	s0 =	simm.s32 @!p1 $0x0  }
0x14: {  	s2 =	sld [smem:$0x3F9B];
	s0 =	simm.s32 @p1 $0x1  }
0x15: {  	[smem:$0x3FB8] =	sst s0;
	s0 =	simm.s32 @!p2 $0x0  }
0x16: {  	s3 =	sld [smem:$0x3FDB];
	s0 =	simm.s32 @p2 $0x1  }
0x17: {  	s4 =	simm.s32 $0x1BF5;
	[smem:$0x3FBA] =	sst s0  }
0x18: {  	s0 =	sld [smem:$0x3F9D];
	_ =	swait.ge [sflag:s4], $0x0  }
0x19: {  	s7 =	sld [smem:$0x3F9E]  }
0x1a: {  	s8 =	sadd.s32 $0xFFFFE003, lr  }
0x1b: {  	s9 =	sadd.s32 $0xFFFFFEF7, lr;
	s5 =	simm.s32 $0xFFFFFFFF;
	p2 =	slt.u32 s8, $0xFFFFF086  }
0x1c: {  	p1 =	slt.u32 s9, $0xF7A;
	s5 =	simm.s32 @!p2 $0x0  }
0x1d: {  	s5 =	simm.s32 @p1 $0x1;
	p0 =	seq.s32 s7, s2  }
0x1e: {  	s7 =	smul.u32 @!p0 $0xF7A, s2;
	p2 =	seq.s32 @!p0 s5, $0x0  }
0x1f: {  	s9 =	smul.u32 $0xF7A, s1;
	s8 =	simm.s32 @!p0 $0x1BF5;
	p2 =	por !p2, p0  }
0x20: {  	[sflag:s8] =	ssyncset.s32 @!p0 $0xFFFFF086;
	s6 =	sadd.s32 @!p0 s3, s7;
	s7 =	simm.s32 @!p0 $0x108  }
0x21: {  	s3 =	sadd.s32 s3, s9;
	s6 =	sadd.s32 @!p0 $0x88, s6;
	s7 =	simm.s32 @p2 $0x1082  }
0x22: {  	[simem:s7], [sflag:s8] =	dma.local @!p0 [hbm:s6], $0xF7A  }
0x23: {  	s9 =	sor.u32 $0xD0000000, s2;
	s6 =	simm.s32 $0x108;
	_ =	swait.ge @!p0 [sflag:s8], $0x0  }
0x24: {  	s3 =	sadd.s32 $0x88, s3;
	s6 =	simm.s32 @!p1 $0x1082;
	[sflag:s4] =	ssyncset.s32 $0xFFFFF086  }
0x25: {  	[simem:s6], [sflag:s4] =	dma.local [hbm:s3], $0xF7A  }
0x26: {  	[smem:$0x3F9E] =	sst s1;
	(tag) =	ssettag s2;
	_ =	strace s9  }
0x27: {  	s1 =	sld [smem:$0x3FAE]  }
0x28: {  	s2 =	sld [smem:$0x3FAF]  }
0x29: {  	s4 =	sld [smem:$0x3FB1]  }
0x2a: {  	p0 =	seq.s32 s5, $0x0;
	s5 =	sld [smem:$0x3FB2]  }
0x2b: {  	s6 =	sld [smem:$0x3FB3]  }
0x2c: {  	s7 =	sld [smem:$0x3FB4]  }
0x2d: {  	s3 =	simm.s32 $0x108;
	s8 =	sld [smem:$0x3FB5]  }
0x2e: {  	s3 =	simm.s32 @!p0 $0x1082;
	s9 =	sld [smem:$0x3FB6]  }
0x2f: {  	lr =	sadd.s32 s0, s3;
	s0 =	sld [smem:$0x3FAD]  }
0x30: {  	s3 =	sld [smem:$0x3FB0]  }
0x31: {  	[smem:$0x3FB9] =	sst s10  }
0x32: {  	s10 =	sld [smem:$0x3FB7];
	_ =	sdelay $0x3  }
0x33: {  	p0 =	seq.s32 s10, $0x1;
	s10 =	sld [smem:$0x3FB9];
	_ =	sdelay $0x3  }
0x34: {  	[smem:$0x3FB9] =	sst s10  }
0x35: {  	s10 =	sld [smem:$0x3FB8];
	_ =	sdelay $0x3  }
0x36: {  	p1 =	seq.s32 s10, $0x1;
	s10 =	sld [smem:$0x3FB9];
	_ =	sdelay $0x3  }
0x37: {  	[smem:$0x3FB9] =	sst s10  }
0x38: {  	s10 =	sld [smem:$0x3FBA]  }
0x39: {  	_ = 	snop;
	(pc) =	sbr.ind lr, $3  }
0x3a: {  	_ = 	snop  }
0x3b: {  	_ = 	snop  }
0x3c: {  	p2 =	seq.s32 s10, $0x1;
	s10 =	sld [smem:$0x3FB9]  }
0x3d: {  	_ =	shalt  }
0x3e: {  	_ =	shalt  }
0x3f: {  	_ =	shalt  }
0x40: {  	_ =	shalt  }
0x41: {  	_ =	shalt  }
0x42: {  	_ =	shalt  }
0x43: {  	_ =	shalt  }
0x44: {  	_ =	shalt  }
0x45: {  	_ =	shalt  }
0x46: {  	_ =	shalt  }
0x47: {  	_ =	shalt  }
0x48: {  	_ =	shalt  }
0x49: {  	_ =	shalt  }
0x4a: {  	_ =	shalt  }
0x4b: {  	_ =	shalt  }
0x4c: {  	_ =	shalt  }
0x4d: {  	_ =	shalt  }
0x4e: {  	_ =	shalt  }
0x4f: {  	_ =	shalt  }
0x50: {  	_ =	shalt  }
0x51: {  	_ =	shalt  }
0x52: {  	_ =	shalt  }
0x53: {  	_ =	shalt  }
0x54: {  	_ =	shalt  }
0x55: {  	_ =	shalt  }
0x56: {  	_ =	shalt  }
0x57: {  	_ =	shalt  }
0x58: {  	_ =	shalt  }
0x59: {  	_ =	shalt  }
0x5a: {  	_ =	shalt  }
0x5b: {  	_ =	shalt  }
0x5c: {  	_ =	shalt  }
0x5d: {  	_ =	shalt  }
0x5e: {  	_ =	shalt  }
0x5f: {  	_ =	shalt  }
0x60: {  	_ =	shalt  }
0x61: {  	_ =	shalt  }
0x62: {  	_ =	shalt  }
0x63: {  	_ =	shalt  }
0x64: {  	_ =	shalt  }
0x65: {  	_ =	shalt  }
0x66: {  	_ =	shalt  }
0x67: {  	_ =	shalt  }
0x68: {  	_ =	shalt  }
0x69: {  	_ =	shalt  }
0x6a: {  	_ =	shalt  }
0x6b: {  	_ =	shalt  }
0x6c: {  	_ =	shalt  }
0x6d: {  	_ =	shalt  }
0x6e: {  	_ =	shalt  }
0x6f: {  	_ =	shalt  }
0x70: {  	_ =	shalt  }
0x71: {  	_ =	shalt  }
0x72: {  	_ =	shalt  }
0x73: {  	_ =	shalt  }
0x74: {  	_ =	shalt  }
0x75: {  	_ =	shalt  }
0x76: {  	_ =	shalt  }
0x77: {  	_ =	shalt  }
0x78: {  	_ =	shalt  }
0x79: {  	_ =	shalt  }
0x7a: {  	_ =	shalt  }
0x7b: {  	_ =	shalt  }
0x7c: {  	_ =	shalt  }
0x7d: {  	_ =	shalt  }
0x7e: {  	_ =	shalt  }
0x7f: {  	_ =	shalt  }
0x80: {  	_ =	shalt  }
0x81: {  	_ =	shalt  }
0x82: {  	_ =	shalt  }
0x83: {  	_ =	shalt  }
0x84: {  	_ =	shalt  }
0x85: {  	_ =	shalt  }
0x86: {  	_ =	shalt  }
0x87: {  	_ =	shalt  }
.Lfunc_end0:
.L_simem_size_0:
called_computation_lowered:
.L_overlay_start_0:
0x88: {  	s2 =	sld [smem:$0x3FD9]  }
0x89: {  	s3 =	sld [smem:$0x3FFE];
	_ =	sdelay $0x1  }
0x8a: {  	s1 =	srdreg.scid  }
0x8b: {  	s0 =	sand.u32 $0x1, s1  }
0x8c: {  	s17 =	sshll.u32 s0, $0xA;
	s2 =	sadd.s32 s3, s2  }
0x8d: {  	s2 =	sadd.s32 s2, s17  }
0x8e: {  	[smem:$0x3FC5] =	sst s2  }
0x8f: {  	_ = 	snop  }
0x90: {  	s2 =	sld [smem:$0x3FC9]  }
0x91: {  	s18 =	sld [smem:$0x3FC8]  }
0x92: {  	s4 =	sld [smem:$0x3FC7]  }
0x93: {  	s5 =	sld [smem:$0x3FD0];
	(tm) =	ssettm $0x1  }
0x94: {  	s6 =	sld [smem:$0x3FFB];
	_ =	sdelay $0x3  }
0x95: {  	_ =	strace s6  }
0x96: {  	s6 =	sld [smem:$0x3FFC];
	_ =	sdelay $0x3  }
0x97: {  	_ =	strace s6  }
0x98: {  	s6 =	sld [smem:$0x3FFD];
	_ =	sdelay $0x3  }
0x99: {  	_ =	strace s6  }
0x9a: {  	_ =	strace $0x8FFFFFFF  }
0x9b: {  	s19 =	sld [smem:$0x3FDB];
	_ =	sdelay $0x1  }
0x9c: {  	s7 =	simm.s32 $_scs_section_size  }
0x9d: {  	s8 =	simm.s32 $_size__tile_overlayer_lowered;
	s9 =	simm.s32 $_tile_overlayer_lowered  }
0x9e: {  	s22 =	simm.s32 $0x1BFF;
	s21 =	sshll.u32 s9, $0x1;
	s6 =	sadd.s32 s7, s19  }
0x9f: {  	s10 =	simm.s32 $0x0;
	s20 =	sshll.u32 s8, $0x1;
	s8 =	sadd.s32 s21, s6  }
0xa0: {  	[timem:s10], [sflag:s22] =	dma.local [hbm:s8], s20  }
0xa1: {  	_ =	swait.ge [sflag:s22], s20  }
0xa2: {  	s7 =	ssub.s32 $0x0, s20;
	[sflag:s22] =	ssyncset.done $0x0  }
0xa3: {  	[sflag:s22] =	ssyncadd.s32 s7;
	_ =	sdelay $0x1  }
0xa4: {  	s23 =	simm.s32 $0x1B8B  }
0xa5: {  	_ =	swait.ge [sflag:s23], $0x1  }
0xa6: {  	[sflag:s23] =	ssyncset.done $0x0  }
0xa7: {  	s25 =	simm.s32 $0x1B8E;
	s24 =	sld [smem:$0x3FFE];
	[sflag:s23] =	ssyncadd.s32 $0xFFFFFFFF  }
0xa8: {  	s26 =	simm.s32 $execute0_lowered;
	[smem:$0x3FD2] =	sst s25  }
0xa9: {  	s8 =	sshll.u32 s26, $0x1;
	_ =	strace $0x80000046;
	[dreg:$0x1] =	wrdreg $0xFFFFFFFF  }
0xaa: {  	s28 =	simm.s32 $_size_execute0_lowered;
	s6 =	sadd.s32 s6, s8;
	[dreg:$0x0] =	wrdreg $0x0  }
0xab: {  	s8 =	sshll.u32 s28, $0x1;
	[dreg:$0x2] =	wrdreg s6  }
0xac: {  	[dreg:$0x3] =	wrdreg s8  }
0xad: {  	[dreg:$0x4] =	wrdreg $0xC0  }
0xae: {  	_ =	task [dreg:s10], $0x5FFFF  }
0xaf: {  	[dreg:$0x1] =	wrdreg $0xFFFFFFFF  }
0xb0: {  	[dreg:$0x0] =	wrdreg $0x60  }
0xb1: {  	[dreg:$0x2] =	wrdreg s2  }
0xb2: {  	[dreg:$0x3] =	wrdreg s18  }
0xb3: {  	[dreg:$0x4] =	wrdreg s4  }
0xb4: {  	[dreg:$0x5] =	wrdreg s24  }
0xb5: {  	[dreg:$0x6] =	wrdreg s5  }
0xb6: {  	[dreg:$0x7] =	wrdreg $0x9  }
0xb7: {  	_ =	task.clear_ibuf [dreg:s10], $0x8FFFF;
	_ =	strace $0x90000046  }
0xb8: {  	s29 =	simm.s32 $0x9;
	_ =	strace $0x80000048  }
0xb9: {  	_ =	swait.ge [sflag:s29], $0x1  }
0xba: {  	[sflag:s29] =	ssyncadd.s32 $0xFFFFFFFF  }
0xbb: {  	_ =	strace $0x90000048  }
0xbc: {  	_ =	sfence  }
0xbd: {  	s30 =	sld [smem:$0x0];
	_ =	sdelay $0x2  }
0xbe: {  	s31 =	sshll.u32 s1, $0xD;
	s1 =	sshrl.u32 s1, $0x2  }
0xbf: {  	s3 =	sand.u32 $0x4000, s31;
	s1 =	sadd.s32 s1, s30  }
0xc0: {  	s0 =	sor.u32 s3, s0;
	s1 =	sshll.u32 s1, $0x11  }
0xc1: {  	s0 =	sor.u32 s1, s0  }
0xc2: {  	s0 =	sadd.s32 $0x8F2B, s0  }
0xc3: {  	[sflag:s0] =	ssyncadd.remote.s32 $0x1  }
0xc4: {  	_ =	sfence.sel $0xFFFF  }
0xc5: {  	[dreg:$0x0] =	wrdreg $0xFFFFFFFF;
	(pc) =	sbr.abs _section_cstart, $3  }
0xc6: {  	[dreg:$0x1] =	wrdreg $0xFFFFFFFF  }
0xc7: {  	_ =	task.clear_ibuf [dreg:s10], $0x2FFFF;
	_ =	strace $0x9FFFFFFF  }
0xc8: {  	(tm) =	ssettm $0x7FFFFFFF  }
0xc9: {  	_ =	shalt  }
tec
execute0_lowered:
.L_overlay_start_1:
0x0: {  	(tag) =	ssettag $0x1  }
0x1: {  	s2 =	rddreg [dreg:$0x0]  }
0x2: {  	s4 =	rddreg [dreg:$0x1]  }
0x3: {  	s5 =	rddreg [dreg:$0x3]  }
0x4: {  	s1 =	rddreg [dreg:$0x4];
	s0 =	simm.s32 $0x0  }
0x5: {  	s3 =	srdreg.scid;
	s9 =	stileid.u32;
	s28 =	simm.s32 $0x3  }
0x6: {  	[smem:$0x7FF] =	sst s0;
	s6 =	sand.u32 $0x1, s3;
	s3 =	sadd.s32 $0x1800, s5  }
0x7: {  	s9 =	sshll.u32 s9, $0xA;
	s7 =	ssub.s32 $0x2, s6;
	s6 =	sshll.u32 s6, $0x9  }
0x8: {  	s5 =	sadd.s32 $0x2000, s5;
	s8 =	sshrl.u32 s7, $0x1;
	s6 =	sor.u32 s6, s9  }
0x9: {  	s7 =	ssub.s32 s7, s8;
	s20 =	sshrl.u32 s6, $0x3;
	s9 =	sshll.u32 s6, $0x4  }
0xa: {  	s10 =	sor.u32 $0x40, s6;
	s24 =	sor.u32 $0x80, s6;
	s4 =	sadd.s32 s4, s20  }
0xb: {  	s15 =	sor.u32 $0x100, s6;
	s21 =	sadd.s32 s2, s9;
	[dreg:$0x6] =	wrdreg s4  }
0xc: {  	s17 =	sor.u32 $0x140, s6;
	s23 =	sadd.s32 s3, s20;
	[dreg:$0x7] =	wrdreg s21  }
0xd: {  	s13 =	sor.u32 $0x180, s6;
	s25 =	sadd.s32 s1, s20;
	[dreg:$0x9] =	wrdreg s23  }
0xe: {  	s22 =	sshll.u32 s10, $0x4;
	s8 =	sadd.s32 s5, s20;
	[dreg:$0xa] =	wrdreg s25  }
0xf: {  	s26 =	sshll.u32 s24, $0x4;
	s4 =	sadd.s32 s2, s22;
	[dreg:$0xb] =	wrdreg s8  }
0x10: {  	s12 =	sshll.u32 s15, $0x4;
	s8 =	sadd.s32 s2, s26;
	[dreg:$0x8] =	wrdreg s4  }
0x11: {  	s18 =	sshll.u32 s17, $0x4;
	s16 =	sadd.s32 s2, s12;
	[dreg:$0xc] =	wrdreg s8  }
0x12: {  	s10 =	sshrl.u32 s10, $0x3;
	s12 =	sadd.s32 s2, s18;
	[dreg:$0xe] =	wrdreg s16  }
0x13: {  	s9 =	sor.u32 $0xC0, s6;
	s20 =	sadd.s32 s3, s10;
	[dreg:$0xf] =	wrdreg s12  }
0x14: {  	s6 =	sor.u32 $0x1C0, s6;
	s21 =	sadd.s32 s1, s10;
	[dreg:$0x12] =	wrdreg s20  }
0x15: {  	s11 =	sshll.u32 s9, $0x4;
	s22 =	sadd.s32 s5, s10;
	[dreg:$0x13] =	wrdreg s21  }
0x16: {  	s19 =	sshll.u32 s13, $0x4;
	s11 =	sadd.s32 s2, s11;
	[dreg:$0x14] =	wrdreg s22  }
0x17: {  	s14 =	sshll.u32 s6, $0x4;
	s12 =	sadd.s32 s2, s19;
	[dreg:$0xd] =	wrdreg s11  }
0x18: {  	s23 =	sshrl.u32 s24, $0x3;
	s2 =	sadd.s32 s2, s14;
	[dreg:$0x10] =	wrdreg s12  }
0x19: {  	s29 =	simm.s32 $0xC200;
	s25 =	sadd.s32 s3, s23;
	[dreg:$0x11] =	wrdreg s2  }
0x1a: {  	s24 =	sshrl.u32 s9, $0x3;
	s26 =	sadd.s32 s1, s23;
	[dreg:$0x15] =	wrdreg s25  }
0x1b: {  	s30 =	simm.s32 $0xC300;
	s14 =	sadd.s32 s1, s24;
	[dreg:$0x16] =	wrdreg s26  }
0x1c: {  	s10 =	sshrl.u32 s15, $0x3;
	s4 =	sadd.s32 s5, s24;
	[dreg:$0x19] =	wrdreg s14  }
0x1d: {  	s31 =	simm.s32 $0xC400;
	s15 =	sadd.s32 s3, s10;
	[dreg:$0x1a] =	wrdreg s4  }
0x1e: {  	s17 =	sshrl.u32 s17, $0x3;
	s16 =	sadd.s32 s1, s10;
	[dreg:$0x1b] =	wrdreg s15  }
0x1f: {  	s18 =	sshrl.u32 s13, $0x3;
	s19 =	sadd.s32 s3, s17;
	[dreg:$0x1c] =	wrdreg s16  }
0x20: {  	s9 =	simm.s32 $0x7;
	s20 =	sadd.s32 s1, s17;
	[dreg:$0x1e] =	wrdreg s19  }
0x21: {  	s13 =	simm.s32 $0xA;
	s21 =	sadd.s32 s3, s18;
	[dreg:$0x1f] =	wrdreg s20  }
0x22: {  	s22 =	sadd.s32 s1, s18;
	s8 =	simm.s32 $0x200;
	[smem:$0x7F7] =	sst s21  }
0x23: {  	s2 =	sadd.s32 s5, s23;
	s12 =	sadd.s32 s3, s24;
	[smem:$0x7F8] =	sst s22  }
0x24: {  	s23 =	sadd.s32 s5, s18;
	s24 =	sshrl.u32 s6, $0x3;
	s26 =	smax.u32 s7, $0x1  }
0x25: {  	s16 =	simm.s32 $0x8200;
	s22 =	simm.s32 $0x6A00;
	s4 =	simm.s32 $0xC280  }
0x26: {  	s6 =	simm.s32 $0xC480;
	s7 =	simm.s32 $0x5;
	[dreg:$0x17] =	wrdreg s2  }
0x27: {  	s11 =	simm.s32 $0x6;
	s14 =	simm.s32 $0x0;
	[dreg:$0x18] =	wrdreg s12  }
0x28: {  	s2 =	sadd.s32 s5, s10;
	[smem:$0x7F9] =	sst s23;
	s3 =	sadd.s32 s3, s24  }
0x29: {  	s1 =	sadd.s32 s1, s24;
	s25 =	sadd.s32 s5, s24;
	[dreg:$0x1d] =	wrdreg s2  }
0x2a: {  	s23 =	simm.s32 $0x7200;
	s24 =	simm.s32 $0x7A00;
	[smem:$0x7FA] =	sst s3  }
0x2b: {  	v0 =	vlaneseq.u32;
	s10 =	simm.s32 $0x9;
	s12 =	simm.s32 $0x8;
	[smem:$0x7FB] =	sst s1  }
0x2c: {  	v1 =	vand.u32 $0x7, v0;
	s2 =	sadd.s32 s5, s17;
	[smem:$0x7FC] =	sst s25;
	s17 =	simm.s32 $0x4200  }
0x2d: {  	v2 =	vmul.u32 $0x80, v1;
	s25 =	simm.s32 $0xA200;
	s1 =	simm.s32 $0x2;
	[smem:$0x7F6] =	sst s2  }
0x2e: {  	vm0 =	vmmov $0xffff;
	v3 =	vshrl.u32 v0, $0x3;
	s3 =	simm.s32 $0x4;
	s5 =	simm.s32 $0xC380;
	s2 =	rddreg [dreg:$0x2]  }
0x2f: {  	v4 =	vor.u32 $0x8, v0;
	v3 =	vmul.u32 $0x8, v3;
	v5 =	vor.u32 $0x400, v2;
	_ =	strace $0x80000047;
	[smem:$0x7FD] =	sst s26;
	s26 =	simm.s32 $0x1  }
.LBB2_1:
0x30: {  	s15 =	rddreg [dreg:$0x6];
	s20 =	simm.s32 $0xB  }
0x31: {  	[tilespmem:s0], [sflag:$0xB] =	stream.linear.gather [hbm4b:s15+s0], $0x200, $0x38;
	[tilespmem:$0xC500] =	vst v63  }
0x32: {  	_ =	swait.ge [sflag:s20], $0x200  }
0x33: {  	[sflag:s20] =	ssyncset.done $0x0  }
0x34: {  	[sflag:s20] =	ssyncadd.s32 $0xFFFFFE00  }
0x35: {  	v6 =	vld [tilespmem:$0x0];
	_ =	sdelay $0x4  }
0x36: {  	v7 =	vshll.u32 v6, $0x1  }
0x37: {  	v6 =	vand.u32 $0x7, v6;
	v7 =	vand.u32 $0xFFFFFFF0, v7  }
0x38: {  	v6 =	vor.u32 v6, v7  }
0x39: {  	v7 =	vperm.xlane v6, v1;
	_ =	sdelay $0x1  }
0x3a: {  	v6 =	vperm.xlane v6, v4;
	v7 =	vadd.s32 v3, v7;
	_ =	sdelay $0x1  }
0x3b: {  	v6 =	vadd.s32 v3, v6;
	_ =	sdelay $0x2  }
0x3c: {  	[tilespmem:s8], [sflag:$0x1] =	stream.indirect_vreg.gather [hbm4b:s2+s0], $0x80, v7, vm0, $0xb8;
	[tilespmem:$0xC500] =	vst v63  }
0x3d: {  	s21 =	simm.s32 $0xA00  }
0x3e: {  	[tilespmem:s21], [sflag:$0x1] =	stream.indirect_vreg.gather [hbm4b:s2+s0], $0x80, v6, vm0, $0xb8;
	[tilespmem:$0xC500] =	vst v63  }
0x3f: {  	v6 =	vld [tilespmem:$0x10];
	_ =	sdelay $0x4  }
0x40: {  	v7 =	vshll.u32 v6, $0x1  }
0x41: {  	v6 =	vand.u32 $0x7, v6;
	v7 =	vand.u32 $0xFFFFFFF0, v7  }
0x42: {  	v6 =	vor.u32 v6, v7  }
0x43: {  	v7 =	vperm.xlane v6, v1;
	_ =	sdelay $0x1  }
0x44: {  	v6 =	vperm.xlane v6, v4;
	v7 =	vadd.s32 v3, v7;
	_ =	sdelay $0x1  }
0x45: {  	v6 =	vadd.s32 v3, v6;
	_ =	sdelay $0x1  }
0x46: {  	s18 =	simm.s32 $0x1200  }
0x47: {  	[tilespmem:s18], [sflag:$0x1] =	stream.indirect_vreg.gather [hbm4b:s2+s0], $0x80, v7, vm0, $0xb8;
	[tilespmem:$0xC500] =	vst v63  }
0x48: {  	s19 =	simm.s32 $0x1A00  }
0x49: {  	[tilespmem:s19], [sflag:$0x1] =	stream.indirect_vreg.gather [hbm4b:s2+s0], $0x80, v6, vm0, $0xb8;
	[tilespmem:$0xC500] =	vst v63  }
0x4a: {  	v6 =	vld [tilespmem:$0x20];
	_ =	sdelay $0x4  }
0x4b: {  	v7 =	vshll.u32 v6, $0x1  }
0x4c: {  	v6 =	vand.u32 $0x7, v6;
	v7 =	vand.u32 $0xFFFFFFF0, v7  }
0x4d: {  	v6 =	vor.u32 v6, v7  }
0x4e: {  	v7 =	vperm.xlane v6, v1;
	_ =	sdelay $0x1  }
0x4f: {  	v6 =	vperm.xlane v6, v4;
	v7 =	vadd.s32 v3, v7;
	_ =	sdelay $0x1  }
0x50: {  	v6 =	vadd.s32 v3, v6;
	_ =	sdelay $0x1  }
0x51: {  	s20 =	simm.s32 $0x2200  }
0x52: {  	[tilespmem:s20], [sflag:$0x1] =	stream.indirect_vreg.gather [hbm4b:s2+s0], $0x80, v7, vm0, $0xb8;
	[tilespmem:$0xC500] =	vst v63  }
0x53: {  	s21 =	simm.s32 $0x2A00  }
0x54: {  	[tilespmem:s21], [sflag:$0x1] =	stream.indirect_vreg.gather [hbm4b:s2+s0], $0x80, v6, vm0, $0xb8;
	[tilespmem:$0xC500] =	vst v63  }
0x55: {  	v6 =	vld [tilespmem:$0x30];
	_ =	sdelay $0x4  }
0x56: {  	v7 =	vshll.u32 v6, $0x1  }
0x57: {  	v6 =	vand.u32 $0x7, v6;
	v7 =	vand.u32 $0xFFFFFFF0, v7  }
0x58: {  	v6 =	vor.u32 v6, v7  }
0x59: {  	v7 =	vperm.xlane v6, v1;
	_ =	sdelay $0x1  }
0x5a: {  	v6 =	vperm.xlane v6, v4;
	v7 =	vadd.s32 v3, v7;
	_ =	sdelay $0x1  }
0x5b: {  	v6 =	vadd.s32 v3, v6;
	_ =	sdelay $0x1  }
0x5c: {  	s18 =	simm.s32 $0x3200  }
0x5d: {  	[tilespmem:s18], [sflag:$0x1] =	stream.indirect_vreg.gather [hbm4b:s2+s0], $0x80, v7, vm0, $0xb8;
	[tilespmem:$0xC500] =	vst v63  }
0x5e: {  	s19 =	simm.s32 $0x3A00  }
0x5f: {  	[tilespmem:s19], [sflag:$0x1] =	stream.indirect_vreg.gather [hbm4b:s2+s0], $0x80, v6, vm0, $0xb8;
	[tilespmem:$0xC500] =	vst v63  }
0x60: {  	s20 =	rddreg [dreg:$0x7]  }
0x61: {  	[tilespmem:s16], [sflag:$0x3] =	stream.linear.gather [hbm4b:s20+s0], $0x2000, $0x38;
	[tilespmem:$0xC500] =	vst v63  }
0x62: {  	v6 =	vld [tilespmem:$0x40];
	_ =	sdelay $0x4  }
0x63: {  	v7 =	vshll.u32 v6, $0x1  }
0x64: {  	v6 =	vand.u32 $0x7, v6;
	v7 =	vand.u32 $0xFFFFFFF0, v7  }
0x65: {  	v6 =	vor.u32 v6, v7  }
0x66: {  	v7 =	vperm.xlane v6, v1;
	_ =	sdelay $0x1  }
0x67: {  	v6 =	vperm.xlane v6, v4;
	v7 =	vadd.s32 v3, v7;
	_ =	sdelay $0x1  }
0x68: {  	v6 =	vadd.s32 v3, v6;
	_ =	sdelay $0x2  }
0x69: {  	[tilespmem:s17], [sflag:$0x2] =	stream.indirect_vreg.gather [hbm4b:s2+s0], $0x80, v7, vm0, $0xb8;
	[tilespmem:$0xC500] =	vst v63  }
0x6a: {  	s21 =	simm.s32 $0x4A00  }
0x6b: {  	[tilespmem:s21], [sflag:$0x2] =	stream.indirect_vreg.gather [hbm4b:s2+s0], $0x80, v6, vm0, $0xb8;
	[tilespmem:$0xC500] =	vst v63  }
0x6c: {  	v6 =	vld [tilespmem:$0x50];
	_ =	sdelay $0x4  }
0x6d: {  	v7 =	vshll.u32 v6, $0x1  }
0x6e: {  	v6 =	vand.u32 $0x7, v6;
	v7 =	vand.u32 $0xFFFFFFF0, v7  }
0x6f: {  	v6 =	vor.u32 v6, v7  }
0x70: {  	v7 =	vperm.xlane v6, v1;
	_ =	sdelay $0x1  }
0x71: {  	v6 =	vperm.xlane v6, v4;
	v7 =	vadd.s32 v3, v7;
	_ =	sdelay $0x1  }
0x72: {  	v6 =	vadd.s32 v3, v6;
	_ =	sdelay $0x1  }
0x73: {  	s18 =	simm.s32 $0x5200  }
0x74: {  	[tilespmem:s18], [sflag:$0x2] =	stream.indirect_vreg.gather [hbm4b:s2+s0], $0x80, v7, vm0, $0xb8;
	[tilespmem:$0xC500] =	vst v63  }
0x75: {  	s19 =	simm.s32 $0x5A00  }
0x76: {  	[tilespmem:s19], [sflag:$0x2] =	stream.indirect_vreg.gather [hbm4b:s2+s0], $0x80, v6, vm0, $0xb8;
	[tilespmem:$0xC500] =	vst v63  }
0x77: {  	v6 =	vld [tilespmem:$0x60];
	_ =	sdelay $0x4  }
0x78: {  	v7 =	vshll.u32 v6, $0x1  }
0x79: {  	v6 =	vand.u32 $0x7, v6;
	v7 =	vand.u32 $0xFFFFFFF0, v7  }
0x7a: {  	v6 =	vor.u32 v6, v7  }
0x7b: {  	v7 =	vperm.xlane v6, v1;
	_ =	sdelay $0x1  }
0x7c: {  	v6 =	vperm.xlane v6, v4;
	v7 =	vadd.s32 v3, v7;
	_ =	sdelay $0x1  }
0x7d: {  	v6 =	vadd.s32 v3, v6;
	_ =	sdelay $0x1  }
0x7e: {  	s20 =	simm.s32 $0x6200  }
0x7f: {  	[tilespmem:s20], [sflag:$0x2] =	stream.indirect_vreg.gather [hbm4b:s2+s0], $0x80, v7, vm0, $0xb8;
	[tilespmem:$0xC500] =	vst v63  }
0x80: {  	_ = 	snop  }
0x81: {  	[tilespmem:s22], [sflag:$0x2] =	stream.indirect_vreg.gather [hbm4b:s2+s0], $0x80, v6, vm0, $0xb8;
	[tilespmem:$0xC500] =	vst v63  }
0x82: {  	v6 =	vld [tilespmem:$0x70];
	_ =	sdelay $0x4  }
0x83: {  	v7 =	vshll.u32 v6, $0x1  }
0x84: {  	v6 =	vand.u32 $0x7, v6;
	v7 =	vand.u32 $0xFFFFFFF0, v7  }
0x85: {  	v6 =	vor.u32 v6, v7  }
0x86: {  	v7 =	vperm.xlane v6, v1;
	_ =	sdelay $0x1  }
0x87: {  	v6 =	vperm.xlane v6, v4;
	v7 =	vadd.s32 v3, v7;
	_ =	sdelay $0x1  }
0x88: {  	v6 =	vadd.s32 v3, v6;
	_ =	sdelay $0x2  }
0x89: {  	[tilespmem:s23], [sflag:$0x2] =	stream.indirect_vreg.gather [hbm4b:s2+s0], $0x80, v7, vm0, $0xb8;
	[tilespmem:$0xC500] =	vst v63  }
0x8a: {  	_ = 	snop  }
0x8b: {  	[tilespmem:s24], [sflag:$0x2] =	stream.indirect_vreg.gather [hbm4b:s2+s0], $0x80, v6, vm0, $0xb8;
	[tilespmem:$0xC500] =	vst v63  }
0x8c: {  	s21 =	rddreg [dreg:$0x8]  }
0x8d: {  	[tilespmem:s25], [sflag:$0x4] =	stream.linear.gather [hbm4b:s21+s0], $0x2000, $0x38;
	[tilespmem:$0xC500] =	vst v63  }
0x8e: {  	_ =	swait.ge [sflag:s26], $0x4000  }
0x8f: {  	[sflag:s26] =	ssyncset.done $0x0  }
0x90: {  	[sflag:s26] =	ssyncadd.s32 $0xFFFFC000  }
0x91: {  	_ =	swait.ge [sflag:s28], $0x2000  }
0x92: {  	[sflag:s28] =	ssyncset.done $0x0  }
0x93: {  	s15 =	simm.s32 $0x0;
	[sflag:s28] =	ssyncadd.s32 $0xFFFFE000  }
.LBB2_2:
0x94: {  	s18 =	sshll.u32 s15, $0x4;
	s19 =	simm.s32 $0x0  }
0x95: {  	v6 =	vor.u32 s18, v0;
	v7 =	vadd.s32 s19, v0  }
0x96: {  	s21 =	simm.s32 $0x1;
	v13 =	vshll.u32 v6, $0x7;
	v8 =	vand.u32 $0x7F, v7  }
0x97: {  	v9 =	vadd.s32 s21, v0;
	v7 =	vor.u32 v13, v8  }
0x98: {  	v11 =	vand.u32 $0x7F, v9  }
0x99: {  	v9 =	vor.u32 v13, v11;
	_ =	sdelay $0x2  }
0x9a: {  	v7 =	vld.idx.msk [tilespmem:v7+s16+$0x0], $0xffff  }
0x9b: {  	s20 =	simm.s32 $0x2  }
0x9c: {  	v10 =	vadd.s32 s20, v0;
	v9 =	vld.idx.msk [tilespmem:v9+s16+$0x0], $0xffff  }
0x9d: {  	v15 =	vand.u32 $0x7F, v10  }
0x9e: {  	v10 =	vor.u32 v13, v15  }
0x9f: {  	v7 =	vmul.f32 $1.442695020e+00, v7;
	_ =	sdelay $0x1  }
0xa0: {  	s21 =	simm.s32 $0x3;
	(erf) = vpow2.f32 v7;
	v7 =	vmul.f32 $1.442695020e+00, v9  }
0xa1: {  	v9 =	vadd.s32 s21, v0  }
0xa2: {  	v12 =	vand.u32 $0x7F, v9;
	v9 =	vld.idx.msk [tilespmem:v10+s16+$0x0], $0xffff;
	(erf) = vpow2.f32 v7  }
0xa3: {  	v7 =	vor.u32 v13, v12;
	_ =	sdelay $0x3  }
0xa4: {  	v10 =	vmul.f32 $1.442695020e+00, v9  }
0xa5: {  	v14 =	vld.idx.msk [tilespmem:v7+s16+$0x0], $0xffff  }
0xa6: {  	s20 =	simm.s32 $0x4;
	v6 =	vshll.u32 v6, $0x8  }
0xa7: {  	v6 =	vand.u32 $0x3800, v6;
	v9 =	vadd.s32 s20, v0;
	v7 =	vpop (erf)  }
0xa8: {  	s21 =	simm.s32 $0x5;
	v9 =	vand.u32 $0x7F, v9;
	(erf) = vpow2.f32 v10;
	v7 =	vadd.f32 $1.000000000e+00, v7;
	v10 =	vpop (erf)  }
0xa9: {  	v17 =	vadd.s32 s21, v0;
	v16 =	vor.u32 v13, v9;
	v18 =	vadd.f32 $1.000000000e+00, v10  }
0xaa: {  	(erf) = vrcp.f32 v7;
	v10 =	vand.u32 $0x7F, v17;
	v14 =	vmul.f32 $1.442695020e+00, v14  }
0xab: {  	v7 =	vor.u32 v2, v6;
	v19 =	vor.u32 v13, v10;
	(erf) = vrcp.f32 v18  }
0xac: {  	v17 =	vor.u32 v7, v8;
	(erf) = vpow2.f32 v14  }
0xad: {  	v6 =	vor.u32 v5, v6  }
0xae: {  	v8 =	vor.u32 v6, v8  }
0xaf: {  	v23 =	vld.idx.msk [tilespmem:v16+s16+$0x0], $0xffff;
	v18 =	vor.u32 v7, v11  }
0xb0: {  	v19 =	vld.idx.msk [tilespmem:v19+s16+$0x0], $0xffff  }
0xb1: {  	s21 =	simm.s32 $0x7;
	s20 =	simm.s32 $0x6;
	v28 =	vor.u32 v6, v11;
	v26 =	vld.idx.msk [tilespmem:v17+s8+$0x0], $0xffff  }
0xb2: {  	v21 =	vimm.f32 $0.0e+00;
	v11 =	vadd.s32 s21, v0;
	v14 =	vadd.s32 s20, v0;
	v17 =	vpop (erf)  }
0xb3: {  	v11 =	vand.u32 $0x7F, v11;
	v20 =	vld.idx.msk [tilespmem:v8+s8+$0x0], $0xffff;
	v8 =	vand.u32 $0x7F, v14;
	v14 =	vor.u32 v6, v15;
	v22 =	vpop (erf)  }
0xb4: {  	v24 =	vmul.f32 $1.442695020e+00, v23;
	v16 =	vld.idx.msk [tilespmem:v18+s8+$0x0], $0xffff;
	v29 =	vadd.f32 $1.000000000e+00, v17;
	v31 =	vsub.f32 $1.000000000e+00, v22;
	v17 =	vpop (erf)  }
0xb5: {  	v23 =	vor.u32 v13, v11;
	v18 =	vor.u32 v7, v15;
	v27 =	vmul.f32 $1.442695020e+00, v19;
	v19 =	vpop (erf)  }
0xb6: {  	v25 =	vor.u32 v13, v8;
	v30 =	vsub.f32 v31, v26;
	v32 =	vadd.f32 $1.000000000e+00, v19;
	v19 =	vld.idx.msk [tilespmem:v28+s8+$0x0], $0xffff  }
0xb7: {  	v15 =	vor.u32 v7, v12;
	(erf) = vpow2.f32 v24;
	v24 =	vsub.f32 $1.000000000e+00, v17  }
0xb8: {  	(erf) = vrcp.f32 v29;
	v29 =	vsub.f32 v22, v20;
	v30 =	vmul.f32 v30, v30  }
0xb9: {  	s19 =	simm.s32 $0x8;
	v31 =	vmin.f32 v31, v26;
	v26 =	vimm.f32 $0.0e+00;
	v28 =	vsub.f32 v24, v16  }
.LBB2_3:
0xba: {  	p0 =	slt.u32 s19, $0x7E;
	v21 =	vadd.f32 v30, v21;
	v29 =	vmul.f32 v29, v29;
	v26 =	vadd.f32 v31, v26  }
0xbb: {  	v20 =	vmin.f32 v22, v20;
	v22 =	vsub.f32 v17, v19;
	(erf) = vrcp.f32 v32  }
0xbc: {  	v21 =	vadd.f32 v21, v29;
	v20 =	vadd.f32 v26, v20;
	v26 =	vmul.f32 v28, v28  }
0xbd: {  	v16 =	vmin.f32 v24, v16;
	v28 =	vld.idx.msk [tilespmem:v25+s16+$0x0], $0xffff;
	(erf) = vpow2.f32 v27;
	v27 =	vor.u32 v6, v12;
	v12 =	vmovc v10  }
0xbe: {  	v31 =	vld.idx.msk [tilespmem:v18+s8+$0x0], $0xffff;
	v18 =	vadd.f32 v26, v21;
	v21 =	vmul.f32 v22, v22;
	v16 =	vadd.f32 v16, v20  }
0xbf: {  	v17 =	vmin.f32 v17, v19;
	v10 =	vmov v11;
	v24 =	vld.idx.msk [tilespmem:v23+s16+$0x0], $0xffff  }
0xc0: {  	s20 =	sadd.s32 $0x1, s19;
	v11 =	vadd.s32 s19, v0;
	v29 =	vpop (erf);
	v20 =	vld.idx.msk [tilespmem:v14+s8+$0x0], $0xffff;
	v21 =	vadd.f32 v18, v21;
	v26 =	vadd.f32 v16, v17  }
0xc1: {  	v17 =	vand.u32 $0x7F, v11;
	v11 =	vadd.s32 s20, v0;
	v14 =	vor.u32 v6, v9;
	v16 =	vld.idx.msk [tilespmem:v15+s8+$0x0], $0xffff;
	v22 =	vpop (erf)  }
0xc2: {  	v18 =	vor.u32 v7, v9;
	v9 =	vmovc v8;
	v11 =	vand.u32 $0x7F, v11;
	v8 =	vmovc v17;
	v33 =	vsub.f32 $1.000000000e+00, v22  }
.Ltmp0:
0xc3: {  	v15 =	vor.u32 v7, v12;
	v25 =	vor.u32 v13, v8;
	v32 =	vmul.f32 $1.442695020e+00, v28;
	v19 =	vld.idx.msk [tilespmem:v27+s8+$0x0], $0xffff;
	(pc) =	sbr.rel @p0 .LBB2_3-.Ltmp0, $4  }
0xc4: {  	v29 =	vadd.f32 $1.000000000e+00, v29;
	v23 =	vor.u32 v13, v11;
	v30 =	vsub.f32 v33, v31;
	v17 =	vpop (erf)  }
0xc5: {  	v27 =	vmul.f32 $1.442695020e+00, v24;
	(erf) = vpow2.f32 v32;
	v24 =	vsub.f32 $1.000000000e+00, v17  }
0xc6: {  	(erf) = vrcp.f32 v29;
	v28 =	vpop (erf);
	v29 =	vsub.f32 v22, v20;
	v30 =	vmul.f32 v30, v30  }
0xc7: {  	s19 =	sadd.s32 $0x2, s19;
	v31 =	vmin.f32 v33, v31;
	v32 =	vadd.f32 $1.000000000e+00, v28;
	v28 =	vsub.f32 v24, v16  }
0xc8: {  	_ = 	snop  }
0xc9: {  	(erf) = vrcp.f32 v32  }
0xca: {  	(erf) = vpow2.f32 v27;
	_ =	sdelay $0x1  }
0xcb: {  	v13 =	vld.idx.msk [tilespmem:v25+s16+$0x0], $0xffff;
	_ =	sdelay $0x3  }
0xcc: {  	v21 =	vadd.f32 v30, v21;
	v49 =	vmul.f32 v29, v29;
	v23 =	vld.idx.msk [tilespmem:v23+s16+$0x0], $0xffff;
	v50 =	vpop (erf)  }
0xcd: {  	v26 =	vadd.f32 v31, v26;
	v20 =	vmin.f32 v22, v20;
	v13 =	vmul.f32 $1.442695020e+00, v13;
	v51 =	vpop (erf)  }
0xce: {  	v52 =	vsub.f32 v17, v19;
	v12 =	vor.u32 v6, v12;
	v16 =	vmin.f32 v24, v16;
	v53 =	vpop (erf)  }
0xcf: {  	v59 =	vmin.f32 v17, v19;
	v27 =	vadd.f32 $1.000000000e+00, v50;
	(erf) = vpow2.f32 v13;
	v55 =	vpop (erf)  }
0xd0: {  	v61 =	vor.u32 v7, v9;
	v29 =	vor.u32 v7, v10;
	v56 =	vadd.f32 $1.000000000e+00, v55  }
0xd1: {  	v18 =	vld.idx.msk [tilespmem:v18+s8+$0x0], $0xffff;
	v36 =	vor.u32 v6, v10;
	v23 =	vmul.f32 $1.442695020e+00, v23;
	(erf) = vrcp.f32 v27  }
0xd2: {  	v42 =	vor.u32 v7, v8;
	v20 =	vadd.f32 v26, v20;
	(erf) = vrcp.f32 v56  }
0xd3: {  	v14 =	vld.idx.msk [tilespmem:v14+s8+$0x0], $0xffff;
	v54 =	vmul.f32 v28, v28;
	v21 =	vadd.f32 v21, v49;
	(erf) = vpow2.f32 v23  }
0xd4: {  	v15 =	vld.idx.msk [tilespmem:v15+s8+$0x0], $0xffff;
	v44 =	vor.u32 v6, v8;
	v16 =	vadd.f32 v16, v20;
	v57 =	vsub.f32 $1.000000000e+00, v51  }
0xd5: {  	v7 =	vor.u32 v7, v11;
	v58 =	vmul.f32 v52, v52;
	v21 =	vadd.f32 v54, v21  }
0xd6: {  	v28 =	vor.u32 v6, v9;
	v12 =	vld.idx.msk [tilespmem:v12+s8+$0x0], $0xffff;
	v16 =	vadd.f32 v16, v59;
	v60 =	vsub.f32 v57, v18  }
0xd7: {  	v13 =	vadd.f32 v21, v58;
	v18 =	vmin.f32 v57, v18;
	v62 =	vsub.f32 $1.000000000e+00, v53  }
0xd8: {  	v63 =	vsub.f32 v51, v14;
	v16 =	vadd.f32 v18, v16;
	v19 =	vmul.f32 v60, v60;
	v32 =	vpop (erf)  }
0xd9: {  	v14 =	vmin.f32 v51, v14;
	v30 =	vsub.f32 v62, v15;
	v18 =	vadd.f32 $1.000000000e+00, v32  }
0xda: {  	v17 =	vld.idx.msk [tilespmem:v61+s8+$0x0], $0xffff;
	v31 =	vmul.f32 v63, v63;
	v14 =	vadd.f32 v16, v14;
	v13 =	vadd.f32 v19, v13;
	v34 =	vpop (erf)  }
0xdb: {  	v9 =	vld.idx.msk [tilespmem:v28+s8+$0x0], $0xffff;
	v35 =	vsub.f32 v53, v12;
	v15 =	vmin.f32 v62, v15;
	(erf) = vrcp.f32 v18;
	v37 =	vpop (erf)  }
0xdc: {  	v33 =	vmul.f32 v30, v30;
	v14 =	vadd.f32 v15, v14;
	v13 =	vadd.f32 v13, v31;
	v38 =	vpop (erf)  }
0xdd: {  	v12 =	vmin.f32 v53, v12;
	v40 =	vsub.f32 $1.000000000e+00, v34;
	v16 =	vadd.f32 $1.000000000e+00, v38  }
0xde: {  	v39 =	vld.idx.msk [tilespmem:v29+s8+$0x0], $0xffff;
	v41 =	vmul.f32 v35, v35;
	v12 =	vadd.f32 v14, v12;
	v13 =	vadd.f32 v33, v13  }
0xdf: {  	v10 =	vld.idx.msk [tilespmem:v36+s8+$0x0], $0xffff;
	v43 =	vsub.f32 v40, v17;
	v47 =	vmin.f32 v40, v17;
	(erf) = vrcp.f32 v16  }
0xe0: {  	v46 =	vsub.f32 v34, v9;
	v9 =	vmin.f32 v34, v9;
	v12 =	vadd.f32 v47, v12  }
0xe1: {  	v13 =	vadd.f32 v13, v41;
	v22 =	vmul.f32 v43, v43;
	v45 =	vsub.f32 $1.000000000e+00, v37  }
0xe2: {  	v6 =	vor.u32 v6, v11;
	v50 =	vld.idx.msk [tilespmem:v42+s8+$0x0], $0xffff;
	v49 =	vmul.f32 v46, v46;
	v9 =	vadd.f32 v12, v9  }
0xe3: {  	v8 =	vld.idx.msk [tilespmem:v44+s8+$0x0], $0xffff;
	v13 =	vadd.f32 v22, v13;
	v48 =	vsub.f32 v45, v39;
	v16 =	vmin.f32 v45, v39  }
0xe4: {  	v51 =	vsub.f32 v37, v10;
	v10 =	vmin.f32 v37, v10;
	v53 =	vpop (erf);
	v9 =	vadd.f32 v16, v9  }
0xe5: {  	v13 =	vadd.f32 v13, v49;
	v52 =	vmul.f32 v48, v48;
	v54 =	vsub.f32 $1.000000000e+00, v53  }
0xe6: {  	v7 =	vld.idx.msk [tilespmem:v7+s8+$0x0], $0xffff;
	v14 =	vmul.f32 v51, v51;
	v9 =	vadd.f32 v9, v10  }
0xe7: {  	v6 =	vld.idx.msk [tilespmem:v6+s8+$0x0], $0xffff;
	v13 =	vadd.f32 v52, v13;
	v55 =	vsub.f32 v54, v50;
	v11 =	vmin.f32 v54, v50  }
0xe8: {  	v58 =	vsub.f32 v53, v8;
	v8 =	vmin.f32 v53, v8;
	v9 =	vadd.f32 v11, v9;
	v56 =	vpop (erf)  }
0xe9: {  	v13 =	vadd.f32 v13, v14;
	v15 =	vmul.f32 v55, v55;
	v57 =	vsub.f32 $1.000000000e+00, v56  }
0xea: {  	v10 =	vmul.f32 v58, v58;
	v8 =	vadd.f32 v9, v8  }
0xeb: {  	v13 =	vadd.f32 v15, v13;
	v59 =	vsub.f32 v57, v7;
	v7 =	vmin.f32 v57, v7  }
0xec: {  	v60 =	vsub.f32 v56, v6;
	v7 =	vadd.f32 v7, v8  }
0xed: {  	s15 =	sadd.s32 $0x1, s15;
	v10 =	vadd.f32 v13, v10;
	v6 =	vmin.f32 v56, v6;
	v61 =	vmul.f32 v59, v59  }
0xee: {  	p0 =	sne.s32 s15, $0x4;
	v6 =	vadd.f32 v7, v6  }
.Ltmp1:
0xef: {  	v62 =	vmul.f32 v60, v60;
	v9 =	vadd.f32 v61, v10;
	(pc) =	sbr.rel @p0 .LBB2_2-.Ltmp1, $4  }
0xf0: {  	v7 =	vmul.f32 $7.812500000e-03, v6  }
0xf1: {  	[tilespmem:s18+$0xC300] =	vst v6;
	v63 =	vadd.f32 v9, v62  }
0xf2: {  	[tilespmem:s18+$0xC400] =	vst v7  }
0xf3: {  	[tilespmem:s18+$0xC200] =	vst v63  }
0xf4: {  	s15 =	simm.s32 $0x0;
	s18 =	rddreg [dreg:$0x9]  }
0xf5: {  	[hbm4b:s18+s15] =	stream.linear.scatter [tilespmem:s29], [sflag:$0x5], $0x40, $0x38;
	[tilespmem:$0xC500] =	vst v63  }
0xf6: {  	s21 =	rddreg [dreg:$0xa]  }
0xf7: {  	[hbm4b:s21+s15] =	stream.linear.scatter [tilespmem:s30], [sflag:$0x7], $0x40, $0x38;
	[tilespmem:$0xC500] =	vst v63  }
0xf8: {  	s19 =	rddreg [dreg:$0xb]  }
0xf9: {  	[hbm4b:s19+s15] =	stream.linear.scatter [tilespmem:s31], [sflag:$0x9], $0x40, $0x38;
	[tilespmem:$0xC500] =	vst v63  }
0xfa: {  	v6 =	vld [tilespmem:$0x80];
	_ =	sdelay $0x4  }
0xfb: {  	v7 =	vshll.u32 v6, $0x1  }
0xfc: {  	v6 =	vand.u32 $0x7, v6;
	v7 =	vand.u32 $0xFFFFFFF0, v7  }
0xfd: {  	v6 =	vor.u32 v6, v7  }
0xfe: {  	v7 =	vperm.xlane v6, v1;
	_ =	sdelay $0x1  }
0xff: {  	v6 =	vperm.xlane v6, v4;
	v7 =	vadd.s32 v3, v7;
	_ =	sdelay $0x1  }
0x100: {  	v6 =	vadd.s32 v3, v6;
	_ =	sdelay $0x2  }
0x101: {  	[tilespmem:s8], [sflag:$0x1] =	stream.indirect_vreg.gather [hbm4b:s2+s15], $0x80, v7, vm0, $0xb8;
	[tilespmem:$0xC500] =	vst v63  }
0x102: {  	s20 =	simm.s32 $0xA00  }
0x103: {  	[tilespmem:s20], [sflag:$0x1] =	stream.indirect_vreg.gather [hbm4b:s2+s15], $0x80, v6, vm0, $0xb8;
	[tilespmem:$0xC500] =	vst v63  }
0x104: {  	v6 =	vld [tilespmem:$0x90];
	_ =	sdelay $0x4  }
0x105: {  	v7 =	vshll.u32 v6, $0x1  }
0x106: {  	v6 =	vand.u32 $0x7, v6;
	v7 =	vand.u32 $0xFFFFFFF0, v7  }
0x107: {  	v6 =	vor.u32 v6, v7  }
0x108: {  	v7 =	vperm.xlane v6, v1;
	_ =	sdelay $0x1  }
0x109: {  	v6 =	vperm.xlane v6, v4;
	v7 =	vadd.s32 v3, v7;
	_ =	sdelay $0x1  }
0x10a: {  	v6 =	vadd.s32 v3, v6;
	_ =	sdelay $0x1  }
0x10b: {  	s21 =	simm.s32 $0x1200  }
0x10c: {  	[tilespmem:s21], [sflag:$0x1] =	stream.indirect_vreg.gather [hbm4b:s2+s15], $0x80, v7, vm0, $0xb8;
	[tilespmem:$0xC500] =	vst v63  }
0x10d: {  	s19 =	simm.s32 $0x1A00  }
0x10e: {  	[tilespmem:s19], [sflag:$0x1] =	stream.indirect_vreg.gather [hbm4b:s2+s15], $0x80, v6, vm0, $0xb8;
	[tilespmem:$0xC500] =	vst v63  }
0x10f: {  	v6 =	vld [tilespmem:$0xA0];
	_ =	sdelay $0x4  }
0x110: {  	v7 =	vshll.u32 v6, $0x1  }
0x111: {  	v6 =	vand.u32 $0x7, v6;
	v7 =	vand.u32 $0xFFFFFFF0, v7  }
0x112: {  	v6 =	vor.u32 v6, v7  }
0x113: {  	v7 =	vperm.xlane v6, v1;
	_ =	sdelay $0x1  }
0x114: {  	v6 =	vperm.xlane v6, v4;
	v7 =	vadd.s32 v3, v7;
	_ =	sdelay $0x1  }
0x115: {  	v6 =	vadd.s32 v3, v6;
	_ =	sdelay $0x1  }
0x116: {  	s20 =	simm.s32 $0x2200  }
0x117: {  	[tilespmem:s20], [sflag:$0x1] =	stream.indirect_vreg.gather [hbm4b:s2+s15], $0x80, v7, vm0, $0xb8;
	[tilespmem:$0xC500] =	vst v63  }
0x118: {  	s21 =	simm.s32 $0x2A00  }
0x119: {  	[tilespmem:s21], [sflag:$0x1] =	stream.indirect_vreg.gather [hbm4b:s2+s15], $0x80, v6, vm0, $0xb8;
	[tilespmem:$0xC500] =	vst v63  }
0x11a: {  	v6 =	vld [tilespmem:$0xB0];
	_ =	sdelay $0x4  }
0x11b: {  	v7 =	vshll.u32 v6, $0x1  }
0x11c: {  	v6 =	vand.u32 $0x7, v6;
	v7 =	vand.u32 $0xFFFFFFF0, v7  }
0x11d: {  	v6 =	vor.u32 v6, v7  }
0x11e: {  	v7 =	vperm.xlane v6, v1;
	_ =	sdelay $0x1  }
0x11f: {  	v6 =	vperm.xlane v6, v4;
	v7 =	vadd.s32 v3, v7;
	_ =	sdelay $0x1  }
0x120: {  	v6 =	vadd.s32 v3, v6;
	_ =	sdelay $0x1  }
0x121: {  	s19 =	simm.s32 $0x3200  }
0x122: {  	[tilespmem:s19], [sflag:$0x1] =	stream.indirect_vreg.gather [hbm4b:s2+s15], $0x80, v7, vm0, $0xb8;
	[tilespmem:$0xC500] =	vst v63  }
0x123: {  	s20 =	simm.s32 $0x3A00  }
0x124: {  	[tilespmem:s20], [sflag:$0x1] =	stream.indirect_vreg.gather [hbm4b:s2+s15], $0x80, v6, vm0, $0xb8;
	[tilespmem:$0xC500] =	vst v63  }
0x125: {  	s21 =	rddreg [dreg:$0xc]  }
0x126: {  	[tilespmem:s16], [sflag:$0x3] =	stream.linear.gather [hbm4b:s21+s15], $0x2000, $0x38;
	[tilespmem:$0xC500] =	vst v63  }
0x127: {  	_ =	swait.ge [sflag:s1], $0x4000  }
0x128: {  	[sflag:s1] =	ssyncset.done $0x0  }
0x129: {  	[sflag:s1] =	ssyncadd.s32 $0xFFFFC000  }
0x12a: {  	_ =	swait.ge [sflag:s3], $0x2000  }
0x12b: {  	[sflag:s3] =	ssyncset.done $0x0  }
0x12c: {  	s18 =	simm.s32 $0x0;
	[sflag:s3] =	ssyncadd.s32 $0xFFFFE000  }
.LBB2_6:
0x12d: {  	s19 =	sshll.u32 s18, $0x4  }
0x12e: {  	v7 =	vadd.s32 s15, v0;
	v6 =	vor.u32 s19, v0  }
0x12f: {  	s20 =	simm.s32 $0x1;
	v8 =	vand.u32 $0x7F, v7;
	v13 =	vshll.u32 v6, $0x7  }
0x130: {  	v9 =	vadd.s32 s20, v0;
	v7 =	vor.u32 v13, v8  }
0x131: {  	v11 =	vand.u32 $0x7F, v9  }
0x132: {  	v9 =	vor.u32 v13, v11;
	_ =	sdelay $0x2  }
0x133: {  	v7 =	vld.idx.msk [tilespmem:v7+s25+$0x0], $0xffff  }
0x134: {  	s21 =	simm.s32 $0x2  }
0x135: {  	v10 =	vadd.s32 s21, v0;
	v9 =	vld.idx.msk [tilespmem:v9+s25+$0x0], $0xffff  }
0x136: {  	v15 =	vand.u32 $0x7F, v10  }
0x137: {  	v10 =	vor.u32 v13, v15  }
0x138: {  	v7 =	vmul.f32 $1.442695020e+00, v7;
	_ =	sdelay $0x1  }
0x139: {  	s21 =	simm.s32 $0x3;
	(erf) = vpow2.f32 v7;
	v7 =	vmul.f32 $1.442695020e+00, v9  }
0x13a: {  	v9 =	vadd.s32 s21, v0  }
0x13b: {  	v12 =	vand.u32 $0x7F, v9;
	v9 =	vld.idx.msk [tilespmem:v10+s25+$0x0], $0xffff;
	(erf) = vpow2.f32 v7  }
0x13c: {  	v7 =	vor.u32 v13, v12;
	_ =	sdelay $0x3  }
0x13d: {  	v10 =	vmul.f32 $1.442695020e+00, v9  }
0x13e: {  	v14 =	vld.idx.msk [tilespmem:v7+s25+$0x0], $0xffff  }
0x13f: {  	v6 =	vshll.u32 v6, $0x8;
	s21 =	simm.s32 $0x4  }
0x140: {  	v6 =	vand.u32 $0x3800, v6;
	v9 =	vadd.s32 s21, v0;
	v7 =	vpop (erf)  }
0x141: {  	s21 =	simm.s32 $0x5;
	v9 =	vand.u32 $0x7F, v9;
	(erf) = vpow2.f32 v10;
	v7 =	vadd.f32 $1.000000000e+00, v7;
	v10 =	vpop (erf)  }
0x142: {  	v17 =	vadd.s32 s21, v0;
	v16 =	vor.u32 v13, v9;
	v18 =	vadd.f32 $1.000000000e+00, v10  }
0x143: {  	(erf) = vrcp.f32 v7;
	v10 =	vand.u32 $0x7F, v17;
	v14 =	vmul.f32 $1.442695020e+00, v14  }
0x144: {  	v7 =	vor.u32 v2, v6;
	v19 =	vor.u32 v13, v10;
	(erf) = vrcp.f32 v18  }
0x145: {  	v17 =	vor.u32 v7, v8;
	(erf) = vpow2.f32 v14  }
0x146: {  	v6 =	vor.u32 v5, v6  }
0x147: {  	v8 =	vor.u32 v6, v8  }
0x148: {  	v23 =	vld.idx.msk [tilespmem:v16+s25+$0x0], $0xffff;
	v18 =	vor.u32 v7, v11  }
0x149: {  	s21 =	simm.s32 $0x6;
	v19 =	vld.idx.msk [tilespmem:v19+s25+$0x0], $0xffff  }
0x14a: {  	v28 =	vor.u32 v6, v11;
	v14 =	vadd.s32 s21, v0;
	s21 =	simm.s32 $0x7;
	v26 =	vld.idx.msk [tilespmem:v17+s17+$0x0], $0xffff  }
0x14b: {  	v21 =	vimm.f32 $0.0e+00;
	v11 =	vadd.s32 s21, v0;
	v17 =	vpop (erf)  }
0x14c: {  	v11 =	vand.u32 $0x7F, v11;
	v20 =	vld.idx.msk [tilespmem:v8+s17+$0x0], $0xffff;
	v8 =	vand.u32 $0x7F, v14;
	v14 =	vor.u32 v6, v15;
	v22 =	vpop (erf)  }
0x14d: {  	v24 =	vmul.f32 $1.442695020e+00, v23;
	v16 =	vld.idx.msk [tilespmem:v18+s17+$0x0], $0xffff;
	v29 =	vadd.f32 $1.000000000e+00, v17;
	v31 =	vsub.f32 $1.000000000e+00, v22;
	v17 =	vpop (erf)  }
0x14e: {  	v23 =	vor.u32 v13, v11;
	v18 =	vor.u32 v7, v15;
	v27 =	vmul.f32 $1.442695020e+00, v19;
	v19 =	vpop (erf)  }
0x14f: {  	v25 =	vor.u32 v13, v8;
	v30 =	vsub.f32 v31, v26;
	v32 =	vadd.f32 $1.000000000e+00, v19;
	v19 =	vld.idx.msk [tilespmem:v28+s17+$0x0], $0xffff  }
0x150: {  	v15 =	vor.u32 v7, v12;
	(erf) = vpow2.f32 v24;
	v24 =	vsub.f32 $1.000000000e+00, v17  }
0x151: {  	(erf) = vrcp.f32 v29;
	v29 =	vsub.f32 v22, v20;
	v30 =	vmul.f32 v30, v30  }
0x152: {  	s20 =	simm.s32 $0x8;
	v31 =	vmin.f32 v31, v26;
	v26 =	vimm.f32 $0.0e+00;
	v28 =	vsub.f32 v24, v16  }
.LBB2_7:
0x153: {  	p0 =	slt.u32 s20, $0x7E;
	v21 =	vadd.f32 v30, v21;
	v29 =	vmul.f32 v29, v29;
	v26 =	vadd.f32 v31, v26  }
0x154: {  	v20 =	vmin.f32 v22, v20;
	v22 =	vsub.f32 v17, v19;
	(erf) = vrcp.f32 v32  }
0x155: {  	v21 =	vadd.f32 v21, v29;
	v20 =	vadd.f32 v26, v20;
	v26 =	vmul.f32 v28, v28  }
0x156: {  	v16 =	vmin.f32 v24, v16;
	v28 =	vld.idx.msk [tilespmem:v25+s25+$0x0], $0xffff;
	(erf) = vpow2.f32 v27;
	v27 =	vor.u32 v6, v12;
	v12 =	vmovc v10  }
0x157: {  	v31 =	vld.idx.msk [tilespmem:v18+s17+$0x0], $0xffff;
	v18 =	vadd.f32 v26, v21;
	v21 =	vmul.f32 v22, v22;
	v16 =	vadd.f32 v16, v20  }
0x158: {  	v17 =	vmin.f32 v17, v19;
	v10 =	vmov v11;
	v24 =	vld.idx.msk [tilespmem:v23+s25+$0x0], $0xffff  }
0x159: {  	s21 =	sadd.s32 $0x1, s20;
	v11 =	vadd.s32 s20, v0;
	v29 =	vpop (erf);
	v20 =	vld.idx.msk [tilespmem:v14+s17+$0x0], $0xffff;
	v21 =	vadd.f32 v18, v21;
	v26 =	vadd.f32 v16, v17  }
0x15a: {  	v17 =	vand.u32 $0x7F, v11;
	v11 =	vadd.s32 s21, v0;
	v14 =	vor.u32 v6, v9;
	v16 =	vld.idx.msk [tilespmem:v15+s17+$0x0], $0xffff;
	v22 =	vpop (erf)  }
0x15b: {  	v18 =	vor.u32 v7, v9;
	v9 =	vmovc v8;
	v11 =	vand.u32 $0x7F, v11;
	v8 =	vmovc v17;
	v33 =	vsub.f32 $1.000000000e+00, v22  }
.Ltmp2:
0x15c: {  	v15 =	vor.u32 v7, v12;
	v25 =	vor.u32 v13, v8;
	v32 =	vmul.f32 $1.442695020e+00, v28;
	v19 =	vld.idx.msk [tilespmem:v27+s17+$0x0], $0xffff;
	(pc) =	sbr.rel @p0 .LBB2_7-.Ltmp2, $4  }
0x15d: {  	v29 =	vadd.f32 $1.000000000e+00, v29;
	v23 =	vor.u32 v13, v11;
	v30 =	vsub.f32 v33, v31;
	v17 =	vpop (erf)  }
0x15e: {  	v27 =	vmul.f32 $1.442695020e+00, v24;
	(erf) = vpow2.f32 v32;
	v24 =	vsub.f32 $1.000000000e+00, v17  }
0x15f: {  	(erf) = vrcp.f32 v29;
	v28 =	vpop (erf);
	v29 =	vsub.f32 v22, v20;
	v30 =	vmul.f32 v30, v30  }
0x160: {  	s20 =	sadd.s32 $0x2, s20;
	v31 =	vmin.f32 v33, v31;
	v32 =	vadd.f32 $1.000000000e+00, v28;
	v28 =	vsub.f32 v24, v16  }
0x161: {  	_ = 	snop  }
0x162: {  	(erf) = vrcp.f32 v32  }
0x163: {  	(erf) = vpow2.f32 v27;
	_ =	sdelay $0x1  }
0x164: {  	v13 =	vld.idx.msk [tilespmem:v25+s25+$0x0], $0xffff;
	_ =	sdelay $0x3  }
0x165: {  	v21 =	vadd.f32 v30, v21;
	v49 =	vmul.f32 v29, v29;
	v23 =	vld.idx.msk [tilespmem:v23+s25+$0x0], $0xffff;
	v50 =	vpop (erf)  }
0x166: {  	v26 =	vadd.f32 v31, v26;
	v20 =	vmin.f32 v22, v20;
	v13 =	vmul.f32 $1.442695020e+00, v13;
	v51 =	vpop (erf)  }
0x167: {  	v52 =	vsub.f32 v17, v19;
	v12 =	vor.u32 v6, v12;
	v16 =	vmin.f32 v24, v16;
	v53 =	vpop (erf)  }
0x168: {  	v59 =	vmin.f32 v17, v19;
	v27 =	vadd.f32 $1.000000000e+00, v50;
	(erf) = vpow2.f32 v13;
	v55 =	vpop (erf)  }
0x169: {  	v61 =	vor.u32 v7, v9;
	v29 =	vor.u32 v7, v10;
	v56 =	vadd.f32 $1.000000000e+00, v55  }
0x16a: {  	v18 =	vld.idx.msk [tilespmem:v18+s17+$0x0], $0xffff;
	v36 =	vor.u32 v6, v10;
	v23 =	vmul.f32 $1.442695020e+00, v23;
	(erf) = vrcp.f32 v27  }
0x16b: {  	v42 =	vor.u32 v7, v8;
	v20 =	vadd.f32 v26, v20;
	(erf) = vrcp.f32 v56  }
0x16c: {  	v14 =	vld.idx.msk [tilespmem:v14+s17+$0x0], $0xffff;
	v54 =	vmul.f32 v28, v28;
	v21 =	vadd.f32 v21, v49;
	(erf) = vpow2.f32 v23  }
0x16d: {  	v15 =	vld.idx.msk [tilespmem:v15+s17+$0x0], $0xffff;
	v44 =	vor.u32 v6, v8;
	v16 =	vadd.f32 v16, v20;
	v57 =	vsub.f32 $1.000000000e+00, v51  }
0x16e: {  	v7 =	vor.u32 v7, v11;
	v58 =	vmul.f32 v52, v52;
	v21 =	vadd.f32 v54, v21  }
0x16f: {  	v28 =	vor.u32 v6, v9;
	v12 =	vld.idx.msk [tilespmem:v12+s17+$0x0], $0xffff;
	v16 =	vadd.f32 v16, v59;
	v60 =	vsub.f32 v57, v18  }
0x170: {  	v13 =	vadd.f32 v21, v58;
	v18 =	vmin.f32 v57, v18;
	v62 =	vsub.f32 $1.000000000e+00, v53  }
0x171: {  	v63 =	vsub.f32 v51, v14;
	v16 =	vadd.f32 v18, v16;
	v19 =	vmul.f32 v60, v60;
	v32 =	vpop (erf)  }
0x172: {  	v14 =	vmin.f32 v51, v14;
	v30 =	vsub.f32 v62, v15;
	v18 =	vadd.f32 $1.000000000e+00, v32  }
0x173: {  	v17 =	vld.idx.msk [tilespmem:v61+s17+$0x0], $0xffff;
	v31 =	vmul.f32 v63, v63;
	v14 =	vadd.f32 v16, v14;
	v13 =	vadd.f32 v19, v13;
	v34 =	vpop (erf)  }
0x174: {  	v9 =	vld.idx.msk [tilespmem:v28+s17+$0x0], $0xffff;
	v35 =	vsub.f32 v53, v12;
	v15 =	vmin.f32 v62, v15;
	(erf) = vrcp.f32 v18;
	v37 =	vpop (erf)  }
0x175: {  	v33 =	vmul.f32 v30, v30;
	v14 =	vadd.f32 v15, v14;
	v13 =	vadd.f32 v13, v31;
	v38 =	vpop (erf)  }
0x176: {  	v12 =	vmin.f32 v53, v12;
	v40 =	vsub.f32 $1.000000000e+00, v34;
	v16 =	vadd.f32 $1.000000000e+00, v38  }
0x177: {  	v39 =	vld.idx.msk [tilespmem:v29+s17+$0x0], $0xffff;
	v41 =	vmul.f32 v35, v35;
	v12 =	vadd.f32 v14, v12;
	v13 =	vadd.f32 v33, v13  }
0x178: {  	v10 =	vld.idx.msk [tilespmem:v36+s17+$0x0], $0xffff;
	v43 =	vsub.f32 v40, v17;
	v47 =	vmin.f32 v40, v17;
	(erf) = vrcp.f32 v16  }
0x179: {  	v46 =	vsub.f32 v34, v9;
	v9 =	vmin.f32 v34, v9;
	v12 =	vadd.f32 v47, v12  }
0x17a: {  	v13 =	vadd.f32 v13, v41;
	v22 =	vmul.f32 v43, v43;
	v45 =	vsub.f32 $1.000000000e+00, v37  }
0x17b: {  	v6 =	vor.u32 v6, v11;
	v50 =	vld.idx.msk [tilespmem:v42+s17+$0x0], $0xffff;
	v49 =	vmul.f32 v46, v46;
	v9 =	vadd.f32 v12, v9  }
0x17c: {  	v8 =	vld.idx.msk [tilespmem:v44+s17+$0x0], $0xffff;
	v13 =	vadd.f32 v22, v13;
	v48 =	vsub.f32 v45, v39;
	v16 =	vmin.f32 v45, v39  }
0x17d: {  	v51 =	vsub.f32 v37, v10;
	v10 =	vmin.f32 v37, v10;
	v53 =	vpop (erf);
	v9 =	vadd.f32 v16, v9  }
0x17e: {  	v13 =	vadd.f32 v13, v49;
	v52 =	vmul.f32 v48, v48;
	v54 =	vsub.f32 $1.000000000e+00, v53  }
0x17f: {  	v7 =	vld.idx.msk [tilespmem:v7+s17+$0x0], $0xffff;
	v14 =	vmul.f32 v51, v51;
	v9 =	vadd.f32 v9, v10  }
0x180: {  	v6 =	vld.idx.msk [tilespmem:v6+s17+$0x0], $0xffff;
	v13 =	vadd.f32 v52, v13;
	v55 =	vsub.f32 v54, v50;
	v11 =	vmin.f32 v54, v50  }
0x181: {  	v58 =	vsub.f32 v53, v8;
	v8 =	vmin.f32 v53, v8;
	v9 =	vadd.f32 v11, v9;
	v56 =	vpop (erf)  }
0x182: {  	v13 =	vadd.f32 v13, v14;
	v15 =	vmul.f32 v55, v55;
	v57 =	vsub.f32 $1.000000000e+00, v56  }
0x183: {  	v10 =	vmul.f32 v58, v58;
	v8 =	vadd.f32 v9, v8  }
0x184: {  	v13 =	vadd.f32 v15, v13;
	v59 =	vsub.f32 v57, v7;
	v7 =	vmin.f32 v57, v7  }
0x185: {  	v60 =	vsub.f32 v56, v6;
	v7 =	vadd.f32 v7, v8  }
0x186: {  	s18 =	sadd.s32 $0x1, s18;
	v10 =	vadd.f32 v13, v10;
	v6 =	vmin.f32 v56, v6;
	v61 =	vmul.f32 v59, v59  }
0x187: {  	p0 =	sne.s32 s18, $0x4;
	v6 =	vadd.f32 v7, v6  }
.Ltmp3:
0x188: {  	v62 =	vmul.f32 v60, v60;
	v9 =	vadd.f32 v61, v10;
	(pc) =	sbr.rel @p0 .LBB2_6-.Ltmp3, $4  }
0x189: {  	v7 =	vmul.f32 $7.812500000e-03, v6  }
0x18a: {  	[tilespmem:s19+$0xC380] =	vst v6;
	v63 =	vadd.f32 v9, v62  }
0x18b: {  	[tilespmem:s19+$0xC480] =	vst v7  }
0x18c: {  	[tilespmem:s19+$0xC280] =	vst v63  }
0x18d: {  	s15 =	simm.s32 $0x0;
	s18 =	rddreg [dreg:$0x12]  }
0x18e: {  	[hbm4b:s18+s15] =	stream.linear.scatter [tilespmem:s4], [sflag:$0x6], $0x40, $0x38;
	[tilespmem:$0xC500] =	vst v63  }
0x18f: {  	s21 =	rddreg [dreg:$0x13]  }
0x190: {  	[hbm4b:s21+s15] =	stream.linear.scatter [tilespmem:s5], [sflag:$0x8], $0x40, $0x38;
	[tilespmem:$0xC500] =	vst v63  }
0x191: {  	s19 =	rddreg [dreg:$0x14]  }
0x192: {  	[hbm4b:s19+s15] =	stream.linear.scatter [tilespmem:s6], [sflag:$0xA], $0x40, $0x38;
	[tilespmem:$0xC500] =	vst v63  }
0x193: {  	v6 =	vld [tilespmem:$0xC0];
	_ =	sdelay $0x4  }
0x194: {  	v7 =	vshll.u32 v6, $0x1  }
0x195: {  	v6 =	vand.u32 $0x7, v6;
	v7 =	vand.u32 $0xFFFFFFF0, v7  }
0x196: {  	v6 =	vor.u32 v6, v7  }
0x197: {  	v7 =	vperm.xlane v6, v1;
	_ =	sdelay $0x1  }
0x198: {  	v6 =	vperm.xlane v6, v4;
	v7 =	vadd.s32 v3, v7;
	_ =	sdelay $0x1  }
0x199: {  	v6 =	vadd.s32 v3, v6;
	_ =	sdelay $0x2  }
0x19a: {  	[tilespmem:s17], [sflag:$0x2] =	stream.indirect_vreg.gather [hbm4b:s2+s15], $0x80, v7, vm0, $0xb8;
	[tilespmem:$0xC500] =	vst v63  }
0x19b: {  	s20 =	simm.s32 $0x4A00  }
0x19c: {  	[tilespmem:s20], [sflag:$0x2] =	stream.indirect_vreg.gather [hbm4b:s2+s15], $0x80, v6, vm0, $0xb8;
	[tilespmem:$0xC500] =	vst v63  }
0x19d: {  	v6 =	vld [tilespmem:$0xD0];
	_ =	sdelay $0x4  }
0x19e: {  	v7 =	vshll.u32 v6, $0x1  }
0x19f: {  	v6 =	vand.u32 $0x7, v6;
	v7 =	vand.u32 $0xFFFFFFF0, v7  }
0x1a0: {  	v6 =	vor.u32 v6, v7  }
0x1a1: {  	v7 =	vperm.xlane v6, v1;
	_ =	sdelay $0x1  }
0x1a2: {  	v6 =	vperm.xlane v6, v4;
	v7 =	vadd.s32 v3, v7;
	_ =	sdelay $0x1  }
0x1a3: {  	v6 =	vadd.s32 v3, v6;
	_ =	sdelay $0x1  }
0x1a4: {  	s21 =	simm.s32 $0x5200  }
0x1a5: {  	[tilespmem:s21], [sflag:$0x2] =	stream.indirect_vreg.gather [hbm4b:s2+s15], $0x80, v7, vm0, $0xb8;
	[tilespmem:$0xC500] =	vst v63  }
0x1a6: {  	s19 =	simm.s32 $0x5A00  }
0x1a7: {  	[tilespmem:s19], [sflag:$0x2] =	stream.indirect_vreg.gather [hbm4b:s2+s15], $0x80, v6, vm0, $0xb8;
	[tilespmem:$0xC500] =	vst v63  }
0x1a8: {  	v6 =	vld [tilespmem:$0xE0];
	_ =	sdelay $0x4  }
0x1a9: {  	v7 =	vshll.u32 v6, $0x1  }
0x1aa: {  	v6 =	vand.u32 $0x7, v6;
	v7 =	vand.u32 $0xFFFFFFF0, v7  }
0x1ab: {  	v6 =	vor.u32 v6, v7  }
0x1ac: {  	v7 =	vperm.xlane v6, v1;
	_ =	sdelay $0x1  }
0x1ad: {  	v6 =	vperm.xlane v6, v4;
	v7 =	vadd.s32 v3, v7;
	_ =	sdelay $0x1  }
0x1ae: {  	v6 =	vadd.s32 v3, v6;
	_ =	sdelay $0x1  }
0x1af: {  	s20 =	simm.s32 $0x6200  }
0x1b0: {  	[tilespmem:s20], [sflag:$0x2] =	stream.indirect_vreg.gather [hbm4b:s2+s15], $0x80, v7, vm0, $0xb8;
	[tilespmem:$0xC500] =	vst v63  }
0x1b1: {  	_ = 	snop  }
0x1b2: {  	[tilespmem:s22], [sflag:$0x2] =	stream.indirect_vreg.gather [hbm4b:s2+s15], $0x80, v6, vm0, $0xb8;
	[tilespmem:$0xC500] =	vst v63  }
0x1b3: {  	v6 =	vld [tilespmem:$0xF0];
	_ =	sdelay $0x4  }
0x1b4: {  	v7 =	vshll.u32 v6, $0x1  }
0x1b5: {  	v6 =	vand.u32 $0x7, v6;
	v7 =	vand.u32 $0xFFFFFFF0, v7  }
0x1b6: {  	v6 =	vor.u32 v6, v7  }
0x1b7: {  	v7 =	vperm.xlane v6, v1;
	_ =	sdelay $0x1  }
0x1b8: {  	v6 =	vperm.xlane v6, v4;
	v7 =	vadd.s32 v3, v7;
	_ =	sdelay $0x1  }
0x1b9: {  	v6 =	vadd.s32 v3, v6;
	_ =	sdelay $0x2  }
0x1ba: {  	[tilespmem:s23], [sflag:$0x2] =	stream.indirect_vreg.gather [hbm4b:s2+s15], $0x80, v7, vm0, $0xb8;
	[tilespmem:$0xC500] =	vst v63  }
0x1bb: {  	_ = 	snop  }
0x1bc: {  	[tilespmem:s24], [sflag:$0x2] =	stream.indirect_vreg.gather [hbm4b:s2+s15], $0x80, v6, vm0, $0xb8;
	[tilespmem:$0xC500] =	vst v63  }
0x1bd: {  	s21 =	rddreg [dreg:$0xd]  }
0x1be: {  	[tilespmem:s25], [sflag:$0x4] =	stream.linear.gather [hbm4b:s21+s15], $0x2000, $0x38;
	[tilespmem:$0xC500] =	vst v63  }
0x1bf: {  	_ =	swait.ge [sflag:s26], $0x4000  }
0x1c0: {  	[sflag:s26] =	ssyncset.done $0x0  }
0x1c1: {  	[sflag:s26] =	ssyncadd.s32 $0xFFFFC000  }
0x1c2: {  	_ =	swait.ge [sflag:s28], $0x2000  }
0x1c3: {  	[sflag:s28] =	ssyncset.done $0x0  }
0x1c4: {  	[sflag:s28] =	ssyncadd.s32 $0xFFFFE000  }
0x1c5: {  	_ =	swait.ge [sflag:s7], $0x40  }
0x1c6: {  	[sflag:s7] =	ssyncset.done $0x0  }
0x1c7: {  	[sflag:s7] =	ssyncadd.s32 $0xFFFFFFC0  }
0x1c8: {  	_ =	swait.ge [sflag:s9], $0x40  }
0x1c9: {  	[sflag:s9] =	ssyncset.done $0x0  }
0x1ca: {  	[sflag:s9] =	ssyncadd.s32 $0xFFFFFFC0  }
0x1cb: {  	_ =	swait.ge [sflag:s10], $0x40  }
0x1cc: {  	[sflag:s10] =	ssyncset.done $0x0  }
0x1cd: {  	s18 =	simm.s32 $0x0;
	[sflag:s10] =	ssyncadd.s32 $0xFFFFFFC0  }
.LBB2_10:
0x1ce: {  	s19 =	sshll.u32 s18, $0x4  }
0x1cf: {  	v7 =	vadd.s32 s15, v0;
	v6 =	vor.u32 s19, v0  }
0x1d0: {  	s20 =	simm.s32 $0x1;
	v8 =	vand.u32 $0x7F, v7;
	v13 =	vshll.u32 v6, $0x7  }
0x1d1: {  	v9 =	vadd.s32 s20, v0;
	v7 =	vor.u32 v13, v8  }
0x1d2: {  	v11 =	vand.u32 $0x7F, v9  }
0x1d3: {  	v9 =	vor.u32 v13, v11;
	_ =	sdelay $0x2  }
0x1d4: {  	v7 =	vld.idx.msk [tilespmem:v7+s16+$0x0], $0xffff  }
0x1d5: {  	s21 =	simm.s32 $0x2  }
0x1d6: {  	v10 =	vadd.s32 s21, v0;
	v9 =	vld.idx.msk [tilespmem:v9+s16+$0x0], $0xffff  }
0x1d7: {  	v15 =	vand.u32 $0x7F, v10  }
0x1d8: {  	v10 =	vor.u32 v13, v15  }
0x1d9: {  	v7 =	vmul.f32 $1.442695020e+00, v7;
	_ =	sdelay $0x1  }
0x1da: {  	s21 =	simm.s32 $0x3;
	(erf) = vpow2.f32 v7;
	v7 =	vmul.f32 $1.442695020e+00, v9  }
0x1db: {  	v9 =	vadd.s32 s21, v0  }
0x1dc: {  	v12 =	vand.u32 $0x7F, v9;
	v9 =	vld.idx.msk [tilespmem:v10+s16+$0x0], $0xffff;
	(erf) = vpow2.f32 v7  }
0x1dd: {  	v7 =	vor.u32 v13, v12;
	_ =	sdelay $0x3  }
0x1de: {  	v10 =	vmul.f32 $1.442695020e+00, v9  }
0x1df: {  	v14 =	vld.idx.msk [tilespmem:v7+s16+$0x0], $0xffff  }
0x1e0: {  	v6 =	vshll.u32 v6, $0x8;
	s21 =	simm.s32 $0x4  }
0x1e1: {  	v6 =	vand.u32 $0x3800, v6;
	v9 =	vadd.s32 s21, v0;
	v7 =	vpop (erf)  }
0x1e2: {  	s21 =	simm.s32 $0x5;
	v9 =	vand.u32 $0x7F, v9;
	(erf) = vpow2.f32 v10;
	v7 =	vadd.f32 $1.000000000e+00, v7;
	v10 =	vpop (erf)  }
0x1e3: {  	v17 =	vadd.s32 s21, v0;
	v16 =	vor.u32 v13, v9;
	v18 =	vadd.f32 $1.000000000e+00, v10  }
0x1e4: {  	(erf) = vrcp.f32 v7;
	v10 =	vand.u32 $0x7F, v17;
	v14 =	vmul.f32 $1.442695020e+00, v14  }
0x1e5: {  	v7 =	vor.u32 v2, v6;
	v19 =	vor.u32 v13, v10;
	(erf) = vrcp.f32 v18  }
0x1e6: {  	v17 =	vor.u32 v7, v8;
	(erf) = vpow2.f32 v14  }
0x1e7: {  	v6 =	vor.u32 v5, v6  }
0x1e8: {  	v8 =	vor.u32 v6, v8  }
0x1e9: {  	v23 =	vld.idx.msk [tilespmem:v16+s16+$0x0], $0xffff;
	v18 =	vor.u32 v7, v11  }
0x1ea: {  	s21 =	simm.s32 $0x6;
	v19 =	vld.idx.msk [tilespmem:v19+s16+$0x0], $0xffff  }
0x1eb: {  	v28 =	vor.u32 v6, v11;
	v14 =	vadd.s32 s21, v0;
	s21 =	simm.s32 $0x7;
	v26 =	vld.idx.msk [tilespmem:v17+s8+$0x0], $0xffff  }
0x1ec: {  	v21 =	vimm.f32 $0.0e+00;
	v11 =	vadd.s32 s21, v0;
	v17 =	vpop (erf)  }
0x1ed: {  	v11 =	vand.u32 $0x7F, v11;
	v20 =	vld.idx.msk [tilespmem:v8+s8+$0x0], $0xffff;
	v8 =	vand.u32 $0x7F, v14;
	v14 =	vor.u32 v6, v15;
	v22 =	vpop (erf)  }
0x1ee: {  	v24 =	vmul.f32 $1.442695020e+00, v23;
	v16 =	vld.idx.msk [tilespmem:v18+s8+$0x0], $0xffff;
	v29 =	vadd.f32 $1.000000000e+00, v17;
	v31 =	vsub.f32 $1.000000000e+00, v22;
	v17 =	vpop (erf)  }
0x1ef: {  	v23 =	vor.u32 v13, v11;
	v18 =	vor.u32 v7, v15;
	v27 =	vmul.f32 $1.442695020e+00, v19;
	v19 =	vpop (erf)  }
0x1f0: {  	v25 =	vor.u32 v13, v8;
	v30 =	vsub.f32 v31, v26;
	v32 =	vadd.f32 $1.000000000e+00, v19;
	v19 =	vld.idx.msk [tilespmem:v28+s8+$0x0], $0xffff  }
0x1f1: {  	v15 =	vor.u32 v7, v12;
	(erf) = vpow2.f32 v24;
	v24 =	vsub.f32 $1.000000000e+00, v17  }
0x1f2: {  	(erf) = vrcp.f32 v29;
	v29 =	vsub.f32 v22, v20;
	v30 =	vmul.f32 v30, v30  }
0x1f3: {  	s20 =	simm.s32 $0x8;
	v31 =	vmin.f32 v31, v26;
	v26 =	vimm.f32 $0.0e+00;
	v28 =	vsub.f32 v24, v16  }
.LBB2_11:
0x1f4: {  	p0 =	slt.u32 s20, $0x7E;
	v21 =	vadd.f32 v30, v21;
	v29 =	vmul.f32 v29, v29;
	v26 =	vadd.f32 v31, v26  }
0x1f5: {  	v20 =	vmin.f32 v22, v20;
	v22 =	vsub.f32 v17, v19;
	(erf) = vrcp.f32 v32  }
0x1f6: {  	v21 =	vadd.f32 v21, v29;
	v20 =	vadd.f32 v26, v20;
	v26 =	vmul.f32 v28, v28  }
0x1f7: {  	v16 =	vmin.f32 v24, v16;
	v28 =	vld.idx.msk [tilespmem:v25+s16+$0x0], $0xffff;
	(erf) = vpow2.f32 v27;
	v27 =	vor.u32 v6, v12;
	v12 =	vmovc v10  }
0x1f8: {  	v31 =	vld.idx.msk [tilespmem:v18+s8+$0x0], $0xffff;
	v18 =	vadd.f32 v26, v21;
	v21 =	vmul.f32 v22, v22;
	v16 =	vadd.f32 v16, v20  }
0x1f9: {  	v17 =	vmin.f32 v17, v19;
	v10 =	vmov v11;
	v24 =	vld.idx.msk [tilespmem:v23+s16+$0x0], $0xffff  }
0x1fa: {  	s21 =	sadd.s32 $0x1, s20;
	v11 =	vadd.s32 s20, v0;
	v29 =	vpop (erf);
	v20 =	vld.idx.msk [tilespmem:v14+s8+$0x0], $0xffff;
	v21 =	vadd.f32 v18, v21;
	v26 =	vadd.f32 v16, v17  }
0x1fb: {  	v17 =	vand.u32 $0x7F, v11;
	v11 =	vadd.s32 s21, v0;
	v14 =	vor.u32 v6, v9;
	v16 =	vld.idx.msk [tilespmem:v15+s8+$0x0], $0xffff;
	v22 =	vpop (erf)  }
0x1fc: {  	v18 =	vor.u32 v7, v9;
	v9 =	vmovc v8;
	v11 =	vand.u32 $0x7F, v11;
	v8 =	vmovc v17;
	v33 =	vsub.f32 $1.000000000e+00, v22  }
.Ltmp4:
0x1fd: {  	v15 =	vor.u32 v7, v12;
	v25 =	vor.u32 v13, v8;
	v32 =	vmul.f32 $1.442695020e+00, v28;
	v19 =	vld.idx.msk [tilespmem:v27+s8+$0x0], $0xffff;
	(pc) =	sbr.rel @p0 .LBB2_11-.Ltmp4, $4  }
0x1fe: {  	v29 =	vadd.f32 $1.000000000e+00, v29;
	v23 =	vor.u32 v13, v11;
	v30 =	vsub.f32 v33, v31;
	v17 =	vpop (erf)  }
0x1ff: {  	v27 =	vmul.f32 $1.442695020e+00, v24;
	(erf) = vpow2.f32 v32;
	v24 =	vsub.f32 $1.000000000e+00, v17  }
0x200: {  	(erf) = vrcp.f32 v29;
	v28 =	vpop (erf);
	v29 =	vsub.f32 v22, v20;
	v30 =	vmul.f32 v30, v30  }
0x201: {  	s20 =	sadd.s32 $0x2, s20;
	v31 =	vmin.f32 v33, v31;
	v32 =	vadd.f32 $1.000000000e+00, v28;
	v28 =	vsub.f32 v24, v16  }
0x202: {  	_ = 	snop  }
0x203: {  	(erf) = vrcp.f32 v32  }
0x204: {  	(erf) = vpow2.f32 v27;
	_ =	sdelay $0x1  }
0x205: {  	v13 =	vld.idx.msk [tilespmem:v25+s16+$0x0], $0xffff;
	_ =	sdelay $0x3  }
0x206: {  	v21 =	vadd.f32 v30, v21;
	v49 =	vmul.f32 v29, v29;
	v23 =	vld.idx.msk [tilespmem:v23+s16+$0x0], $0xffff;
	v50 =	vpop (erf)  }
0x207: {  	v26 =	vadd.f32 v31, v26;
	v20 =	vmin.f32 v22, v20;
	v13 =	vmul.f32 $1.442695020e+00, v13;
	v51 =	vpop (erf)  }
0x208: {  	v52 =	vsub.f32 v17, v19;
	v12 =	vor.u32 v6, v12;
	v16 =	vmin.f32 v24, v16;
	v53 =	vpop (erf)  }
0x209: {  	v59 =	vmin.f32 v17, v19;
	v27 =	vadd.f32 $1.000000000e+00, v50;
	(erf) = vpow2.f32 v13;
	v55 =	vpop (erf)  }
0x20a: {  	v61 =	vor.u32 v7, v9;
	v29 =	vor.u32 v7, v10;
	v56 =	vadd.f32 $1.000000000e+00, v55  }
0x20b: {  	v18 =	vld.idx.msk [tilespmem:v18+s8+$0x0], $0xffff;
	v36 =	vor.u32 v6, v10;
	v23 =	vmul.f32 $1.442695020e+00, v23;
	(erf) = vrcp.f32 v27  }
0x20c: {  	v42 =	vor.u32 v7, v8;
	v20 =	vadd.f32 v26, v20;
	(erf) = vrcp.f32 v56  }
0x20d: {  	v14 =	vld.idx.msk [tilespmem:v14+s8+$0x0], $0xffff;
	v54 =	vmul.f32 v28, v28;
	v21 =	vadd.f32 v21, v49;
	(erf) = vpow2.f32 v23  }
0x20e: {  	v15 =	vld.idx.msk [tilespmem:v15+s8+$0x0], $0xffff;
	v44 =	vor.u32 v6, v8;
	v16 =	vadd.f32 v16, v20;
	v57 =	vsub.f32 $1.000000000e+00, v51  }
0x20f: {  	v7 =	vor.u32 v7, v11;
	v58 =	vmul.f32 v52, v52;
	v21 =	vadd.f32 v54, v21  }
0x210: {  	v28 =	vor.u32 v6, v9;
	v12 =	vld.idx.msk [tilespmem:v12+s8+$0x0], $0xffff;
	v16 =	vadd.f32 v16, v59;
	v60 =	vsub.f32 v57, v18  }
0x211: {  	v13 =	vadd.f32 v21, v58;
	v18 =	vmin.f32 v57, v18;
	v62 =	vsub.f32 $1.000000000e+00, v53  }
0x212: {  	v63 =	vsub.f32 v51, v14;
	v16 =	vadd.f32 v18, v16;
	v19 =	vmul.f32 v60, v60;
	v32 =	vpop (erf)  }
0x213: {  	v14 =	vmin.f32 v51, v14;
	v30 =	vsub.f32 v62, v15;
	v18 =	vadd.f32 $1.000000000e+00, v32  }
0x214: {  	v17 =	vld.idx.msk [tilespmem:v61+s8+$0x0], $0xffff;
	v31 =	vmul.f32 v63, v63;
	v14 =	vadd.f32 v16, v14;
	v13 =	vadd.f32 v19, v13;
	v34 =	vpop (erf)  }
0x215: {  	v9 =	vld.idx.msk [tilespmem:v28+s8+$0x0], $0xffff;
	v35 =	vsub.f32 v53, v12;
	v15 =	vmin.f32 v62, v15;
	(erf) = vrcp.f32 v18;
	v37 =	vpop (erf)  }
0x216: {  	v33 =	vmul.f32 v30, v30;
	v14 =	vadd.f32 v15, v14;
	v13 =	vadd.f32 v13, v31;
	v38 =	vpop (erf)  }
0x217: {  	v12 =	vmin.f32 v53, v12;
	v40 =	vsub.f32 $1.000000000e+00, v34;
	v16 =	vadd.f32 $1.000000000e+00, v38  }
0x218: {  	v39 =	vld.idx.msk [tilespmem:v29+s8+$0x0], $0xffff;
	v41 =	vmul.f32 v35, v35;
	v12 =	vadd.f32 v14, v12;
	v13 =	vadd.f32 v33, v13  }
0x219: {  	v10 =	vld.idx.msk [tilespmem:v36+s8+$0x0], $0xffff;
	v43 =	vsub.f32 v40, v17;
	v47 =	vmin.f32 v40, v17;
	(erf) = vrcp.f32 v16  }
0x21a: {  	v46 =	vsub.f32 v34, v9;
	v9 =	vmin.f32 v34, v9;
	v12 =	vadd.f32 v47, v12  }
0x21b: {  	v13 =	vadd.f32 v13, v41;
	v22 =	vmul.f32 v43, v43;
	v45 =	vsub.f32 $1.000000000e+00, v37  }
0x21c: {  	v6 =	vor.u32 v6, v11;
	v50 =	vld.idx.msk [tilespmem:v42+s8+$0x0], $0xffff;
	v49 =	vmul.f32 v46, v46;
	v9 =	vadd.f32 v12, v9  }
0x21d: {  	v8 =	vld.idx.msk [tilespmem:v44+s8+$0x0], $0xffff;
	v13 =	vadd.f32 v22, v13;
	v48 =	vsub.f32 v45, v39;
	v16 =	vmin.f32 v45, v39  }
0x21e: {  	v51 =	vsub.f32 v37, v10;
	v10 =	vmin.f32 v37, v10;
	v53 =	vpop (erf);
	v9 =	vadd.f32 v16, v9  }
0x21f: {  	v13 =	vadd.f32 v13, v49;
	v52 =	vmul.f32 v48, v48;
	v54 =	vsub.f32 $1.000000000e+00, v53  }
0x220: {  	v7 =	vld.idx.msk [tilespmem:v7+s8+$0x0], $0xffff;
	v14 =	vmul.f32 v51, v51;
	v9 =	vadd.f32 v9, v10  }
0x221: {  	v6 =	vld.idx.msk [tilespmem:v6+s8+$0x0], $0xffff;
	v13 =	vadd.f32 v52, v13;
	v55 =	vsub.f32 v54, v50;
	v11 =	vmin.f32 v54, v50  }
0x222: {  	v58 =	vsub.f32 v53, v8;
	v8 =	vmin.f32 v53, v8;
	v9 =	vadd.f32 v11, v9;
	v56 =	vpop (erf)  }
0x223: {  	v13 =	vadd.f32 v13, v14;
	v15 =	vmul.f32 v55, v55;
	v57 =	vsub.f32 $1.000000000e+00, v56  }
0x224: {  	v10 =	vmul.f32 v58, v58;
	v8 =	vadd.f32 v9, v8  }
0x225: {  	v13 =	vadd.f32 v15, v13;
	v59 =	vsub.f32 v57, v7;
	v7 =	vmin.f32 v57, v7  }
0x226: {  	v60 =	vsub.f32 v56, v6;
	v7 =	vadd.f32 v7, v8  }
0x227: {  	s18 =	sadd.s32 $0x1, s18;
	v10 =	vadd.f32 v13, v10;
	v6 =	vmin.f32 v56, v6;
	v61 =	vmul.f32 v59, v59  }
0x228: {  	p0 =	sne.s32 s18, $0x4;
	v6 =	vadd.f32 v7, v6  }
.Ltmp5:
0x229: {  	v62 =	vmul.f32 v60, v60;
	v9 =	vadd.f32 v61, v10;
	(pc) =	sbr.rel @p0 .LBB2_10-.Ltmp5, $4  }
0x22a: {  	v7 =	vmul.f32 $7.812500000e-03, v6  }
0x22b: {  	[tilespmem:s19+$0xC300] =	vst v6;
	v63 =	vadd.f32 v9, v62  }
0x22c: {  	[tilespmem:s19+$0xC400] =	vst v7  }
0x22d: {  	[tilespmem:s19+$0xC200] =	vst v63  }
0x22e: {  	s15 =	simm.s32 $0x0;
	s18 =	rddreg [dreg:$0x15]  }
0x22f: {  	[hbm4b:s18+s15] =	stream.linear.scatter [tilespmem:s29], [sflag:$0x5], $0x40, $0x38;
	[tilespmem:$0xC500] =	vst v63  }
0x230: {  	s21 =	rddreg [dreg:$0x16]  }
0x231: {  	[hbm4b:s21+s15] =	stream.linear.scatter [tilespmem:s30], [sflag:$0x7], $0x40, $0x38;
	[tilespmem:$0xC500] =	vst v63  }
0x232: {  	s19 =	rddreg [dreg:$0x17]  }
0x233: {  	[hbm4b:s19+s15] =	stream.linear.scatter [tilespmem:s31], [sflag:$0x9], $0x40, $0x38;
	[tilespmem:$0xC500] =	vst v63  }
0x234: {  	v6 =	vld [tilespmem:$0x100];
	_ =	sdelay $0x4  }
0x235: {  	v7 =	vshll.u32 v6, $0x1  }
0x236: {  	v6 =	vand.u32 $0x7, v6;
	v7 =	vand.u32 $0xFFFFFFF0, v7  }
0x237: {  	v6 =	vor.u32 v6, v7  }
0x238: {  	v7 =	vperm.xlane v6, v1;
	_ =	sdelay $0x1  }
0x239: {  	v6 =	vperm.xlane v6, v4;
	v7 =	vadd.s32 v3, v7;
	_ =	sdelay $0x1  }
0x23a: {  	v6 =	vadd.s32 v3, v6;
	_ =	sdelay $0x2  }
0x23b: {  	[tilespmem:s8], [sflag:$0x1] =	stream.indirect_vreg.gather [hbm4b:s2+s15], $0x80, v7, vm0, $0xb8;
	[tilespmem:$0xC500] =	vst v63  }
0x23c: {  	s20 =	simm.s32 $0xA00  }
0x23d: {  	[tilespmem:s20], [sflag:$0x1] =	stream.indirect_vreg.gather [hbm4b:s2+s15], $0x80, v6, vm0, $0xb8;
	[tilespmem:$0xC500] =	vst v63  }
0x23e: {  	v6 =	vld [tilespmem:$0x110];
	_ =	sdelay $0x4  }
0x23f: {  	v7 =	vshll.u32 v6, $0x1  }
0x240: {  	v6 =	vand.u32 $0x7, v6;
	v7 =	vand.u32 $0xFFFFFFF0, v7  }
0x241: {  	v6 =	vor.u32 v6, v7  }
0x242: {  	v7 =	vperm.xlane v6, v1;
	_ =	sdelay $0x1  }
0x243: {  	v6 =	vperm.xlane v6, v4;
	v7 =	vadd.s32 v3, v7;
	_ =	sdelay $0x1  }
0x244: {  	v6 =	vadd.s32 v3, v6;
	_ =	sdelay $0x1  }
0x245: {  	s21 =	simm.s32 $0x1200  }
0x246: {  	[tilespmem:s21], [sflag:$0x1] =	stream.indirect_vreg.gather [hbm4b:s2+s15], $0x80, v7, vm0, $0xb8;
	[tilespmem:$0xC500] =	vst v63  }
0x247: {  	s19 =	simm.s32 $0x1A00  }
0x248: {  	[tilespmem:s19], [sflag:$0x1] =	stream.indirect_vreg.gather [hbm4b:s2+s15], $0x80, v6, vm0, $0xb8;
	[tilespmem:$0xC500] =	vst v63  }
0x249: {  	v6 =	vld [tilespmem:$0x120];
	_ =	sdelay $0x4  }
0x24a: {  	v7 =	vshll.u32 v6, $0x1  }
0x24b: {  	v6 =	vand.u32 $0x7, v6;
	v7 =	vand.u32 $0xFFFFFFF0, v7  }
0x24c: {  	v6 =	vor.u32 v6, v7  }
0x24d: {  	v7 =	vperm.xlane v6, v1;
	_ =	sdelay $0x1  }
0x24e: {  	v6 =	vperm.xlane v6, v4;
	v7 =	vadd.s32 v3, v7;
	_ =	sdelay $0x1  }
0x24f: {  	v6 =	vadd.s32 v3, v6;
	_ =	sdelay $0x1  }
0x250: {  	s20 =	simm.s32 $0x2200  }
0x251: {  	[tilespmem:s20], [sflag:$0x1] =	stream.indirect_vreg.gather [hbm4b:s2+s15], $0x80, v7, vm0, $0xb8;
	[tilespmem:$0xC500] =	vst v63  }
0x252: {  	s21 =	simm.s32 $0x2A00  }
0x253: {  	[tilespmem:s21], [sflag:$0x1] =	stream.indirect_vreg.gather [hbm4b:s2+s15], $0x80, v6, vm0, $0xb8;
	[tilespmem:$0xC500] =	vst v63  }
0x254: {  	v6 =	vld [tilespmem:$0x130];
	_ =	sdelay $0x4  }
0x255: {  	v7 =	vshll.u32 v6, $0x1  }
0x256: {  	v6 =	vand.u32 $0x7, v6;
	v7 =	vand.u32 $0xFFFFFFF0, v7  }
0x257: {  	v6 =	vor.u32 v6, v7  }
0x258: {  	v7 =	vperm.xlane v6, v1;
	_ =	sdelay $0x1  }
0x259: {  	v6 =	vperm.xlane v6, v4;
	v7 =	vadd.s32 v3, v7;
	_ =	sdelay $0x1  }
0x25a: {  	v6 =	vadd.s32 v3, v6;
	_ =	sdelay $0x1  }
0x25b: {  	s19 =	simm.s32 $0x3200  }
0x25c: {  	[tilespmem:s19], [sflag:$0x1] =	stream.indirect_vreg.gather [hbm4b:s2+s15], $0x80, v7, vm0, $0xb8;
	[tilespmem:$0xC500] =	vst v63  }
0x25d: {  	s20 =	simm.s32 $0x3A00  }
0x25e: {  	[tilespmem:s20], [sflag:$0x1] =	stream.indirect_vreg.gather [hbm4b:s2+s15], $0x80, v6, vm0, $0xb8;
	[tilespmem:$0xC500] =	vst v63  }
0x25f: {  	s21 =	rddreg [dreg:$0xe]  }
0x260: {  	[tilespmem:s16], [sflag:$0x3] =	stream.linear.gather [hbm4b:s21+s15], $0x2000, $0x38;
	[tilespmem:$0xC500] =	vst v63  }
0x261: {  	_ =	swait.ge [sflag:s1], $0x4000  }
0x262: {  	[sflag:s1] =	ssyncset.done $0x0  }
0x263: {  	[sflag:s1] =	ssyncadd.s32 $0xFFFFC000  }
0x264: {  	_ =	swait.ge [sflag:s3], $0x2000  }
0x265: {  	[sflag:s3] =	ssyncset.done $0x0  }
0x266: {  	[sflag:s3] =	ssyncadd.s32 $0xFFFFE000  }
0x267: {  	_ =	swait.ge [sflag:s11], $0x40  }
0x268: {  	[sflag:s11] =	ssyncset.done $0x0  }
0x269: {  	[sflag:s11] =	ssyncadd.s32 $0xFFFFFFC0  }
0x26a: {  	_ =	swait.ge [sflag:s12], $0x40  }
0x26b: {  	[sflag:s12] =	ssyncset.done $0x0  }
0x26c: {  	[sflag:s12] =	ssyncadd.s32 $0xFFFFFFC0  }
0x26d: {  	_ =	swait.ge [sflag:s13], $0x40  }
0x26e: {  	[sflag:s13] =	ssyncset.done $0x0  }
0x26f: {  	s18 =	simm.s32 $0x0;
	[sflag:s13] =	ssyncadd.s32 $0xFFFFFFC0  }
.LBB2_14:
0x270: {  	s19 =	sshll.u32 s18, $0x4  }
0x271: {  	v7 =	vadd.s32 s15, v0;
	v6 =	vor.u32 s19, v0  }
0x272: {  	s20 =	simm.s32 $0x1;
	v8 =	vand.u32 $0x7F, v7;
	v13 =	vshll.u32 v6, $0x7  }
0x273: {  	v9 =	vadd.s32 s20, v0;
	v7 =	vor.u32 v13, v8  }
0x274: {  	v11 =	vand.u32 $0x7F, v9  }
0x275: {  	v9 =	vor.u32 v13, v11;
	_ =	sdelay $0x2  }
0x276: {  	v7 =	vld.idx.msk [tilespmem:v7+s25+$0x0], $0xffff  }
0x277: {  	s21 =	simm.s32 $0x2  }
0x278: {  	v10 =	vadd.s32 s21, v0;
	v9 =	vld.idx.msk [tilespmem:v9+s25+$0x0], $0xffff  }
0x279: {  	v15 =	vand.u32 $0x7F, v10  }
0x27a: {  	v10 =	vor.u32 v13, v15  }
0x27b: {  	v7 =	vmul.f32 $1.442695020e+00, v7;
	_ =	sdelay $0x1  }
0x27c: {  	s21 =	simm.s32 $0x3;
	(erf) = vpow2.f32 v7;
	v7 =	vmul.f32 $1.442695020e+00, v9  }
0x27d: {  	v9 =	vadd.s32 s21, v0  }
0x27e: {  	v12 =	vand.u32 $0x7F, v9;
	v9 =	vld.idx.msk [tilespmem:v10+s25+$0x0], $0xffff;
	(erf) = vpow2.f32 v7  }
0x27f: {  	v7 =	vor.u32 v13, v12;
	_ =	sdelay $0x3  }
0x280: {  	v10 =	vmul.f32 $1.442695020e+00, v9  }
0x281: {  	v14 =	vld.idx.msk [tilespmem:v7+s25+$0x0], $0xffff  }
0x282: {  	v6 =	vshll.u32 v6, $0x8;
	s21 =	simm.s32 $0x4  }
0x283: {  	v6 =	vand.u32 $0x3800, v6;
	v9 =	vadd.s32 s21, v0;
	v7 =	vpop (erf)  }
0x284: {  	s21 =	simm.s32 $0x5;
	v9 =	vand.u32 $0x7F, v9;
	(erf) = vpow2.f32 v10;
	v7 =	vadd.f32 $1.000000000e+00, v7;
	v10 =	vpop (erf)  }
0x285: {  	v17 =	vadd.s32 s21, v0;
	v16 =	vor.u32 v13, v9;
	v18 =	vadd.f32 $1.000000000e+00, v10  }
0x286: {  	(erf) = vrcp.f32 v7;
	v10 =	vand.u32 $0x7F, v17;
	v14 =	vmul.f32 $1.442695020e+00, v14  }
0x287: {  	v7 =	vor.u32 v2, v6;
	v19 =	vor.u32 v13, v10;
	(erf) = vrcp.f32 v18  }
0x288: {  	v17 =	vor.u32 v7, v8;
	(erf) = vpow2.f32 v14  }
0x289: {  	v6 =	vor.u32 v5, v6  }
0x28a: {  	v8 =	vor.u32 v6, v8  }
0x28b: {  	v23 =	vld.idx.msk [tilespmem:v16+s25+$0x0], $0xffff;
	v18 =	vor.u32 v7, v11  }
0x28c: {  	s21 =	simm.s32 $0x6;
	v19 =	vld.idx.msk [tilespmem:v19+s25+$0x0], $0xffff  }
0x28d: {  	v28 =	vor.u32 v6, v11;
	v14 =	vadd.s32 s21, v0;
	s21 =	simm.s32 $0x7;
	v26 =	vld.idx.msk [tilespmem:v17+s17+$0x0], $0xffff  }
0x28e: {  	v21 =	vimm.f32 $0.0e+00;
	v11 =	vadd.s32 s21, v0;
	v17 =	vpop (erf)  }
0x28f: {  	v11 =	vand.u32 $0x7F, v11;
	v20 =	vld.idx.msk [tilespmem:v8+s17+$0x0], $0xffff;
	v8 =	vand.u32 $0x7F, v14;
	v14 =	vor.u32 v6, v15;
	v22 =	vpop (erf)  }
0x290: {  	v24 =	vmul.f32 $1.442695020e+00, v23;
	v16 =	vld.idx.msk [tilespmem:v18+s17+$0x0], $0xffff;
	v29 =	vadd.f32 $1.000000000e+00, v17;
	v31 =	vsub.f32 $1.000000000e+00, v22;
	v17 =	vpop (erf)  }
0x291: {  	v23 =	vor.u32 v13, v11;
	v18 =	vor.u32 v7, v15;
	v27 =	vmul.f32 $1.442695020e+00, v19;
	v19 =	vpop (erf)  }
0x292: {  	v25 =	vor.u32 v13, v8;
	v30 =	vsub.f32 v31, v26;
	v32 =	vadd.f32 $1.000000000e+00, v19;
	v19 =	vld.idx.msk [tilespmem:v28+s17+$0x0], $0xffff  }
0x293: {  	v15 =	vor.u32 v7, v12;
	(erf) = vpow2.f32 v24;
	v24 =	vsub.f32 $1.000000000e+00, v17  }
0x294: {  	(erf) = vrcp.f32 v29;
	v29 =	vsub.f32 v22, v20;
	v30 =	vmul.f32 v30, v30  }
0x295: {  	s20 =	simm.s32 $0x8;
	v31 =	vmin.f32 v31, v26;
	v26 =	vimm.f32 $0.0e+00;
	v28 =	vsub.f32 v24, v16  }
.LBB2_15:
0x296: {  	p0 =	slt.u32 s20, $0x7E;
	v21 =	vadd.f32 v30, v21;
	v29 =	vmul.f32 v29, v29;
	v26 =	vadd.f32 v31, v26  }
0x297: {  	v20 =	vmin.f32 v22, v20;
	v22 =	vsub.f32 v17, v19;
	(erf) = vrcp.f32 v32  }
0x298: {  	v21 =	vadd.f32 v21, v29;
	v20 =	vadd.f32 v26, v20;
	v26 =	vmul.f32 v28, v28  }
0x299: {  	v16 =	vmin.f32 v24, v16;
	v28 =	vld.idx.msk [tilespmem:v25+s25+$0x0], $0xffff;
	(erf) = vpow2.f32 v27;
	v27 =	vor.u32 v6, v12;
	v12 =	vmovc v10  }
0x29a: {  	v31 =	vld.idx.msk [tilespmem:v18+s17+$0x0], $0xffff;
	v18 =	vadd.f32 v26, v21;
	v21 =	vmul.f32 v22, v22;
	v16 =	vadd.f32 v16, v20  }
0x29b: {  	v17 =	vmin.f32 v17, v19;
	v10 =	vmov v11;
	v24 =	vld.idx.msk [tilespmem:v23+s25+$0x0], $0xffff  }
0x29c: {  	s21 =	sadd.s32 $0x1, s20;
	v11 =	vadd.s32 s20, v0;
	v29 =	vpop (erf);
	v20 =	vld.idx.msk [tilespmem:v14+s17+$0x0], $0xffff;
	v21 =	vadd.f32 v18, v21;
	v26 =	vadd.f32 v16, v17  }
0x29d: {  	v17 =	vand.u32 $0x7F, v11;
	v11 =	vadd.s32 s21, v0;
	v14 =	vor.u32 v6, v9;
	v16 =	vld.idx.msk [tilespmem:v15+s17+$0x0], $0xffff;
	v22 =	vpop (erf)  }
0x29e: {  	v18 =	vor.u32 v7, v9;
	v9 =	vmovc v8;
	v11 =	vand.u32 $0x7F, v11;
	v8 =	vmovc v17;
	v33 =	vsub.f32 $1.000000000e+00, v22  }
.Ltmp6:
0x29f: {  	v15 =	vor.u32 v7, v12;
	v25 =	vor.u32 v13, v8;
	v32 =	vmul.f32 $1.442695020e+00, v28;
	v19 =	vld.idx.msk [tilespmem:v27+s17+$0x0], $0xffff;
	(pc) =	sbr.rel @p0 .LBB2_15-.Ltmp6, $4  }
0x2a0: {  	v29 =	vadd.f32 $1.000000000e+00, v29;
	v23 =	vor.u32 v13, v11;
	v30 =	vsub.f32 v33, v31;
	v17 =	vpop (erf)  }
0x2a1: {  	v27 =	vmul.f32 $1.442695020e+00, v24;
	(erf) = vpow2.f32 v32;
	v24 =	vsub.f32 $1.000000000e+00, v17  }
0x2a2: {  	(erf) = vrcp.f32 v29;
	v28 =	vpop (erf);
	v29 =	vsub.f32 v22, v20;
	v30 =	vmul.f32 v30, v30  }
0x2a3: {  	s20 =	sadd.s32 $0x2, s20;
	v31 =	vmin.f32 v33, v31;
	v32 =	vadd.f32 $1.000000000e+00, v28;
	v28 =	vsub.f32 v24, v16  }
0x2a4: {  	_ = 	snop  }
0x2a5: {  	(erf) = vrcp.f32 v32  }
0x2a6: {  	(erf) = vpow2.f32 v27;
	_ =	sdelay $0x1  }
0x2a7: {  	v13 =	vld.idx.msk [tilespmem:v25+s25+$0x0], $0xffff;
	_ =	sdelay $0x3  }
0x2a8: {  	v21 =	vadd.f32 v30, v21;
	v49 =	vmul.f32 v29, v29;
	v23 =	vld.idx.msk [tilespmem:v23+s25+$0x0], $0xffff;
	v50 =	vpop (erf)  }
0x2a9: {  	v26 =	vadd.f32 v31, v26;
	v20 =	vmin.f32 v22, v20;
	v13 =	vmul.f32 $1.442695020e+00, v13;
	v51 =	vpop (erf)  }
0x2aa: {  	v52 =	vsub.f32 v17, v19;
	v12 =	vor.u32 v6, v12;
	v16 =	vmin.f32 v24, v16;
	v53 =	vpop (erf)  }
0x2ab: {  	v59 =	vmin.f32 v17, v19;
	v27 =	vadd.f32 $1.000000000e+00, v50;
	(erf) = vpow2.f32 v13;
	v55 =	vpop (erf)  }
0x2ac: {  	v61 =	vor.u32 v7, v9;
	v29 =	vor.u32 v7, v10;
	v56 =	vadd.f32 $1.000000000e+00, v55  }
0x2ad: {  	v18 =	vld.idx.msk [tilespmem:v18+s17+$0x0], $0xffff;
	v36 =	vor.u32 v6, v10;
	v23 =	vmul.f32 $1.442695020e+00, v23;
	(erf) = vrcp.f32 v27  }
0x2ae: {  	v42 =	vor.u32 v7, v8;
	v20 =	vadd.f32 v26, v20;
	(erf) = vrcp.f32 v56  }
0x2af: {  	v14 =	vld.idx.msk [tilespmem:v14+s17+$0x0], $0xffff;
	v54 =	vmul.f32 v28, v28;
	v21 =	vadd.f32 v21, v49;
	(erf) = vpow2.f32 v23  }
0x2b0: {  	v15 =	vld.idx.msk [tilespmem:v15+s17+$0x0], $0xffff;
	v44 =	vor.u32 v6, v8;
	v16 =	vadd.f32 v16, v20;
	v57 =	vsub.f32 $1.000000000e+00, v51  }
0x2b1: {  	v7 =	vor.u32 v7, v11;
	v58 =	vmul.f32 v52, v52;
	v21 =	vadd.f32 v54, v21  }
0x2b2: {  	v28 =	vor.u32 v6, v9;
	v12 =	vld.idx.msk [tilespmem:v12+s17+$0x0], $0xffff;
	v16 =	vadd.f32 v16, v59;
	v60 =	vsub.f32 v57, v18  }
0x2b3: {  	v13 =	vadd.f32 v21, v58;
	v18 =	vmin.f32 v57, v18;
	v62 =	vsub.f32 $1.000000000e+00, v53  }
0x2b4: {  	v63 =	vsub.f32 v51, v14;
	v16 =	vadd.f32 v18, v16;
	v19 =	vmul.f32 v60, v60;
	v32 =	vpop (erf)  }
0x2b5: {  	v14 =	vmin.f32 v51, v14;
	v30 =	vsub.f32 v62, v15;
	v18 =	vadd.f32 $1.000000000e+00, v32  }
0x2b6: {  	v17 =	vld.idx.msk [tilespmem:v61+s17+$0x0], $0xffff;
	v31 =	vmul.f32 v63, v63;
	v14 =	vadd.f32 v16, v14;
	v13 =	vadd.f32 v19, v13;
	v34 =	vpop (erf)  }
0x2b7: {  	v9 =	vld.idx.msk [tilespmem:v28+s17+$0x0], $0xffff;
	v35 =	vsub.f32 v53, v12;
	v15 =	vmin.f32 v62, v15;
	(erf) = vrcp.f32 v18;
	v37 =	vpop (erf)  }
0x2b8: {  	v33 =	vmul.f32 v30, v30;
	v14 =	vadd.f32 v15, v14;
	v13 =	vadd.f32 v13, v31;
	v38 =	vpop (erf)  }
0x2b9: {  	v12 =	vmin.f32 v53, v12;
	v40 =	vsub.f32 $1.000000000e+00, v34;
	v16 =	vadd.f32 $1.000000000e+00, v38  }
0x2ba: {  	v39 =	vld.idx.msk [tilespmem:v29+s17+$0x0], $0xffff;
	v41 =	vmul.f32 v35, v35;
	v12 =	vadd.f32 v14, v12;
	v13 =	vadd.f32 v33, v13  }
0x2bb: {  	v10 =	vld.idx.msk [tilespmem:v36+s17+$0x0], $0xffff;
	v43 =	vsub.f32 v40, v17;
	v47 =	vmin.f32 v40, v17;
	(erf) = vrcp.f32 v16  }
0x2bc: {  	v46 =	vsub.f32 v34, v9;
	v9 =	vmin.f32 v34, v9;
	v12 =	vadd.f32 v47, v12  }
0x2bd: {  	v13 =	vadd.f32 v13, v41;
	v22 =	vmul.f32 v43, v43;
	v45 =	vsub.f32 $1.000000000e+00, v37  }
0x2be: {  	v6 =	vor.u32 v6, v11;
	v50 =	vld.idx.msk [tilespmem:v42+s17+$0x0], $0xffff;
	v49 =	vmul.f32 v46, v46;
	v9 =	vadd.f32 v12, v9  }
0x2bf: {  	v8 =	vld.idx.msk [tilespmem:v44+s17+$0x0], $0xffff;
	v13 =	vadd.f32 v22, v13;
	v48 =	vsub.f32 v45, v39;
	v16 =	vmin.f32 v45, v39  }
0x2c0: {  	v51 =	vsub.f32 v37, v10;
	v10 =	vmin.f32 v37, v10;
	v53 =	vpop (erf);
	v9 =	vadd.f32 v16, v9  }
0x2c1: {  	v13 =	vadd.f32 v13, v49;
	v52 =	vmul.f32 v48, v48;
	v54 =	vsub.f32 $1.000000000e+00, v53  }
0x2c2: {  	v7 =	vld.idx.msk [tilespmem:v7+s17+$0x0], $0xffff;
	v14 =	vmul.f32 v51, v51;
	v9 =	vadd.f32 v9, v10  }
0x2c3: {  	v6 =	vld.idx.msk [tilespmem:v6+s17+$0x0], $0xffff;
	v13 =	vadd.f32 v52, v13;
	v55 =	vsub.f32 v54, v50;
	v11 =	vmin.f32 v54, v50  }
0x2c4: {  	v58 =	vsub.f32 v53, v8;
	v8 =	vmin.f32 v53, v8;
	v9 =	vadd.f32 v11, v9;
	v56 =	vpop (erf)  }
0x2c5: {  	v13 =	vadd.f32 v13, v14;
	v15 =	vmul.f32 v55, v55;
	v57 =	vsub.f32 $1.000000000e+00, v56  }
0x2c6: {  	v10 =	vmul.f32 v58, v58;
	v8 =	vadd.f32 v9, v8  }
0x2c7: {  	v13 =	vadd.f32 v15, v13;
	v59 =	vsub.f32 v57, v7;
	v7 =	vmin.f32 v57, v7  }
0x2c8: {  	v60 =	vsub.f32 v56, v6;
	v7 =	vadd.f32 v7, v8  }
0x2c9: {  	s18 =	sadd.s32 $0x1, s18;
	v10 =	vadd.f32 v13, v10;
	v6 =	vmin.f32 v56, v6;
	v61 =	vmul.f32 v59, v59  }
0x2ca: {  	p0 =	sne.s32 s18, $0x4;
	v6 =	vadd.f32 v7, v6  }
.Ltmp7:
0x2cb: {  	v62 =	vmul.f32 v60, v60;
	v9 =	vadd.f32 v61, v10;
	(pc) =	sbr.rel @p0 .LBB2_14-.Ltmp7, $4  }
0x2cc: {  	v7 =	vmul.f32 $7.812500000e-03, v6  }
0x2cd: {  	[tilespmem:s19+$0xC380] =	vst v6;
	v63 =	vadd.f32 v9, v62  }
0x2ce: {  	[tilespmem:s19+$0xC480] =	vst v7  }
0x2cf: {  	[tilespmem:s19+$0xC280] =	vst v63  }
0x2d0: {  	s15 =	simm.s32 $0x0;
	s18 =	rddreg [dreg:$0x18]  }
0x2d1: {  	[hbm4b:s18+s15] =	stream.linear.scatter [tilespmem:s4], [sflag:$0x6], $0x40, $0x38;
	[tilespmem:$0xC500] =	vst v63  }
0x2d2: {  	s21 =	rddreg [dreg:$0x19]  }
0x2d3: {  	[hbm4b:s21+s15] =	stream.linear.scatter [tilespmem:s5], [sflag:$0x8], $0x40, $0x38;
	[tilespmem:$0xC500] =	vst v63  }
0x2d4: {  	s19 =	rddreg [dreg:$0x1a]  }
0x2d5: {  	[hbm4b:s19+s15] =	stream.linear.scatter [tilespmem:s6], [sflag:$0xA], $0x40, $0x38;
	[tilespmem:$0xC500] =	vst v63  }
0x2d6: {  	v6 =	vld [tilespmem:$0x140];
	_ =	sdelay $0x4  }
0x2d7: {  	v7 =	vshll.u32 v6, $0x1  }
0x2d8: {  	v6 =	vand.u32 $0x7, v6;
	v7 =	vand.u32 $0xFFFFFFF0, v7  }
0x2d9: {  	v6 =	vor.u32 v6, v7  }
0x2da: {  	v7 =	vperm.xlane v6, v1;
	_ =	sdelay $0x1  }
0x2db: {  	v6 =	vperm.xlane v6, v4;
	v7 =	vadd.s32 v3, v7;
	_ =	sdelay $0x1  }
0x2dc: {  	v6 =	vadd.s32 v3, v6;
	_ =	sdelay $0x2  }
0x2dd: {  	[tilespmem:s17], [sflag:$0x2] =	stream.indirect_vreg.gather [hbm4b:s2+s15], $0x80, v7, vm0, $0xb8;
	[tilespmem:$0xC500] =	vst v63  }
0x2de: {  	s20 =	simm.s32 $0x4A00  }
0x2df: {  	[tilespmem:s20], [sflag:$0x2] =	stream.indirect_vreg.gather [hbm4b:s2+s15], $0x80, v6, vm0, $0xb8;
	[tilespmem:$0xC500] =	vst v63  }
0x2e0: {  	v6 =	vld [tilespmem:$0x150];
	_ =	sdelay $0x4  }
0x2e1: {  	v7 =	vshll.u32 v6, $0x1  }
0x2e2: {  	v6 =	vand.u32 $0x7, v6;
	v7 =	vand.u32 $0xFFFFFFF0, v7  }
0x2e3: {  	v6 =	vor.u32 v6, v7  }
0x2e4: {  	v7 =	vperm.xlane v6, v1;
	_ =	sdelay $0x1  }
0x2e5: {  	v6 =	vperm.xlane v6, v4;
	v7 =	vadd.s32 v3, v7;
	_ =	sdelay $0x1  }
0x2e6: {  	v6 =	vadd.s32 v3, v6;
	_ =	sdelay $0x1  }
0x2e7: {  	s21 =	simm.s32 $0x5200  }
0x2e8: {  	[tilespmem:s21], [sflag:$0x2] =	stream.indirect_vreg.gather [hbm4b:s2+s15], $0x80, v7, vm0, $0xb8;
	[tilespmem:$0xC500] =	vst v63  }
0x2e9: {  	s19 =	simm.s32 $0x5A00  }
0x2ea: {  	[tilespmem:s19], [sflag:$0x2] =	stream.indirect_vreg.gather [hbm4b:s2+s15], $0x80, v6, vm0, $0xb8;
	[tilespmem:$0xC500] =	vst v63  }
0x2eb: {  	v6 =	vld [tilespmem:$0x160];
	_ =	sdelay $0x4  }
0x2ec: {  	v7 =	vshll.u32 v6, $0x1  }
0x2ed: {  	v6 =	vand.u32 $0x7, v6;
	v7 =	vand.u32 $0xFFFFFFF0, v7  }
0x2ee: {  	v6 =	vor.u32 v6, v7  }
0x2ef: {  	v7 =	vperm.xlane v6, v1;
	_ =	sdelay $0x1  }
0x2f0: {  	v6 =	vperm.xlane v6, v4;
	v7 =	vadd.s32 v3, v7;
	_ =	sdelay $0x1  }
0x2f1: {  	v6 =	vadd.s32 v3, v6;
	_ =	sdelay $0x1  }
0x2f2: {  	s20 =	simm.s32 $0x6200  }
0x2f3: {  	[tilespmem:s20], [sflag:$0x2] =	stream.indirect_vreg.gather [hbm4b:s2+s15], $0x80, v7, vm0, $0xb8;
	[tilespmem:$0xC500] =	vst v63  }
0x2f4: {  	_ = 	snop  }
0x2f5: {  	[tilespmem:s22], [sflag:$0x2] =	stream.indirect_vreg.gather [hbm4b:s2+s15], $0x80, v6, vm0, $0xb8;
	[tilespmem:$0xC500] =	vst v63  }
0x2f6: {  	v6 =	vld [tilespmem:$0x170];
	_ =	sdelay $0x4  }
0x2f7: {  	v7 =	vshll.u32 v6, $0x1  }
0x2f8: {  	v6 =	vand.u32 $0x7, v6;
	v7 =	vand.u32 $0xFFFFFFF0, v7  }
0x2f9: {  	v6 =	vor.u32 v6, v7  }
0x2fa: {  	v7 =	vperm.xlane v6, v1;
	_ =	sdelay $0x1  }
0x2fb: {  	v6 =	vperm.xlane v6, v4;
	v7 =	vadd.s32 v3, v7;
	_ =	sdelay $0x1  }
0x2fc: {  	v6 =	vadd.s32 v3, v6;
	_ =	sdelay $0x2  }
0x2fd: {  	[tilespmem:s23], [sflag:$0x2] =	stream.indirect_vreg.gather [hbm4b:s2+s15], $0x80, v7, vm0, $0xb8;
	[tilespmem:$0xC500] =	vst v63  }
0x2fe: {  	_ = 	snop  }
0x2ff: {  	[tilespmem:s24], [sflag:$0x2] =	stream.indirect_vreg.gather [hbm4b:s2+s15], $0x80, v6, vm0, $0xb8;
	[tilespmem:$0xC500] =	vst v63  }
0x300: {  	s21 =	rddreg [dreg:$0xf]  }
0x301: {  	[tilespmem:s25], [sflag:$0x4] =	stream.linear.gather [hbm4b:s21+s15], $0x2000, $0x38;
	[tilespmem:$0xC500] =	vst v63  }
0x302: {  	_ =	swait.ge [sflag:s26], $0x4000  }
0x303: {  	[sflag:s26] =	ssyncset.done $0x0  }
0x304: {  	[sflag:s26] =	ssyncadd.s32 $0xFFFFC000  }
0x305: {  	_ =	swait.ge [sflag:s28], $0x2000  }
0x306: {  	[sflag:s28] =	ssyncset.done $0x0  }
0x307: {  	[sflag:s28] =	ssyncadd.s32 $0xFFFFE000  }
0x308: {  	_ =	swait.ge [sflag:s7], $0x40  }
0x309: {  	[sflag:s7] =	ssyncset.done $0x0  }
0x30a: {  	[sflag:s7] =	ssyncadd.s32 $0xFFFFFFC0  }
0x30b: {  	_ =	swait.ge [sflag:s9], $0x40  }
0x30c: {  	[sflag:s9] =	ssyncset.done $0x0  }
0x30d: {  	[sflag:s9] =	ssyncadd.s32 $0xFFFFFFC0  }
0x30e: {  	_ =	swait.ge [sflag:s10], $0x40  }
0x30f: {  	[sflag:s10] =	ssyncset.done $0x0  }
0x310: {  	s18 =	simm.s32 $0x0;
	[sflag:s10] =	ssyncadd.s32 $0xFFFFFFC0  }
.LBB2_18:
0x311: {  	s19 =	sshll.u32 s18, $0x4  }
0x312: {  	v7 =	vadd.s32 s15, v0;
	v6 =	vor.u32 s19, v0  }
0x313: {  	s20 =	simm.s32 $0x1;
	v8 =	vand.u32 $0x7F, v7;
	v13 =	vshll.u32 v6, $0x7  }
0x314: {  	v9 =	vadd.s32 s20, v0;
	v7 =	vor.u32 v13, v8  }
0x315: {  	v11 =	vand.u32 $0x7F, v9  }
0x316: {  	v9 =	vor.u32 v13, v11;
	_ =	sdelay $0x2  }
0x317: {  	v7 =	vld.idx.msk [tilespmem:v7+s16+$0x0], $0xffff  }
0x318: {  	s21 =	simm.s32 $0x2  }
0x319: {  	v10 =	vadd.s32 s21, v0;
	v9 =	vld.idx.msk [tilespmem:v9+s16+$0x0], $0xffff  }
0x31a: {  	v15 =	vand.u32 $0x7F, v10  }
0x31b: {  	v10 =	vor.u32 v13, v15  }
0x31c: {  	v7 =	vmul.f32 $1.442695020e+00, v7;
	_ =	sdelay $0x1  }
0x31d: {  	s21 =	simm.s32 $0x3;
	(erf) = vpow2.f32 v7;
	v7 =	vmul.f32 $1.442695020e+00, v9  }
0x31e: {  	v9 =	vadd.s32 s21, v0  }
0x31f: {  	v12 =	vand.u32 $0x7F, v9;
	v9 =	vld.idx.msk [tilespmem:v10+s16+$0x0], $0xffff;
	(erf) = vpow2.f32 v7  }
0x320: {  	v7 =	vor.u32 v13, v12;
	_ =	sdelay $0x3  }
0x321: {  	v10 =	vmul.f32 $1.442695020e+00, v9  }
0x322: {  	v14 =	vld.idx.msk [tilespmem:v7+s16+$0x0], $0xffff  }
0x323: {  	v6 =	vshll.u32 v6, $0x8;
	s21 =	simm.s32 $0x4  }
0x324: {  	v6 =	vand.u32 $0x3800, v6;
	v9 =	vadd.s32 s21, v0;
	v7 =	vpop (erf)  }
0x325: {  	s21 =	simm.s32 $0x5;
	v9 =	vand.u32 $0x7F, v9;
	(erf) = vpow2.f32 v10;
	v7 =	vadd.f32 $1.000000000e+00, v7;
	v10 =	vpop (erf)  }
0x326: {  	v17 =	vadd.s32 s21, v0;
	v16 =	vor.u32 v13, v9;
	v18 =	vadd.f32 $1.000000000e+00, v10  }
0x327: {  	(erf) = vrcp.f32 v7;
	v10 =	vand.u32 $0x7F, v17;
	v14 =	vmul.f32 $1.442695020e+00, v14  }
0x328: {  	v7 =	vor.u32 v2, v6;
	v19 =	vor.u32 v13, v10;
	(erf) = vrcp.f32 v18  }
0x329: {  	v17 =	vor.u32 v7, v8;
	(erf) = vpow2.f32 v14  }
0x32a: {  	v6 =	vor.u32 v5, v6  }
0x32b: {  	v8 =	vor.u32 v6, v8  }
0x32c: {  	v23 =	vld.idx.msk [tilespmem:v16+s16+$0x0], $0xffff;
	v18 =	vor.u32 v7, v11  }
0x32d: {  	s21 =	simm.s32 $0x6;
	v19 =	vld.idx.msk [tilespmem:v19+s16+$0x0], $0xffff  }
0x32e: {  	v28 =	vor.u32 v6, v11;
	v14 =	vadd.s32 s21, v0;
	s21 =	simm.s32 $0x7;
	v26 =	vld.idx.msk [tilespmem:v17+s8+$0x0], $0xffff  }
0x32f: {  	v21 =	vimm.f32 $0.0e+00;
	v11 =	vadd.s32 s21, v0;
	v17 =	vpop (erf)  }
0x330: {  	v11 =	vand.u32 $0x7F, v11;
	v20 =	vld.idx.msk [tilespmem:v8+s8+$0x0], $0xffff;
	v8 =	vand.u32 $0x7F, v14;
	v14 =	vor.u32 v6, v15;
	v22 =	vpop (erf)  }
0x331: {  	v24 =	vmul.f32 $1.442695020e+00, v23;
	v16 =	vld.idx.msk [tilespmem:v18+s8+$0x0], $0xffff;
	v29 =	vadd.f32 $1.000000000e+00, v17;
	v31 =	vsub.f32 $1.000000000e+00, v22;
	v17 =	vpop (erf)  }
0x332: {  	v23 =	vor.u32 v13, v11;
	v18 =	vor.u32 v7, v15;
	v27 =	vmul.f32 $1.442695020e+00, v19;
	v19 =	vpop (erf)  }
0x333: {  	v25 =	vor.u32 v13, v8;
	v30 =	vsub.f32 v31, v26;
	v32 =	vadd.f32 $1.000000000e+00, v19;
	v19 =	vld.idx.msk [tilespmem:v28+s8+$0x0], $0xffff  }
0x334: {  	v15 =	vor.u32 v7, v12;
	(erf) = vpow2.f32 v24;
	v24 =	vsub.f32 $1.000000000e+00, v17  }
0x335: {  	(erf) = vrcp.f32 v29;
	v29 =	vsub.f32 v22, v20;
	v30 =	vmul.f32 v30, v30  }
0x336: {  	s20 =	simm.s32 $0x8;
	v31 =	vmin.f32 v31, v26;
	v26 =	vimm.f32 $0.0e+00;
	v28 =	vsub.f32 v24, v16  }
.LBB2_19:
0x337: {  	p0 =	slt.u32 s20, $0x7E;
	v21 =	vadd.f32 v30, v21;
	v29 =	vmul.f32 v29, v29;
	v26 =	vadd.f32 v31, v26  }
0x338: {  	v20 =	vmin.f32 v22, v20;
	v22 =	vsub.f32 v17, v19;
	(erf) = vrcp.f32 v32  }
0x339: {  	v21 =	vadd.f32 v21, v29;
	v20 =	vadd.f32 v26, v20;
	v26 =	vmul.f32 v28, v28  }
0x33a: {  	v16 =	vmin.f32 v24, v16;
	v28 =	vld.idx.msk [tilespmem:v25+s16+$0x0], $0xffff;
	(erf) = vpow2.f32 v27;
	v27 =	vor.u32 v6, v12;
	v12 =	vmovc v10  }
0x33b: {  	v31 =	vld.idx.msk [tilespmem:v18+s8+$0x0], $0xffff;
	v18 =	vadd.f32 v26, v21;
	v21 =	vmul.f32 v22, v22;
	v16 =	vadd.f32 v16, v20  }
0x33c: {  	v17 =	vmin.f32 v17, v19;
	v10 =	vmov v11;
	v24 =	vld.idx.msk [tilespmem:v23+s16+$0x0], $0xffff  }
0x33d: {  	s21 =	sadd.s32 $0x1, s20;
	v11 =	vadd.s32 s20, v0;
	v29 =	vpop (erf);
	v20 =	vld.idx.msk [tilespmem:v14+s8+$0x0], $0xffff;
	v21 =	vadd.f32 v18, v21;
	v26 =	vadd.f32 v16, v17  }
0x33e: {  	v17 =	vand.u32 $0x7F, v11;
	v11 =	vadd.s32 s21, v0;
	v14 =	vor.u32 v6, v9;
	v16 =	vld.idx.msk [tilespmem:v15+s8+$0x0], $0xffff;
	v22 =	vpop (erf)  }
0x33f: {  	v18 =	vor.u32 v7, v9;
	v9 =	vmovc v8;
	v11 =	vand.u32 $0x7F, v11;
	v8 =	vmovc v17;
	v33 =	vsub.f32 $1.000000000e+00, v22  }
.Ltmp8:
0x340: {  	v15 =	vor.u32 v7, v12;
	v25 =	vor.u32 v13, v8;
	v32 =	vmul.f32 $1.442695020e+00, v28;
	v19 =	vld.idx.msk [tilespmem:v27+s8+$0x0], $0xffff;
	(pc) =	sbr.rel @p0 .LBB2_19-.Ltmp8, $4  }
0x341: {  	v29 =	vadd.f32 $1.000000000e+00, v29;
	v23 =	vor.u32 v13, v11;
	v30 =	vsub.f32 v33, v31;
	v17 =	vpop (erf)  }
0x342: {  	v27 =	vmul.f32 $1.442695020e+00, v24;
	(erf) = vpow2.f32 v32;
	v24 =	vsub.f32 $1.000000000e+00, v17  }
0x343: {  	(erf) = vrcp.f32 v29;
	v28 =	vpop (erf);
	v29 =	vsub.f32 v22, v20;
	v30 =	vmul.f32 v30, v30  }
0x344: {  	s20 =	sadd.s32 $0x2, s20;
	v31 =	vmin.f32 v33, v31;
	v32 =	vadd.f32 $1.000000000e+00, v28;
	v28 =	vsub.f32 v24, v16  }
0x345: {  	_ = 	snop  }
0x346: {  	(erf) = vrcp.f32 v32  }
0x347: {  	(erf) = vpow2.f32 v27;
	_ =	sdelay $0x1  }
0x348: {  	v13 =	vld.idx.msk [tilespmem:v25+s16+$0x0], $0xffff;
	_ =	sdelay $0x3  }
0x349: {  	v21 =	vadd.f32 v30, v21;
	v49 =	vmul.f32 v29, v29;
	v23 =	vld.idx.msk [tilespmem:v23+s16+$0x0], $0xffff;
	v50 =	vpop (erf)  }
0x34a: {  	v26 =	vadd.f32 v31, v26;
	v20 =	vmin.f32 v22, v20;
	v13 =	vmul.f32 $1.442695020e+00, v13;
	v51 =	vpop (erf)  }
0x34b: {  	v52 =	vsub.f32 v17, v19;
	v12 =	vor.u32 v6, v12;
	v16 =	vmin.f32 v24, v16;
	v53 =	vpop (erf)  }
0x34c: {  	v59 =	vmin.f32 v17, v19;
	v27 =	vadd.f32 $1.000000000e+00, v50;
	(erf) = vpow2.f32 v13;
	v55 =	vpop (erf)  }
0x34d: {  	v61 =	vor.u32 v7, v9;
	v29 =	vor.u32 v7, v10;
	v56 =	vadd.f32 $1.000000000e+00, v55  }
0x34e: {  	v18 =	vld.idx.msk [tilespmem:v18+s8+$0x0], $0xffff;
	v36 =	vor.u32 v6, v10;
	v23 =	vmul.f32 $1.442695020e+00, v23;
	(erf) = vrcp.f32 v27  }
0x34f: {  	v42 =	vor.u32 v7, v8;
	v20 =	vadd.f32 v26, v20;
	(erf) = vrcp.f32 v56  }
0x350: {  	v14 =	vld.idx.msk [tilespmem:v14+s8+$0x0], $0xffff;
	v54 =	vmul.f32 v28, v28;
	v21 =	vadd.f32 v21, v49;
	(erf) = vpow2.f32 v23  }
0x351: {  	v15 =	vld.idx.msk [tilespmem:v15+s8+$0x0], $0xffff;
	v44 =	vor.u32 v6, v8;
	v16 =	vadd.f32 v16, v20;
	v57 =	vsub.f32 $1.000000000e+00, v51  }
0x352: {  	v7 =	vor.u32 v7, v11;
	v58 =	vmul.f32 v52, v52;
	v21 =	vadd.f32 v54, v21  }
0x353: {  	v28 =	vor.u32 v6, v9;
	v12 =	vld.idx.msk [tilespmem:v12+s8+$0x0], $0xffff;
	v16 =	vadd.f32 v16, v59;
	v60 =	vsub.f32 v57, v18  }
0x354: {  	v13 =	vadd.f32 v21, v58;
	v18 =	vmin.f32 v57, v18;
	v62 =	vsub.f32 $1.000000000e+00, v53  }
0x355: {  	v63 =	vsub.f32 v51, v14;
	v16 =	vadd.f32 v18, v16;
	v19 =	vmul.f32 v60, v60;
	v32 =	vpop (erf)  }
0x356: {  	v14 =	vmin.f32 v51, v14;
	v30 =	vsub.f32 v62, v15;
	v18 =	vadd.f32 $1.000000000e+00, v32  }
0x357: {  	v17 =	vld.idx.msk [tilespmem:v61+s8+$0x0], $0xffff;
	v31 =	vmul.f32 v63, v63;
	v14 =	vadd.f32 v16, v14;
	v13 =	vadd.f32 v19, v13;
	v34 =	vpop (erf)  }
0x358: {  	v9 =	vld.idx.msk [tilespmem:v28+s8+$0x0], $0xffff;
	v35 =	vsub.f32 v53, v12;
	v15 =	vmin.f32 v62, v15;
	(erf) = vrcp.f32 v18;
	v37 =	vpop (erf)  }
0x359: {  	v33 =	vmul.f32 v30, v30;
	v14 =	vadd.f32 v15, v14;
	v13 =	vadd.f32 v13, v31;
	v38 =	vpop (erf)  }
0x35a: {  	v12 =	vmin.f32 v53, v12;
	v40 =	vsub.f32 $1.000000000e+00, v34;
	v16 =	vadd.f32 $1.000000000e+00, v38  }
0x35b: {  	v39 =	vld.idx.msk [tilespmem:v29+s8+$0x0], $0xffff;
	v41 =	vmul.f32 v35, v35;
	v12 =	vadd.f32 v14, v12;
	v13 =	vadd.f32 v33, v13  }
0x35c: {  	v10 =	vld.idx.msk [tilespmem:v36+s8+$0x0], $0xffff;
	v43 =	vsub.f32 v40, v17;
	v47 =	vmin.f32 v40, v17;
	(erf) = vrcp.f32 v16  }
0x35d: {  	v46 =	vsub.f32 v34, v9;
	v9 =	vmin.f32 v34, v9;
	v12 =	vadd.f32 v47, v12  }
0x35e: {  	v13 =	vadd.f32 v13, v41;
	v22 =	vmul.f32 v43, v43;
	v45 =	vsub.f32 $1.000000000e+00, v37  }
0x35f: {  	v6 =	vor.u32 v6, v11;
	v50 =	vld.idx.msk [tilespmem:v42+s8+$0x0], $0xffff;
	v49 =	vmul.f32 v46, v46;
	v9 =	vadd.f32 v12, v9  }
0x360: {  	v8 =	vld.idx.msk [tilespmem:v44+s8+$0x0], $0xffff;
	v13 =	vadd.f32 v22, v13;
	v48 =	vsub.f32 v45, v39;
	v16 =	vmin.f32 v45, v39  }
0x361: {  	v51 =	vsub.f32 v37, v10;
	v10 =	vmin.f32 v37, v10;
	v53 =	vpop (erf);
	v9 =	vadd.f32 v16, v9  }
0x362: {  	v13 =	vadd.f32 v13, v49;
	v52 =	vmul.f32 v48, v48;
	v54 =	vsub.f32 $1.000000000e+00, v53  }
0x363: {  	v7 =	vld.idx.msk [tilespmem:v7+s8+$0x0], $0xffff;
	v14 =	vmul.f32 v51, v51;
	v9 =	vadd.f32 v9, v10  }
0x364: {  	v6 =	vld.idx.msk [tilespmem:v6+s8+$0x0], $0xffff;
	v13 =	vadd.f32 v52, v13;
	v55 =	vsub.f32 v54, v50;
	v11 =	vmin.f32 v54, v50  }
0x365: {  	v58 =	vsub.f32 v53, v8;
	v8 =	vmin.f32 v53, v8;
	v9 =	vadd.f32 v11, v9;
	v56 =	vpop (erf)  }
0x366: {  	v13 =	vadd.f32 v13, v14;
	v15 =	vmul.f32 v55, v55;
	v57 =	vsub.f32 $1.000000000e+00, v56  }
0x367: {  	v10 =	vmul.f32 v58, v58;
	v8 =	vadd.f32 v9, v8  }
0x368: {  	v13 =	vadd.f32 v15, v13;
	v59 =	vsub.f32 v57, v7;
	v7 =	vmin.f32 v57, v7  }
0x369: {  	v60 =	vsub.f32 v56, v6;
	v7 =	vadd.f32 v7, v8  }
0x36a: {  	s18 =	sadd.s32 $0x1, s18;
	v10 =	vadd.f32 v13, v10;
	v6 =	vmin.f32 v56, v6;
	v61 =	vmul.f32 v59, v59  }
0x36b: {  	p0 =	sne.s32 s18, $0x4;
	v6 =	vadd.f32 v7, v6  }
.Ltmp9:
0x36c: {  	v62 =	vmul.f32 v60, v60;
	v9 =	vadd.f32 v61, v10;
	(pc) =	sbr.rel @p0 .LBB2_18-.Ltmp9, $4  }
0x36d: {  	v7 =	vmul.f32 $7.812500000e-03, v6  }
0x36e: {  	[tilespmem:s19+$0xC300] =	vst v6;
	v63 =	vadd.f32 v9, v62  }
0x36f: {  	[tilespmem:s19+$0xC400] =	vst v7  }
0x370: {  	[tilespmem:s19+$0xC200] =	vst v63  }
0x371: {  	s15 =	simm.s32 $0x0;
	s18 =	rddreg [dreg:$0x1b]  }
0x372: {  	[hbm4b:s18+s15] =	stream.linear.scatter [tilespmem:s29], [sflag:$0x5], $0x40, $0x38;
	[tilespmem:$0xC500] =	vst v63  }
0x373: {  	s21 =	rddreg [dreg:$0x1c]  }
0x374: {  	[hbm4b:s21+s15] =	stream.linear.scatter [tilespmem:s30], [sflag:$0x7], $0x40, $0x38;
	[tilespmem:$0xC500] =	vst v63  }
0x375: {  	s19 =	rddreg [dreg:$0x1d]  }
0x376: {  	[hbm4b:s19+s15] =	stream.linear.scatter [tilespmem:s31], [sflag:$0x9], $0x40, $0x38;
	[tilespmem:$0xC500] =	vst v63  }
0x377: {  	v6 =	vld [tilespmem:$0x180];
	_ =	sdelay $0x4  }
0x378: {  	v7 =	vshll.u32 v6, $0x1  }
0x379: {  	v6 =	vand.u32 $0x7, v6;
	v7 =	vand.u32 $0xFFFFFFF0, v7  }
0x37a: {  	v6 =	vor.u32 v6, v7  }
0x37b: {  	v7 =	vperm.xlane v6, v1;
	_ =	sdelay $0x1  }
0x37c: {  	v6 =	vperm.xlane v6, v4;
	v7 =	vadd.s32 v3, v7;
	_ =	sdelay $0x1  }
0x37d: {  	v6 =	vadd.s32 v3, v6;
	_ =	sdelay $0x2  }
0x37e: {  	[tilespmem:s8], [sflag:$0x1] =	stream.indirect_vreg.gather [hbm4b:s2+s15], $0x80, v7, vm0, $0xb8;
	[tilespmem:$0xC500] =	vst v63  }
0x37f: {  	s20 =	simm.s32 $0xA00  }
0x380: {  	[tilespmem:s20], [sflag:$0x1] =	stream.indirect_vreg.gather [hbm4b:s2+s15], $0x80, v6, vm0, $0xb8;
	[tilespmem:$0xC500] =	vst v63  }
0x381: {  	v6 =	vld [tilespmem:$0x190];
	_ =	sdelay $0x4  }
0x382: {  	v7 =	vshll.u32 v6, $0x1  }
0x383: {  	v6 =	vand.u32 $0x7, v6;
	v7 =	vand.u32 $0xFFFFFFF0, v7  }
0x384: {  	v6 =	vor.u32 v6, v7  }
0x385: {  	v7 =	vperm.xlane v6, v1;
	_ =	sdelay $0x1  }
0x386: {  	v6 =	vperm.xlane v6, v4;
	v7 =	vadd.s32 v3, v7;
	_ =	sdelay $0x1  }
0x387: {  	v6 =	vadd.s32 v3, v6;
	_ =	sdelay $0x1  }
0x388: {  	s21 =	simm.s32 $0x1200  }
0x389: {  	[tilespmem:s21], [sflag:$0x1] =	stream.indirect_vreg.gather [hbm4b:s2+s15], $0x80, v7, vm0, $0xb8;
	[tilespmem:$0xC500] =	vst v63  }
0x38a: {  	s19 =	simm.s32 $0x1A00  }
0x38b: {  	[tilespmem:s19], [sflag:$0x1] =	stream.indirect_vreg.gather [hbm4b:s2+s15], $0x80, v6, vm0, $0xb8;
	[tilespmem:$0xC500] =	vst v63  }
0x38c: {  	v6 =	vld [tilespmem:$0x1A0];
	_ =	sdelay $0x4  }
0x38d: {  	v7 =	vshll.u32 v6, $0x1  }
0x38e: {  	v6 =	vand.u32 $0x7, v6;
	v7 =	vand.u32 $0xFFFFFFF0, v7  }
0x38f: {  	v6 =	vor.u32 v6, v7  }
0x390: {  	v7 =	vperm.xlane v6, v1;
	_ =	sdelay $0x1  }
0x391: {  	v6 =	vperm.xlane v6, v4;
	v7 =	vadd.s32 v3, v7;
	_ =	sdelay $0x1  }
0x392: {  	v6 =	vadd.s32 v3, v6;
	_ =	sdelay $0x1  }
0x393: {  	s20 =	simm.s32 $0x2200  }
0x394: {  	[tilespmem:s20], [sflag:$0x1] =	stream.indirect_vreg.gather [hbm4b:s2+s15], $0x80, v7, vm0, $0xb8;
	[tilespmem:$0xC500] =	vst v63  }
0x395: {  	s21 =	simm.s32 $0x2A00  }
0x396: {  	[tilespmem:s21], [sflag:$0x1] =	stream.indirect_vreg.gather [hbm4b:s2+s15], $0x80, v6, vm0, $0xb8;
	[tilespmem:$0xC500] =	vst v63  }
0x397: {  	v6 =	vld [tilespmem:$0x1B0];
	_ =	sdelay $0x4  }
0x398: {  	v7 =	vshll.u32 v6, $0x1  }
0x399: {  	v6 =	vand.u32 $0x7, v6;
	v7 =	vand.u32 $0xFFFFFFF0, v7  }
0x39a: {  	v6 =	vor.u32 v6, v7  }
0x39b: {  	v7 =	vperm.xlane v6, v1;
	_ =	sdelay $0x1  }
0x39c: {  	v6 =	vperm.xlane v6, v4;
	v7 =	vadd.s32 v3, v7;
	_ =	sdelay $0x1  }
0x39d: {  	v6 =	vadd.s32 v3, v6;
	_ =	sdelay $0x1  }
0x39e: {  	s19 =	simm.s32 $0x3200  }
0x39f: {  	[tilespmem:s19], [sflag:$0x1] =	stream.indirect_vreg.gather [hbm4b:s2+s15], $0x80, v7, vm0, $0xb8;
	[tilespmem:$0xC500] =	vst v63  }
0x3a0: {  	s20 =	simm.s32 $0x3A00  }
0x3a1: {  	[tilespmem:s20], [sflag:$0x1] =	stream.indirect_vreg.gather [hbm4b:s2+s15], $0x80, v6, vm0, $0xb8;
	[tilespmem:$0xC500] =	vst v63  }
0x3a2: {  	s21 =	rddreg [dreg:$0x10]  }
0x3a3: {  	[tilespmem:s16], [sflag:$0x3] =	stream.linear.gather [hbm4b:s21+s15], $0x2000, $0x38;
	[tilespmem:$0xC500] =	vst v63  }
0x3a4: {  	_ =	swait.ge [sflag:s1], $0x4000  }
0x3a5: {  	[sflag:s1] =	ssyncset.done $0x0  }
0x3a6: {  	[sflag:s1] =	ssyncadd.s32 $0xFFFFC000  }
0x3a7: {  	_ =	swait.ge [sflag:s3], $0x2000  }
0x3a8: {  	[sflag:s3] =	ssyncset.done $0x0  }
0x3a9: {  	[sflag:s3] =	ssyncadd.s32 $0xFFFFE000  }
0x3aa: {  	_ =	swait.ge [sflag:s11], $0x40  }
0x3ab: {  	[sflag:s11] =	ssyncset.done $0x0  }
0x3ac: {  	[sflag:s11] =	ssyncadd.s32 $0xFFFFFFC0  }
0x3ad: {  	_ =	swait.ge [sflag:s12], $0x40  }
0x3ae: {  	[sflag:s12] =	ssyncset.done $0x0  }
0x3af: {  	[sflag:s12] =	ssyncadd.s32 $0xFFFFFFC0  }
0x3b0: {  	_ =	swait.ge [sflag:s13], $0x40  }
0x3b1: {  	[sflag:s13] =	ssyncset.done $0x0  }
0x3b2: {  	s18 =	simm.s32 $0x0;
	[sflag:s13] =	ssyncadd.s32 $0xFFFFFFC0  }
.LBB2_22:
0x3b3: {  	s19 =	sshll.u32 s18, $0x4  }
0x3b4: {  	v7 =	vadd.s32 s15, v0;
	v6 =	vor.u32 s19, v0  }
0x3b5: {  	s20 =	simm.s32 $0x1;
	v8 =	vand.u32 $0x7F, v7;
	v13 =	vshll.u32 v6, $0x7  }
0x3b6: {  	v9 =	vadd.s32 s20, v0;
	v7 =	vor.u32 v13, v8  }
0x3b7: {  	v11 =	vand.u32 $0x7F, v9  }
0x3b8: {  	v9 =	vor.u32 v13, v11;
	_ =	sdelay $0x2  }
0x3b9: {  	v7 =	vld.idx.msk [tilespmem:v7+s25+$0x0], $0xffff  }
0x3ba: {  	s21 =	simm.s32 $0x2  }
0x3bb: {  	v10 =	vadd.s32 s21, v0;
	v9 =	vld.idx.msk [tilespmem:v9+s25+$0x0], $0xffff  }
0x3bc: {  	v15 =	vand.u32 $0x7F, v10  }
0x3bd: {  	v10 =	vor.u32 v13, v15  }
0x3be: {  	v7 =	vmul.f32 $1.442695020e+00, v7;
	_ =	sdelay $0x1  }
0x3bf: {  	s21 =	simm.s32 $0x3;
	(erf) = vpow2.f32 v7;
	v7 =	vmul.f32 $1.442695020e+00, v9  }
0x3c0: {  	v9 =	vadd.s32 s21, v0  }
0x3c1: {  	v12 =	vand.u32 $0x7F, v9;
	v9 =	vld.idx.msk [tilespmem:v10+s25+$0x0], $0xffff;
	(erf) = vpow2.f32 v7  }
0x3c2: {  	v7 =	vor.u32 v13, v12;
	_ =	sdelay $0x3  }
0x3c3: {  	v10 =	vmul.f32 $1.442695020e+00, v9  }
0x3c4: {  	v14 =	vld.idx.msk [tilespmem:v7+s25+$0x0], $0xffff  }
0x3c5: {  	v6 =	vshll.u32 v6, $0x8;
	s21 =	simm.s32 $0x4  }
0x3c6: {  	v6 =	vand.u32 $0x3800, v6;
	v9 =	vadd.s32 s21, v0;
	v7 =	vpop (erf)  }
0x3c7: {  	s21 =	simm.s32 $0x5;
	v9 =	vand.u32 $0x7F, v9;
	(erf) = vpow2.f32 v10;
	v7 =	vadd.f32 $1.000000000e+00, v7;
	v10 =	vpop (erf)  }
0x3c8: {  	v17 =	vadd.s32 s21, v0;
	v16 =	vor.u32 v13, v9;
	v18 =	vadd.f32 $1.000000000e+00, v10  }
0x3c9: {  	(erf) = vrcp.f32 v7;
	v10 =	vand.u32 $0x7F, v17;
	v14 =	vmul.f32 $1.442695020e+00, v14  }
0x3ca: {  	v7 =	vor.u32 v2, v6;
	v19 =	vor.u32 v13, v10;
	(erf) = vrcp.f32 v18  }
0x3cb: {  	v17 =	vor.u32 v7, v8;
	(erf) = vpow2.f32 v14  }
0x3cc: {  	v6 =	vor.u32 v5, v6  }
0x3cd: {  	v8 =	vor.u32 v6, v8  }
0x3ce: {  	v23 =	vld.idx.msk [tilespmem:v16+s25+$0x0], $0xffff;
	v18 =	vor.u32 v7, v11  }
0x3cf: {  	s21 =	simm.s32 $0x6;
	v19 =	vld.idx.msk [tilespmem:v19+s25+$0x0], $0xffff  }
0x3d0: {  	v28 =	vor.u32 v6, v11;
	v14 =	vadd.s32 s21, v0;
	s21 =	simm.s32 $0x7;
	v26 =	vld.idx.msk [tilespmem:v17+s17+$0x0], $0xffff  }
0x3d1: {  	v21 =	vimm.f32 $0.0e+00;
	v11 =	vadd.s32 s21, v0;
	v17 =	vpop (erf)  }
0x3d2: {  	v11 =	vand.u32 $0x7F, v11;
	v20 =	vld.idx.msk [tilespmem:v8+s17+$0x0], $0xffff;
	v8 =	vand.u32 $0x7F, v14;
	v14 =	vor.u32 v6, v15;
	v22 =	vpop (erf)  }
0x3d3: {  	v24 =	vmul.f32 $1.442695020e+00, v23;
	v16 =	vld.idx.msk [tilespmem:v18+s17+$0x0], $0xffff;
	v29 =	vadd.f32 $1.000000000e+00, v17;
	v31 =	vsub.f32 $1.000000000e+00, v22;
	v17 =	vpop (erf)  }
0x3d4: {  	v23 =	vor.u32 v13, v11;
	v18 =	vor.u32 v7, v15;
	v27 =	vmul.f32 $1.442695020e+00, v19;
	v19 =	vpop (erf)  }
0x3d5: {  	v25 =	vor.u32 v13, v8;
	v30 =	vsub.f32 v31, v26;
	v32 =	vadd.f32 $1.000000000e+00, v19;
	v19 =	vld.idx.msk [tilespmem:v28+s17+$0x0], $0xffff  }
0x3d6: {  	v15 =	vor.u32 v7, v12;
	(erf) = vpow2.f32 v24;
	v24 =	vsub.f32 $1.000000000e+00, v17  }
0x3d7: {  	(erf) = vrcp.f32 v29;
	v29 =	vsub.f32 v22, v20;
	v30 =	vmul.f32 v30, v30  }
0x3d8: {  	s20 =	simm.s32 $0x8;
	v31 =	vmin.f32 v31, v26;
	v26 =	vimm.f32 $0.0e+00;
	v28 =	vsub.f32 v24, v16  }
.LBB2_23:
0x3d9: {  	p0 =	slt.u32 s20, $0x7E;
	v21 =	vadd.f32 v30, v21;
	v29 =	vmul.f32 v29, v29;
	v26 =	vadd.f32 v31, v26  }
0x3da: {  	v20 =	vmin.f32 v22, v20;
	v22 =	vsub.f32 v17, v19;
	(erf) = vrcp.f32 v32  }
0x3db: {  	v21 =	vadd.f32 v21, v29;
	v20 =	vadd.f32 v26, v20;
	v26 =	vmul.f32 v28, v28  }
0x3dc: {  	v16 =	vmin.f32 v24, v16;
	v28 =	vld.idx.msk [tilespmem:v25+s25+$0x0], $0xffff;
	(erf) = vpow2.f32 v27;
	v27 =	vor.u32 v6, v12;
	v12 =	vmovc v10  }
0x3dd: {  	v31 =	vld.idx.msk [tilespmem:v18+s17+$0x0], $0xffff;
	v18 =	vadd.f32 v26, v21;
	v21 =	vmul.f32 v22, v22;
	v16 =	vadd.f32 v16, v20  }
0x3de: {  	v17 =	vmin.f32 v17, v19;
	v10 =	vmov v11;
	v24 =	vld.idx.msk [tilespmem:v23+s25+$0x0], $0xffff  }
0x3df: {  	s21 =	sadd.s32 $0x1, s20;
	v11 =	vadd.s32 s20, v0;
	v29 =	vpop (erf);
	v20 =	vld.idx.msk [tilespmem:v14+s17+$0x0], $0xffff;
	v21 =	vadd.f32 v18, v21;
	v26 =	vadd.f32 v16, v17  }
0x3e0: {  	v17 =	vand.u32 $0x7F, v11;
	v11 =	vadd.s32 s21, v0;
	v14 =	vor.u32 v6, v9;
	v16 =	vld.idx.msk [tilespmem:v15+s17+$0x0], $0xffff;
	v22 =	vpop (erf)  }
0x3e1: {  	v18 =	vor.u32 v7, v9;
	v9 =	vmovc v8;
	v11 =	vand.u32 $0x7F, v11;
	v8 =	vmovc v17;
	v33 =	vsub.f32 $1.000000000e+00, v22  }
.Ltmp10:
0x3e2: {  	v15 =	vor.u32 v7, v12;
	v25 =	vor.u32 v13, v8;
	v32 =	vmul.f32 $1.442695020e+00, v28;
	v19 =	vld.idx.msk [tilespmem:v27+s17+$0x0], $0xffff;
	(pc) =	sbr.rel @p0 .LBB2_23-.Ltmp10, $4  }
0x3e3: {  	v29 =	vadd.f32 $1.000000000e+00, v29;
	v23 =	vor.u32 v13, v11;
	v30 =	vsub.f32 v33, v31;
	v17 =	vpop (erf)  }
0x3e4: {  	v27 =	vmul.f32 $1.442695020e+00, v24;
	(erf) = vpow2.f32 v32;
	v24 =	vsub.f32 $1.000000000e+00, v17  }
0x3e5: {  	(erf) = vrcp.f32 v29;
	v28 =	vpop (erf);
	v29 =	vsub.f32 v22, v20;
	v30 =	vmul.f32 v30, v30  }
0x3e6: {  	s20 =	sadd.s32 $0x2, s20;
	v31 =	vmin.f32 v33, v31;
	v32 =	vadd.f32 $1.000000000e+00, v28;
	v28 =	vsub.f32 v24, v16  }
0x3e7: {  	_ = 	snop  }
0x3e8: {  	(erf) = vrcp.f32 v32  }
0x3e9: {  	(erf) = vpow2.f32 v27;
	_ =	sdelay $0x1  }
0x3ea: {  	v13 =	vld.idx.msk [tilespmem:v25+s25+$0x0], $0xffff;
	_ =	sdelay $0x3  }
0x3eb: {  	v21 =	vadd.f32 v30, v21;
	v49 =	vmul.f32 v29, v29;
	v23 =	vld.idx.msk [tilespmem:v23+s25+$0x0], $0xffff;
	v50 =	vpop (erf)  }
0x3ec: {  	v26 =	vadd.f32 v31, v26;
	v20 =	vmin.f32 v22, v20;
	v13 =	vmul.f32 $1.442695020e+00, v13;
	v51 =	vpop (erf)  }
0x3ed: {  	v52 =	vsub.f32 v17, v19;
	v12 =	vor.u32 v6, v12;
	v16 =	vmin.f32 v24, v16;
	v53 =	vpop (erf)  }
0x3ee: {  	v59 =	vmin.f32 v17, v19;
	v27 =	vadd.f32 $1.000000000e+00, v50;
	(erf) = vpow2.f32 v13;
	v55 =	vpop (erf)  }
0x3ef: {  	v61 =	vor.u32 v7, v9;
	v29 =	vor.u32 v7, v10;
	v56 =	vadd.f32 $1.000000000e+00, v55  }
0x3f0: {  	v18 =	vld.idx.msk [tilespmem:v18+s17+$0x0], $0xffff;
	v36 =	vor.u32 v6, v10;
	v23 =	vmul.f32 $1.442695020e+00, v23;
	(erf) = vrcp.f32 v27  }
0x3f1: {  	v42 =	vor.u32 v7, v8;
	v20 =	vadd.f32 v26, v20;
	(erf) = vrcp.f32 v56  }
0x3f2: {  	v14 =	vld.idx.msk [tilespmem:v14+s17+$0x0], $0xffff;
	v54 =	vmul.f32 v28, v28;
	v21 =	vadd.f32 v21, v49;
	(erf) = vpow2.f32 v23  }
0x3f3: {  	v15 =	vld.idx.msk [tilespmem:v15+s17+$0x0], $0xffff;
	v44 =	vor.u32 v6, v8;
	v16 =	vadd.f32 v16, v20;
	v57 =	vsub.f32 $1.000000000e+00, v51  }
0x3f4: {  	v7 =	vor.u32 v7, v11;
	v58 =	vmul.f32 v52, v52;
	v21 =	vadd.f32 v54, v21  }
0x3f5: {  	v28 =	vor.u32 v6, v9;
	v12 =	vld.idx.msk [tilespmem:v12+s17+$0x0], $0xffff;
	v16 =	vadd.f32 v16, v59;
	v60 =	vsub.f32 v57, v18  }
0x3f6: {  	v13 =	vadd.f32 v21, v58;
	v18 =	vmin.f32 v57, v18;
	v62 =	vsub.f32 $1.000000000e+00, v53  }
0x3f7: {  	v63 =	vsub.f32 v51, v14;
	v16 =	vadd.f32 v18, v16;
	v19 =	vmul.f32 v60, v60;
	v32 =	vpop (erf)  }
0x3f8: {  	v14 =	vmin.f32 v51, v14;
	v30 =	vsub.f32 v62, v15;
	v18 =	vadd.f32 $1.000000000e+00, v32  }
0x3f9: {  	v17 =	vld.idx.msk [tilespmem:v61+s17+$0x0], $0xffff;
	v31 =	vmul.f32 v63, v63;
	v14 =	vadd.f32 v16, v14;
	v13 =	vadd.f32 v19, v13;
	v34 =	vpop (erf)  }
0x3fa: {  	v9 =	vld.idx.msk [tilespmem:v28+s17+$0x0], $0xffff;
	v35 =	vsub.f32 v53, v12;
	v15 =	vmin.f32 v62, v15;
	(erf) = vrcp.f32 v18;
	v37 =	vpop (erf)  }
0x3fb: {  	v33 =	vmul.f32 v30, v30;
	v14 =	vadd.f32 v15, v14;
	v13 =	vadd.f32 v13, v31;
	v38 =	vpop (erf)  }
0x3fc: {  	v12 =	vmin.f32 v53, v12;
	v40 =	vsub.f32 $1.000000000e+00, v34;
	v16 =	vadd.f32 $1.000000000e+00, v38  }
0x3fd: {  	v39 =	vld.idx.msk [tilespmem:v29+s17+$0x0], $0xffff;
	v41 =	vmul.f32 v35, v35;
	v12 =	vadd.f32 v14, v12;
	v13 =	vadd.f32 v33, v13  }
0x3fe: {  	v10 =	vld.idx.msk [tilespmem:v36+s17+$0x0], $0xffff;
	v43 =	vsub.f32 v40, v17;
	v47 =	vmin.f32 v40, v17;
	(erf) = vrcp.f32 v16  }
0x3ff: {  	v46 =	vsub.f32 v34, v9;
	v9 =	vmin.f32 v34, v9;
	v12 =	vadd.f32 v47, v12  }
0x400: {  	v13 =	vadd.f32 v13, v41;
	v22 =	vmul.f32 v43, v43;
	v45 =	vsub.f32 $1.000000000e+00, v37  }
0x401: {  	v6 =	vor.u32 v6, v11;
	v50 =	vld.idx.msk [tilespmem:v42+s17+$0x0], $0xffff;
	v49 =	vmul.f32 v46, v46;
	v9 =	vadd.f32 v12, v9  }
0x402: {  	v8 =	vld.idx.msk [tilespmem:v44+s17+$0x0], $0xffff;
	v13 =	vadd.f32 v22, v13;
	v48 =	vsub.f32 v45, v39;
	v16 =	vmin.f32 v45, v39  }
0x403: {  	v51 =	vsub.f32 v37, v10;
	v10 =	vmin.f32 v37, v10;
	v53 =	vpop (erf);
	v9 =	vadd.f32 v16, v9  }
0x404: {  	v13 =	vadd.f32 v13, v49;
	v52 =	vmul.f32 v48, v48;
	v54 =	vsub.f32 $1.000000000e+00, v53  }
0x405: {  	v7 =	vld.idx.msk [tilespmem:v7+s17+$0x0], $0xffff;
	v14 =	vmul.f32 v51, v51;
	v9 =	vadd.f32 v9, v10  }
0x406: {  	v6 =	vld.idx.msk [tilespmem:v6+s17+$0x0], $0xffff;
	v13 =	vadd.f32 v52, v13;
	v55 =	vsub.f32 v54, v50;
	v11 =	vmin.f32 v54, v50  }
0x407: {  	v58 =	vsub.f32 v53, v8;
	v8 =	vmin.f32 v53, v8;
	v9 =	vadd.f32 v11, v9;
	v56 =	vpop (erf)  }
0x408: {  	v13 =	vadd.f32 v13, v14;
	v15 =	vmul.f32 v55, v55;
	v57 =	vsub.f32 $1.000000000e+00, v56  }
0x409: {  	v10 =	vmul.f32 v58, v58;
	v8 =	vadd.f32 v9, v8  }
0x40a: {  	v13 =	vadd.f32 v15, v13;
	v59 =	vsub.f32 v57, v7;
	v7 =	vmin.f32 v57, v7  }
0x40b: {  	v60 =	vsub.f32 v56, v6;
	v7 =	vadd.f32 v7, v8  }
0x40c: {  	s18 =	sadd.s32 $0x1, s18;
	v10 =	vadd.f32 v13, v10;
	v6 =	vmin.f32 v56, v6;
	v61 =	vmul.f32 v59, v59  }
0x40d: {  	p0 =	sne.s32 s18, $0x4;
	v6 =	vadd.f32 v7, v6  }
.Ltmp11:
0x40e: {  	v62 =	vmul.f32 v60, v60;
	v9 =	vadd.f32 v61, v10;
	(pc) =	sbr.rel @p0 .LBB2_22-.Ltmp11, $4  }
0x40f: {  	v7 =	vmul.f32 $7.812500000e-03, v6  }
0x410: {  	[tilespmem:s19+$0xC380] =	vst v6;
	v63 =	vadd.f32 v9, v62  }
0x411: {  	[tilespmem:s19+$0xC480] =	vst v7  }
0x412: {  	[tilespmem:s19+$0xC280] =	vst v63  }
0x413: {  	s18 =	rddreg [dreg:$0x1e]  }
0x414: {  	s15 =	simm.s32 $0x0;
	s21 =	rddreg [dreg:$0x1f]  }
0x415: {  	[hbm4b:s18+s15] =	stream.linear.scatter [tilespmem:s4], [sflag:$0x6], $0x40, $0x38;
	[tilespmem:$0xC500] =	vst v63  }
0x416: {  	s19 =	sld [smem:$0x7F6]  }
0x417: {  	[hbm4b:s21+s15] =	stream.linear.scatter [tilespmem:s5], [sflag:$0x8], $0x40, $0x38;
	[tilespmem:$0xC500] =	vst v63  }
0x418: {  	_ = 	snop  }
0x419: {  	[hbm4b:s19+s15] =	stream.linear.scatter [tilespmem:s6], [sflag:$0xA], $0x40, $0x38;
	[tilespmem:$0xC500] =	vst v63  }
0x41a: {  	v6 =	vld [tilespmem:$0x1C0];
	_ =	sdelay $0x4  }
0x41b: {  	v7 =	vshll.u32 v6, $0x1  }
0x41c: {  	v6 =	vand.u32 $0x7, v6;
	v7 =	vand.u32 $0xFFFFFFF0, v7  }
0x41d: {  	v6 =	vor.u32 v6, v7  }
0x41e: {  	v7 =	vperm.xlane v6, v1;
	_ =	sdelay $0x1  }
0x41f: {  	v6 =	vperm.xlane v6, v4;
	v7 =	vadd.s32 v3, v7;
	_ =	sdelay $0x1  }
0x420: {  	v6 =	vadd.s32 v3, v6;
	_ =	sdelay $0x2  }
0x421: {  	[tilespmem:s17], [sflag:$0x2] =	stream.indirect_vreg.gather [hbm4b:s2+s15], $0x80, v7, vm0, $0xb8;
	[tilespmem:$0xC500] =	vst v63  }
0x422: {  	s20 =	simm.s32 $0x4A00  }
0x423: {  	[tilespmem:s20], [sflag:$0x2] =	stream.indirect_vreg.gather [hbm4b:s2+s15], $0x80, v6, vm0, $0xb8;
	[tilespmem:$0xC500] =	vst v63  }
0x424: {  	v6 =	vld [tilespmem:$0x1D0];
	_ =	sdelay $0x4  }
0x425: {  	v7 =	vshll.u32 v6, $0x1  }
0x426: {  	v6 =	vand.u32 $0x7, v6;
	v7 =	vand.u32 $0xFFFFFFF0, v7  }
0x427: {  	v6 =	vor.u32 v6, v7  }
0x428: {  	v7 =	vperm.xlane v6, v1;
	_ =	sdelay $0x1  }
0x429: {  	v6 =	vperm.xlane v6, v4;
	v7 =	vadd.s32 v3, v7;
	_ =	sdelay $0x1  }
0x42a: {  	v6 =	vadd.s32 v3, v6;
	_ =	sdelay $0x1  }
0x42b: {  	s21 =	simm.s32 $0x5200  }
0x42c: {  	[tilespmem:s21], [sflag:$0x2] =	stream.indirect_vreg.gather [hbm4b:s2+s15], $0x80, v7, vm0, $0xb8;
	[tilespmem:$0xC500] =	vst v63  }
0x42d: {  	s19 =	simm.s32 $0x5A00  }
0x42e: {  	[tilespmem:s19], [sflag:$0x2] =	stream.indirect_vreg.gather [hbm4b:s2+s15], $0x80, v6, vm0, $0xb8;
	[tilespmem:$0xC500] =	vst v63  }
0x42f: {  	v6 =	vld [tilespmem:$0x1E0];
	_ =	sdelay $0x4  }
0x430: {  	v7 =	vshll.u32 v6, $0x1  }
0x431: {  	v6 =	vand.u32 $0x7, v6;
	v7 =	vand.u32 $0xFFFFFFF0, v7  }
0x432: {  	v6 =	vor.u32 v6, v7  }
0x433: {  	v7 =	vperm.xlane v6, v1;
	_ =	sdelay $0x1  }
0x434: {  	v6 =	vperm.xlane v6, v4;
	v7 =	vadd.s32 v3, v7;
	_ =	sdelay $0x1  }
0x435: {  	v6 =	vadd.s32 v3, v6;
	_ =	sdelay $0x1  }
0x436: {  	s20 =	simm.s32 $0x6200  }
0x437: {  	[tilespmem:s20], [sflag:$0x2] =	stream.indirect_vreg.gather [hbm4b:s2+s15], $0x80, v7, vm0, $0xb8;
	[tilespmem:$0xC500] =	vst v63  }
0x438: {  	_ = 	snop  }
0x439: {  	[tilespmem:s22], [sflag:$0x2] =	stream.indirect_vreg.gather [hbm4b:s2+s15], $0x80, v6, vm0, $0xb8;
	[tilespmem:$0xC500] =	vst v63  }
0x43a: {  	v6 =	vld [tilespmem:$0x1F0];
	_ =	sdelay $0x4  }
0x43b: {  	v7 =	vshll.u32 v6, $0x1  }
0x43c: {  	v6 =	vand.u32 $0x7, v6;
	v7 =	vand.u32 $0xFFFFFFF0, v7  }
0x43d: {  	v6 =	vor.u32 v6, v7  }
0x43e: {  	v7 =	vperm.xlane v6, v1;
	_ =	sdelay $0x1  }
0x43f: {  	v6 =	vperm.xlane v6, v4;
	v7 =	vadd.s32 v3, v7;
	_ =	sdelay $0x1  }
0x440: {  	v6 =	vadd.s32 v3, v6;
	_ =	sdelay $0x2  }
0x441: {  	[tilespmem:s23], [sflag:$0x2] =	stream.indirect_vreg.gather [hbm4b:s2+s15], $0x80, v7, vm0, $0xb8;
	[tilespmem:$0xC500] =	vst v63  }
0x442: {  	_ = 	snop  }
0x443: {  	[tilespmem:s24], [sflag:$0x2] =	stream.indirect_vreg.gather [hbm4b:s2+s15], $0x80, v6, vm0, $0xb8;
	[tilespmem:$0xC500] =	vst v63  }
0x444: {  	s21 =	rddreg [dreg:$0x11]  }
0x445: {  	[tilespmem:s25], [sflag:$0x4] =	stream.linear.gather [hbm4b:s21+s15], $0x2000, $0x38;
	[tilespmem:$0xC500] =	vst v63  }
0x446: {  	_ =	swait.ge [sflag:s26], $0x4000  }
0x447: {  	[sflag:s26] =	ssyncset.done $0x0  }
0x448: {  	[sflag:s26] =	ssyncadd.s32 $0xFFFFC000  }
0x449: {  	_ =	swait.ge [sflag:s28], $0x2000  }
0x44a: {  	[sflag:s28] =	ssyncset.done $0x0  }
0x44b: {  	[sflag:s28] =	ssyncadd.s32 $0xFFFFE000  }
0x44c: {  	_ =	swait.ge [sflag:s7], $0x40  }
0x44d: {  	[sflag:s7] =	ssyncset.done $0x0  }
0x44e: {  	[sflag:s7] =	ssyncadd.s32 $0xFFFFFFC0  }
0x44f: {  	_ =	swait.ge [sflag:s9], $0x40  }
0x450: {  	[sflag:s9] =	ssyncset.done $0x0  }
0x451: {  	[sflag:s9] =	ssyncadd.s32 $0xFFFFFFC0  }
0x452: {  	_ =	swait.ge [sflag:s10], $0x40  }
0x453: {  	[sflag:s10] =	ssyncset.done $0x0  }
0x454: {  	s18 =	simm.s32 $0x0;
	[sflag:s10] =	ssyncadd.s32 $0xFFFFFFC0  }
.LBB2_26:
0x455: {  	s19 =	sshll.u32 s18, $0x4  }
0x456: {  	v7 =	vadd.s32 s15, v0;
	v6 =	vor.u32 s19, v0  }
0x457: {  	s20 =	simm.s32 $0x1;
	v8 =	vand.u32 $0x7F, v7;
	v13 =	vshll.u32 v6, $0x7  }
0x458: {  	v9 =	vadd.s32 s20, v0;
	v7 =	vor.u32 v13, v8  }
0x459: {  	v11 =	vand.u32 $0x7F, v9  }
0x45a: {  	v9 =	vor.u32 v13, v11;
	_ =	sdelay $0x2  }
0x45b: {  	v7 =	vld.idx.msk [tilespmem:v7+s16+$0x0], $0xffff  }
0x45c: {  	s21 =	simm.s32 $0x2  }
0x45d: {  	v10 =	vadd.s32 s21, v0;
	v9 =	vld.idx.msk [tilespmem:v9+s16+$0x0], $0xffff  }
0x45e: {  	v15 =	vand.u32 $0x7F, v10  }
0x45f: {  	v10 =	vor.u32 v13, v15  }
0x460: {  	v7 =	vmul.f32 $1.442695020e+00, v7;
	_ =	sdelay $0x1  }
0x461: {  	s21 =	simm.s32 $0x3;
	(erf) = vpow2.f32 v7;
	v7 =	vmul.f32 $1.442695020e+00, v9  }
0x462: {  	v9 =	vadd.s32 s21, v0  }
0x463: {  	v12 =	vand.u32 $0x7F, v9;
	v9 =	vld.idx.msk [tilespmem:v10+s16+$0x0], $0xffff;
	(erf) = vpow2.f32 v7  }
0x464: {  	v7 =	vor.u32 v13, v12;
	_ =	sdelay $0x3  }
0x465: {  	v10 =	vmul.f32 $1.442695020e+00, v9  }
0x466: {  	v14 =	vld.idx.msk [tilespmem:v7+s16+$0x0], $0xffff  }
0x467: {  	v6 =	vshll.u32 v6, $0x8;
	s21 =	simm.s32 $0x4  }
0x468: {  	v6 =	vand.u32 $0x3800, v6;
	v9 =	vadd.s32 s21, v0;
	v7 =	vpop (erf)  }
0x469: {  	s21 =	simm.s32 $0x5;
	v9 =	vand.u32 $0x7F, v9;
	(erf) = vpow2.f32 v10;
	v7 =	vadd.f32 $1.000000000e+00, v7;
	v10 =	vpop (erf)  }
0x46a: {  	v17 =	vadd.s32 s21, v0;
	v16 =	vor.u32 v13, v9;
	v18 =	vadd.f32 $1.000000000e+00, v10  }
0x46b: {  	(erf) = vrcp.f32 v7;
	v10 =	vand.u32 $0x7F, v17;
	v14 =	vmul.f32 $1.442695020e+00, v14  }
0x46c: {  	v7 =	vor.u32 v2, v6;
	v19 =	vor.u32 v13, v10;
	(erf) = vrcp.f32 v18  }
0x46d: {  	v17 =	vor.u32 v7, v8;
	(erf) = vpow2.f32 v14  }
0x46e: {  	v6 =	vor.u32 v5, v6  }
0x46f: {  	v8 =	vor.u32 v6, v8  }
0x470: {  	v23 =	vld.idx.msk [tilespmem:v16+s16+$0x0], $0xffff;
	v18 =	vor.u32 v7, v11  }
0x471: {  	s21 =	simm.s32 $0x6;
	v19 =	vld.idx.msk [tilespmem:v19+s16+$0x0], $0xffff  }
0x472: {  	v28 =	vor.u32 v6, v11;
	v14 =	vadd.s32 s21, v0;
	s21 =	simm.s32 $0x7;
	v26 =	vld.idx.msk [tilespmem:v17+s8+$0x0], $0xffff  }
0x473: {  	v21 =	vimm.f32 $0.0e+00;
	v11 =	vadd.s32 s21, v0;
	v17 =	vpop (erf)  }
0x474: {  	v11 =	vand.u32 $0x7F, v11;
	v20 =	vld.idx.msk [tilespmem:v8+s8+$0x0], $0xffff;
	v8 =	vand.u32 $0x7F, v14;
	v14 =	vor.u32 v6, v15;
	v22 =	vpop (erf)  }
0x475: {  	v24 =	vmul.f32 $1.442695020e+00, v23;
	v16 =	vld.idx.msk [tilespmem:v18+s8+$0x0], $0xffff;
	v29 =	vadd.f32 $1.000000000e+00, v17;
	v31 =	vsub.f32 $1.000000000e+00, v22;
	v17 =	vpop (erf)  }
0x476: {  	v23 =	vor.u32 v13, v11;
	v18 =	vor.u32 v7, v15;
	v27 =	vmul.f32 $1.442695020e+00, v19;
	v19 =	vpop (erf)  }
0x477: {  	v25 =	vor.u32 v13, v8;
	v30 =	vsub.f32 v31, v26;
	v32 =	vadd.f32 $1.000000000e+00, v19;
	v19 =	vld.idx.msk [tilespmem:v28+s8+$0x0], $0xffff  }
0x478: {  	v15 =	vor.u32 v7, v12;
	(erf) = vpow2.f32 v24;
	v24 =	vsub.f32 $1.000000000e+00, v17  }
0x479: {  	(erf) = vrcp.f32 v29;
	v29 =	vsub.f32 v22, v20;
	v30 =	vmul.f32 v30, v30  }
0x47a: {  	s20 =	simm.s32 $0x8;
	v31 =	vmin.f32 v31, v26;
	v26 =	vimm.f32 $0.0e+00;
	v28 =	vsub.f32 v24, v16  }
.LBB2_27:
0x47b: {  	p0 =	slt.u32 s20, $0x7E;
	v21 =	vadd.f32 v30, v21;
	v29 =	vmul.f32 v29, v29;
	v26 =	vadd.f32 v31, v26  }
0x47c: {  	v20 =	vmin.f32 v22, v20;
	v22 =	vsub.f32 v17, v19;
	(erf) = vrcp.f32 v32  }
0x47d: {  	v21 =	vadd.f32 v21, v29;
	v20 =	vadd.f32 v26, v20;
	v26 =	vmul.f32 v28, v28  }
0x47e: {  	v16 =	vmin.f32 v24, v16;
	v28 =	vld.idx.msk [tilespmem:v25+s16+$0x0], $0xffff;
	(erf) = vpow2.f32 v27;
	v27 =	vor.u32 v6, v12;
	v12 =	vmovc v10  }
0x47f: {  	v31 =	vld.idx.msk [tilespmem:v18+s8+$0x0], $0xffff;
	v18 =	vadd.f32 v26, v21;
	v21 =	vmul.f32 v22, v22;
	v16 =	vadd.f32 v16, v20  }
0x480: {  	v17 =	vmin.f32 v17, v19;
	v10 =	vmov v11;
	v24 =	vld.idx.msk [tilespmem:v23+s16+$0x0], $0xffff  }
0x481: {  	s21 =	sadd.s32 $0x1, s20;
	v11 =	vadd.s32 s20, v0;
	v29 =	vpop (erf);
	v20 =	vld.idx.msk [tilespmem:v14+s8+$0x0], $0xffff;
	v21 =	vadd.f32 v18, v21;
	v26 =	vadd.f32 v16, v17  }
0x482: {  	v17 =	vand.u32 $0x7F, v11;
	v11 =	vadd.s32 s21, v0;
	v14 =	vor.u32 v6, v9;
	v16 =	vld.idx.msk [tilespmem:v15+s8+$0x0], $0xffff;
	v22 =	vpop (erf)  }
0x483: {  	v18 =	vor.u32 v7, v9;
	v9 =	vmovc v8;
	v11 =	vand.u32 $0x7F, v11;
	v8 =	vmovc v17;
	v33 =	vsub.f32 $1.000000000e+00, v22  }
.Ltmp12:
0x484: {  	v15 =	vor.u32 v7, v12;
	v25 =	vor.u32 v13, v8;
	v32 =	vmul.f32 $1.442695020e+00, v28;
	v19 =	vld.idx.msk [tilespmem:v27+s8+$0x0], $0xffff;
	(pc) =	sbr.rel @p0 .LBB2_27-.Ltmp12, $4  }
0x485: {  	v29 =	vadd.f32 $1.000000000e+00, v29;
	v23 =	vor.u32 v13, v11;
	v30 =	vsub.f32 v33, v31;
	v17 =	vpop (erf)  }
0x486: {  	v27 =	vmul.f32 $1.442695020e+00, v24;
	(erf) = vpow2.f32 v32;
	v24 =	vsub.f32 $1.000000000e+00, v17  }
0x487: {  	(erf) = vrcp.f32 v29;
	v28 =	vpop (erf);
	v29 =	vsub.f32 v22, v20;
	v30 =	vmul.f32 v30, v30  }
0x488: {  	s20 =	sadd.s32 $0x2, s20;
	v31 =	vmin.f32 v33, v31;
	v32 =	vadd.f32 $1.000000000e+00, v28;
	v28 =	vsub.f32 v24, v16  }
0x489: {  	_ = 	snop  }
0x48a: {  	(erf) = vrcp.f32 v32  }
0x48b: {  	(erf) = vpow2.f32 v27;
	_ =	sdelay $0x1  }
0x48c: {  	v13 =	vld.idx.msk [tilespmem:v25+s16+$0x0], $0xffff;
	_ =	sdelay $0x3  }
0x48d: {  	v21 =	vadd.f32 v30, v21;
	v49 =	vmul.f32 v29, v29;
	v23 =	vld.idx.msk [tilespmem:v23+s16+$0x0], $0xffff;
	v50 =	vpop (erf)  }
0x48e: {  	v26 =	vadd.f32 v31, v26;
	v20 =	vmin.f32 v22, v20;
	v13 =	vmul.f32 $1.442695020e+00, v13;
	v51 =	vpop (erf)  }
0x48f: {  	v52 =	vsub.f32 v17, v19;
	v12 =	vor.u32 v6, v12;
	v16 =	vmin.f32 v24, v16;
	v53 =	vpop (erf)  }
0x490: {  	v59 =	vmin.f32 v17, v19;
	v27 =	vadd.f32 $1.000000000e+00, v50;
	(erf) = vpow2.f32 v13;
	v55 =	vpop (erf)  }
0x491: {  	v61 =	vor.u32 v7, v9;
	v29 =	vor.u32 v7, v10;
	v56 =	vadd.f32 $1.000000000e+00, v55  }
0x492: {  	v18 =	vld.idx.msk [tilespmem:v18+s8+$0x0], $0xffff;
	v36 =	vor.u32 v6, v10;
	v23 =	vmul.f32 $1.442695020e+00, v23;
	(erf) = vrcp.f32 v27  }
0x493: {  	v42 =	vor.u32 v7, v8;
	v20 =	vadd.f32 v26, v20;
	(erf) = vrcp.f32 v56  }
0x494: {  	v14 =	vld.idx.msk [tilespmem:v14+s8+$0x0], $0xffff;
	v54 =	vmul.f32 v28, v28;
	v21 =	vadd.f32 v21, v49;
	(erf) = vpow2.f32 v23  }
0x495: {  	v15 =	vld.idx.msk [tilespmem:v15+s8+$0x0], $0xffff;
	v44 =	vor.u32 v6, v8;
	v16 =	vadd.f32 v16, v20;
	v57 =	vsub.f32 $1.000000000e+00, v51  }
0x496: {  	v7 =	vor.u32 v7, v11;
	v58 =	vmul.f32 v52, v52;
	v21 =	vadd.f32 v54, v21  }
0x497: {  	v28 =	vor.u32 v6, v9;
	v12 =	vld.idx.msk [tilespmem:v12+s8+$0x0], $0xffff;
	v16 =	vadd.f32 v16, v59;
	v60 =	vsub.f32 v57, v18  }
0x498: {  	v13 =	vadd.f32 v21, v58;
	v18 =	vmin.f32 v57, v18;
	v62 =	vsub.f32 $1.000000000e+00, v53  }
0x499: {  	v63 =	vsub.f32 v51, v14;
	v16 =	vadd.f32 v18, v16;
	v19 =	vmul.f32 v60, v60;
	v32 =	vpop (erf)  }
0x49a: {  	v14 =	vmin.f32 v51, v14;
	v30 =	vsub.f32 v62, v15;
	v18 =	vadd.f32 $1.000000000e+00, v32  }
0x49b: {  	v17 =	vld.idx.msk [tilespmem:v61+s8+$0x0], $0xffff;
	v31 =	vmul.f32 v63, v63;
	v14 =	vadd.f32 v16, v14;
	v13 =	vadd.f32 v19, v13;
	v34 =	vpop (erf)  }
0x49c: {  	v9 =	vld.idx.msk [tilespmem:v28+s8+$0x0], $0xffff;
	v35 =	vsub.f32 v53, v12;
	v15 =	vmin.f32 v62, v15;
	(erf) = vrcp.f32 v18;
	v37 =	vpop (erf)  }
0x49d: {  	v33 =	vmul.f32 v30, v30;
	v14 =	vadd.f32 v15, v14;
	v13 =	vadd.f32 v13, v31;
	v38 =	vpop (erf)  }
0x49e: {  	v12 =	vmin.f32 v53, v12;
	v40 =	vsub.f32 $1.000000000e+00, v34;
	v16 =	vadd.f32 $1.000000000e+00, v38  }
0x49f: {  	v39 =	vld.idx.msk [tilespmem:v29+s8+$0x0], $0xffff;
	v41 =	vmul.f32 v35, v35;
	v12 =	vadd.f32 v14, v12;
	v13 =	vadd.f32 v33, v13  }
0x4a0: {  	v10 =	vld.idx.msk [tilespmem:v36+s8+$0x0], $0xffff;
	v43 =	vsub.f32 v40, v17;
	v47 =	vmin.f32 v40, v17;
	(erf) = vrcp.f32 v16  }
0x4a1: {  	v46 =	vsub.f32 v34, v9;
	v9 =	vmin.f32 v34, v9;
	v12 =	vadd.f32 v47, v12  }
0x4a2: {  	v13 =	vadd.f32 v13, v41;
	v22 =	vmul.f32 v43, v43;
	v45 =	vsub.f32 $1.000000000e+00, v37  }
0x4a3: {  	v6 =	vor.u32 v6, v11;
	v50 =	vld.idx.msk [tilespmem:v42+s8+$0x0], $0xffff;
	v49 =	vmul.f32 v46, v46;
	v9 =	vadd.f32 v12, v9  }
0x4a4: {  	v8 =	vld.idx.msk [tilespmem:v44+s8+$0x0], $0xffff;
	v13 =	vadd.f32 v22, v13;
	v48 =	vsub.f32 v45, v39;
	v16 =	vmin.f32 v45, v39  }
0x4a5: {  	v51 =	vsub.f32 v37, v10;
	v10 =	vmin.f32 v37, v10;
	v53 =	vpop (erf);
	v9 =	vadd.f32 v16, v9  }
0x4a6: {  	v13 =	vadd.f32 v13, v49;
	v52 =	vmul.f32 v48, v48;
	v54 =	vsub.f32 $1.000000000e+00, v53  }
0x4a7: {  	v7 =	vld.idx.msk [tilespmem:v7+s8+$0x0], $0xffff;
	v14 =	vmul.f32 v51, v51;
	v9 =	vadd.f32 v9, v10  }
0x4a8: {  	v6 =	vld.idx.msk [tilespmem:v6+s8+$0x0], $0xffff;
	v13 =	vadd.f32 v52, v13;
	v55 =	vsub.f32 v54, v50;
	v11 =	vmin.f32 v54, v50  }
0x4a9: {  	v58 =	vsub.f32 v53, v8;
	v8 =	vmin.f32 v53, v8;
	v9 =	vadd.f32 v11, v9;
	v56 =	vpop (erf)  }
0x4aa: {  	v13 =	vadd.f32 v13, v14;
	v15 =	vmul.f32 v55, v55;
	v57 =	vsub.f32 $1.000000000e+00, v56  }
0x4ab: {  	v10 =	vmul.f32 v58, v58;
	v8 =	vadd.f32 v9, v8  }
0x4ac: {  	v13 =	vadd.f32 v15, v13;
	v59 =	vsub.f32 v57, v7;
	v7 =	vmin.f32 v57, v7  }
0x4ad: {  	v60 =	vsub.f32 v56, v6;
	v7 =	vadd.f32 v7, v8  }
0x4ae: {  	s18 =	sadd.s32 $0x1, s18;
	v10 =	vadd.f32 v13, v10;
	v6 =	vmin.f32 v56, v6;
	v61 =	vmul.f32 v59, v59  }
0x4af: {  	p0 =	sne.s32 s18, $0x4;
	v6 =	vadd.f32 v7, v6  }
.Ltmp13:
0x4b0: {  	v62 =	vmul.f32 v60, v60;
	v9 =	vadd.f32 v61, v10;
	(pc) =	sbr.rel @p0 .LBB2_26-.Ltmp13, $4  }
0x4b1: {  	v7 =	vmul.f32 $7.812500000e-03, v6  }
0x4b2: {  	[tilespmem:s19+$0xC300] =	vst v6;
	v63 =	vadd.f32 v9, v62  }
0x4b3: {  	[tilespmem:s19+$0xC400] =	vst v7  }
0x4b4: {  	[tilespmem:s19+$0xC200] =	vst v63  }
0x4b5: {  	s18 =	sld [smem:$0x7F7];
	_ =	sdelay $0x1  }
0x4b6: {  	s15 =	simm.s32 $0x0;
	s20 =	sld [smem:$0x7F8]  }
0x4b7: {  	[hbm4b:s18+s15] =	stream.linear.scatter [tilespmem:s29], [sflag:$0x5], $0x40, $0x38;
	[tilespmem:$0xC500] =	vst v63  }
0x4b8: {  	s21 =	sld [smem:$0x7F9]  }
0x4b9: {  	[hbm4b:s20+s15] =	stream.linear.scatter [tilespmem:s30], [sflag:$0x7], $0x40, $0x38;
	[tilespmem:$0xC500] =	vst v63  }
0x4ba: {  	_ = 	snop  }
0x4bb: {  	[hbm4b:s21+s15] =	stream.linear.scatter [tilespmem:s31], [sflag:$0x9], $0x40, $0x38;
	[tilespmem:$0xC500] =	vst v63  }
0x4bc: {  	_ =	swait.ge [sflag:s1], $0x4000  }
0x4bd: {  	[sflag:s1] =	ssyncset.done $0x0  }
0x4be: {  	[sflag:s1] =	ssyncadd.s32 $0xFFFFC000  }
0x4bf: {  	_ =	swait.ge [sflag:s3], $0x2000  }
0x4c0: {  	[sflag:s3] =	ssyncset.done $0x0  }
0x4c1: {  	[sflag:s3] =	ssyncadd.s32 $0xFFFFE000  }
0x4c2: {  	_ =	swait.ge [sflag:s11], $0x40  }
0x4c3: {  	[sflag:s11] =	ssyncset.done $0x0  }
0x4c4: {  	[sflag:s11] =	ssyncadd.s32 $0xFFFFFFC0  }
0x4c5: {  	_ =	swait.ge [sflag:s12], $0x40  }
0x4c6: {  	[sflag:s12] =	ssyncset.done $0x0  }
0x4c7: {  	[sflag:s12] =	ssyncadd.s32 $0xFFFFFFC0  }
0x4c8: {  	_ =	swait.ge [sflag:s13], $0x40  }
0x4c9: {  	[sflag:s13] =	ssyncset.done $0x0  }
0x4ca: {  	s18 =	simm.s32 $0x0;
	[sflag:s13] =	ssyncadd.s32 $0xFFFFFFC0  }
.LBB2_30:
0x4cb: {  	s19 =	sshll.u32 s18, $0x4  }
0x4cc: {  	v7 =	vadd.s32 s15, v0;
	v6 =	vor.u32 s19, v0  }
0x4cd: {  	s20 =	simm.s32 $0x1;
	v8 =	vand.u32 $0x7F, v7;
	v13 =	vshll.u32 v6, $0x7  }
0x4ce: {  	v9 =	vadd.s32 s20, v0;
	v7 =	vor.u32 v13, v8  }
0x4cf: {  	v11 =	vand.u32 $0x7F, v9  }
0x4d0: {  	v9 =	vor.u32 v13, v11;
	_ =	sdelay $0x2  }
0x4d1: {  	v7 =	vld.idx.msk [tilespmem:v7+s25+$0x0], $0xffff  }
0x4d2: {  	s21 =	simm.s32 $0x2  }
0x4d3: {  	v10 =	vadd.s32 s21, v0;
	v9 =	vld.idx.msk [tilespmem:v9+s25+$0x0], $0xffff  }
0x4d4: {  	v15 =	vand.u32 $0x7F, v10  }
0x4d5: {  	v10 =	vor.u32 v13, v15  }
0x4d6: {  	v7 =	vmul.f32 $1.442695020e+00, v7;
	_ =	sdelay $0x1  }
0x4d7: {  	s21 =	simm.s32 $0x3;
	(erf) = vpow2.f32 v7;
	v7 =	vmul.f32 $1.442695020e+00, v9  }
0x4d8: {  	v9 =	vadd.s32 s21, v0  }
0x4d9: {  	v12 =	vand.u32 $0x7F, v9;
	v9 =	vld.idx.msk [tilespmem:v10+s25+$0x0], $0xffff;
	(erf) = vpow2.f32 v7  }
0x4da: {  	v7 =	vor.u32 v13, v12;
	_ =	sdelay $0x3  }
0x4db: {  	v10 =	vmul.f32 $1.442695020e+00, v9  }
0x4dc: {  	v14 =	vld.idx.msk [tilespmem:v7+s25+$0x0], $0xffff  }
0x4dd: {  	v6 =	vshll.u32 v6, $0x8;
	s21 =	simm.s32 $0x4  }
0x4de: {  	v6 =	vand.u32 $0x3800, v6;
	v9 =	vadd.s32 s21, v0;
	v7 =	vpop (erf)  }
0x4df: {  	s21 =	simm.s32 $0x5;
	v9 =	vand.u32 $0x7F, v9;
	(erf) = vpow2.f32 v10;
	v7 =	vadd.f32 $1.000000000e+00, v7;
	v10 =	vpop (erf)  }
0x4e0: {  	v17 =	vadd.s32 s21, v0;
	v16 =	vor.u32 v13, v9;
	v18 =	vadd.f32 $1.000000000e+00, v10  }
0x4e1: {  	(erf) = vrcp.f32 v7;
	v10 =	vand.u32 $0x7F, v17;
	v14 =	vmul.f32 $1.442695020e+00, v14  }
0x4e2: {  	v7 =	vor.u32 v2, v6;
	v19 =	vor.u32 v13, v10;
	(erf) = vrcp.f32 v18  }
0x4e3: {  	v17 =	vor.u32 v7, v8;
	(erf) = vpow2.f32 v14  }
0x4e4: {  	v6 =	vor.u32 v5, v6  }
0x4e5: {  	v8 =	vor.u32 v6, v8  }
0x4e6: {  	v23 =	vld.idx.msk [tilespmem:v16+s25+$0x0], $0xffff;
	v18 =	vor.u32 v7, v11  }
0x4e7: {  	s21 =	simm.s32 $0x6;
	v19 =	vld.idx.msk [tilespmem:v19+s25+$0x0], $0xffff  }
0x4e8: {  	v28 =	vor.u32 v6, v11;
	v14 =	vadd.s32 s21, v0;
	s21 =	simm.s32 $0x7;
	v26 =	vld.idx.msk [tilespmem:v17+s17+$0x0], $0xffff  }
0x4e9: {  	v21 =	vimm.f32 $0.0e+00;
	v11 =	vadd.s32 s21, v0;
	v17 =	vpop (erf)  }
0x4ea: {  	v11 =	vand.u32 $0x7F, v11;
	v20 =	vld.idx.msk [tilespmem:v8+s17+$0x0], $0xffff;
	v8 =	vand.u32 $0x7F, v14;
	v14 =	vor.u32 v6, v15;
	v22 =	vpop (erf)  }
0x4eb: {  	v24 =	vmul.f32 $1.442695020e+00, v23;
	v16 =	vld.idx.msk [tilespmem:v18+s17+$0x0], $0xffff;
	v29 =	vadd.f32 $1.000000000e+00, v17;
	v31 =	vsub.f32 $1.000000000e+00, v22;
	v17 =	vpop (erf)  }
0x4ec: {  	v23 =	vor.u32 v13, v11;
	v18 =	vor.u32 v7, v15;
	v27 =	vmul.f32 $1.442695020e+00, v19;
	v19 =	vpop (erf)  }
0x4ed: {  	v25 =	vor.u32 v13, v8;
	v30 =	vsub.f32 v31, v26;
	v32 =	vadd.f32 $1.000000000e+00, v19;
	v19 =	vld.idx.msk [tilespmem:v28+s17+$0x0], $0xffff  }
0x4ee: {  	v15 =	vor.u32 v7, v12;
	(erf) = vpow2.f32 v24;
	v24 =	vsub.f32 $1.000000000e+00, v17  }
0x4ef: {  	(erf) = vrcp.f32 v29;
	v29 =	vsub.f32 v22, v20;
	v30 =	vmul.f32 v30, v30  }
0x4f0: {  	s20 =	simm.s32 $0x8;
	v31 =	vmin.f32 v31, v26;
	v26 =	vimm.f32 $0.0e+00;
	v28 =	vsub.f32 v24, v16  }
.LBB2_31:
0x4f1: {  	p0 =	slt.u32 s20, $0x7E;
	v21 =	vadd.f32 v30, v21;
	v29 =	vmul.f32 v29, v29;
	v26 =	vadd.f32 v31, v26  }
0x4f2: {  	v20 =	vmin.f32 v22, v20;
	v22 =	vsub.f32 v17, v19;
	(erf) = vrcp.f32 v32  }
0x4f3: {  	v21 =	vadd.f32 v21, v29;
	v20 =	vadd.f32 v26, v20;
	v26 =	vmul.f32 v28, v28  }
0x4f4: {  	v16 =	vmin.f32 v24, v16;
	v28 =	vld.idx.msk [tilespmem:v25+s25+$0x0], $0xffff;
	(erf) = vpow2.f32 v27;
	v27 =	vor.u32 v6, v12;
	v12 =	vmovc v10  }
0x4f5: {  	v31 =	vld.idx.msk [tilespmem:v18+s17+$0x0], $0xffff;
	v18 =	vadd.f32 v26, v21;
	v21 =	vmul.f32 v22, v22;
	v16 =	vadd.f32 v16, v20  }
0x4f6: {  	v17 =	vmin.f32 v17, v19;
	v10 =	vmov v11;
	v24 =	vld.idx.msk [tilespmem:v23+s25+$0x0], $0xffff  }
0x4f7: {  	s21 =	sadd.s32 $0x1, s20;
	v11 =	vadd.s32 s20, v0;
	v29 =	vpop (erf);
	v20 =	vld.idx.msk [tilespmem:v14+s17+$0x0], $0xffff;
	v21 =	vadd.f32 v18, v21;
	v26 =	vadd.f32 v16, v17  }
0x4f8: {  	v17 =	vand.u32 $0x7F, v11;
	v11 =	vadd.s32 s21, v0;
	v14 =	vor.u32 v6, v9;
	v16 =	vld.idx.msk [tilespmem:v15+s17+$0x0], $0xffff;
	v22 =	vpop (erf)  }
0x4f9: {  	v18 =	vor.u32 v7, v9;
	v9 =	vmovc v8;
	v11 =	vand.u32 $0x7F, v11;
	v8 =	vmovc v17;
	v33 =	vsub.f32 $1.000000000e+00, v22  }
.Ltmp14:
0x4fa: {  	v15 =	vor.u32 v7, v12;
	v25 =	vor.u32 v13, v8;
	v32 =	vmul.f32 $1.442695020e+00, v28;
	v19 =	vld.idx.msk [tilespmem:v27+s17+$0x0], $0xffff;
	(pc) =	sbr.rel @p0 .LBB2_31-.Ltmp14, $4  }
0x4fb: {  	v29 =	vadd.f32 $1.000000000e+00, v29;
	v23 =	vor.u32 v13, v11;
	v30 =	vsub.f32 v33, v31;
	v17 =	vpop (erf)  }
0x4fc: {  	v27 =	vmul.f32 $1.442695020e+00, v24;
	(erf) = vpow2.f32 v32;
	v24 =	vsub.f32 $1.000000000e+00, v17  }
0x4fd: {  	(erf) = vrcp.f32 v29;
	v28 =	vpop (erf);
	v29 =	vsub.f32 v22, v20;
	v30 =	vmul.f32 v30, v30  }
0x4fe: {  	s20 =	sadd.s32 $0x2, s20;
	v31 =	vmin.f32 v33, v31;
	v32 =	vadd.f32 $1.000000000e+00, v28;
	v28 =	vsub.f32 v24, v16  }
0x4ff: {  	_ = 	snop  }
0x500: {  	(erf) = vrcp.f32 v32  }
0x501: {  	(erf) = vpow2.f32 v27;
	_ =	sdelay $0x1  }
0x502: {  	v13 =	vld.idx.msk [tilespmem:v25+s25+$0x0], $0xffff;
	_ =	sdelay $0x3  }
0x503: {  	v21 =	vadd.f32 v30, v21;
	v49 =	vmul.f32 v29, v29;
	v23 =	vld.idx.msk [tilespmem:v23+s25+$0x0], $0xffff;
	v50 =	vpop (erf)  }
0x504: {  	v26 =	vadd.f32 v31, v26;
	v20 =	vmin.f32 v22, v20;
	v13 =	vmul.f32 $1.442695020e+00, v13;
	v51 =	vpop (erf)  }
0x505: {  	v52 =	vsub.f32 v17, v19;
	v12 =	vor.u32 v6, v12;
	v16 =	vmin.f32 v24, v16;
	v53 =	vpop (erf)  }
0x506: {  	v59 =	vmin.f32 v17, v19;
	v27 =	vadd.f32 $1.000000000e+00, v50;
	(erf) = vpow2.f32 v13;
	v55 =	vpop (erf)  }
0x507: {  	v61 =	vor.u32 v7, v9;
	v29 =	vor.u32 v7, v10;
	v56 =	vadd.f32 $1.000000000e+00, v55  }
0x508: {  	v18 =	vld.idx.msk [tilespmem:v18+s17+$0x0], $0xffff;
	v36 =	vor.u32 v6, v10;
	v23 =	vmul.f32 $1.442695020e+00, v23;
	(erf) = vrcp.f32 v27  }
0x509: {  	v42 =	vor.u32 v7, v8;
	v20 =	vadd.f32 v26, v20;
	(erf) = vrcp.f32 v56  }
0x50a: {  	v14 =	vld.idx.msk [tilespmem:v14+s17+$0x0], $0xffff;
	v54 =	vmul.f32 v28, v28;
	v21 =	vadd.f32 v21, v49;
	(erf) = vpow2.f32 v23  }
0x50b: {  	v15 =	vld.idx.msk [tilespmem:v15+s17+$0x0], $0xffff;
	v44 =	vor.u32 v6, v8;
	v16 =	vadd.f32 v16, v20;
	v57 =	vsub.f32 $1.000000000e+00, v51  }
0x50c: {  	v7 =	vor.u32 v7, v11;
	v58 =	vmul.f32 v52, v52;
	v21 =	vadd.f32 v54, v21  }
0x50d: {  	v28 =	vor.u32 v6, v9;
	v12 =	vld.idx.msk [tilespmem:v12+s17+$0x0], $0xffff;
	v16 =	vadd.f32 v16, v59;
	v60 =	vsub.f32 v57, v18  }
0x50e: {  	v13 =	vadd.f32 v21, v58;
	v18 =	vmin.f32 v57, v18;
	v62 =	vsub.f32 $1.000000000e+00, v53  }
0x50f: {  	v63 =	vsub.f32 v51, v14;
	v16 =	vadd.f32 v18, v16;
	v19 =	vmul.f32 v60, v60;
	v32 =	vpop (erf)  }
0x510: {  	v14 =	vmin.f32 v51, v14;
	v30 =	vsub.f32 v62, v15;
	v18 =	vadd.f32 $1.000000000e+00, v32  }
0x511: {  	v17 =	vld.idx.msk [tilespmem:v61+s17+$0x0], $0xffff;
	v31 =	vmul.f32 v63, v63;
	v14 =	vadd.f32 v16, v14;
	v13 =	vadd.f32 v19, v13;
	v34 =	vpop (erf)  }
0x512: {  	v9 =	vld.idx.msk [tilespmem:v28+s17+$0x0], $0xffff;
	v35 =	vsub.f32 v53, v12;
	v15 =	vmin.f32 v62, v15;
	(erf) = vrcp.f32 v18;
	v37 =	vpop (erf)  }
0x513: {  	v33 =	vmul.f32 v30, v30;
	v14 =	vadd.f32 v15, v14;
	v13 =	vadd.f32 v13, v31;
	v38 =	vpop (erf)  }
0x514: {  	v12 =	vmin.f32 v53, v12;
	v40 =	vsub.f32 $1.000000000e+00, v34;
	v16 =	vadd.f32 $1.000000000e+00, v38  }
0x515: {  	v39 =	vld.idx.msk [tilespmem:v29+s17+$0x0], $0xffff;
	v41 =	vmul.f32 v35, v35;
	v12 =	vadd.f32 v14, v12;
	v13 =	vadd.f32 v33, v13  }
0x516: {  	v10 =	vld.idx.msk [tilespmem:v36+s17+$0x0], $0xffff;
	v43 =	vsub.f32 v40, v17;
	v47 =	vmin.f32 v40, v17;
	(erf) = vrcp.f32 v16  }
0x517: {  	v46 =	vsub.f32 v34, v9;
	v9 =	vmin.f32 v34, v9;
	v12 =	vadd.f32 v47, v12  }
0x518: {  	v13 =	vadd.f32 v13, v41;
	v22 =	vmul.f32 v43, v43;
	v45 =	vsub.f32 $1.000000000e+00, v37  }
0x519: {  	v6 =	vor.u32 v6, v11;
	v50 =	vld.idx.msk [tilespmem:v42+s17+$0x0], $0xffff;
	v49 =	vmul.f32 v46, v46;
	v9 =	vadd.f32 v12, v9  }
0x51a: {  	v8 =	vld.idx.msk [tilespmem:v44+s17+$0x0], $0xffff;
	v13 =	vadd.f32 v22, v13;
	v48 =	vsub.f32 v45, v39;
	v16 =	vmin.f32 v45, v39  }
0x51b: {  	v51 =	vsub.f32 v37, v10;
	v10 =	vmin.f32 v37, v10;
	v53 =	vpop (erf);
	v9 =	vadd.f32 v16, v9  }
0x51c: {  	v13 =	vadd.f32 v13, v49;
	v52 =	vmul.f32 v48, v48;
	v54 =	vsub.f32 $1.000000000e+00, v53  }
0x51d: {  	v7 =	vld.idx.msk [tilespmem:v7+s17+$0x0], $0xffff;
	v14 =	vmul.f32 v51, v51;
	v9 =	vadd.f32 v9, v10  }
0x51e: {  	v6 =	vld.idx.msk [tilespmem:v6+s17+$0x0], $0xffff;
	v13 =	vadd.f32 v52, v13;
	v55 =	vsub.f32 v54, v50;
	v11 =	vmin.f32 v54, v50  }
0x51f: {  	v58 =	vsub.f32 v53, v8;
	v8 =	vmin.f32 v53, v8;
	v9 =	vadd.f32 v11, v9;
	v56 =	vpop (erf)  }
0x520: {  	v13 =	vadd.f32 v13, v14;
	v15 =	vmul.f32 v55, v55;
	v57 =	vsub.f32 $1.000000000e+00, v56  }
0x521: {  	v10 =	vmul.f32 v58, v58;
	v8 =	vadd.f32 v9, v8  }
0x522: {  	v13 =	vadd.f32 v15, v13;
	v59 =	vsub.f32 v57, v7;
	v7 =	vmin.f32 v57, v7  }
0x523: {  	v60 =	vsub.f32 v56, v6;
	v7 =	vadd.f32 v7, v8  }
0x524: {  	s18 =	sadd.s32 $0x1, s18;
	v10 =	vadd.f32 v13, v10;
	v6 =	vmin.f32 v56, v6;
	v61 =	vmul.f32 v59, v59  }
0x525: {  	p0 =	sne.s32 s18, $0x4;
	v6 =	vadd.f32 v7, v6  }
.Ltmp15:
0x526: {  	v62 =	vmul.f32 v60, v60;
	v9 =	vadd.f32 v61, v10;
	(pc) =	sbr.rel @p0 .LBB2_30-.Ltmp15, $4  }
0x527: {  	v7 =	vmul.f32 $7.812500000e-03, v6  }
0x528: {  	[tilespmem:s19+$0xC380] =	vst v6;
	v63 =	vadd.f32 v9, v62  }
0x529: {  	[tilespmem:s19+$0xC480] =	vst v7  }
0x52a: {  	[tilespmem:s19+$0xC280] =	vst v63  }
0x52b: {  	s15 =	sld [smem:$0x7FA];
	_ =	sdelay $0x1  }
0x52c: {  	s19 =	sld [smem:$0x7FB]  }
0x52d: {  	[hbm4b:s15+s0] =	stream.linear.scatter [tilespmem:s4], [sflag:$0x6], $0x40, $0x38;
	[tilespmem:$0xC500] =	vst v63  }
0x52e: {  	s20 =	sld [smem:$0x7FC]  }
0x52f: {  	[hbm4b:s19+s0] =	stream.linear.scatter [tilespmem:s5], [sflag:$0x8], $0x40, $0x38;
	[tilespmem:$0xC500] =	vst v63  }
0x530: {  	_ = 	snop  }
0x531: {  	[hbm4b:s20+s0] =	stream.linear.scatter [tilespmem:s6], [sflag:$0xA], $0x40, $0x38;
	[tilespmem:$0xC500] =	vst v63  }
0x532: {  	_ =	swait.ge [sflag:s7], $0x40  }
0x533: {  	[sflag:s7] =	ssyncset.done $0x0  }
0x534: {  	[sflag:s7] =	ssyncadd.s32 $0xFFFFFFC0  }
0x535: {  	_ =	swait.ge [sflag:s9], $0x40  }
0x536: {  	[sflag:s9] =	ssyncset.done $0x0  }
0x537: {  	[sflag:s9] =	ssyncadd.s32 $0xFFFFFFC0  }
0x538: {  	_ =	swait.ge [sflag:s10], $0x40  }
0x539: {  	[sflag:s10] =	ssyncset.done $0x0  }
0x53a: {  	[sflag:s10] =	ssyncadd.s32 $0xFFFFFFC0  }
0x53b: {  	_ =	swait.ge [sflag:s11], $0x40  }
0x53c: {  	[sflag:s11] =	ssyncset.done $0x0  }
0x53d: {  	[sflag:s11] =	ssyncadd.s32 $0xFFFFFFC0  }
0x53e: {  	_ =	swait.ge [sflag:s12], $0x40  }
0x53f: {  	[sflag:s12] =	ssyncset.done $0x0  }
0x540: {  	[sflag:s12] =	ssyncadd.s32 $0xFFFFFFC0  }
0x541: {  	_ =	swait.ge [sflag:s13], $0x40  }
0x542: {  	s21 =	sld [smem:$0x7FD];
	_ =	sdelay $0x1  }
0x543: {  	s14 =	sadd.s32 $0x1, s14  }
0x544: {  	p0 =	sne.s32 s14, s21  }
.Ltmp16:
0x545: {  	_ = 	snop;
	(pc) =	sbr.rel @p0 .LBB2_1-.Ltmp16, $3  }
0x546: {  	_ =	sdelay $0x1  }
0x547: {  	[sflag:s13] =	ssyncset.done $0x0  }
0x548: {  	[sflag:s13] =	ssyncadd.s32 $0xFFFFFFC0  }
0x549: {  	_ =	sfence.sel $0x180000  }
0x54a: {  	[bflag:$0x0] =	sbarrier.arrive $0xFFFF  }
0x54b: {  	_ =	strace $0x90000047  }
0x54c: {  	s0 =	stileid.u32;
	[bflag:$0x2] =	sbarrier.arrive $0xFFFF  }
0x54d: {  	p0 =	sne.s32 s0, $0x0;
	s0 =	rddreg [dreg:$0x5]  }
0x54e: {  	s0 =	sadd.s32 @!p0 $0x100000, s0  }
0x54f: {  	[sflag:s0] =	ssyncadd.tile.s32 @!p0 $0x1;
	_ =	shalt  }
.Lfunc_end2:
_tile_overlayer_lowered:
.L_overlay_start_2:
0x550: {  	(tag) =	ssettag $0x2  }
0x551: {  	s0 =	rddreg [dreg:$0x0];
	s2 =	stileid.u32  }
0x552: {  	s1 =	rddreg [dreg:$0x1];
	p0 =	sne.s32 s2, $0x0  }
0x553: {  	s3 =	rddreg [dreg:$0x2];
	[bflag:$0x3] =	sbarrier.arrive $0xFFFF;
	s2 =	simm.s32 @!p0 $0x1C0B  }
0x554: {  	[timem:s3], [sflag:s2] =	dma.local @!p0 [hbm:s0], s1  }
0x555: {  	s0 =	simm.s32 @!p0 $0xB  }
0x556: {  	_ =	swait.ge @!p0 [sflag:s0], s1  }
0x557: {  	s1 =	ssub.s32 @!p0 $0x0, s1;
	[sflag:s0] =	ssyncset.done @!p0 $0x0  }
0x558: {  	[sflag:s0] =	ssyncadd.s32 @!p0 s1  }
0x559: {  	[bflag:$0x3] =	sbarrier.arrive $0xFFFF  }
0x55a: {  	_ =	shalt  }

// kernel: kernel.9.cloned.1.call-start
scs
__scs_entry_jumppad:
0x0: {  	(pc) =	sbr.rel $0x88, $3  }
0x1: {  	(tag) =	ssettag $0x0;
	lr =	simm.s32 $0x1  }
0x2: {  	[smem:$0x3F9E] =	sst lr;
	_ =	strace $0xD0000000  }
0x3: {  	_ = 	snop  }
0x4: {  	_ = 	snop  }
0x5: {  	_ = 	snop  }
0x6: {  	_ = 	snop  }
0x7: {  	_ = 	snop  }
__scs_overlays_trampoline_lowered:
0x8: {  	[smem:$0x3FAD] =	sst s0  }
0x9: {  	[smem:$0x3FAE] =	sst s1  }
0xa: {  	[smem:$0x3FAF] =	sst s2  }
0xb: {  	[smem:$0x3FB0] =	sst s3  }
0xc: {  	[smem:$0x3FB1] =	sst s4  }
0xd: {  	[smem:$0x3FB2] =	sst s5  }
0xe: {  	[smem:$0x3FB3] =	sst s6  }
0xf: {  	[smem:$0x3FB4] =	sst s7  }
0x10: {  	[smem:$0x3FB5] =	sst s8  }
0x11: {  	[smem:$0x3FB6] =	sst s9;
	s0 =	simm.s32 @!p0 $0x0  }
0x12: {  	s1 =	sld [smem:$0x3F9C];
	s0 =	simm.s32 @p0 $0x1  }
0x13: {  	[smem:$0x3FB7] =	sst s0;
	s0 =	simm.s32 @!p1 $0x0  }
0x14: {  	s2 =	sld [smem:$0x3F9B];
	s0 =	simm.s32 @p1 $0x1  }
0x15: {  	[smem:$0x3FB8] =	sst s0;
	s0 =	simm.s32 @!p2 $0x0  }
0x16: {  	s3 =	sld [smem:$0x3FDB];
	s0 =	simm.s32 @p2 $0x1  }
0x17: {  	s4 =	simm.s32 $0x1BF5;
	[smem:$0x3FBA] =	sst s0  }
0x18: {  	s0 =	sld [smem:$0x3F9D];
	_ =	swait.ge [sflag:s4], $0x0  }
0x19: {  	s7 =	sld [smem:$0x3F9E]  }
0x1a: {  	s8 =	sadd.s32 $0xFFFFE003, lr  }
0x1b: {  	s9 =	sadd.s32 $0xFFFFFEF7, lr;
	s5 =	simm.s32 $0xFFFFFFFF;
	p2 =	slt.u32 s8, $0xFFFFF086  }
0x1c: {  	p1 =	slt.u32 s9, $0xF7A;
	s5 =	simm.s32 @!p2 $0x0  }
0x1d: {  	s5 =	simm.s32 @p1 $0x1;
	p0 =	seq.s32 s7, s2  }
0x1e: {  	s7 =	smul.u32 @!p0 $0xF7A, s2;
	p2 =	seq.s32 @!p0 s5, $0x0  }
0x1f: {  	s9 =	smul.u32 $0xF7A, s1;
	s8 =	simm.s32 @!p0 $0x1BF5;
	p2 =	por !p2, p0  }
0x20: {  	[sflag:s8] =	ssyncset.s32 @!p0 $0xFFFFF086;
	s6 =	sadd.s32 @!p0 s3, s7;
	s7 =	simm.s32 @!p0 $0x108  }
0x21: {  	s3 =	sadd.s32 s3, s9;
	s6 =	sadd.s32 @!p0 $0x88, s6;
	s7 =	simm.s32 @p2 $0x1082  }
0x22: {  	[simem:s7], [sflag:s8] =	dma.local @!p0 [hbm:s6], $0xF7A  }
0x23: {  	s9 =	sor.u32 $0xD0000000, s2;
	s6 =	simm.s32 $0x108;
	_ =	swait.ge @!p0 [sflag:s8], $0x0  }
0x24: {  	s3 =	sadd.s32 $0x88, s3;
	s6 =	simm.s32 @!p1 $0x1082;
	[sflag:s4] =	ssyncset.s32 $0xFFFFF086  }
0x25: {  	[simem:s6], [sflag:s4] =	dma.local [hbm:s3], $0xF7A  }
0x26: {  	[smem:$0x3F9E] =	sst s1;
	(tag) =	ssettag s2;
	_ =	strace s9  }
0x27: {  	s1 =	sld [smem:$0x3FAE]  }
0x28: {  	s2 =	sld [smem:$0x3FAF]  }
0x29: {  	s4 =	sld [smem:$0x3FB1]  }
0x2a: {  	p0 =	seq.s32 s5, $0x0;
	s5 =	sld [smem:$0x3FB2]  }
0x2b: {  	s6 =	sld [smem:$0x3FB3]  }
0x2c: {  	s7 =	sld [smem:$0x3FB4]  }
0x2d: {  	s3 =	simm.s32 $0x108;
	s8 =	sld [smem:$0x3FB5]  }
0x2e: {  	s3 =	simm.s32 @!p0 $0x1082;
	s9 =	sld [smem:$0x3FB6]  }
0x2f: {  	lr =	sadd.s32 s0, s3;
	s0 =	sld [smem:$0x3FAD]  }
0x30: {  	s3 =	sld [smem:$0x3FB0]  }
0x31: {  	[smem:$0x3FB9] =	sst s10  }
0x32: {  	s10 =	sld [smem:$0x3FB7];
	_ =	sdelay $0x3  }
0x33: {  	p0 =	seq.s32 s10, $0x1;
	s10 =	sld [smem:$0x3FB9];
	_ =	sdelay $0x3  }
0x34: {  	[smem:$0x3FB9] =	sst s10  }
0x35: {  	s10 =	sld [smem:$0x3FB8];
	_ =	sdelay $0x3  }
0x36: {  	p1 =	seq.s32 s10, $0x1;
	s10 =	sld [smem:$0x3FB9];
	_ =	sdelay $0x3  }
0x37: {  	[smem:$0x3FB9] =	sst s10  }
0x38: {  	s10 =	sld [smem:$0x3FBA]  }
0x39: {  	_ = 	snop;
	(pc) =	sbr.ind lr, $3  }
0x3a: {  	_ = 	snop  }
0x3b: {  	_ = 	snop  }
0x3c: {  	p2 =	seq.s32 s10, $0x1;
	s10 =	sld [smem:$0x3FB9]  }
0x3d: {  	_ =	shalt  }
0x3e: {  	_ =	shalt  }
0x3f: {  	_ =	shalt  }
0x40: {  	_ =	shalt  }
0x41: {  	_ =	shalt  }
0x42: {  	_ =	shalt  }
0x43: {  	_ =	shalt  }
0x44: {  	_ =	shalt  }
0x45: {  	_ =	shalt  }
0x46: {  	_ =	shalt  }
0x47: {  	_ =	shalt  }
0x48: {  	_ =	shalt  }
0x49: {  	_ =	shalt  }
0x4a: {  	_ =	shalt  }
0x4b: {  	_ =	shalt  }
0x4c: {  	_ =	shalt  }
0x4d: {  	_ =	shalt  }
0x4e: {  	_ =	shalt  }
0x4f: {  	_ =	shalt  }
0x50: {  	_ =	shalt  }
0x51: {  	_ =	shalt  }
0x52: {  	_ =	shalt  }
0x53: {  	_ =	shalt  }
0x54: {  	_ =	shalt  }
0x55: {  	_ =	shalt  }
0x56: {  	_ =	shalt  }
0x57: {  	_ =	shalt  }
0x58: {  	_ =	shalt  }
0x59: {  	_ =	shalt  }
0x5a: {  	_ =	shalt  }
0x5b: {  	_ =	shalt  }
0x5c: {  	_ =	shalt  }
0x5d: {  	_ =	shalt  }
0x5e: {  	_ =	shalt  }
0x5f: {  	_ =	shalt  }
0x60: {  	_ =	shalt  }
0x61: {  	_ =	shalt  }
0x62: {  	_ =	shalt  }
0x63: {  	_ =	shalt  }
0x64: {  	_ =	shalt  }
0x65: {  	_ =	shalt  }
0x66: {  	_ =	shalt  }
0x67: {  	_ =	shalt  }
0x68: {  	_ =	shalt  }
0x69: {  	_ =	shalt  }
0x6a: {  	_ =	shalt  }
0x6b: {  	_ =	shalt  }
0x6c: {  	_ =	shalt  }
0x6d: {  	_ =	shalt  }
0x6e: {  	_ =	shalt  }
0x6f: {  	_ =	shalt  }
0x70: {  	_ =	shalt  }
0x71: {  	_ =	shalt  }
0x72: {  	_ =	shalt  }
0x73: {  	_ =	shalt  }
0x74: {  	_ =	shalt  }
0x75: {  	_ =	shalt  }
0x76: {  	_ =	shalt  }
0x77: {  	_ =	shalt  }
0x78: {  	_ =	shalt  }
0x79: {  	_ =	shalt  }
0x7a: {  	_ =	shalt  }
0x7b: {  	_ =	shalt  }
0x7c: {  	_ =	shalt  }
0x7d: {  	_ =	shalt  }
0x7e: {  	_ =	shalt  }
0x7f: {  	_ =	shalt  }
0x80: {  	_ =	shalt  }
0x81: {  	_ =	shalt  }
0x82: {  	_ =	shalt  }
0x83: {  	_ =	shalt  }
0x84: {  	_ =	shalt  }
0x85: {  	_ =	shalt  }
0x86: {  	_ =	shalt  }
0x87: {  	_ =	shalt  }
.Lfunc_end0:
.L_simem_size_0:
called_computation.1_lowered:
.L_overlay_start_0:
0x88: {  	s2 =	sld [smem:$0x3FD9]  }
0x89: {  	s3 =	sld [smem:$0x3FFE];
	_ =	sdelay $0x1  }
0x8a: {  	s1 =	srdreg.scid  }
0x8b: {  	s0 =	sand.u32 $0x1, s1  }
0x8c: {  	s17 =	sshll.u32 s0, $0xA;
	s2 =	sadd.s32 s3, s2  }
0x8d: {  	s2 =	sadd.s32 s2, s17  }
0x8e: {  	[smem:$0x3FC5] =	sst s2  }
0x8f: {  	_ = 	snop  }
0x90: {  	s2 =	sld [smem:$0x3FC8]  }
0x91: {  	s18 =	sld [smem:$0x3FD0];
	(tm) =	ssettm $0x1  }
0x92: {  	s4 =	sld [smem:$0x3FFB];
	_ =	sdelay $0x3  }
0x93: {  	_ =	strace s4  }
0x94: {  	s4 =	sld [smem:$0x3FFC];
	_ =	sdelay $0x3  }
0x95: {  	_ =	strace s4  }
0x96: {  	s4 =	sld [smem:$0x3FFD];
	_ =	sdelay $0x3  }
0x97: {  	_ =	strace s4  }
0x98: {  	_ =	strace $0x8FFFFFFF  }
0x99: {  	s19 =	sld [smem:$0x3FDB];
	_ =	sdelay $0x1  }
0x9a: {  	s5 =	simm.s32 $_scs_section_size  }
0x9b: {  	s6 =	simm.s32 $_size__tile_overlayer_lowered;
	s7 =	simm.s32 $_tile_overlayer_lowered  }
0x9c: {  	s22 =	simm.s32 $0x1BFF;
	s21 =	sshll.u32 s7, $0x1;
	s4 =	sadd.s32 s5, s19  }
0x9d: {  	s8 =	simm.s32 $0x0;
	s20 =	sshll.u32 s6, $0x1;
	s6 =	sadd.s32 s21, s4  }
0x9e: {  	[timem:s8], [sflag:s22] =	dma.local [hbm:s6], s20  }
0x9f: {  	_ =	swait.ge [sflag:s22], s20  }
0xa0: {  	s5 =	ssub.s32 $0x0, s20;
	[sflag:s22] =	ssyncset.done $0x0  }
0xa1: {  	[sflag:s22] =	ssyncadd.s32 s5;
	_ =	sdelay $0x1  }
0xa2: {  	s23 =	simm.s32 $0x1B8B  }
0xa3: {  	_ =	swait.ge [sflag:s23], $0x1  }
0xa4: {  	[sflag:s23] =	ssyncset.done $0x0  }
0xa5: {  	s25 =	simm.s32 $0x1B8E;
	s24 =	sld [smem:$0x3FFE];
	[sflag:s23] =	ssyncadd.s32 $0xFFFFFFFF  }
0xa6: {  	s26 =	simm.s32 $execute0_lowered;
	[smem:$0x3FD2] =	sst s25  }
0xa7: {  	s6 =	sshll.u32 s26, $0x1;
	_ =	strace $0x80000049;
	[dreg:$0x1] =	wrdreg $0xFFFFFFFF  }
0xa8: {  	s28 =	simm.s32 $_size_execute0_lowered;
	s4 =	sadd.s32 s4, s6;
	[dreg:$0x0] =	wrdreg $0x0  }
0xa9: {  	s6 =	sshll.u32 s28, $0x1;
	[dreg:$0x2] =	wrdreg s4  }
0xaa: {  	[dreg:$0x3] =	wrdreg s6  }
0xab: {  	[dreg:$0x4] =	wrdreg $0xC0  }
0xac: {  	_ =	task [dreg:s8], $0x5FFFF  }
0xad: {  	[dreg:$0x1] =	wrdreg $0xFFFFFFFF  }
0xae: {  	[dreg:$0x0] =	wrdreg $0x60  }
0xaf: {  	[dreg:$0x2] =	wrdreg s2  }
0xb0: {  	[dreg:$0x3] =	wrdreg s18  }
0xb1: {  	[dreg:$0x4] =	wrdreg s24  }
0xb2: {  	[dreg:$0x5] =	wrdreg $0x9  }
0xb3: {  	_ =	task.clear_ibuf [dreg:s8], $0x6FFFF;
	_ =	strace $0x90000049  }
0xb4: {  	s29 =	simm.s32 $0x9;
	_ =	strace $0x8000004B  }
0xb5: {  	_ =	swait.ge [sflag:s29], $0x1  }
0xb6: {  	[sflag:s29] =	ssyncadd.s32 $0xFFFFFFFF  }
0xb7: {  	_ =	strace $0x9000004B  }
0xb8: {  	_ =	sfence  }
0xb9: {  	s30 =	sld [smem:$0x0];
	_ =	sdelay $0x2  }
0xba: {  	s31 =	sshll.u32 s1, $0xD;
	s1 =	sshrl.u32 s1, $0x2  }
0xbb: {  	s3 =	sand.u32 $0x4000, s31;
	s1 =	sadd.s32 s1, s30  }
0xbc: {  	s0 =	sor.u32 s3, s0;
	s1 =	sshll.u32 s1, $0x11  }
0xbd: {  	s0 =	sor.u32 s1, s0  }
0xbe: {  	s0 =	sadd.s32 $0x8F2B, s0  }
0xbf: {  	[sflag:s0] =	ssyncadd.remote.s32 $0x1  }
0xc0: {  	_ =	sfence.sel $0xFFFF  }
0xc1: {  	[dreg:$0x0] =	wrdreg $0xFFFFFFFF;
	(pc) =	sbr.abs _section_cstart, $3  }
0xc2: {  	[dreg:$0x1] =	wrdreg $0xFFFFFFFF  }
0xc3: {  	_ =	task.clear_ibuf [dreg:s8], $0x2FFFF;
	_ =	strace $0x9FFFFFFF  }
0xc4: {  	(tm) =	ssettm $0x7FFFFFFF  }
0xc5: {  	_ =	shalt  }
tec
execute0_lowered:
.L_overlay_start_1:
0x0: {  	(tag) =	ssettag $0x1  }
0x1: {  	s0 =	rddreg [dreg:$0x0]  }
0x2: {  	s1 =	rddreg [dreg:$0x1]  }
0x3: {  	s5 =	rddreg [dreg:$0x2];
	s2 =	simm.s32 $0x0;
	s3 =	srdreg.scid  }
0x4: {  	s6 =	stileid.u32;
	s10 =	simm.s32 $0x4;
	s12 =	simm.s32 $0x40  }
0x5: {  	s13 =	simm.s32 $0x400;
	s17 =	simm.s32 $0x80;
	s20 =	simm.s32 $0xC0  }
0x6: {  	s23 =	simm.s32 $0x100;
	s26 =	simm.s32 $0x140;
	s30 =	simm.s32 $0x180  }
0x7: {  	s31 =	simm.s32 $0x580;
	s11 =	simm.s32 $0x5C0;
	s14 =	simm.s32 $0x7C0  }
0x8: {  	s15 =	simm.s32 $0x1;
	s16 =	simm.s32 $0x2;
	s18 =	simm.s32 $0x3  }
0x9: {  	s19 =	simm.s32 $0x800;
	s21 =	simm.s32 $0x0;
	[smem:$0x7FF] =	sst s2  }
0xa: {  	s4 =	sand.u32 $0x1, s3;
	s6 =	sshll.u32 s6, $0x7;
	s3 =	sadd.s32 $0x2800, s5  }
0xb: {  	_ =	strace $0x8000004A;
	s7 =	sshll.u32 s4, $0x6;
	s28 =	ssub.s32 $0x2, s4  }
0xc: {  	s4 =	sadd.s32 $0x2C00, s5;
	s6 =	sor.u32 s7, s6;
	s29 =	sshrl.u32 s28, $0x1  }
0xd: {  	s8 =	sadd.s32 s6, s5;
	s9 =	ssub.s32 s28, s29;
	s5 =	sadd.s32 s0, s6  }
0xe: {  	s6 =	sadd.s32 s1, s6;
	s0 =	simm.s32 $0x780;
	s1 =	simm.s32 $0x1C0  }
0xf: {  	s7 =	sadd.s32 $0x3000, s8;
	s8 =	sadd.s32 $0x3800, s8;
	s9 =	smax.u32 s9, $0x1  }
.LBB2_1:
0x10: {  	[tilespmem:s2], [sflag:$0x4] =	stream.linear.gather [hbm4b:s5+s2], $0x200, $0x38;
	[tilespmem:$0xA00] =	vst v63  }
0x11: {  	_ =	swait.ge [sflag:s10], $0x200  }
0x12: {  	[sflag:s10] =	ssyncset.done $0x0  }
0x13: {  	s22 =	simm.s32 $0x200;
	[sflag:s10] =	ssyncadd.s32 $0xFFFFFE00  }
0x14: {  	[tilespmem:s22], [sflag:$0x1] =	stream.linear.gather [hbm4b:s6+s2], $0x200, $0x38;
	[tilespmem:$0xA00] =	vst v63  }
0x15: {  	_ = 	snop  }
0x16: {  	[tilespmem:s13], [sflag:$0x2] =	stream.indirect.gather [hbm4b:s3+s12], $0x1, s2, s12, $0xb8;
	[tilespmem:$0xA00] =	vst v63  }
0x17: {  	s25 =	simm.s32 $0x600  }
0x18: {  	[tilespmem:s25], [sflag:$0x3] =	stream.indirect.gather [hbm4b:s4+s12], $0x1, s2, s12, $0xb8;
	[tilespmem:$0xA00] =	vst v63  }
0x19: {  	s29 =	simm.s32 $0x440  }
0x1a: {  	[tilespmem:s29], [sflag:$0x2] =	stream.indirect.gather [hbm4b:s3+s12], $0x1, s12, s12, $0xb8;
	[tilespmem:$0xA00] =	vst v63  }
0x1b: {  	s24 =	simm.s32 $0x640  }
0x1c: {  	[tilespmem:s24], [sflag:$0x3] =	stream.indirect.gather [hbm4b:s4+s12], $0x1, s12, s12, $0xb8;
	[tilespmem:$0xA00] =	vst v63  }
0x1d: {  	s25 =	simm.s32 $0x480  }
0x1e: {  	[tilespmem:s25], [sflag:$0x2] =	stream.indirect.gather [hbm4b:s3+s12], $0x1, s17, s12, $0xb8;
	[tilespmem:$0xA00] =	vst v63  }
0x1f: {  	s29 =	simm.s32 $0x680  }
0x20: {  	[tilespmem:s29], [sflag:$0x3] =	stream.indirect.gather [hbm4b:s4+s12], $0x1, s17, s12, $0xb8;
	[tilespmem:$0xA00] =	vst v63  }
0x21: {  	s24 =	simm.s32 $0x4C0  }
0x22: {  	[tilespmem:s24], [sflag:$0x2] =	stream.indirect.gather [hbm4b:s3+s12], $0x1, s20, s12, $0xb8;
	[tilespmem:$0xA00] =	vst v63  }
0x23: {  	s25 =	simm.s32 $0x6C0  }
0x24: {  	[tilespmem:s25], [sflag:$0x3] =	stream.indirect.gather [hbm4b:s4+s12], $0x1, s20, s12, $0xb8;
	[tilespmem:$0xA00] =	vst v63  }
0x25: {  	s29 =	simm.s32 $0x500  }
0x26: {  	[tilespmem:s29], [sflag:$0x2] =	stream.indirect.gather [hbm4b:s3+s12], $0x1, s23, s12, $0xb8;
	[tilespmem:$0xA00] =	vst v63  }
0x27: {  	s24 =	simm.s32 $0x700  }
0x28: {  	[tilespmem:s24], [sflag:$0x3] =	stream.indirect.gather [hbm4b:s4+s12], $0x1, s23, s12, $0xb8;
	[tilespmem:$0xA00] =	vst v63  }
0x29: {  	s25 =	simm.s32 $0x540  }
0x2a: {  	[tilespmem:s25], [sflag:$0x2] =	stream.indirect.gather [hbm4b:s3+s12], $0x1, s26, s12, $0xb8;
	[tilespmem:$0xA00] =	vst v63  }
0x2b: {  	s29 =	simm.s32 $0x740  }
0x2c: {  	[tilespmem:s29], [sflag:$0x3] =	stream.indirect.gather [hbm4b:s4+s12], $0x1, s26, s12, $0xb8;
	[tilespmem:$0xA00] =	vst v63  }
0x2d: {  	_ = 	snop  }
0x2e: {  	[tilespmem:s31], [sflag:$0x2] =	stream.indirect.gather [hbm4b:s3+s12], $0x1, s30, s12, $0xb8;
	[tilespmem:$0xA00] =	vst v63  }
0x2f: {  	_ = 	snop  }
0x30: {  	[tilespmem:s0], [sflag:$0x3] =	stream.indirect.gather [hbm4b:s4+s12], $0x1, s30, s12, $0xb8;
	[tilespmem:$0xA00] =	vst v63  }
0x31: {  	_ = 	snop  }
0x32: {  	[tilespmem:s11], [sflag:$0x2] =	stream.indirect.gather [hbm4b:s3+s12], $0x1, s1, s12, $0xb8;
	[tilespmem:$0xA00] =	vst v63  }
0x33: {  	_ = 	snop  }
0x34: {  	[tilespmem:s14], [sflag:$0x3] =	stream.indirect.gather [hbm4b:s4+s12], $0x1, s1, s12, $0xb8;
	[tilespmem:$0xA00] =	vst v63  }
0x35: {  	_ =	swait.ge [sflag:s15], $0x200  }
0x36: {  	[sflag:s15] =	ssyncset.done $0x0  }
0x37: {  	[sflag:s15] =	ssyncadd.s32 $0xFFFFFE00  }
0x38: {  	_ =	swait.ge [sflag:s16], $0x40  }
0x39: {  	[sflag:s16] =	ssyncset.done $0x0  }
0x3a: {  	[sflag:s16] =	ssyncadd.s32 $0xFFFFFFC0  }
0x3b: {  	_ =	swait.ge [sflag:s18], $0x40  }
0x3c: {  	[sflag:s18] =	ssyncset.done $0x0  }
0x3d: {  	[sflag:s18] =	ssyncadd.s32 $0xFFFFFFC0  }
0x3e: {  	_ =	swait.ge [sflag:s16], $0x40  }
0x3f: {  	[sflag:s16] =	ssyncset.done $0x0  }
0x40: {  	[sflag:s16] =	ssyncadd.s32 $0xFFFFFFC0  }
0x41: {  	_ =	swait.ge [sflag:s18], $0x40  }
0x42: {  	[sflag:s18] =	ssyncset.done $0x0  }
0x43: {  	[sflag:s18] =	ssyncadd.s32 $0xFFFFFFC0  }
0x44: {  	_ =	swait.ge [sflag:s16], $0x40  }
0x45: {  	[sflag:s16] =	ssyncset.done $0x0  }
0x46: {  	[sflag:s16] =	ssyncadd.s32 $0xFFFFFFC0  }
0x47: {  	_ =	swait.ge [sflag:s18], $0x40  }
0x48: {  	[sflag:s18] =	ssyncset.done $0x0  }
0x49: {  	[sflag:s18] =	ssyncadd.s32 $0xFFFFFFC0  }
0x4a: {  	_ =	swait.ge [sflag:s16], $0x40  }
0x4b: {  	[sflag:s16] =	ssyncset.done $0x0  }
0x4c: {  	[sflag:s16] =	ssyncadd.s32 $0xFFFFFFC0  }
0x4d: {  	_ =	swait.ge [sflag:s18], $0x40  }
0x4e: {  	[sflag:s18] =	ssyncset.done $0x0  }
0x4f: {  	[sflag:s18] =	ssyncadd.s32 $0xFFFFFFC0  }
0x50: {  	_ =	swait.ge [sflag:s16], $0x40  }
0x51: {  	[sflag:s16] =	ssyncset.done $0x0  }
0x52: {  	[sflag:s16] =	ssyncadd.s32 $0xFFFFFFC0  }
0x53: {  	_ =	swait.ge [sflag:s18], $0x40  }
0x54: {  	[sflag:s18] =	ssyncset.done $0x0  }
0x55: {  	[sflag:s18] =	ssyncadd.s32 $0xFFFFFFC0  }
0x56: {  	_ =	swait.ge [sflag:s16], $0x40  }
0x57: {  	[sflag:s16] =	ssyncset.done $0x0  }
0x58: {  	[sflag:s16] =	ssyncadd.s32 $0xFFFFFFC0  }
0x59: {  	_ =	swait.ge [sflag:s18], $0x40  }
0x5a: {  	[sflag:s18] =	ssyncset.done $0x0  }
0x5b: {  	[sflag:s18] =	ssyncadd.s32 $0xFFFFFFC0  }
0x5c: {  	_ =	swait.ge [sflag:s16], $0x40  }
0x5d: {  	[sflag:s16] =	ssyncset.done $0x0  }
0x5e: {  	[sflag:s16] =	ssyncadd.s32 $0xFFFFFFC0  }
0x5f: {  	_ =	swait.ge [sflag:s18], $0x40  }
0x60: {  	[sflag:s18] =	ssyncset.done $0x0  }
0x61: {  	[sflag:s18] =	ssyncadd.s32 $0xFFFFFFC0  }
0x62: {  	_ =	swait.ge [sflag:s16], $0x40  }
0x63: {  	[sflag:s16] =	ssyncset.done $0x0  }
0x64: {  	[sflag:s16] =	ssyncadd.s32 $0xFFFFFFC0  }
0x65: {  	_ =	swait.ge [sflag:s18], $0x40  }
0x66: {  	[sflag:s18] =	ssyncset.done $0x0  }
0x67: {  	s25 =	simm.s32 $0x0;
	[sflag:s18] =	ssyncadd.s32 $0xFFFFFFC0  }
0x68: {  	v0 =	vld [tilespmem:s25+$0x600];
	_ =	sdelay $0x4  }
0x69: {  	(erf) = vrcp.f32 v0;
	_ =	sdelay $0x2  }
0x6a: {  	s22 =	simm.s32 $0x10  }
0x6b: {  	v1 =	vld [tilespmem:s22+$0x600];
	_ =	sdelay $0x3  }
0x6c: {  	v2 =	vld [tilespmem:s25+$0x200]  }
0x6d: {  	s24 =	simm.s32 $0x20;
	v3 =	vpop (erf);
	(erf) = vrcp.f32 v1  }
0x6e: {  	v0 =	vld [tilespmem:s24+$0x600];
	_ =	sdelay $0x2  }
0x6f: {  	v2 =	vmul.f32 v3, v2  }
0x70: {  	s28 =	simm.s32 $0xC0;
	v1 =	vld [tilespmem:s22+$0x200]  }
.LBB2_2:
0x71: {  	s29 =	sshra.s32 s28, $0x2;
	p0 =	sne.s32 s28, $0x7C0;
	s28 =	sadd.s32 $0x40, s28;
	(erf) = vrcp.f32 v0;
	[tilespmem:s25+$0x800] =	vst v2  }
.Ltmp0:
0x72: {  	s25 =	smov.u32 s22;
	s22 =	smov.u32 s24;
	v0 =	vld [tilespmem:s29+$0x600];
	(pc) =	sbr.rel @p0 .LBB2_2-.Ltmp0, $4  }
0x73: {  	s24 =	smov.u32 s29  }
0x74: {  	v2 =	vpop (erf)  }
0x75: {  	v2 =	vmul.f32 v2, v1  }
0x76: {  	v1 =	vld [tilespmem:s22+$0x200]  }
0x77: {  	(erf) = vrcp.f32 v0;
	_ =	sdelay $0x3  }
0x78: {  	[tilespmem:s25+$0x800] =	vst v2  }
0x79: {  	v61 =	vld [tilespmem:s24+$0x200];
	_ =	sdelay $0x2  }
0x7a: {  	v62 =	vpop (erf)  }
0x7b: {  	v1 =	vmul.f32 v62, v1;
	v63 =	vpop (erf)  }
0x7c: {  	v0 =	vmul.f32 v63, v61  }
0x7d: {  	[tilespmem:s22+$0x800] =	vst v1  }
0x7e: {  	[tilespmem:s24+$0x800] =	vst v0  }
0x7f: {  	[hbm4b:s7+s2] =	stream.linear.scatter [tilespmem:s13], [sflag:$0x2], $0x200, $0x38;
	[tilespmem:$0xA00] =	vst v63  }
0x80: {  	s21 =	sadd.s32 $0x1, s21  }
0x81: {  	[hbm4b:s8+s2] =	stream.linear.scatter [tilespmem:s19], [sflag:$0x3], $0x200, $0x38;
	[tilespmem:$0xA00] =	vst v63  }
0x82: {  	p0 =	sne.s32 s21, s9;
	_ =	swait.ge [sflag:s16], $0x200  }
.Ltmp1:
0x83: {  	[sflag:s16] =	ssyncset.done $0x0;
	(pc) =	sbr.rel @p0 .LBB2_1-.Ltmp1, $4  }
0x84: {  	[sflag:s16] =	ssyncadd.s32 $0xFFFFFE00  }
0x85: {  	_ =	swait.ge [sflag:s18], $0x200  }
0x86: {  	[sflag:s18] =	ssyncset.done $0x0  }
0x87: {  	[sflag:s18] =	ssyncadd.s32 $0xFFFFFE00  }
0x88: {  	_ =	sfence.sel $0x180000  }
0x89: {  	[bflag:$0x0] =	sbarrier.arrive $0xFFFF  }
0x8a: {  	_ =	strace $0x9000004A  }
0x8b: {  	s0 =	stileid.u32;
	[bflag:$0x2] =	sbarrier.arrive $0xFFFF  }
0x8c: {  	p0 =	sne.s32 s0, $0x0;
	s0 =	rddreg [dreg:$0x3]  }
0x8d: {  	s0 =	sadd.s32 @!p0 $0x100000, s0  }
0x8e: {  	[sflag:s0] =	ssyncadd.tile.s32 @!p0 $0x1;
	_ =	shalt  }
.Lfunc_end2:
_tile_overlayer_lowered:
.L_overlay_start_2:
0x8f: {  	(tag) =	ssettag $0x2  }
0x90: {  	s0 =	rddreg [dreg:$0x0];
	s2 =	stileid.u32  }
0x91: {  	s1 =	rddreg [dreg:$0x1];
	p0 =	sne.s32 s2, $0x0  }
0x92: {  	s3 =	rddreg [dreg:$0x2];
	[bflag:$0x3] =	sbarrier.arrive $0xFFFF;
	s2 =	simm.s32 @!p0 $0x1C04  }
0x93: {  	[timem:s3], [sflag:s2] =	dma.local @!p0 [hbm:s0], s1  }
0x94: {  	s0 =	simm.s32 @!p0 $0x4  }
0x95: {  	_ =	swait.ge @!p0 [sflag:s0], s1  }
0x96: {  	s1 =	ssub.s32 @!p0 $0x0, s1;
	[sflag:s0] =	ssyncset.done @!p0 $0x0  }
0x97: {  	[sflag:s0] =	ssyncadd.s32 @!p0 s1  }
0x98: {  	[bflag:$0x3] =	sbarrier.arrive $0xFFFF  }
0x99: {  	_ =	shalt  }

</sc_bundles>
